<compile_context>
chip_gen: v7x
topology: tpu7x:2x2x1
jax: 0.10.2.dev20260603
libtpu: 0.0.44.dev20260713+nightly
codegen_flags: <defaults>
</compile_context>

<pallas_src>
import functools

import numpy as np
import jax
import jax.numpy as jnp
from jax import lax
from jax.experimental import pallas as pl
from jax.experimental.pallas import tpu as pltpu
from jax.experimental.pallas import tpu_sc as plsc

_N = 100
_B = 100
_NT = _N * _B
_E = 640000
_D = 128
_NPAIR = _N * (_N - 1) // 2
_TBL = _NT * _N

_NS = 16
_EPS = _E // _NS
_NPASS = 5
_CH = _EPS // _NPASS
_CROWS = (_CH + 127) // 128
_CPAD = _CROWS * 128
_GSTRIDE = 104 * 128
_TBLP = _B * _GSTRIDE
_SLC = _TBLP // _NS
_HALF = _CPAD // 2


def _chunks(total):
    out, off = [], 0
    while off < total:
        sz = min(_CPAD, total - off)
        out.append((off, sz))
        off += sz
    return out


def _hist_body(ei_hbm, zc_hbm, oc_hbm, out_hbm, srcv, dstv, idx0, idx1, valv,
               lsem, zsem, ssem, isem, osem, table):
    s = lax.axis_index("s")
    base = s * _EPS
    zbase = pl.multiple_of(s * _SLC, 8)

    lanes = jnp.arange(16, dtype=jnp.int32)
    idxv = (idx0, idx1)

    def fire_loads(p):
        pbase = base + p * _CH
        return [pltpu.async_copy(ei_hbm.at[pl.ds(pbase, _CH)],
                                 srcv.at[pl.ds(0, _CH)], lsem),
                pltpu.async_copy(ei_hbm.at[pl.ds(_E + pbase, _CH)],
                                 dstv.at[pl.ds(0, _CH)], lsem)]

    ld = fire_loads(0)
    bzld = pltpu.async_copy(zc_hbm, valv, zsem)

    bzld.wait()
    zd = [pltpu.async_copy(valv.at[pl.ds(0, sz)],
                           table.at[pl.ds(zbase + off, sz)], zsem)
          for off, sz in _chunks(_SLC)]

    def fill_idx(b):
        @pl.loop(0, _CROWS)
        def _fill(j):
            for cc in range(8):
                pos = j * 128 + cc * 16
                sv = srcv[pl.ds(pos, 16)]
                dv = dstv[pl.ds(pos, 16)]
                qs = (sv * 5243) >> 19
                qd = (dv * 5243) >> 19
                flat = (dv << 7) + (qd << 9) + (sv - qs * 100)
                valid = (pos + lanes) < _CH
                idxv[b][pl.ds(pos, 16)] = jnp.where(valid, flat, 0)

    for d in ld:
        d.wait()
    fill_idx(0)
    if _NPASS > 1:
        ld = fire_loads(1)

    for d in zd:
        d.wait()
    vvld = pltpu.async_copy(oc_hbm, valv, zsem)
    vvld.wait()
    plsc.subcore_barrier()

    sc = [None] * _NPASS
    for p in range(_NPASS):
        sc[p] = pltpu.async_copy(valv, table.at[idxv[p % 2]], ssem, add=True)
        if p + 1 < _NPASS:
            for d in ld:
                d.wait()
            if p >= 1:
                sc[p - 1].wait()
            fill_idx((p + 1) % 2)
            if p + 2 < _NPASS:
                ld = fire_loads(p + 2)
    if _NPASS >= 2:
        sc[_NPASS - 2].wait()
    sc[_NPASS - 1].wait()

    plsc.subcore_barrier()

    bz = valv
    cks = []
    off = 0
    while off < _SLC:
        sz = min(_HALF, _SLC - off)
        cks.append((off, sz))
        off += sz
    ins = [None] * len(cks)
    outs = [None] * len(cks)

    def fire_in(k):
        off, sz = cks[k]
        h = (k % 2) * _HALF
        return pltpu.async_copy(table.at[pl.ds(zbase + off, sz)],
                                bz.at[pl.ds(h, sz)], isem)

    ins[0] = fire_in(0)
    for k, (off, sz) in enumerate(cks):
        ins[k].wait()
        h = (k % 2) * _HALF
        outs[k] = pltpu.async_copy(bz.at[pl.ds(h, sz)],
                                   out_hbm.at[pl.ds(zbase + off, sz)], osem)
        if k + 1 < len(cks):
            if k - 1 >= 0:
                outs[k - 1].wait()
            ins[k + 1] = fire_in(k + 1)
    outs[-2].wait()
    outs[-1].wait()


@functools.lru_cache(maxsize=None)
def _hist_kernel():
    return pl.kernel(
        _hist_body,
        out_type=jax.ShapeDtypeStruct((_TBLP,), jnp.float32),
        mesh=plsc.VectorSubcoreMesh(core_axis_name="c", subcore_axis_name="s",
                                    num_cores=1, num_subcores=_NS),
        scratch_types=[
            pltpu.VMEM((_CPAD,), jnp.int32),
            pltpu.VMEM((_CPAD,), jnp.int32),
            pltpu.VMEM((_CPAD,), jnp.int32),
            pltpu.VMEM((_CPAD,), jnp.int32),
            pltpu.VMEM((_CPAD,), jnp.float32),
            pltpu.SemaphoreType.DMA,
            pltpu.SemaphoreType.DMA,
            pltpu.SemaphoreType.DMA,
            pltpu.SemaphoreType.DMA,
            pltpu.SemaphoreType.DMA,
            pltpu.VMEM_SHARED((_TBL,), jnp.float32),
        ],
    )


def _ln(h, g, b):
    mu = jnp.mean(h, axis=-1, keepdims=True)
    var = jnp.mean((h - mu) ** 2, axis=-1, keepdims=True)
    return (h - mu) * lax.rsqrt(var + 1e-5) * g + b


_TRI_OFF = np.concatenate([[0], np.cumsum(np.arange(_N - 1, 0, -1))]).astype(np.int32)


def _dense_body(*refs):
    (cnt_ref, nf_ref, emb_ref) = refs[:3]
    w = refs[3:31]
    (act_ref, ea_ref) = refs[31:33]
    (x_ref,) = refs[33:34]

    (g0W1, g0b1, g0lg, g0lb, g0W2, g0b2, s0W1, s0b1, s0W2, s0b2,
     g1W1, g1b1, g1lg, g1lb, g1W2, g1b2, s1W1, s1b1, s1W2, s1b2,
     nmg, nmb, eW1, eb1, elg, elb, eW2, eb2) = w

    nf = nf_ref[...]
    iota = lax.broadcasted_iota(jnp.int32, (_B, _N, _N), 2)
    oh = jnp.where(nf[:, :, None] == iota, 1.0, 0.0).reshape(_NT, _N)
    x = jnp.dot(oh, emb_ref[...], preferred_element_type=jnp.float32)
    x_ref[...] = x.reshape(_B, _N, _D)

    layer_w = ((g0W1, g0b1, g0lg, g0lb, g0W2, g0b2, s0W1, s0b1, s0W2, s0b2),
               (g1W1, g1b1, g1lg, g1lb, g1W2, g1b2, s1W1, s1b1, s1W2, s1b2))

    for i, (gW1, gb1, glg, glb, gW2, gb2, sW1, sb1, sW2, sb2) in enumerate(layer_w):
        agg = lax.dot_general(cnt_ref[...][:, :_N, :_N], x_ref[...],
                              (((2,), (1,)), ((0,), (0,))),
                              preferred_element_type=jnp.float32)
        h = (x_ref[...] + agg).reshape(_NT, _D)
        h = jnp.dot(h, gW1[...], preferred_element_type=jnp.float32) + gb1[...]
        h = _ln(h, glg[...], glb[...])
        h = jnp.maximum(h, 0.0)
        h = jnp.dot(h, gW2[...], preferred_element_type=jnp.float32) + gb2[...]
        h = jnp.maximum(
            jnp.dot(h, sW1[...], preferred_element_type=jnp.float32) + sb1[...], 0.0)
        h = jnp.dot(h, sW2[...], preferred_element_type=jnp.float32) + sb2[...]
        if i > 0:
            h = h + x_ref[...].reshape(_NT, _D)
        x_ref[...] = _ln(h, nmg[...], nmb[...]).reshape(_B, _N, _D)

    means = jnp.mean(x_ref[...], axis=1)
    he = jnp.dot(means, eW1[...], preferred_element_type=jnp.float32) + eb1[...]
    he = jnp.maximum(_ln(he, elg[...], elb[...]), 0.0)
    e = jnp.dot(he, eW2[...], preferred_element_type=jnp.float32) + eb2[...]
    act_ref[...] = jnp.concatenate([jnp.zeros_like(e), 1.0 - e, e], axis=1)

    scale = jnp.float32(1.0 / np.sqrt(np.float32(_D)))

    xv = x_ref[...]
    dv = lax.dot_general(xv, xv, (((2,), (2,)), ((0,), (0,))),
                         preferred_element_type=jnp.float32) * scale
    for i in range(_N - 1):
        wdt = _N - 1 - i
        ea_ref[:, pl.ds(int(_TRI_OFF[i]), wdt)] = dv[:, i, i + 1:]


def _dense_call(cnt, nf, emb, wlist, interpret=False):
    return pl.pallas_call(
        _dense_body,
        out_shape=(jax.ShapeDtypeStruct((_B, 3), jnp.float32),
                   jax.ShapeDtypeStruct((_B, _NPAIR), jnp.float32)),
        scratch_shapes=[pltpu.VMEM((_B, _N, _D), jnp.float32)],
        interpret=interpret,
    )(cnt, nf, emb, *wlist)


def _weight_list(params):
    out = []
    for lp in params["layers"]:
        g, s = lp["gin"], lp["seq"]
        out += [g["W1"], g["b1"].reshape(1, _D), g["ln_g"].reshape(1, _D),
                g["ln_b"].reshape(1, _D), g["W2"], g["b2"].reshape(1, _D),
                s["W1"], s["b1"].reshape(1, _D), s["W2"], s["b2"].reshape(1, _D)]
    out += [params["norm_g"].reshape(1, _D), params["norm_b"].reshape(1, _D)]
    ep = params["exit"]
    out += [ep["W1"], ep["b1"].reshape(1, _D), ep["ln_g"].reshape(1, _D),
            ep["ln_b"].reshape(1, _D), ep["W2"], ep["b2"].reshape(1, 1)]
    return out


def kernel(node_features, edge_index, ptr, embedding, params):
    ei = edge_index.astype(jnp.int32).reshape(2 * _E)
    zc = jnp.zeros((_CPAD,), jnp.float32)
    oc = jnp.asarray(np.where(np.arange(_CPAD) < _CH, 1.0, 0.0), jnp.float32)
    cnt = _hist_kernel()(ei, zc, oc).reshape(_B, 104, 128)
    nf = node_features.reshape(_B, _N).astype(jnp.int32)
    act, ea = _dense_call(cnt, nf, embedding, _weight_list(params))
    edge_class = jnp.zeros((_B, 4), jnp.float32)
    node_class = jnp.zeros((_B, 1), jnp.float32)
    return (act, edge_class, node_class, ea)

# --- scband reference (transcript-rebuilt; emitter-appended) ---
"""Pipeline reference for scband-graph-edge-action-gnn-4020089389507 (READ-ONLY COPY).

The authoritative reference and input builder live on the scoring server;
editing this copy changes nothing except your own understanding.
"""

import jax, jax.numpy as jnp
import numpy as np

N_NODES = 100
BATCH = 100
N_TOTAL = N_NODES * BATCH
E = 640000
D = 128
NUM_LAYERS = 2
NUM_EDGE_CLASSES = 4


def _mlp_params(key, din, dh, dout):
    k1, k2 = jax.random.split(key)
    return {"W1": jax.random.normal(k1, (din, dh), dtype=jnp.float32) / np.sqrt(din),
            "b1": jnp.zeros((dh,), jnp.float32),
            "ln_g": jnp.ones((dh,), jnp.float32),
            "ln_b": jnp.zeros((dh,), jnp.float32),
            "W2": jax.random.normal(k2, (dh, dout), dtype=jnp.float32) / np.sqrt(dh),
            "b2": jnp.zeros((dout,), jnp.float32)}


def _seq_params(key, d):
    k1, k2 = jax.random.split(key)
    return {"W1": jax.random.normal(k1, (d, d), dtype=jnp.float32) / np.sqrt(d),
            "b1": jnp.zeros((d,), jnp.float32),
            "W2": jax.random.normal(k2, (d, d), dtype=jnp.float32) / np.sqrt(d),
            "b2": jnp.zeros((d,), jnp.float32)}


def setup_inputs(seed: int = 0):
    key = jax.random.key(seed)
    ks = jax.random.split(key, 12)
    node_features = jax.random.randint(ks[0], (N_TOTAL,), 0, N_NODES)
    src_local = jax.random.randint(ks[1], (E,), 0, N_NODES)
    dst_local = jax.random.randint(ks[2], (E,), 0, N_NODES)
    g = jax.random.randint(ks[3], (E,), 0, BATCH)
    edge_index = jnp.stack([g * N_NODES + src_local, g * N_NODES + dst_local], axis=0)
    ptr = jnp.arange(BATCH + 1) * N_NODES
    embedding = jax.random.normal(ks[4], (N_NODES, D), dtype=jnp.float32)
    params = {"layers": [{"gin": _mlp_params(ks[5 + i], D, D, D), "seq": _seq_params(ks[7 + i], D)} for i in range(NUM_LAYERS)],
              "norm_g": jnp.ones((D,), jnp.float32),
              "norm_b": jnp.zeros((D,), jnp.float32),
              "exit": _mlp_params(ks[9], D, D, 1)}
    return {"node_features": node_features, "edge_index": edge_index, "ptr": ptr,
            "embedding": embedding, "params": params}


def _layer_norm(x, g, b, eps=1e-5):
    mu = jnp.mean(x, axis=-1, keepdims=True)
    var = jnp.mean((x - mu) ** 2, axis=-1, keepdims=True)
    return (x - mu) / jnp.sqrt(var + eps) * g + b


def _mlp(p, x):
    h = x @ p["W1"] + p["b1"]
    h = _layer_norm(h, p["ln_g"], p["ln_b"])
    h = jax.nn.relu(h)
    return h @ p["W2"] + p["b2"]


def _forward(node_features, edge_index, ptr, embedding, params):
    x = embedding[node_features]
    src, dst = edge_index[0], edge_index[1]
    for i, lp in enumerate(params["layers"]):
        # GINConv with eps=0: nn((1+eps)*x_i + sum_{j->i} x_j), aggr='add', source_to_target
        agg = jax.ops.segment_sum(x[src], dst, num_segments=N_TOTAL)
        x_new = _mlp(lp["gin"], x + agg)
        sp = lp["seq"]
        x_new = jax.nn.relu(x_new @ sp["W1"] + sp["b1"]) @ sp["W2"] + sp["b2"]
        x = x_new + x if i > 0 else x_new
        x = _layer_norm(x, params["norm_g"], params["norm_b"])
    # _group_mean via cumsum and ptr
    cs = jnp.concatenate([jnp.zeros((1, D), x.dtype), jnp.cumsum(x, axis=0)], axis=0)
    size = (ptr[1:] - ptr[:-1]).astype(x.dtype)
    means = (cs[ptr[1:]] - cs[ptr[:-1]]) / size[:, None]
    exit_action = _mlp(params["exit"], means)[:, 0]
    xb = x.reshape(BATCH, N_NODES, D)
    dots = jnp.einsum('bnf,bmf->bnm', xb, xb) / jnp.sqrt(jnp.float32(D))
    i0, i1 = jnp.triu_indices(N_NODES, k=1)
    edge_actions = dots[:, i0, i1]
    action_type = jnp.zeros((BATCH, 3), jnp.float32)
    action_type = action_type.at[:, 1].set(1.0 - exit_action)  # ADD_EDGE
    action_type = action_type.at[:, 2].set(exit_action)        # EXIT
    edge_class = jnp.zeros((BATCH, NUM_EDGE_CLASSES), jnp.float32)
    node_class = jnp.zeros((BATCH, 1), jnp.float32)
    return (action_type, edge_class, node_class, edge_actions)


def reference(node_features, edge_index, ptr, embedding, params):
    return _forward(node_features, edge_index, ptr, embedding, params)

if __name__ == "__main__":
    import jax
    _d = setup_inputs()
    print(jax.jit(kernel)(*tuple(_d.values())))

</pallas_src>

<mosaic_0001>
#map = affine_map<(d0, d1) -> (0)>
module attributes {stable_mosaic.version = 14 : i64} {
  func.func @_hist_body(%arg0: i32, %arg1: i32, %arg2: memref<1280000xi32, #tpu.memory_space<hbm>>, %arg3: memref<8064xf32, #tpu.memory_space<hbm>>, %arg4: memref<8064xf32, #tpu.memory_space<hbm>>, %arg5: memref<1331200xf32, #tpu.memory_space<hbm>>, %arg6: memref<8064xi32, #tpu.memory_space<vmem>>, %arg7: memref<8064xi32, #tpu.memory_space<vmem>>, %arg8: memref<8064xi32, #tpu.memory_space<vmem>>, %arg9: memref<8064xi32, #tpu.memory_space<vmem>>, %arg10: memref<8064xf32, #tpu.memory_space<vmem>>, %arg11: memref<!tpu.dma_semaphore, #tpu.memory_space<semaphore_mem>>, %arg12: memref<!tpu.dma_semaphore, #tpu.memory_space<semaphore_mem>>, %arg13: memref<!tpu.dma_semaphore, #tpu.memory_space<semaphore_mem>>, %arg14: memref<!tpu.dma_semaphore, #tpu.memory_space<semaphore_mem>>, %arg15: memref<!tpu.dma_semaphore, #tpu.memory_space<semaphore_mem>>, %arg16: memref<1000000xf32, #tpu.memory_space<vmem_shared>>) attributes {dimension_semantics = [#tpu.dimension_semantics<core_parallel>, #tpu.dimension_semantics<subcore_parallel>], iteration_bounds = array<i64: 1, 16>, scalar_prefetch = 0 : i64, scratch_operands = 11 : i64, tpu.core_type = #tpu.core_type<sc_vector_subcore>, window_params = [{transform_indices = #map}, {transform_indices = #map}, {transform_indices = #map}, {transform_indices = #map}]} {
    %mul3A = arith.constant 40000 : i32
    %mul3A_0 = arith.muli %arg1, %mul3A : i32
    %mul3A_1 = arith.constant 83200 : i32
    %mul3A_2 = arith.muli %arg1, %mul3A_1 : i32
    %multiple_of3A = tpu.assume_multiple %mul3A_2, 8 : i32
    %iota3A = tpu.iota {dimensions = array<i32: 0>} : vector<16xi32>
    %add3A = arith.constant 0 : i32
    %add3A_3 = arith.addi %mul3A_0, %add3A : i32
    %dma_start3A = arith.constant 0 : i32
    %dma_start3A_4 = tpu.memref_slice %arg6[%dma_start3A] : memref<8064xi32, #tpu.memory_space<vmem>> -> memref<8000xi32, #tpu.memory_space<vmem>>
    %dma_start3A_5 = tpu.memref_slice %arg2[%add3A_3] : memref<1280000xi32, #tpu.memory_space<hbm>> -> memref<8000xi32, #tpu.memory_space<hbm>>
    %dma_start3A_6 = arith.constant 0 : i32
    %dma_start3A_7 = tpu.memref_slice %arg6[%dma_start3A_6] : memref<8064xi32, #tpu.memory_space<vmem>> -> memref<8000xi32, #tpu.memory_space<vmem>>
    %dma_start3A_8 = tpu.memref_slice %arg2[%add3A_3] : memref<1280000xi32, #tpu.memory_space<hbm>> -> memref<8000xi32, #tpu.memory_space<hbm>>
    tpu.enqueue_dma source(%dma_start3A_8 : memref<8000xi32, #tpu.memory_space<hbm>>) target(%dma_start3A_7 : memref<8000xi32, #tpu.memory_space<vmem>>) target_semaphore(%arg11 : memref<!tpu.dma_semaphore, #tpu.memory_space<semaphore_mem>>)
    %add3A_9 = arith.constant 640000 : i32
    %add3A_10 = arith.addi %add3A_9, %add3A_3 : i32
    %dma_start3A_11 = arith.constant 0 : i32
    %dma_start3A_12 = tpu.memref_slice %arg7[%dma_start3A_11] : memref<8064xi32, #tpu.memory_space<vmem>> -> memref<8000xi32, #tpu.memory_space<vmem>>
    %dma_start3A_13 = tpu.memref_slice %arg2[%add3A_10] : memref<1280000xi32, #tpu.memory_space<hbm>> -> memref<8000xi32, #tpu.memory_space<hbm>>
    %dma_start3A_14 = arith.constant 0 : i32
    %dma_start3A_15 = tpu.memref_slice %arg7[%dma_start3A_14] : memref<8064xi32, #tpu.memory_space<vmem>> -> memref<8000xi32, #tpu.memory_space<vmem>>
    %dma_start3A_16 = tpu.memref_slice %arg2[%add3A_10] : memref<1280000xi32, #tpu.memory_space<hbm>> -> memref<8000xi32, #tpu.memory_space<hbm>>
    tpu.enqueue_dma source(%dma_start3A_16 : memref<8000xi32, #tpu.memory_space<hbm>>) target(%dma_start3A_15 : memref<8000xi32, #tpu.memory_space<vmem>>) target_semaphore(%arg11 : memref<!tpu.dma_semaphore, #tpu.memory_space<semaphore_mem>>)
    tpu.enqueue_dma source(%arg3 : memref<8064xf32, #tpu.memory_space<hbm>>) target(%arg10 : memref<8064xf32, #tpu.memory_space<vmem>>) target_semaphore(%arg12 : memref<!tpu.dma_semaphore, #tpu.memory_space<semaphore_mem>>)
    tpu.wait_dma2 semaphore(%arg12 : memref<!tpu.dma_semaphore, #tpu.memory_space<semaphore_mem>>) src(%arg3 : memref<8064xf32, #tpu.memory_space<hbm>>) dst(%arg10 : memref<8064xf32, #tpu.memory_space<vmem>>)
    %add3A_17 = arith.constant 0 : i32
    %add3A_18 = arith.addi %multiple_of3A, %add3A_17 : i32
    %dma_start3A_19 = arith.constant 0 : i32
    %dma_start3A_20 = tpu.memref_slice %arg10[%dma_start3A_19] : memref<8064xf32, #tpu.memory_space<vmem>> -> memref<8064xf32, #tpu.memory_space<vmem>>
    %dma_start3A_21 = tpu.memref_slice %arg16[%add3A_18] : memref<1000000xf32, #tpu.memory_space<vmem_shared>> -> memref<8064xf32, #tpu.memory_space<vmem_shared>>
    %dma_start3A_22 = tpu.memref_slice %arg16[%add3A_18] : memref<1000000xf32, #tpu.memory_space<vmem_shared>> -> memref<8064xf32, #tpu.memory_space<vmem_shared>>
    %dma_start3A_23 = arith.constant 0 : i32
    %dma_start3A_24 = tpu.memref_slice %arg10[%dma_start3A_23] : memref<8064xf32, #tpu.memory_space<vmem>> -> memref<8064xf32, #tpu.memory_space<vmem>>
    tpu.enqueue_dma source(%dma_start3A_24 : memref<8064xf32, #tpu.memory_space<vmem>>) target(%dma_start3A_22 : memref<8064xf32, #tpu.memory_space<vmem_shared>>) target_semaphore(%arg12 : memref<!tpu.dma_semaphore, #tpu.memory_space<semaphore_mem>>)
    %add3A_25 = arith.constant 8064 : i32
    %add3A_26 = arith.addi %multiple_of3A, %add3A_25 : i32
    %dma_start3A_27 = arith.constant 0 : i32
    %dma_start3A_28 = tpu.memref_slice %arg10[%dma_start3A_27] : memref<8064xf32, #tpu.memory_space<vmem>> -> memref<8064xf32, #tpu.memory_space<vmem>>
    %dma_start3A_29 = tpu.memref_slice %arg16[%add3A_26] : memref<1000000xf32, #tpu.memory_space<vmem_shared>> -> memref<8064xf32, #tpu.memory_space<vmem_shared>>
    %dma_start3A_30 = tpu.memref_slice %arg16[%add3A_26] : memref<1000000xf32, #tpu.memory_space<vmem_shared>> -> memref<8064xf32, #tpu.memory_space<vmem_shared>>
    %dma_start3A_31 = arith.constant 0 : i32
    %dma_start3A_32 = tpu.memref_slice %arg10[%dma_start3A_31] : memref<8064xf32, #tpu.memory_space<vmem>> -> memref<8064xf32, #tpu.memory_space<vmem>>
    tpu.enqueue_dma source(%dma_start3A_32 : memref<8064xf32, #tpu.memory_space<vmem>>) target(%dma_start3A_30 : memref<8064xf32, #tpu.memory_space<vmem_shared>>) target_semaphore(%arg12 : memref<!tpu.dma_semaphore, #tpu.memory_space<semaphore_mem>>)
    %add3A_33 = arith.constant 16128 : i32
    %add3A_34 = arith.addi %multiple_of3A, %add3A_33 : i32
    %dma_start3A_35 = arith.constant 0 : i32
    %dma_start3A_36 = tpu.memref_slice %arg10[%dma_start3A_35] : memref<8064xf32, #tpu.memory_space<vmem>> -> memref<8064xf32, #tpu.memory_space<vmem>>
    %dma_start3A_37 = tpu.memref_slice %arg16[%add3A_34] : memref<1000000xf32, #tpu.memory_space<vmem_shared>> -> memref<8064xf32, #tpu.memory_space<vmem_shared>>
    %dma_start3A_38 = tpu.memref_slice %arg16[%add3A_34] : memref<1000000xf32, #tpu.memory_space<vmem_shared>> -> memref<8064xf32, #tpu.memory_space<vmem_shared>>
    %dma_start3A_39 = arith.constant 0 : i32
    %dma_start3A_40 = tpu.memref_slice %arg10[%dma_start3A_39] : memref<8064xf32, #tpu.memory_space<vmem>> -> memref<8064xf32, #tpu.memory_space<vmem>>
    tpu.enqueue_dma source(%dma_start3A_40 : memref<8064xf32, #tpu.memory_space<vmem>>) target(%dma_start3A_38 : memref<8064xf32, #tpu.memory_space<vmem_shared>>) target_semaphore(%arg12 : memref<!tpu.dma_semaphore, #tpu.memory_space<semaphore_mem>>)
    %add3A_41 = arith.constant 24192 : i32
    %add3A_42 = arith.addi %multiple_of3A, %add3A_41 : i32
    %dma_start3A_43 = arith.constant 0 : i32
    %dma_start3A_44 = tpu.memref_slice %arg10[%dma_start3A_43] : memref<8064xf32, #tpu.memory_space<vmem>> -> memref<8064xf32, #tpu.memory_space<vmem>>
    %dma_start3A_45 = tpu.memref_slice %arg16[%add3A_42] : memref<1000000xf32, #tpu.memory_space<vmem_shared>> -> memref<8064xf32, #tpu.memory_space<vmem_shared>>
    %dma_start3A_46 = tpu.memref_slice %arg16[%add3A_42] : memref<1000000xf32, #tpu.memory_space<vmem_shared>> -> memref<8064xf32, #tpu.memory_space<vmem_shared>>
    %dma_start3A_47 = arith.constant 0 : i32
    %dma_start3A_48 = tpu.memref_slice %arg10[%dma_start3A_47] : memref<8064xf32, #tpu.memory_space<vmem>> -> memref<8064xf32, #tpu.memory_space<vmem>>
    tpu.enqueue_dma source(%dma_start3A_48 : memref<8064xf32, #tpu.memory_space<vmem>>) target(%dma_start3A_46 : memref<8064xf32, #tpu.memory_space<vmem_shared>>) target_semaphore(%arg12 : memref<!tpu.dma_semaphore, #tpu.memory_space<semaphore_mem>>)
    %add3A_49 = arith.constant 32256 : i32
    %add3A_50 = arith.addi %multiple_of3A, %add3A_49 : i32
    %dma_start3A_51 = arith.constant 0 : i32
    %dma_start3A_52 = tpu.memref_slice %arg10[%dma_start3A_51] : memref<8064xf32, #tpu.memory_space<vmem>> -> memref<8064xf32, #tpu.memory_space<vmem>>
    %dma_start3A_53 = tpu.memref_slice %arg16[%add3A_50] : memref<1000000xf32, #tpu.memory_space<vmem_shared>> -> memref<8064xf32, #tpu.memory_space<vmem_shared>>
    %dma_start3A_54 = tpu.memref_slice %arg16[%add3A_50] : memref<1000000xf32, #tpu.memory_space<vmem_shared>> -> memref<8064xf32, #tpu.memory_space<vmem_shared>>
    %dma_start3A_55 = arith.constant 0 : i32
    %dma_start3A_56 = tpu.memref_slice %arg10[%dma_start3A_55] : memref<8064xf32, #tpu.memory_space<vmem>> -> memref<8064xf32, #tpu.memory_space<vmem>>
    tpu.enqueue_dma source(%dma_start3A_56 : memref<8064xf32, #tpu.memory_space<vmem>>) target(%dma_start3A_54 : memref<8064xf32, #tpu.memory_space<vmem_shared>>) target_semaphore(%arg12 : memref<!tpu.dma_semaphore, #tpu.memory_space<semaphore_mem>>)
    %add3A_57 = arith.constant 40320 : i32
    %add3A_58 = arith.addi %multiple_of3A, %add3A_57 : i32
    %dma_start3A_59 = arith.constant 0 : i32
    %dma_start3A_60 = tpu.memref_slice %arg10[%dma_start3A_59] : memref<8064xf32, #tpu.memory_space<vmem>> -> memref<8064xf32, #tpu.memory_space<vmem>>
    %dma_start3A_61 = tpu.memref_slice %arg16[%add3A_58] : memref<1000000xf32, #tpu.memory_space<vmem_shared>> -> memref<8064xf32, #tpu.memory_space<vmem_shared>>
    %dma_start3A_62 = tpu.memref_slice %arg16[%add3A_58] : memref<1000000xf32, #tpu.memory_space<vmem_shared>> -> memref<8064xf32, #tpu.memory_space<vmem_shared>>
    %dma_start3A_63 = arith.constant 0 : i32
    %dma_start3A_64 = tpu.memref_slice %arg10[%dma_start3A_63] : memref<8064xf32, #tpu.memory_space<vmem>> -> memref<8064xf32, #tpu.memory_space<vmem>>
    tpu.enqueue_dma source(%dma_start3A_64 : memref<8064xf32, #tpu.memory_space<vmem>>) target(%dma_start3A_62 : memref<8064xf32, #tpu.memory_space<vmem_shared>>) target_semaphore(%arg12 : memref<!tpu.dma_semaphore, #tpu.memory_space<semaphore_mem>>)
    %add3A_65 = arith.constant 48384 : i32
    %add3A_66 = arith.addi %multiple_of3A, %add3A_65 : i32
    %dma_start3A_67 = arith.constant 0 : i32
    %dma_start3A_68 = tpu.memref_slice %arg10[%dma_start3A_67] : memref<8064xf32, #tpu.memory_space<vmem>> -> memref<8064xf32, #tpu.memory_space<vmem>>
    %dma_start3A_69 = tpu.memref_slice %arg16[%add3A_66] : memref<1000000xf32, #tpu.memory_space<vmem_shared>> -> memref<8064xf32, #tpu.memory_space<vmem_shared>>
    %dma_start3A_70 = tpu.memref_slice %arg16[%add3A_66] : memref<1000000xf32, #tpu.memory_space<vmem_shared>> -> memref<8064xf32, #tpu.memory_space<vmem_shared>>
    %dma_start3A_71 = arith.constant 0 : i32
    %dma_start3A_72 = tpu.memref_slice %arg10[%dma_start3A_71] : memref<8064xf32, #tpu.memory_space<vmem>> -> memref<8064xf32, #tpu.memory_space<vmem>>
    tpu.enqueue_dma source(%dma_start3A_72 : memref<8064xf32, #tpu.memory_space<vmem>>) target(%dma_start3A_70 : memref<8064xf32, #tpu.memory_space<vmem_shared>>) target_semaphore(%arg12 : memref<!tpu.dma_semaphore, #tpu.memory_space<semaphore_mem>>)
    %add3A_73 = arith.constant 56448 : i32
    %add3A_74 = arith.addi %multiple_of3A, %add3A_73 : i32
    %dma_start3A_75 = arith.constant 0 : i32
    %dma_start3A_76 = tpu.memref_slice %arg10[%dma_start3A_75] : memref<8064xf32, #tpu.memory_space<vmem>> -> memref<8064xf32, #tpu.memory_space<vmem>>
    %dma_start3A_77 = tpu.memref_slice %arg16[%add3A_74] : memref<1000000xf32, #tpu.memory_space<vmem_shared>> -> memref<8064xf32, #tpu.memory_space<vmem_shared>>
    %dma_start3A_78 = tpu.memref_slice %arg16[%add3A_74] : memref<1000000xf32, #tpu.memory_space<vmem_shared>> -> memref<8064xf32, #tpu.memory_space<vmem_shared>>
    %dma_start3A_79 = arith.constant 0 : i32
    %dma_start3A_80 = tpu.memref_slice %arg10[%dma_start3A_79] : memref<8064xf32, #tpu.memory_space<vmem>> -> memref<8064xf32, #tpu.memory_space<vmem>>
    tpu.enqueue_dma source(%dma_start3A_80 : memref<8064xf32, #tpu.memory_space<vmem>>) target(%dma_start3A_78 : memref<8064xf32, #tpu.memory_space<vmem_shared>>) target_semaphore(%arg12 : memref<!tpu.dma_semaphore, #tpu.memory_space<semaphore_mem>>)
    %add3A_81 = arith.constant 64512 : i32
    %add3A_82 = arith.addi %multiple_of3A, %add3A_81 : i32
    %dma_start3A_83 = arith.constant 0 : i32
    %dma_start3A_84 = tpu.memref_slice %arg10[%dma_start3A_83] : memref<8064xf32, #tpu.memory_space<vmem>> -> memref<8064xf32, #tpu.memory_space<vmem>>
    %dma_start3A_85 = tpu.memref_slice %arg16[%add3A_82] : memref<1000000xf32, #tpu.memory_space<vmem_shared>> -> memref<8064xf32, #tpu.memory_space<vmem_shared>>
    %dma_start3A_86 = tpu.memref_slice %arg16[%add3A_82] : memref<1000000xf32, #tpu.memory_space<vmem_shared>> -> memref<8064xf32, #tpu.memory_space<vmem_shared>>
    %dma_start3A_87 = arith.constant 0 : i32
    %dma_start3A_88 = tpu.memref_slice %arg10[%dma_start3A_87] : memref<8064xf32, #tpu.memory_space<vmem>> -> memref<8064xf32, #tpu.memory_space<vmem>>
    tpu.enqueue_dma source(%dma_start3A_88 : memref<8064xf32, #tpu.memory_space<vmem>>) target(%dma_start3A_86 : memref<8064xf32, #tpu.memory_space<vmem_shared>>) target_semaphore(%arg12 : memref<!tpu.dma_semaphore, #tpu.memory_space<semaphore_mem>>)
    %add3A_89 = arith.constant 72576 : i32
    %add3A_90 = arith.addi %multiple_of3A, %add3A_89 : i32
    %dma_start3A_91 = arith.constant 0 : i32
    %dma_start3A_92 = tpu.memref_slice %arg10[%dma_start3A_91] : memref<8064xf32, #tpu.memory_space<vmem>> -> memref<8064xf32, #tpu.memory_space<vmem>>
    %dma_start3A_93 = tpu.memref_slice %arg16[%add3A_90] : memref<1000000xf32, #tpu.memory_space<vmem_shared>> -> memref<8064xf32, #tpu.memory_space<vmem_shared>>
    %dma_start3A_94 = tpu.memref_slice %arg16[%add3A_90] : memref<1000000xf32, #tpu.memory_space<vmem_shared>> -> memref<8064xf32, #tpu.memory_space<vmem_shared>>
    %dma_start3A_95 = arith.constant 0 : i32
    %dma_start3A_96 = tpu.memref_slice %arg10[%dma_start3A_95] : memref<8064xf32, #tpu.memory_space<vmem>> -> memref<8064xf32, #tpu.memory_space<vmem>>
    tpu.enqueue_dma source(%dma_start3A_96 : memref<8064xf32, #tpu.memory_space<vmem>>) target(%dma_start3A_94 : memref<8064xf32, #tpu.memory_space<vmem_shared>>) target_semaphore(%arg12 : memref<!tpu.dma_semaphore, #tpu.memory_space<semaphore_mem>>)
    %add3A_97 = arith.constant 80640 : i32
    %add3A_98 = arith.addi %multiple_of3A, %add3A_97 : i32
    %dma_start3A_99 = arith.constant 0 : i32
    %dma_start3A_100 = tpu.memref_slice %arg10[%dma_start3A_99] : memref<8064xf32, #tpu.memory_space<vmem>> -> memref<2560xf32, #tpu.memory_space<vmem>>
    %dma_start3A_101 = tpu.memref_slice %arg16[%add3A_98] : memref<1000000xf32, #tpu.memory_space<vmem_shared>> -> memref<2560xf32, #tpu.memory_space<vmem_shared>>
    %dma_start3A_102 = tpu.memref_slice %arg16[%add3A_98] : memref<1000000xf32, #tpu.memory_space<vmem_shared>> -> memref<2560xf32, #tpu.memory_space<vmem_shared>>
    %dma_start3A_103 = arith.constant 0 : i32
    %dma_start3A_104 = tpu.memref_slice %arg10[%dma_start3A_103] : memref<8064xf32, #tpu.memory_space<vmem>> -> memref<2560xf32, #tpu.memory_space<vmem>>
    tpu.enqueue_dma source(%dma_start3A_104 : memref<2560xf32, #tpu.memory_space<vmem>>) target(%dma_start3A_102 : memref<2560xf32, #tpu.memory_space<vmem_shared>>) target_semaphore(%arg12 : memref<!tpu.dma_semaphore, #tpu.memory_space<semaphore_mem>>)
    %dma_wait3A = arith.constant 0 : i32
    %dma_wait3A_105 = tpu.memref_slice %arg6[%dma_wait3A] : memref<8064xi32, #tpu.memory_space<vmem>> -> memref<8000xi32, #tpu.memory_space<vmem>>
    %dma_wait3A_106 = tpu.memref_slice %arg2[%add3A_3] : memref<1280000xi32, #tpu.memory_space<hbm>> -> memref<8000xi32, #tpu.memory_space<hbm>>
    %dma_wait3A_107 = arith.constant 0 : i32
    %dma_wait3A_108 = tpu.memref_slice %arg6[%dma_wait3A_107] : memref<8064xi32, #tpu.memory_space<vmem>> -> memref<8000xi32, #tpu.memory_space<vmem>>
    %dma_wait3A_109 = tpu.memref_slice %arg2[%add3A_3] : memref<1280000xi32, #tpu.memory_space<hbm>> -> memref<8000xi32, #tpu.memory_space<hbm>>
    tpu.wait_dma2 semaphore(%arg11 : memref<!tpu.dma_semaphore, #tpu.memory_space<semaphore_mem>>) src(%dma_wait3A_109 : memref<8000xi32, #tpu.memory_space<hbm>>) dst(%dma_wait3A_108 : memref<8000xi32, #tpu.memory_space<vmem>>)
    %dma_wait3A_110 = arith.constant 0 : i32
    %dma_wait3A_111 = tpu.memref_slice %arg7[%dma_wait3A_110] : memref<8064xi32, #tpu.memory_space<vmem>> -> memref<8000xi32, #tpu.memory_space<vmem>>
    %dma_wait3A_112 = tpu.memref_slice %arg2[%add3A_10] : memref<1280000xi32, #tpu.memory_space<hbm>> -> memref<8000xi32, #tpu.memory_space<hbm>>
    %dma_wait3A_113 = arith.constant 0 : i32
    %dma_wait3A_114 = tpu.memref_slice %arg7[%dma_wait3A_113] : memref<8064xi32, #tpu.memory_space<vmem>> -> memref<8000xi32, #tpu.memory_space<vmem>>
    %dma_wait3A_115 = tpu.memref_slice %arg2[%add3A_10] : memref<1280000xi32, #tpu.memory_space<hbm>> -> memref<8000xi32, #tpu.memory_space<hbm>>
    tpu.wait_dma2 semaphore(%arg11 : memref<!tpu.dma_semaphore, #tpu.memory_space<semaphore_mem>>) src(%dma_wait3A_115 : memref<8000xi32, #tpu.memory_space<hbm>>) dst(%dma_wait3A_114 : memref<8000xi32, #tpu.memory_space<vmem>>)
    %scan3A = arith.constant 0 : i32
    %scan3A_116 = arith.constant 63 : i32
    %scan3A_117 = arith.addi %scan3A, %scan3A_116 : i32
    %scan3A_118 = arith.constant 1 : i32
    scf.for %scan3A_927 = %scan3A to %scan3A_117 step %scan3A_118  : i32 {
      %mul3A_928 = arith.constant 1 : i32
      %mul3A_929 = arith.muli %scan3A_927, %mul3A_928 : i32
      %add3A_930 = arith.constant 0 : i32
      %add3A_931 = arith.addi %add3A_930, %mul3A_929 : i32
      %mul3A_932 = arith.constant 128 : i32
      %mul3A_933 = arith.muli %add3A_931, %mul3A_932 : i32
      %add3A_934 = arith.constant 0 : i32
      %add3A_935 = arith.addi %mul3A_933, %add3A_934 : i32
      %get3A = arith.index_cast %add3A_935 : i32 to index
      %get3A_936 = tpu.vector_load %arg6[%get3A] {strides = array<i32>} : memref<8064xi32, #tpu.memory_space<vmem>>, vector<16xi32>,
      %get3A_937 = vector.shape_cast %get3A_936 : vector<16xi32> to vector<16xi32>
      %get3A_938 = arith.index_cast %add3A_935 : i32 to index
      %get3A_939 = tpu.vector_load %arg7[%get3A_938] {strides = array<i32>} : memref<8064xi32, #tpu.memory_space<vmem>>, vector<16xi32>,
      %get3A_940 = vector.shape_cast %get3A_939 : vector<16xi32> to vector<16xi32>
      %mul3A_941 = arith.constant 5243 : i32
      %mul3A_942 = vector.broadcast %mul3A_941 : i32 to vector<16xi32>
      %mul3A_943 = arith.muli %get3A_937, %mul3A_942 : vector<16xi32>
      %shift_right_arithmetic3A = arith.constant 19 : i32
      %shift_right_arithmetic3A_944 = vector.broadcast %shift_right_arithmetic3A : i32 to vector<16xi32>
      %shift_right_arithmetic3A_945 = arith.shrsi %mul3A_943, %shift_right_arithmetic3A_944 : vector<16xi32>
      %mul3A_946 = arith.constant 5243 : i32
      %mul3A_947 = vector.broadcast %mul3A_946 : i32 to vector<16xi32>
      %mul3A_948 = arith.muli %get3A_940, %mul3A_947 : vector<16xi32>
      %shift_right_arithmetic3A_949 = arith.constant 19 : i32
      %shift_right_arithmetic3A_950 = vector.broadcast %shift_right_arithmetic3A_949 : i32 to vector<16xi32>
      %shift_right_arithmetic3A_951 = arith.shrsi %mul3A_948, %shift_right_arithmetic3A_950 : vector<16xi32>
      %shift_left3A = arith.constant 7 : i32
      %shift_left3A_952 = vector.broadcast %shift_left3A : i32 to vector<16xi32>
      %shift_left3A_953 = arith.shli %get3A_940, %shift_left3A_952 : vector<16xi32>
      %shift_left3A_954 = arith.constant 9 : i32
      %shift_left3A_955 = vector.broadcast %shift_left3A_954 : i32 to vector<16xi32>
      %shift_left3A_956 = arith.shli %shift_right_arithmetic3A_951, %shift_left3A_955 : vector<16xi32>
      %add3A_957 = arith.addi %shift_left3A_953, %shift_left3A_956 : vector<16xi32>
      %mul3A_958 = arith.constant 100 : i32
      %mul3A_959 = vector.broadcast %mul3A_958 : i32 to vector<16xi32>
      %mul3A_960 = arith.muli %shift_right_arithmetic3A_945, %mul3A_959 : vector<16xi32>
      %sub3A = arith.subi %get3A_937, %mul3A_960 : vector<16xi32>
      %add3A_961 = arith.addi %add3A_957, %sub3A : vector<16xi32>
      %add3A_962 = vector.broadcast %add3A_935 : i32 to vector<16xi32>
      %add3A_963 = arith.addi %add3A_962, %iota3A : vector<16xi32>
      %lt3A = arith.constant 8000 : i32
      %lt3A_964 = vector.broadcast %lt3A : i32 to vector<16xi32>
      %lt3A_965 = arith.cmpi slt, %add3A_963, %lt3A_964 : vector<16xi32>
      %jit3A = arith.constant 0 : i32
      %broadcast_in_dim3A = vector.broadcast %jit3A : i32 to vector<16xi32>
      %select_n3A = arith.select %lt3A_965, %add3A_961, %broadcast_in_dim3A : vector<16xi1>, vector<16xi32>
      %swap3A = arith.index_cast %add3A_935 : i32 to index
      %swap3A_966 = tpu.vector_load %arg8[%swap3A] {strides = array<i32>} : memref<8064xi32, #tpu.memory_space<vmem>>, vector<16xi32>,
      %swap3A_967 = vector.shape_cast %swap3A_966 : vector<16xi32> to vector<16xi32>
      %swap3A_968 = vector.shape_cast %select_n3A : vector<16xi32> to vector<16xi32>
      tpu.vector_store %arg8[%swap3A], %swap3A_968 {strides = array<i32>} : memref<8064xi32, #tpu.memory_space<vmem>>, vector<16xi32>,
      %mul3A_969 = arith.constant 128 : i32
      %mul3A_970 = arith.muli %add3A_931, %mul3A_969 : i32
      %add3A_971 = arith.constant 16 : i32
      %add3A_972 = arith.addi %mul3A_970, %add3A_971 : i32
      %get3A_973 = arith.index_cast %add3A_972 : i32 to index
      %get3A_974 = tpu.vector_load %arg6[%get3A_973] {strides = array<i32>} : memref<8064xi32, #tpu.memory_space<vmem>>, vector<16xi32>,
      %get3A_975 = vector.shape_cast %get3A_974 : vector<16xi32> to vector<16xi32>
      %get3A_976 = arith.index_cast %add3A_972 : i32 to index
      %get3A_977 = tpu.vector_load %arg7[%get3A_976] {strides = array<i32>} : memref<8064xi32, #tpu.memory_space<vmem>>, vector<16xi32>,
      %get3A_978 = vector.shape_cast %get3A_977 : vector<16xi32> to vector<16xi32>
      %mul3A_979 = arith.constant 5243 : i32
      %mul3A_980 = vector.broadcast %mul3A_979 : i32 to vector<16xi32>
      %mul3A_981 = arith.muli %get3A_975, %mul3A_980 : vector<16xi32>
      %shift_right_arithmetic3A_982 = arith.constant 19 : i32
      %shift_right_arithmetic3A_983 = vector.broadcast %shift_right_arithmetic3A_982 : i32 to vector<16xi32>
      %shift_right_arithmetic3A_984 = arith.shrsi %mul3A_981, %shift_right_arithmetic3A_983 : vector<16xi32>
      %mul3A_985 = arith.constant 5243 : i32
      %mul3A_986 = vector.broadcast %mul3A_985 : i32 to vector<16xi32>
      %mul3A_987 = arith.muli %get3A_978, %mul3A_986 : vector<16xi32>
      %shift_right_arithmetic3A_988 = arith.constant 19 : i32
      %shift_right_arithmetic3A_989 = vector.broadcast %shift_right_arithmetic3A_988 : i32 to vector<16xi32>
      %shift_right_arithmetic3A_990 = arith.shrsi %mul3A_987, %shift_right_arithmetic3A_989 : vector<16xi32>
      %shift_left3A_991 = arith.constant 7 : i32
      %shift_left3A_992 = vector.broadcast %shift_left3A_991 : i32 to vector<16xi32>
      %shift_left3A_993 = arith.shli %get3A_978, %shift_left3A_992 : vector<16xi32>
      %shift_left3A_994 = arith.constant 9 : i32
      %shift_left3A_995 = vector.broadcast %shift_left3A_994 : i32 to vector<16xi32>
      %shift_left3A_996 = arith.shli %shift_right_arithmetic3A_990, %shift_left3A_995 : vector<16xi32>
      %add3A_997 = arith.addi %shift_left3A_993, %shift_left3A_996 : vector<16xi32>
      %mul3A_998 = arith.constant 100 : i32
      %mul3A_999 = vector.broadcast %mul3A_998 : i32 to vector<16xi32>
      %mul3A_1000 = arith.muli %shift_right_arithmetic3A_984, %mul3A_999 : vector<16xi32>
      %sub3A_1001 = arith.subi %get3A_975, %mul3A_1000 : vector<16xi32>
      %add3A_1002 = arith.addi %add3A_997, %sub3A_1001 : vector<16xi32>
      %add3A_1003 = vector.broadcast %add3A_972 : i32 to vector<16xi32>
      %add3A_1004 = arith.addi %add3A_1003, %iota3A : vector<16xi32>
      %lt3A_1005 = arith.constant 8000 : i32
      %lt3A_1006 = vector.broadcast %lt3A_1005 : i32 to vector<16xi32>
      %lt3A_1007 = arith.cmpi slt, %add3A_1004, %lt3A_1006 : vector<16xi32>
      %jit3A_1008 = arith.constant 0 : i32
      %broadcast_in_dim3A_1009 = vector.broadcast %jit3A_1008 : i32 to vector<16xi32>
      %select_n3A_1010 = arith.select %lt3A_1007, %add3A_1002, %broadcast_in_dim3A_1009 : vector<16xi1>, vector<16xi32>
      %swap3A_1011 = arith.index_cast %add3A_972 : i32 to index
      %swap3A_1012 = tpu.vector_load %arg8[%swap3A_1011] {strides = array<i32>} : memref<8064xi32, #tpu.memory_space<vmem>>, vector<16xi32>,
      %swap3A_1013 = vector.shape_cast %swap3A_1012 : vector<16xi32> to vector<16xi32>
      %swap3A_1014 = vector.shape_cast %select_n3A_1010 : vector<16xi32> to vector<16xi32>
      tpu.vector_store %arg8[%swap3A_1011], %swap3A_1014 {strides = array<i32>} : memref<8064xi32, #tpu.memory_space<vmem>>, vector<16xi32>,
      %mul3A_1015 = arith.constant 128 : i32
      %mul3A_1016 = arith.muli %add3A_931, %mul3A_1015 : i32
      %add3A_1017 = arith.constant 32 : i32
      %add3A_1018 = arith.addi %mul3A_1016, %add3A_1017 : i32
      %get3A_1019 = arith.index_cast %add3A_1018 : i32 to index
      %get3A_1020 = tpu.vector_load %arg6[%get3A_1019] {strides = array<i32>} : memref<8064xi32, #tpu.memory_space<vmem>>, vector<16xi32>,
      %get3A_1021 = vector.shape_cast %get3A_1020 : vector<16xi32> to vector<16xi32>
      %get3A_1022 = arith.index_cast %add3A_1018 : i32 to index
      %get3A_1023 = tpu.vector_load %arg7[%get3A_1022] {strides = array<i32>} : memref<8064xi32, #tpu.memory_space<vmem>>, vector<16xi32>,
      %get3A_1024 = vector.shape_cast %get3A_1023 : vector<16xi32> to vector<16xi32>
      %mul3A_1025 = arith.constant 5243 : i32
      %mul3A_1026 = vector.broadcast %mul3A_1025 : i32 to vector<16xi32>
      %mul3A_1027 = arith.muli %get3A_1021, %mul3A_1026 : vector<16xi32>
      %shift_right_arithmetic3A_1028 = arith.constant 19 : i32
      %shift_right_arithmetic3A_1029 = vector.broadcast %shift_right_arithmetic3A_1028 : i32 to vector<16xi32>
      %shift_right_arithmetic3A_1030 = arith.shrsi %mul3A_1027, %shift_right_arithmetic3A_1029 : vector<16xi32>
      %mul3A_1031 = arith.constant 5243 : i32
      %mul3A_1032 = vector.broadcast %mul3A_1031 : i32 to vector<16xi32>
      %mul3A_1033 = arith.muli %get3A_1024, %mul3A_1032 : vector<16xi32>
      %shift_right_arithmetic3A_1034 = arith.constant 19 : i32
      %shift_right_arithmetic3A_1035 = vector.broadcast %shift_right_arithmetic3A_1034 : i32 to vector<16xi32>
      %shift_right_arithmetic3A_1036 = arith.shrsi %mul3A_1033, %shift_right_arithmetic3A_1035 : vector<16xi32>
      %shift_left3A_1037 = arith.constant 7 : i32
      %shift_left3A_1038 = vector.broadcast %shift_left3A_1037 : i32 to vector<16xi32>
      %shift_left3A_1039 = arith.shli %get3A_1024, %shift_left3A_1038 : vector<16xi32>
      %shift_left3A_1040 = arith.constant 9 : i32
      %shift_left3A_1041 = vector.broadcast %shift_left3A_1040 : i32 to vector<16xi32>
      %shift_left3A_1042 = arith.shli %shift_right_arithmetic3A_1036, %shift_left3A_1041 : vector<16xi32>
      %add3A_1043 = arith.addi %shift_left3A_1039, %shift_left3A_1042 : vector<16xi32>
      %mul3A_1044 = arith.constant 100 : i32
      %mul3A_1045 = vector.broadcast %mul3A_1044 : i32 to vector<16xi32>
      %mul3A_1046 = arith.muli %shift_right_arithmetic3A_1030, %mul3A_1045 : vector<16xi32>
      %sub3A_1047 = arith.subi %get3A_1021, %mul3A_1046 : vector<16xi32>
      %add3A_1048 = arith.addi %add3A_1043, %sub3A_1047 : vector<16xi32>
      %add3A_1049 = vector.broadcast %add3A_1018 : i32 to vector<16xi32>
      %add3A_1050 = arith.addi %add3A_1049, %iota3A : vector<16xi32>
      %lt3A_1051 = arith.constant 8000 : i32
      %lt3A_1052 = vector.broadcast %lt3A_1051 : i32 to vector<16xi32>
      %lt3A_1053 = arith.cmpi slt, %add3A_1050, %lt3A_1052 : vector<16xi32>
      %jit3A_1054 = arith.constant 0 : i32
      %broadcast_in_dim3A_1055 = vector.broadcast %jit3A_1054 : i32 to vector<16xi32>
      %select_n3A_1056 = arith.select %lt3A_1053, %add3A_1048, %broadcast_in_dim3A_1055 : vector<16xi1>, vector<16xi32>
      %swap3A_1057 = arith.index_cast %add3A_1018 : i32 to index
      %swap3A_1058 = tpu.vector_load %arg8[%swap3A_1057] {strides = array<i32>} : memref<8064xi32, #tpu.memory_space<vmem>>, vector<16xi32>,
      %swap3A_1059 = vector.shape_cast %swap3A_1058 : vector<16xi32> to vector<16xi32>
      %swap3A_1060 = vector.shape_cast %select_n3A_1056 : vector<16xi32> to vector<16xi32>
      tpu.vector_store %arg8[%swap3A_1057], %swap3A_1060 {strides = array<i32>} : memref<8064xi32, #tpu.memory_space<vmem>>, vector<16xi32>,
      %mul3A_1061 = arith.constant 128 : i32
      %mul3A_1062 = arith.muli %add3A_931, %mul3A_1061 : i32
      %add3A_1063 = arith.constant 48 : i32
      %add3A_1064 = arith.addi %mul3A_1062, %add3A_1063 : i32
      %get3A_1065 = arith.index_cast %add3A_1064 : i32 to index
      %get3A_1066 = tpu.vector_load %arg6[%get3A_1065] {strides = array<i32>} : memref<8064xi32, #tpu.memory_space<vmem>>, vector<16xi32>,
      %get3A_1067 = vector.shape_cast %get3A_1066 : vector<16xi32> to vector<16xi32>
      %get3A_1068 = arith.index_cast %add3A_1064 : i32 to index
      %get3A_1069 = tpu.vector_load %arg7[%get3A_1068] {strides = array<i32>} : memref<8064xi32, #tpu.memory_space<vmem>>, vector<16xi32>,
      %get3A_1070 = vector.shape_cast %get3A_1069 : vector<16xi32> to vector<16xi32>
      %mul3A_1071 = arith.constant 5243 : i32
      %mul3A_1072 = vector.broadcast %mul3A_1071 : i32 to vector<16xi32>
      %mul3A_1073 = arith.muli %get3A_1067, %mul3A_1072 : vector<16xi32>
      %shift_right_arithmetic3A_1074 = arith.constant 19 : i32
      %shift_right_arithmetic3A_1075 = vector.broadcast %shift_right_arithmetic3A_1074 : i32 to vector<16xi32>
      %shift_right_arithmetic3A_1076 = arith.shrsi %mul3A_1073, %shift_right_arithmetic3A_1075 : vector<16xi32>
      %mul3A_1077 = arith.constant 5243 : i32
      %mul3A_1078 = vector.broadcast %mul3A_1077 : i32 to vector<16xi32>
      %mul3A_1079 = arith.muli %get3A_1070, %mul3A_1078 : vector<16xi32>
      %shift_right_arithmetic3A_1080 = arith.constant 19 : i32
      %shift_right_arithmetic3A_1081 = vector.broadcast %shift_right_arithmetic3A_1080 : i32 to vector<16xi32>
      %shift_right_arithmetic3A_1082 = arith.shrsi %mul3A_1079, %shift_right_arithmetic3A_1081 : vector<16xi32>
      %shift_left3A_1083 = arith.constant 7 : i32
      %shift_left3A_1084 = vector.broadcast %shift_left3A_1083 : i32 to vector<16xi32>
      %shift_left3A_1085 = arith.shli %get3A_1070, %shift_left3A_1084 : vector<16xi32>
      %shift_left3A_1086 = arith.constant 9 : i32
      %shift_left3A_1087 = vector.broadcast %shift_left3A_1086 : i32 to vector<16xi32>
      %shift_left3A_1088 = arith.shli %shift_right_arithmetic3A_1082, %shift_left3A_1087 : vector<16xi32>
      %add3A_1089 = arith.addi %shift_left3A_1085, %shift_left3A_1088 : vector<16xi32>
      %mul3A_1090 = arith.constant 100 : i32
      %mul3A_1091 = vector.broadcast %mul3A_1090 : i32 to vector<16xi32>
      %mul3A_1092 = arith.muli %shift_right_arithmetic3A_1076, %mul3A_1091 : vector<16xi32>
      %sub3A_1093 = arith.subi %get3A_1067, %mul3A_1092 : vector<16xi32>
      %add3A_1094 = arith.addi %add3A_1089, %sub3A_1093 : vector<16xi32>
      %add3A_1095 = vector.broadcast %add3A_1064 : i32 to vector<16xi32>
      %add3A_1096 = arith.addi %add3A_1095, %iota3A : vector<16xi32>
      %lt3A_1097 = arith.constant 8000 : i32
      %lt3A_1098 = vector.broadcast %lt3A_1097 : i32 to vector<16xi32>
      %lt3A_1099 = arith.cmpi slt, %add3A_1096, %lt3A_1098 : vector<16xi32>
      %jit3A_1100 = arith.constant 0 : i32
      %broadcast_in_dim3A_1101 = vector.broadcast %jit3A_1100 : i32 to vector<16xi32>
      %select_n3A_1102 = arith.select %lt3A_1099, %add3A_1094, %broadcast_in_dim3A_1101 : vector<16xi1>, vector<16xi32>
      %swap3A_1103 = arith.index_cast %add3A_1064 : i32 to index
      %swap3A_1104 = tpu.vector_load %arg8[%swap3A_1103] {strides = array<i32>} : memref<8064xi32, #tpu.memory_space<vmem>>, vector<16xi32>,
      %swap3A_1105 = vector.shape_cast %swap3A_1104 : vector<16xi32> to vector<16xi32>
      %swap3A_1106 = vector.shape_cast %select_n3A_1102 : vector<16xi32> to vector<16xi32>
      tpu.vector_store %arg8[%swap3A_1103], %swap3A_1106 {strides = array<i32>} : memref<8064xi32, #tpu.memory_space<vmem>>, vector<16xi32>,
      %mul3A_1107 = arith.constant 128 : i32
      %mul3A_1108 = arith.muli %add3A_931, %mul3A_1107 : i32
      %add3A_1109 = arith.constant 64 : i32
      %add3A_1110 = arith.addi %mul3A_1108, %add3A_1109 : i32
      %get3A_1111 = arith.index_cast %add3A_1110 : i32 to index
      %get3A_1112 = tpu.vector_load %arg6[%get3A_1111] {strides = array<i32>} : memref<8064xi32, #tpu.memory_space<vmem>>, vector<16xi32>,
      %get3A_1113 = vector.shape_cast %get3A_1112 : vector<16xi32> to vector<16xi32>
      %get3A_1114 = arith.index_cast %add3A_1110 : i32 to index
      %get3A_1115 = tpu.vector_load %arg7[%get3A_1114] {strides = array<i32>} : memref<8064xi32, #tpu.memory_space<vmem>>, vector<16xi32>,
      %get3A_1116 = vector.shape_cast %get3A_1115 : vector<16xi32> to vector<16xi32>
      %mul3A_1117 = arith.constant 5243 : i32
      %mul3A_1118 = vector.broadcast %mul3A_1117 : i32 to vector<16xi32>
      %mul3A_1119 = arith.muli %get3A_1113, %mul3A_1118 : vector<16xi32>
      %shift_right_arithmetic3A_1120 = arith.constant 19 : i32
      %shift_right_arithmetic3A_1121 = vector.broadcast %shift_right_arithmetic3A_1120 : i32 to vector<16xi32>
      %shift_right_arithmetic3A_1122 = arith.shrsi %mul3A_1119, %shift_right_arithmetic3A_1121 : vector<16xi32>
      %mul3A_1123 = arith.constant 5243 : i32
      %mul3A_1124 = vector.broadcast %mul3A_1123 : i32 to vector<16xi32>
      %mul3A_1125 = arith.muli %get3A_1116, %mul3A_1124 : vector<16xi32>
      %shift_right_arithmetic3A_1126 = arith.constant 19 : i32
      %shift_right_arithmetic3A_1127 = vector.broadcast %shift_right_arithmetic3A_1126 : i32 to vector<16xi32>
      %shift_right_arithmetic3A_1128 = arith.shrsi %mul3A_1125, %shift_right_arithmetic3A_1127 : vector<16xi32>
      %shift_left3A_1129 = arith.constant 7 : i32
      %shift_left3A_1130 = vector.broadcast %shift_left3A_1129 : i32 to vector<16xi32>
      %shift_left3A_1131 = arith.shli %get3A_1116, %shift_left3A_1130 : vector<16xi32>
      %shift_left3A_1132 = arith.constant 9 : i32
      %shift_left3A_1133 = vector.broadcast %shift_left3A_1132 : i32 to vector<16xi32>
      %shift_left3A_1134 = arith.shli %shift_right_arithmetic3A_1128, %shift_left3A_1133 : vector<16xi32>
      %add3A_1135 = arith.addi %shift_left3A_1131, %shift_left3A_1134 : vector<16xi32>
      %mul3A_1136 = arith.constant 100 : i32
      %mul3A_1137 = vector.broadcast %mul3A_1136 : i32 to vector<16xi32>
      %mul3A_1138 = arith.muli %shift_right_arithmetic3A_1122, %mul3A_1137 : vector<16xi32>
      %sub3A_1139 = arith.subi %get3A_1113, %mul3A_1138 : vector<16xi32>
      %add3A_1140 = arith.addi %add3A_1135, %sub3A_1139 : vector<16xi32>
      %add3A_1141 = vector.broadcast %add3A_1110 : i32 to vector<16xi32>
      %add3A_1142 = arith.addi %add3A_1141, %iota3A : vector<16xi32>
      %lt3A_1143 = arith.constant 8000 : i32
      %lt3A_1144 = vector.broadcast %lt3A_1143 : i32 to vector<16xi32>
      %lt3A_1145 = arith.cmpi slt, %add3A_1142, %lt3A_1144 : vector<16xi32>
      %jit3A_1146 = arith.constant 0 : i32
      %broadcast_in_dim3A_1147 = vector.broadcast %jit3A_1146 : i32 to vector<16xi32>
      %select_n3A_1148 = arith.select %lt3A_1145, %add3A_1140, %broadcast_in_dim3A_1147 : vector<16xi1>, vector<16xi32>
      %swap3A_1149 = arith.index_cast %add3A_1110 : i32 to index
      %swap3A_1150 = tpu.vector_load %arg8[%swap3A_1149] {strides = array<i32>} : memref<8064xi32, #tpu.memory_space<vmem>>, vector<16xi32>,
      %swap3A_1151 = vector.shape_cast %swap3A_1150 : vector<16xi32> to vector<16xi32>
      %swap3A_1152 = vector.shape_cast %select_n3A_1148 : vector<16xi32> to vector<16xi32>
      tpu.vector_store %arg8[%swap3A_1149], %swap3A_1152 {strides = array<i32>} : memref<8064xi32, #tpu.memory_space<vmem>>, vector<16xi32>,
      %mul3A_1153 = arith.constant 128 : i32
      %mul3A_1154 = arith.muli %add3A_931, %mul3A_1153 : i32
      %add3A_1155 = arith.constant 80 : i32
      %add3A_1156 = arith.addi %mul3A_1154, %add3A_1155 : i32
      %get3A_1157 = arith.index_cast %add3A_1156 : i32 to index
      %get3A_1158 = tpu.vector_load %arg6[%get3A_1157] {strides = array<i32>} : memref<8064xi32, #tpu.memory_space<vmem>>, vector<16xi32>,
      %get3A_1159 = vector.shape_cast %get3A_1158 : vector<16xi32> to vector<16xi32>
      %get3A_1160 = arith.index_cast %add3A_1156 : i32 to index
      %get3A_1161 = tpu.vector_load %arg7[%get3A_1160] {strides = array<i32>} : memref<8064xi32, #tpu.memory_space<vmem>>, vector<16xi32>,
      %get3A_1162 = vector.shape_cast %get3A_1161 : vector<16xi32> to vector<16xi32>
      %mul3A_1163 = arith.constant 5243 : i32
      %mul3A_1164 = vector.broadcast %mul3A_1163 : i32 to vector<16xi32>
      %mul3A_1165 = arith.muli %get3A_1159, %mul3A_1164 : vector<16xi32>
      %shift_right_arithmetic3A_1166 = arith.constant 19 : i32
      %shift_right_arithmetic3A_1167 = vector.broadcast %shift_right_arithmetic3A_1166 : i32 to vector<16xi32>
      %shift_right_arithmetic3A_1168 = arith.shrsi %mul3A_1165, %shift_right_arithmetic3A_1167 : vector<16xi32>
      %mul3A_1169 = arith.constant 5243 : i32
      %mul3A_1170 = vector.broadcast %mul3A_1169 : i32 to vector<16xi32>
      %mul3A_1171 = arith.muli %get3A_1162, %mul3A_1170 : vector<16xi32>
      %shift_right_arithmetic3A_1172 = arith.constant 19 : i32
      %shift_right_arithmetic3A_1173 = vector.broadcast %shift_right_arithmetic3A_1172 : i32 to vector<16xi32>
      %shift_right_arithmetic3A_1174 = arith.shrsi %mul3A_1171, %shift_right_arithmetic3A_1173 : vector<16xi32>
      %shift_left3A_1175 = arith.constant 7 : i32
      %shift_left3A_1176 = vector.broadcast %shift_left3A_1175 : i32 to vector<16xi32>
      %shift_left3A_1177 = arith.shli %get3A_1162, %shift_left3A_1176 : vector<16xi32>
      %shift_left3A_1178 = arith.constant 9 : i32
      %shift_left3A_1179 = vector.broadcast %shift_left3A_1178 : i32 to vector<16xi32>
      %shift_left3A_1180 = arith.shli %shift_right_arithmetic3A_1174, %shift_left3A_1179 : vector<16xi32>
      %add3A_1181 = arith.addi %shift_left3A_1177, %shift_left3A_1180 : vector<16xi32>
      %mul3A_1182 = arith.constant 100 : i32
      %mul3A_1183 = vector.broadcast %mul3A_1182 : i32 to vector<16xi32>
      %mul3A_1184 = arith.muli %shift_right_arithmetic3A_1168, %mul3A_1183 : vector<16xi32>
      %sub3A_1185 = arith.subi %get3A_1159, %mul3A_1184 : vector<16xi32>
      %add3A_1186 = arith.addi %add3A_1181, %sub3A_1185 : vector<16xi32>
      %add3A_1187 = vector.broadcast %add3A_1156 : i32 to vector<16xi32>
      %add3A_1188 = arith.addi %add3A_1187, %iota3A : vector<16xi32>
      %lt3A_1189 = arith.constant 8000 : i32
      %lt3A_1190 = vector.broadcast %lt3A_1189 : i32 to vector<16xi32>
      %lt3A_1191 = arith.cmpi slt, %add3A_1188, %lt3A_1190 : vector<16xi32>
      %jit3A_1192 = arith.constant 0 : i32
      %broadcast_in_dim3A_1193 = vector.broadcast %jit3A_1192 : i32 to vector<16xi32>
      %select_n3A_1194 = arith.select %lt3A_1191, %add3A_1186, %broadcast_in_dim3A_1193 : vector<16xi1>, vector<16xi32>
      %swap3A_1195 = arith.index_cast %add3A_1156 : i32 to index
      %swap3A_1196 = tpu.vector_load %arg8[%swap3A_1195] {strides = array<i32>} : memref<8064xi32, #tpu.memory_space<vmem>>, vector<16xi32>,
      %swap3A_1197 = vector.shape_cast %swap3A_1196 : vector<16xi32> to vector<16xi32>
      %swap3A_1198 = vector.shape_cast %select_n3A_1194 : vector<16xi32> to vector<16xi32>
      tpu.vector_store %arg8[%swap3A_1195], %swap3A_1198 {strides = array<i32>} : memref<8064xi32, #tpu.memory_space<vmem>>, vector<16xi32>,
      %mul3A_1199 = arith.constant 128 : i32
      %mul3A_1200 = arith.muli %add3A_931, %mul3A_1199 : i32
      %add3A_1201 = arith.constant 96 : i32
      %add3A_1202 = arith.addi %mul3A_1200, %add3A_1201 : i32
      %get3A_1203 = arith.index_cast %add3A_1202 : i32 to index
      %get3A_1204 = tpu.vector_load %arg6[%get3A_1203] {strides = array<i32>} : memref<8064xi32, #tpu.memory_space<vmem>>, vector<16xi32>,
      %get3A_1205 = vector.shape_cast %get3A_1204 : vector<16xi32> to vector<16xi32>
      %get3A_1206 = arith.index_cast %add3A_1202 : i32 to index
      %get3A_1207 = tpu.vector_load %arg7[%get3A_1206] {strides = array<i32>} : memref<8064xi32, #tpu.memory_space<vmem>>, vector<16xi32>,
      %get3A_1208 = vector.shape_cast %get3A_1207 : vector<16xi32> to vector<16xi32>
      %mul3A_1209 = arith.constant 5243 : i32
      %mul3A_1210 = vector.broadcast %mul3A_1209 : i32 to vector<16xi32>
      %mul3A_1211 = arith.muli %get3A_1205, %mul3A_1210 : vector<16xi32>
      %shift_right_arithmetic3A_1212 = arith.constant 19 : i32
      %shift_right_arithmetic3A_1213 = vector.broadcast %shift_right_arithmetic3A_1212 : i32 to vector<16xi32>
      %shift_right_arithmetic3A_1214 = arith.shrsi %mul3A_1211, %shift_right_arithmetic3A_1213 : vector<16xi32>
      %mul3A_1215 = arith.constant 5243 : i32
      %mul3A_1216 = vector.broadcast %mul3A_1215 : i32 to vector<16xi32>
      %mul3A_1217 = arith.muli %get3A_1208, %mul3A_1216 : vector<16xi32>
      %shift_right_arithmetic3A_1218 = arith.constant 19 : i32
      %shift_right_arithmetic3A_1219 = vector.broadcast %shift_right_arithmetic3A_1218 : i32 to vector<16xi32>
      %shift_right_arithmetic3A_1220 = arith.shrsi %mul3A_1217, %shift_right_arithmetic3A_1219 : vector<16xi32>
      %shift_left3A_1221 = arith.constant 7 : i32
      %shift_left3A_1222 = vector.broadcast %shift_left3A_1221 : i32 to vector<16xi32>
      %shift_left3A_1223 = arith.shli %get3A_1208, %shift_left3A_1222 : vector<16xi32>
      %shift_left3A_1224 = arith.constant 9 : i32
      %shift_left3A_1225 = vector.broadcast %shift_left3A_1224 : i32 to vector<16xi32>
      %shift_left3A_1226 = arith.shli %shift_right_arithmetic3A_1220, %shift_left3A_1225 : vector<16xi32>
      %add3A_1227 = arith.addi %shift_left3A_1223, %shift_left3A_1226 : vector<16xi32>
      %mul3A_1228 = arith.constant 100 : i32
      %mul3A_1229 = vector.broadcast %mul3A_1228 : i32 to vector<16xi32>
      %mul3A_1230 = arith.muli %shift_right_arithmetic3A_1214, %mul3A_1229 : vector<16xi32>
      %sub3A_1231 = arith.subi %get3A_1205, %mul3A_1230 : vector<16xi32>
      %add3A_1232 = arith.addi %add3A_1227, %sub3A_1231 : vector<16xi32>
      %add3A_1233 = vector.broadcast %add3A_1202 : i32 to vector<16xi32>
      %add3A_1234 = arith.addi %add3A_1233, %iota3A : vector<16xi32>
      %lt3A_1235 = arith.constant 8000 : i32
      %lt3A_1236 = vector.broadcast %lt3A_1235 : i32 to vector<16xi32>
      %lt3A_1237 = arith.cmpi slt, %add3A_1234, %lt3A_1236 : vector<16xi32>
      %jit3A_1238 = arith.constant 0 : i32
      %broadcast_in_dim3A_1239 = vector.broadcast %jit3A_1238 : i32 to vector<16xi32>
      %select_n3A_1240 = arith.select %lt3A_1237, %add3A_1232, %broadcast_in_dim3A_1239 : vector<16xi1>, vector<16xi32>
      %swap3A_1241 = arith.index_cast %add3A_1202 : i32 to index
      %swap3A_1242 = tpu.vector_load %arg8[%swap3A_1241] {strides = array<i32>} : memref<8064xi32, #tpu.memory_space<vmem>>, vector<16xi32>,
      %swap3A_1243 = vector.shape_cast %swap3A_1242 : vector<16xi32> to vector<16xi32>
      %swap3A_1244 = vector.shape_cast %select_n3A_1240 : vector<16xi32> to vector<16xi32>
      tpu.vector_store %arg8[%swap3A_1241], %swap3A_1244 {strides = array<i32>} : memref<8064xi32, #tpu.memory_space<vmem>>, vector<16xi32>,
      %mul3A_1245 = arith.constant 128 : i32
      %mul3A_1246 = arith.muli %add3A_931, %mul3A_1245 : i32
      %add3A_1247 = arith.constant 112 : i32
      %add3A_1248 = arith.addi %mul3A_1246, %add3A_1247 : i32
      %get3A_1249 = arith.index_cast %add3A_1248 : i32 to index
      %get3A_1250 = tpu.vector_load %arg6[%get3A_1249] {strides = array<i32>} : memref<8064xi32, #tpu.memory_space<vmem>>, vector<16xi32>,
      %get3A_1251 = vector.shape_cast %get3A_1250 : vector<16xi32> to vector<16xi32>
      %get3A_1252 = arith.index_cast %add3A_1248 : i32 to index
      %get3A_1253 = tpu.vector_load %arg7[%get3A_1252] {strides = array<i32>} : memref<8064xi32, #tpu.memory_space<vmem>>, vector<16xi32>,
      %get3A_1254 = vector.shape_cast %get3A_1253 : vector<16xi32> to vector<16xi32>
      %mul3A_1255 = arith.constant 5243 : i32
      %mul3A_1256 = vector.broadcast %mul3A_1255 : i32 to vector<16xi32>
      %mul3A_1257 = arith.muli %get3A_1251, %mul3A_1256 : vector<16xi32>
      %shift_right_arithmetic3A_1258 = arith.constant 19 : i32
      %shift_right_arithmetic3A_1259 = vector.broadcast %shift_right_arithmetic3A_1258 : i32 to vector<16xi32>
      %shift_right_arithmetic3A_1260 = arith.shrsi %mul3A_1257, %shift_right_arithmetic3A_1259 : vector<16xi32>
      %mul3A_1261 = arith.constant 5243 : i32
      %mul3A_1262 = vector.broadcast %mul3A_1261 : i32 to vector<16xi32>
      %mul3A_1263 = arith.muli %get3A_1254, %mul3A_1262 : vector<16xi32>
      %shift_right_arithmetic3A_1264 = arith.constant 19 : i32
      %shift_right_arithmetic3A_1265 = vector.broadcast %shift_right_arithmetic3A_1264 : i32 to vector<16xi32>
      %shift_right_arithmetic3A_1266 = arith.shrsi %mul3A_1263, %shift_right_arithmetic3A_1265 : vector<16xi32>
      %shift_left3A_1267 = arith.constant 7 : i32
      %shift_left3A_1268 = vector.broadcast %shift_left3A_1267 : i32 to vector<16xi32>
      %shift_left3A_1269 = arith.shli %get3A_1254, %shift_left3A_1268 : vector<16xi32>
      %shift_left3A_1270 = arith.constant 9 : i32
      %shift_left3A_1271 = vector.broadcast %shift_left3A_1270 : i32 to vector<16xi32>
      %shift_left3A_1272 = arith.shli %shift_right_arithmetic3A_1266, %shift_left3A_1271 : vector<16xi32>
      %add3A_1273 = arith.addi %shift_left3A_1269, %shift_left3A_1272 : vector<16xi32>
      %mul3A_1274 = arith.constant 100 : i32
      %mul3A_1275 = vector.broadcast %mul3A_1274 : i32 to vector<16xi32>
      %mul3A_1276 = arith.muli %shift_right_arithmetic3A_1260, %mul3A_1275 : vector<16xi32>
      %sub3A_1277 = arith.subi %get3A_1251, %mul3A_1276 : vector<16xi32>
      %add3A_1278 = arith.addi %add3A_1273, %sub3A_1277 : vector<16xi32>
      %add3A_1279 = vector.broadcast %add3A_1248 : i32 to vector<16xi32>
      %add3A_1280 = arith.addi %add3A_1279, %iota3A : vector<16xi32>
      %lt3A_1281 = arith.constant 8000 : i32
      %lt3A_1282 = vector.broadcast %lt3A_1281 : i32 to vector<16xi32>
      %lt3A_1283 = arith.cmpi slt, %add3A_1280, %lt3A_1282 : vector<16xi32>
      %jit3A_1284 = arith.constant 0 : i32
      %broadcast_in_dim3A_1285 = vector.broadcast %jit3A_1284 : i32 to vector<16xi32>
      %select_n3A_1286 = arith.select %lt3A_1283, %add3A_1278, %broadcast_in_dim3A_1285 : vector<16xi1>, vector<16xi32>
      %swap3A_1287 = arith.index_cast %add3A_1248 : i32 to index
      %swap3A_1288 = tpu.vector_load %arg8[%swap3A_1287] {strides = array<i32>} : memref<8064xi32, #tpu.memory_space<vmem>>, vector<16xi32>,
      %swap3A_1289 = vector.shape_cast %swap3A_1288 : vector<16xi32> to vector<16xi32>
      %swap3A_1290 = vector.shape_cast %select_n3A_1286 : vector<16xi32> to vector<16xi32>
      tpu.vector_store %arg8[%swap3A_1287], %swap3A_1290 {strides = array<i32>} : memref<8064xi32, #tpu.memory_space<vmem>>, vector<16xi32>,
    }
    %scan3A_119 = arith.constant 63 : i32
    %add3A_120 = arith.constant 8000 : i32
    %add3A_121 = arith.addi %mul3A_0, %add3A_120 : i32
    %dma_start3A_122 = arith.constant 0 : i32
    %dma_start3A_123 = tpu.memref_slice %arg6[%dma_start3A_122] : memref<8064xi32, #tpu.memory_space<vmem>> -> memref<8000xi32, #tpu.memory_space<vmem>>
    %dma_start3A_124 = tpu.memref_slice %arg2[%add3A_121] : memref<1280000xi32, #tpu.memory_space<hbm>> -> memref<8000xi32, #tpu.memory_space<hbm>>
    %dma_start3A_125 = arith.constant 0 : i32
    %dma_start3A_126 = tpu.memref_slice %arg6[%dma_start3A_125] : memref<8064xi32, #tpu.memory_space<vmem>> -> memref<8000xi32, #tpu.memory_space<vmem>>
    %dma_start3A_127 = tpu.memref_slice %arg2[%add3A_121] : memref<1280000xi32, #tpu.memory_space<hbm>> -> memref<8000xi32, #tpu.memory_space<hbm>>
    tpu.enqueue_dma source(%dma_start3A_127 : memref<8000xi32, #tpu.memory_space<hbm>>) target(%dma_start3A_126 : memref<8000xi32, #tpu.memory_space<vmem>>) target_semaphore(%arg11 : memref<!tpu.dma_semaphore, #tpu.memory_space<semaphore_mem>>)
    %add3A_128 = arith.constant 640000 : i32
    %add3A_129 = arith.addi %add3A_128, %add3A_121 : i32
    %dma_start3A_130 = arith.constant 0 : i32
    %dma_start3A_131 = tpu.memref_slice %arg7[%dma_start3A_130] : memref<8064xi32, #tpu.memory_space<vmem>> -> memref<8000xi32, #tpu.memory_space<vmem>>
    %dma_start3A_132 = tpu.memref_slice %arg2[%add3A_129] : memref<1280000xi32, #tpu.memory_space<hbm>> -> memref<8000xi32, #tpu.memory_space<hbm>>
    %dma_start3A_133 = arith.constant 0 : i32
    %dma_start3A_134 = tpu.memref_slice %arg7[%dma_start3A_133] : memref<8064xi32, #tpu.memory_space<vmem>> -> memref<8000xi32, #tpu.memory_space<vmem>>
    %dma_start3A_135 = tpu.memref_slice %arg2[%add3A_129] : memref<1280000xi32, #tpu.memory_space<hbm>> -> memref<8000xi32, #tpu.memory_space<hbm>>
    tpu.enqueue_dma source(%dma_start3A_135 : memref<8000xi32, #tpu.memory_space<hbm>>) target(%dma_start3A_134 : memref<8000xi32, #tpu.memory_space<vmem>>) target_semaphore(%arg11 : memref<!tpu.dma_semaphore, #tpu.memory_space<semaphore_mem>>)
    %dma_wait3A_136 = arith.constant 0 : i32
    %dma_wait3A_137 = tpu.memref_slice %arg10[%dma_wait3A_136] : memref<8064xf32, #tpu.memory_space<vmem>> -> memref<8064xf32, #tpu.memory_space<vmem>>
    %dma_wait3A_138 = tpu.memref_slice %arg16[%add3A_18] : memref<1000000xf32, #tpu.memory_space<vmem_shared>> -> memref<8064xf32, #tpu.memory_space<vmem_shared>>
    %dma_wait3A_139 = tpu.memref_slice %arg16[%add3A_18] : memref<1000000xf32, #tpu.memory_space<vmem_shared>> -> memref<8064xf32, #tpu.memory_space<vmem_shared>>
    %dma_wait3A_140 = arith.constant 0 : i32
    %dma_wait3A_141 = tpu.memref_slice %arg10[%dma_wait3A_140] : memref<8064xf32, #tpu.memory_space<vmem>> -> memref<8064xf32, #tpu.memory_space<vmem>>
    tpu.wait_dma2 semaphore(%arg12 : memref<!tpu.dma_semaphore, #tpu.memory_space<semaphore_mem>>) src(%dma_wait3A_141 : memref<8064xf32, #tpu.memory_space<vmem>>) dst(%dma_wait3A_139 : memref<8064xf32, #tpu.memory_space<vmem_shared>>)
    %dma_wait3A_142 = arith.constant 0 : i32
    %dma_wait3A_143 = tpu.memref_slice %arg10[%dma_wait3A_142] : memref<8064xf32, #tpu.memory_space<vmem>> -> memref<8064xf32, #tpu.memory_space<vmem>>
    %dma_wait3A_144 = tpu.memref_slice %arg16[%add3A_26] : memref<1000000xf32, #tpu.memory_space<vmem_shared>> -> memref<8064xf32, #tpu.memory_space<vmem_shared>>
    %dma_wait3A_145 = tpu.memref_slice %arg16[%add3A_26] : memref<1000000xf32, #tpu.memory_space<vmem_shared>> -> memref<8064xf32, #tpu.memory_space<vmem_shared>>
    %dma_wait3A_146 = arith.constant 0 : i32
    %dma_wait3A_147 = tpu.memref_slice %arg10[%dma_wait3A_146] : memref<8064xf32, #tpu.memory_space<vmem>> -> memref<8064xf32, #tpu.memory_space<vmem>>
    tpu.wait_dma2 semaphore(%arg12 : memref<!tpu.dma_semaphore, #tpu.memory_space<semaphore_mem>>) src(%dma_wait3A_147 : memref<8064xf32, #tpu.memory_space<vmem>>) dst(%dma_wait3A_145 : memref<8064xf32, #tpu.memory_space<vmem_shared>>)
    %dma_wait3A_148 = arith.constant 0 : i32
    %dma_wait3A_149 = tpu.memref_slice %arg10[%dma_wait3A_148] : memref<8064xf32, #tpu.memory_space<vmem>> -> memref<8064xf32, #tpu.memory_space<vmem>>
    %dma_wait3A_150 = tpu.memref_slice %arg16[%add3A_34] : memref<1000000xf32, #tpu.memory_space<vmem_shared>> -> memref<8064xf32, #tpu.memory_space<vmem_shared>>
    %dma_wait3A_151 = tpu.memref_slice %arg16[%add3A_34] : memref<1000000xf32, #tpu.memory_space<vmem_shared>> -> memref<8064xf32, #tpu.memory_space<vmem_shared>>
    %dma_wait3A_152 = arith.constant 0 : i32
    %dma_wait3A_153 = tpu.memref_slice %arg10[%dma_wait3A_152] : memref<8064xf32, #tpu.memory_space<vmem>> -> memref<8064xf32, #tpu.memory_space<vmem>>
    tpu.wait_dma2 semaphore(%arg12 : memref<!tpu.dma_semaphore, #tpu.memory_space<semaphore_mem>>) src(%dma_wait3A_153 : memref<8064xf32, #tpu.memory_space<vmem>>) dst(%dma_wait3A_151 : memref<8064xf32, #tpu.memory_space<vmem_shared>>)
    %dma_wait3A_154 = arith.constant 0 : i32
    %dma_wait3A_155 = tpu.memref_slice %arg10[%dma_wait3A_154] : memref<8064xf32, #tpu.memory_space<vmem>> -> memref<8064xf32, #tpu.memory_space<vmem>>
    %dma_wait3A_156 = tpu.memref_slice %arg16[%add3A_42] : memref<1000000xf32, #tpu.memory_space<vmem_shared>> -> memref<8064xf32, #tpu.memory_space<vmem_shared>>
    %dma_wait3A_157 = tpu.memref_slice %arg16[%add3A_42] : memref<1000000xf32, #tpu.memory_space<vmem_shared>> -> memref<8064xf32, #tpu.memory_space<vmem_shared>>
    %dma_wait3A_158 = arith.constant 0 : i32
    %dma_wait3A_159 = tpu.memref_slice %arg10[%dma_wait3A_158] : memref<8064xf32, #tpu.memory_space<vmem>> -> memref<8064xf32, #tpu.memory_space<vmem>>
    tpu.wait_dma2 semaphore(%arg12 : memref<!tpu.dma_semaphore, #tpu.memory_space<semaphore_mem>>) src(%dma_wait3A_159 : memref<8064xf32, #tpu.memory_space<vmem>>) dst(%dma_wait3A_157 : memref<8064xf32, #tpu.memory_space<vmem_shared>>)
    %dma_wait3A_160 = arith.constant 0 : i32
    %dma_wait3A_161 = tpu.memref_slice %arg10[%dma_wait3A_160] : memref<8064xf32, #tpu.memory_space<vmem>> -> memref<8064xf32, #tpu.memory_space<vmem>>
    %dma_wait3A_162 = tpu.memref_slice %arg16[%add3A_50] : memref<1000000xf32, #tpu.memory_space<vmem_shared>> -> memref<8064xf32, #tpu.memory_space<vmem_shared>>
    %dma_wait3A_163 = tpu.memref_slice %arg16[%add3A_50] : memref<1000000xf32, #tpu.memory_space<vmem_shared>> -> memref<8064xf32, #tpu.memory_space<vmem_shared>>
    %dma_wait3A_164 = arith.constant 0 : i32
    %dma_wait3A_165 = tpu.memref_slice %arg10[%dma_wait3A_164] : memref<8064xf32, #tpu.memory_space<vmem>> -> memref<8064xf32, #tpu.memory_space<vmem>>
    tpu.wait_dma2 semaphore(%arg12 : memref<!tpu.dma_semaphore, #tpu.memory_space<semaphore_mem>>) src(%dma_wait3A_165 : memref<8064xf32, #tpu.memory_space<vmem>>) dst(%dma_wait3A_163 : memref<8064xf32, #tpu.memory_space<vmem_shared>>)
    %dma_wait3A_166 = arith.constant 0 : i32
    %dma_wait3A_167 = tpu.memref_slice %arg10[%dma_wait3A_166] : memref<8064xf32, #tpu.memory_space<vmem>> -> memref<8064xf32, #tpu.memory_space<vmem>>
    %dma_wait3A_168 = tpu.memref_slice %arg16[%add3A_58] : memref<1000000xf32, #tpu.memory_space<vmem_shared>> -> memref<8064xf32, #tpu.memory_space<vmem_shared>>
    %dma_wait3A_169 = tpu.memref_slice %arg16[%add3A_58] : memref<1000000xf32, #tpu.memory_space<vmem_shared>> -> memref<8064xf32, #tpu.memory_space<vmem_shared>>
    %dma_wait3A_170 = arith.constant 0 : i32
    %dma_wait3A_171 = tpu.memref_slice %arg10[%dma_wait3A_170] : memref<8064xf32, #tpu.memory_space<vmem>> -> memref<8064xf32, #tpu.memory_space<vmem>>
    tpu.wait_dma2 semaphore(%arg12 : memref<!tpu.dma_semaphore, #tpu.memory_space<semaphore_mem>>) src(%dma_wait3A_171 : memref<8064xf32, #tpu.memory_space<vmem>>) dst(%dma_wait3A_169 : memref<8064xf32, #tpu.memory_space<vmem_shared>>)
    %dma_wait3A_172 = arith.constant 0 : i32
    %dma_wait3A_173 = tpu.memref_slice %arg10[%dma_wait3A_172] : memref<8064xf32, #tpu.memory_space<vmem>> -> memref<8064xf32, #tpu.memory_space<vmem>>
    %dma_wait3A_174 = tpu.memref_slice %arg16[%add3A_66] : memref<1000000xf32, #tpu.memory_space<vmem_shared>> -> memref<8064xf32, #tpu.memory_space<vmem_shared>>
    %dma_wait3A_175 = tpu.memref_slice %arg16[%add3A_66] : memref<1000000xf32, #tpu.memory_space<vmem_shared>> -> memref<8064xf32, #tpu.memory_space<vmem_shared>>
    %dma_wait3A_176 = arith.constant 0 : i32
    %dma_wait3A_177 = tpu.memref_slice %arg10[%dma_wait3A_176] : memref<8064xf32, #tpu.memory_space<vmem>> -> memref<8064xf32, #tpu.memory_space<vmem>>
    tpu.wait_dma2 semaphore(%arg12 : memref<!tpu.dma_semaphore, #tpu.memory_space<semaphore_mem>>) src(%dma_wait3A_177 : memref<8064xf32, #tpu.memory_space<vmem>>) dst(%dma_wait3A_175 : memref<8064xf32, #tpu.memory_space<vmem_shared>>)
    %dma_wait3A_178 = arith.constant 0 : i32
    %dma_wait3A_179 = tpu.memref_slice %arg10[%dma_wait3A_178] : memref<8064xf32, #tpu.memory_space<vmem>> -> memref<8064xf32, #tpu.memory_space<vmem>>
    %dma_wait3A_180 = tpu.memref_slice %arg16[%add3A_74] : memref<1000000xf32, #tpu.memory_space<vmem_shared>> -> memref<8064xf32, #tpu.memory_space<vmem_shared>>
    %dma_wait3A_181 = tpu.memref_slice %arg16[%add3A_74] : memref<1000000xf32, #tpu.memory_space<vmem_shared>> -> memref<8064xf32, #tpu.memory_space<vmem_shared>>
    %dma_wait3A_182 = arith.constant 0 : i32
    %dma_wait3A_183 = tpu.memref_slice %arg10[%dma_wait3A_182] : memref<8064xf32, #tpu.memory_space<vmem>> -> memref<8064xf32, #tpu.memory_space<vmem>>
    tpu.wait_dma2 semaphore(%arg12 : memref<!tpu.dma_semaphore, #tpu.memory_space<semaphore_mem>>) src(%dma_wait3A_183 : memref<8064xf32, #tpu.memory_space<vmem>>) dst(%dma_wait3A_181 : memref<8064xf32, #tpu.memory_space<vmem_shared>>)
    %dma_wait3A_184 = arith.constant 0 : i32
    %dma_wait3A_185 = tpu.memref_slice %arg10[%dma_wait3A_184] : memref<8064xf32, #tpu.memory_space<vmem>> -> memref<8064xf32, #tpu.memory_space<vmem>>
    %dma_wait3A_186 = tpu.memref_slice %arg16[%add3A_82] : memref<1000000xf32, #tpu.memory_space<vmem_shared>> -> memref<8064xf32, #tpu.memory_space<vmem_shared>>
    %dma_wait3A_187 = tpu.memref_slice %arg16[%add3A_82] : memref<1000000xf32, #tpu.memory_space<vmem_shared>> -> memref<8064xf32, #tpu.memory_space<vmem_shared>>
    %dma_wait3A_188 = arith.constant 0 : i32
    %dma_wait3A_189 = tpu.memref_slice %arg10[%dma_wait3A_188] : memref<8064xf32, #tpu.memory_space<vmem>> -> memref<8064xf32, #tpu.memory_space<vmem>>
    tpu.wait_dma2 semaphore(%arg12 : memref<!tpu.dma_semaphore, #tpu.memory_space<semaphore_mem>>) src(%dma_wait3A_189 : memref<8064xf32, #tpu.memory_space<vmem>>) dst(%dma_wait3A_187 : memref<8064xf32, #tpu.memory_space<vmem_shared>>)
    %dma_wait3A_190 = arith.constant 0 : i32
    %dma_wait3A_191 = tpu.memref_slice %arg10[%dma_wait3A_190] : memref<8064xf32, #tpu.memory_space<vmem>> -> memref<8064xf32, #tpu.memory_space<vmem>>
    %dma_wait3A_192 = tpu.memref_slice %arg16[%add3A_90] : memref<1000000xf32, #tpu.memory_space<vmem_shared>> -> memref<8064xf32, #tpu.memory_space<vmem_shared>>
    %dma_wait3A_193 = tpu.memref_slice %arg16[%add3A_90] : memref<1000000xf32, #tpu.memory_space<vmem_shared>> -> memref<8064xf32, #tpu.memory_space<vmem_shared>>
    %dma_wait3A_194 = arith.constant 0 : i32
    %dma_wait3A_195 = tpu.memref_slice %arg10[%dma_wait3A_194] : memref<8064xf32, #tpu.memory_space<vmem>> -> memref<8064xf32, #tpu.memory_space<vmem>>
    tpu.wait_dma2 semaphore(%arg12 : memref<!tpu.dma_semaphore, #tpu.memory_space<semaphore_mem>>) src(%dma_wait3A_195 : memref<8064xf32, #tpu.memory_space<vmem>>) dst(%dma_wait3A_193 : memref<8064xf32, #tpu.memory_space<vmem_shared>>)
    %dma_wait3A_196 = arith.constant 0 : i32
    %dma_wait3A_197 = tpu.memref_slice %arg10[%dma_wait3A_196] : memref<8064xf32, #tpu.memory_space<vmem>> -> memref<2560xf32, #tpu.memory_space<vmem>>
    %dma_wait3A_198 = tpu.memref_slice %arg16[%add3A_98] : memref<1000000xf32, #tpu.memory_space<vmem_shared>> -> memref<2560xf32, #tpu.memory_space<vmem_shared>>
    %dma_wait3A_199 = tpu.memref_slice %arg16[%add3A_98] : memref<1000000xf32, #tpu.memory_space<vmem_shared>> -> memref<2560xf32, #tpu.memory_space<vmem_shared>>
    %dma_wait3A_200 = arith.constant 0 : i32
    %dma_wait3A_201 = tpu.memref_slice %arg10[%dma_wait3A_200] : memref<8064xf32, #tpu.memory_space<vmem>> -> memref<2560xf32, #tpu.memory_space<vmem>>
    tpu.wait_dma2 semaphore(%arg12 : memref<!tpu.dma_semaphore, #tpu.memory_space<semaphore_mem>>) src(%dma_wait3A_201 : memref<2560xf32, #tpu.memory_space<vmem>>) dst(%dma_wait3A_199 : memref<2560xf32, #tpu.memory_space<vmem_shared>>)
    tpu.enqueue_dma source(%arg4 : memref<8064xf32, #tpu.memory_space<hbm>>) target(%arg10 : memref<8064xf32, #tpu.memory_space<vmem>>) target_semaphore(%arg12 : memref<!tpu.dma_semaphore, #tpu.memory_space<semaphore_mem>>)
    tpu.wait_dma2 semaphore(%arg12 : memref<!tpu.dma_semaphore, #tpu.memory_space<semaphore_mem>>) src(%arg4 : memref<8064xf32, #tpu.memory_space<hbm>>) dst(%arg10 : memref<8064xf32, #tpu.memory_space<vmem>>)
    %barrier3A = arith.constant 0 : index
    tpu.barrier barrier_id(%barrier3A)
    %dma_start3A_202 = arith.constant 0 : i32
    %dma_start3A_203 = tpu.memref_slice %arg16[%dma_start3A_202] : memref<1000000xf32, #tpu.memory_space<vmem_shared>> -> memref<1000000xf32, #tpu.memory_space<vmem_shared>>
    tpu.enqueue_indirect_dma source(%arg10 : memref<8064xf32, #tpu.memory_space<vmem>>) target(%dma_start3A_203 : memref<1000000xf32, #tpu.memory_space<vmem_shared>>) offsets(%arg8 : memref<8064xi32, #tpu.memory_space<vmem>>) semaphore(%arg13 : memref<!tpu.dma_semaphore, #tpu.memory_space<semaphore_mem>>) {add = true}
    %dma_wait3A_204 = arith.constant 0 : i32
    %dma_wait3A_205 = tpu.memref_slice %arg6[%dma_wait3A_204] : memref<8064xi32, #tpu.memory_space<vmem>> -> memref<8000xi32, #tpu.memory_space<vmem>>
    %dma_wait3A_206 = tpu.memref_slice %arg2[%add3A_121] : memref<1280000xi32, #tpu.memory_space<hbm>> -> memref<8000xi32, #tpu.memory_space<hbm>>
    %dma_wait3A_207 = arith.constant 0 : i32
    %dma_wait3A_208 = tpu.memref_slice %arg6[%dma_wait3A_207] : memref<8064xi32, #tpu.memory_space<vmem>> -> memref<8000xi32, #tpu.memory_space<vmem>>
    %dma_wait3A_209 = tpu.memref_slice %arg2[%add3A_121] : memref<1280000xi32, #tpu.memory_space<hbm>> -> memref<8000xi32, #tpu.memory_space<hbm>>
    tpu.wait_dma2 semaphore(%arg11 : memref<!tpu.dma_semaphore, #tpu.memory_space<semaphore_mem>>) src(%dma_wait3A_209 : memref<8000xi32, #tpu.memory_space<hbm>>) dst(%dma_wait3A_208 : memref<8000xi32, #tpu.memory_space<vmem>>)
    %dma_wait3A_210 = arith.constant 0 : i32
    %dma_wait3A_211 = tpu.memref_slice %arg7[%dma_wait3A_210] : memref<8064xi32, #tpu.memory_space<vmem>> -> memref<8000xi32, #tpu.memory_space<vmem>>
    %dma_wait3A_212 = tpu.memref_slice %arg2[%add3A_129] : memref<1280000xi32, #tpu.memory_space<hbm>> -> memref<8000xi32, #tpu.memory_space<hbm>>
    %dma_wait3A_213 = arith.constant 0 : i32
    %dma_wait3A_214 = tpu.memref_slice %arg7[%dma_wait3A_213] : memref<8064xi32, #tpu.memory_space<vmem>> -> memref<8000xi32, #tpu.memory_space<vmem>>
    %dma_wait3A_215 = tpu.memref_slice %arg2[%add3A_129] : memref<1280000xi32, #tpu.memory_space<hbm>> -> memref<8000xi32, #tpu.memory_space<hbm>>
    tpu.wait_dma2 semaphore(%arg11 : memref<!tpu.dma_semaphore, #tpu.memory_space<semaphore_mem>>) src(%dma_wait3A_215 : memref<8000xi32, #tpu.memory_space<hbm>>) dst(%dma_wait3A_214 : memref<8000xi32, #tpu.memory_space<vmem>>)
    %scan3A_216 = arith.constant 0 : i32
    %scan3A_217 = arith.constant 63 : i32
    %scan3A_218 = arith.addi %scan3A_216, %scan3A_217 : i32
    %scan3A_219 = arith.constant 1 : i32
    scf.for %scan3A_927 = %scan3A_216 to %scan3A_218 step %scan3A_219  : i32 {
      %mul3A_928 = arith.constant 1 : i32
      %mul3A_929 = arith.muli %scan3A_927, %mul3A_928 : i32
      %add3A_930 = arith.constant 0 : i32
      %add3A_931 = arith.addi %add3A_930, %mul3A_929 : i32
      %mul3A_932 = arith.constant 128 : i32
      %mul3A_933 = arith.muli %add3A_931, %mul3A_932 : i32
      %add3A_934 = arith.constant 0 : i32
      %add3A_935 = arith.addi %mul3A_933, %add3A_934 : i32
      %get3A = arith.index_cast %add3A_935 : i32 to index
      %get3A_936 = tpu.vector_load %arg6[%get3A] {strides = array<i32>} : memref<8064xi32, #tpu.memory_space<vmem>>, vector<16xi32>,
      %get3A_937 = vector.shape_cast %get3A_936 : vector<16xi32> to vector<16xi32>
      %get3A_938 = arith.index_cast %add3A_935 : i32 to index
      %get3A_939 = tpu.vector_load %arg7[%get3A_938] {strides = array<i32>} : memref<8064xi32, #tpu.memory_space<vmem>>, vector<16xi32>,
      %get3A_940 = vector.shape_cast %get3A_939 : vector<16xi32> to vector<16xi32>
      %mul3A_941 = arith.constant 5243 : i32
      %mul3A_942 = vector.broadcast %mul3A_941 : i32 to vector<16xi32>
      %mul3A_943 = arith.muli %get3A_937, %mul3A_942 : vector<16xi32>
      %shift_right_arithmetic3A = arith.constant 19 : i32
      %shift_right_arithmetic3A_944 = vector.broadcast %shift_right_arithmetic3A : i32 to vector<16xi32>
      %shift_right_arithmetic3A_945 = arith.shrsi %mul3A_943, %shift_right_arithmetic3A_944 : vector<16xi32>
      %mul3A_946 = arith.constant 5243 : i32
      %mul3A_947 = vector.broadcast %mul3A_946 : i32 to vector<16xi32>
      %mul3A_948 = arith.muli %get3A_940, %mul3A_947 : vector<16xi32>
      %shift_right_arithmetic3A_949 = arith.constant 19 : i32
      %shift_right_arithmetic3A_950 = vector.broadcast %shift_right_arithmetic3A_949 : i32 to vector<16xi32>
      %shift_right_arithmetic3A_951 = arith.shrsi %mul3A_948, %shift_right_arithmetic3A_950 : vector<16xi32>
      %shift_left3A = arith.constant 7 : i32
      %shift_left3A_952 = vector.broadcast %shift_left3A : i32 to vector<16xi32>
      %shift_left3A_953 = arith.shli %get3A_940, %shift_left3A_952 : vector<16xi32>
      %shift_left3A_954 = arith.constant 9 : i32
      %shift_left3A_955 = vector.broadcast %shift_left3A_954 : i32 to vector<16xi32>
      %shift_left3A_956 = arith.shli %shift_right_arithmetic3A_951, %shift_left3A_955 : vector<16xi32>
      %add3A_957 = arith.addi %shift_left3A_953, %shift_left3A_956 : vector<16xi32>
      %mul3A_958 = arith.constant 100 : i32
      %mul3A_959 = vector.broadcast %mul3A_958 : i32 to vector<16xi32>
      %mul3A_960 = arith.muli %shift_right_arithmetic3A_945, %mul3A_959 : vector<16xi32>
      %sub3A = arith.subi %get3A_937, %mul3A_960 : vector<16xi32>
      %add3A_961 = arith.addi %add3A_957, %sub3A : vector<16xi32>
      %add3A_962 = vector.broadcast %add3A_935 : i32 to vector<16xi32>
      %add3A_963 = arith.addi %add3A_962, %iota3A : vector<16xi32>
      %lt3A = arith.constant 8000 : i32
      %lt3A_964 = vector.broadcast %lt3A : i32 to vector<16xi32>
      %lt3A_965 = arith.cmpi slt, %add3A_963, %lt3A_964 : vector<16xi32>
      %jit3A = arith.constant 0 : i32
      %broadcast_in_dim3A = vector.broadcast %jit3A : i32 to vector<16xi32>
      %select_n3A = arith.select %lt3A_965, %add3A_961, %broadcast_in_dim3A : vector<16xi1>, vector<16xi32>
      %swap3A = arith.index_cast %add3A_935 : i32 to index
      %swap3A_966 = tpu.vector_load %arg9[%swap3A] {strides = array<i32>} : memref<8064xi32, #tpu.memory_space<vmem>>, vector<16xi32>,
      %swap3A_967 = vector.shape_cast %swap3A_966 : vector<16xi32> to vector<16xi32>
      %swap3A_968 = vector.shape_cast %select_n3A : vector<16xi32> to vector<16xi32>
      tpu.vector_store %arg9[%swap3A], %swap3A_968 {strides = array<i32>} : memref<8064xi32, #tpu.memory_space<vmem>>, vector<16xi32>,
      %mul3A_969 = arith.constant 128 : i32
      %mul3A_970 = arith.muli %add3A_931, %mul3A_969 : i32
      %add3A_971 = arith.constant 16 : i32
      %add3A_972 = arith.addi %mul3A_970, %add3A_971 : i32
      %get3A_973 = arith.index_cast %add3A_972 : i32 to index
      %get3A_974 = tpu.vector_load %arg6[%get3A_973] {strides = array<i32>} : memref<8064xi32, #tpu.memory_space<vmem>>, vector<16xi32>,
      %get3A_975 = vector.shape_cast %get3A_974 : vector<16xi32> to vector<16xi32>
      %get3A_976 = arith.index_cast %add3A_972 : i32 to index
      %get3A_977 = tpu.vector_load %arg7[%get3A_976] {strides = array<i32>} : memref<8064xi32, #tpu.memory_space<vmem>>, vector<16xi32>,
      %get3A_978 = vector.shape_cast %get3A_977 : vector<16xi32> to vector<16xi32>
      %mul3A_979 = arith.constant 5243 : i32
      %mul3A_980 = vector.broadcast %mul3A_979 : i32 to vector<16xi32>
      %mul3A_981 = arith.muli %get3A_975, %mul3A_980 : vector<16xi32>
      %shift_right_arithmetic3A_982 = arith.constant 19 : i32
      %shift_right_arithmetic3A_983 = vector.broadcast %shift_right_arithmetic3A_982 : i32 to vector<16xi32>
      %shift_right_arithmetic3A_984 = arith.shrsi %mul3A_981, %shift_right_arithmetic3A_983 : vector<16xi32>
      %mul3A_985 = arith.constant 5243 : i32
      %mul3A_986 = vector.broadcast %mul3A_985 : i32 to vector<16xi32>
      %mul3A_987 = arith.muli %get3A_978, %mul3A_986 : vector<16xi32>
      %shift_right_arithmetic3A_988 = arith.constant 19 : i32
      %shift_right_arithmetic3A_989 = vector.broadcast %shift_right_arithmetic3A_988 : i32 to vector<16xi32>
      %shift_right_arithmetic3A_990 = arith.shrsi %mul3A_987, %shift_right_arithmetic3A_989 : vector<16xi32>
      %shift_left3A_991 = arith.constant 7 : i32
      %shift_left3A_992 = vector.broadcast %shift_left3A_991 : i32 to vector<16xi32>
      %shift_left3A_993 = arith.shli %get3A_978, %shift_left3A_992 : vector<16xi32>
      %shift_left3A_994 = arith.constant 9 : i32
      %shift_left3A_995 = vector.broadcast %shift_left3A_994 : i32 to vector<16xi32>
      %shift_left3A_996 = arith.shli %shift_right_arithmetic3A_990, %shift_left3A_995 : vector<16xi32>
      %add3A_997 = arith.addi %shift_left3A_993, %shift_left3A_996 : vector<16xi32>
      %mul3A_998 = arith.constant 100 : i32
      %mul3A_999 = vector.broadcast %mul3A_998 : i32 to vector<16xi32>
      %mul3A_1000 = arith.muli %shift_right_arithmetic3A_984, %mul3A_999 : vector<16xi32>
      %sub3A_1001 = arith.subi %get3A_975, %mul3A_1000 : vector<16xi32>
      %add3A_1002 = arith.addi %add3A_997, %sub3A_1001 : vector<16xi32>
      %add3A_1003 = vector.broadcast %add3A_972 : i32 to vector<16xi32>
      %add3A_1004 = arith.addi %add3A_1003, %iota3A : vector<16xi32>
      %lt3A_1005 = arith.constant 8000 : i32
      %lt3A_1006 = vector.broadcast %lt3A_1005 : i32 to vector<16xi32>
      %lt3A_1007 = arith.cmpi slt, %add3A_1004, %lt3A_1006 : vector<16xi32>
      %jit3A_1008 = arith.constant 0 : i32
      %broadcast_in_dim3A_1009 = vector.broadcast %jit3A_1008 : i32 to vector<16xi32>
      %select_n3A_1010 = arith.select %lt3A_1007, %add3A_1002, %broadcast_in_dim3A_1009 : vector<16xi1>, vector<16xi32>
      %swap3A_1011 = arith.index_cast %add3A_972 : i32 to index
      %swap3A_1012 = tpu.vector_load %arg9[%swap3A_1011] {strides = array<i32>} : memref<8064xi32, #tpu.memory_space<vmem>>, vector<16xi32>,
      %swap3A_1013 = vector.shape_cast %swap3A_1012 : vector<16xi32> to vector<16xi32>
      %swap3A_1014 = vector.shape_cast %select_n3A_1010 : vector<16xi32> to vector<16xi32>
      tpu.vector_store %arg9[%swap3A_1011], %swap3A_1014 {strides = array<i32>} : memref<8064xi32, #tpu.memory_space<vmem>>, vector<16xi32>,
      %mul3A_1015 = arith.constant 128 : i32
      %mul3A_1016 = arith.muli %add3A_931, %mul3A_1015 : i32
      %add3A_1017 = arith.constant 32 : i32
      %add3A_1018 = arith.addi %mul3A_1016, %add3A_1017 : i32
      %get3A_1019 = arith.index_cast %add3A_1018 : i32 to index
      %get3A_1020 = tpu.vector_load %arg6[%get3A_1019] {strides = array<i32>} : memref<8064xi32, #tpu.memory_space<vmem>>, vector<16xi32>,
      %get3A_1021 = vector.shape_cast %get3A_1020 : vector<16xi32> to vector<16xi32>
      %get3A_1022 = arith.index_cast %add3A_1018 : i32 to index
      %get3A_1023 = tpu.vector_load %arg7[%get3A_1022] {strides = array<i32>} : memref<8064xi32, #tpu.memory_space<vmem>>, vector<16xi32>,
      %get3A_1024 = vector.shape_cast %get3A_1023 : vector<16xi32> to vector<16xi32>
      %mul3A_1025 = arith.constant 5243 : i32
      %mul3A_1026 = vector.broadcast %mul3A_1025 : i32 to vector<16xi32>
      %mul3A_1027 = arith.muli %get3A_1021, %mul3A_1026 : vector<16xi32>
      %shift_right_arithmetic3A_1028 = arith.constant 19 : i32
      %shift_right_arithmetic3A_1029 = vector.broadcast %shift_right_arithmetic3A_1028 : i32 to vector<16xi32>
      %shift_right_arithmetic3A_1030 = arith.shrsi %mul3A_1027, %shift_right_arithmetic3A_1029 : vector<16xi32>
      %mul3A_1031 = arith.constant 5243 : i32
      %mul3A_1032 = vector.broadcast %mul3A_1031 : i32 to vector<16xi32>
      %mul3A_1033 = arith.muli %get3A_1024, %mul3A_1032 : vector<16xi32>
      %shift_right_arithmetic3A_1034 = arith.constant 19 : i32
      %shift_right_arithmetic3A_1035 = vector.broadcast %shift_right_arithmetic3A_1034 : i32 to vector<16xi32>
      %shift_right_arithmetic3A_1036 = arith.shrsi %mul3A_1033, %shift_right_arithmetic3A_1035 : vector<16xi32>
      %shift_left3A_1037 = arith.constant 7 : i32
      %shift_left3A_1038 = vector.broadcast %shift_left3A_1037 : i32 to vector<16xi32>
      %shift_left3A_1039 = arith.shli %get3A_1024, %shift_left3A_1038 : vector<16xi32>
      %shift_left3A_1040 = arith.constant 9 : i32
      %shift_left3A_1041 = vector.broadcast %shift_left3A_1040 : i32 to vector<16xi32>
      %shift_left3A_1042 = arith.shli %shift_right_arithmetic3A_1036, %shift_left3A_1041 : vector<16xi32>
      %add3A_1043 = arith.addi %shift_left3A_1039, %shift_left3A_1042 : vector<16xi32>
      %mul3A_1044 = arith.constant 100 : i32
      %mul3A_1045 = vector.broadcast %mul3A_1044 : i32 to vector<16xi32>
      %mul3A_1046 = arith.muli %shift_right_arithmetic3A_1030, %mul3A_1045 : vector<16xi32>
      %sub3A_1047 = arith.subi %get3A_1021, %mul3A_1046 : vector<16xi32>
      %add3A_1048 = arith.addi %add3A_1043, %sub3A_1047 : vector<16xi32>
      %add3A_1049 = vector.broadcast %add3A_1018 : i32 to vector<16xi32>
      %add3A_1050 = arith.addi %add3A_1049, %iota3A : vector<16xi32>
      %lt3A_1051 = arith.constant 8000 : i32
      %lt3A_1052 = vector.broadcast %lt3A_1051 : i32 to vector<16xi32>
      %lt3A_1053 = arith.cmpi slt, %add3A_1050, %lt3A_1052 : vector<16xi32>
      %jit3A_1054 = arith.constant 0 : i32
      %broadcast_in_dim3A_1055 = vector.broadcast %jit3A_1054 : i32 to vector<16xi32>
      %select_n3A_1056 = arith.select %lt3A_1053, %add3A_1048, %broadcast_in_dim3A_1055 : vector<16xi1>, vector<16xi32>
      %swap3A_1057 = arith.index_cast %add3A_1018 : i32 to index
      %swap3A_1058 = tpu.vector_load %arg9[%swap3A_1057] {strides = array<i32>} : memref<8064xi32, #tpu.memory_space<vmem>>, vector<16xi32>,
      %swap3A_1059 = vector.shape_cast %swap3A_1058 : vector<16xi32> to vector<16xi32>
      %swap3A_1060 = vector.shape_cast %select_n3A_1056 : vector<16xi32> to vector<16xi32>
      tpu.vector_store %arg9[%swap3A_1057], %swap3A_1060 {strides = array<i32>} : memref<8064xi32, #tpu.memory_space<vmem>>, vector<16xi32>,
      %mul3A_1061 = arith.constant 128 : i32
      %mul3A_1062 = arith.muli %add3A_931, %mul3A_1061 : i32
      %add3A_1063 = arith.constant 48 : i32
      %add3A_1064 = arith.addi %mul3A_1062, %add3A_1063 : i32
      %get3A_1065 = arith.index_cast %add3A_1064 : i32 to index
      %get3A_1066 = tpu.vector_load %arg6[%get3A_1065] {strides = array<i32>} : memref<8064xi32, #tpu.memory_space<vmem>>, vector<16xi32>,
      %get3A_1067 = vector.shape_cast %get3A_1066 : vector<16xi32> to vector<16xi32>
      %get3A_1068 = arith.index_cast %add3A_1064 : i32 to index
      %get3A_1069 = tpu.vector_load %arg7[%get3A_1068] {strides = array<i32>} : memref<8064xi32, #tpu.memory_space<vmem>>, vector<16xi32>,
      %get3A_1070 = vector.shape_cast %get3A_1069 : vector<16xi32> to vector<16xi32>
      %mul3A_1071 = arith.constant 5243 : i32
      %mul3A_1072 = vector.broadcast %mul3A_1071 : i32 to vector<16xi32>
      %mul3A_1073 = arith.muli %get3A_1067, %mul3A_1072 : vector<16xi32>
      %shift_right_arithmetic3A_1074 = arith.constant 19 : i32
      %shift_right_arithmetic3A_1075 = vector.broadcast %shift_right_arithmetic3A_1074 : i32 to vector<16xi32>
      %shift_right_arithmetic3A_1076 = arith.shrsi %mul3A_1073, %shift_right_arithmetic3A_1075 : vector<16xi32>
      %mul3A_1077 = arith.constant 5243 : i32
      %mul3A_1078 = vector.broadcast %mul3A_1077 : i32 to vector<16xi32>
      %mul3A_1079 = arith.muli %get3A_1070, %mul3A_1078 : vector<16xi32>
      %shift_right_arithmetic3A_1080 = arith.constant 19 : i32
      %shift_right_arithmetic3A_1081 = vector.broadcast %shift_right_arithmetic3A_1080 : i32 to vector<16xi32>
      %shift_right_arithmetic3A_1082 = arith.shrsi %mul3A_1079, %shift_right_arithmetic3A_1081 : vector<16xi32>
      %shift_left3A_1083 = arith.constant 7 : i32
      %shift_left3A_1084 = vector.broadcast %shift_left3A_1083 : i32 to vector<16xi32>
      %shift_left3A_1085 = arith.shli %get3A_1070, %shift_left3A_1084 : vector<16xi32>
      %shift_left3A_1086 = arith.constant 9 : i32
      %shift_left3A_1087 = vector.broadcast %shift_left3A_1086 : i32 to vector<16xi32>
      %shift_left3A_1088 = arith.shli %shift_right_arithmetic3A_1082, %shift_left3A_1087 : vector<16xi32>
      %add3A_1089 = arith.addi %shift_left3A_1085, %shift_left3A_1088 : vector<16xi32>
      %mul3A_1090 = arith.constant 100 : i32
      %mul3A_1091 = vector.broadcast %mul3A_1090 : i32 to vector<16xi32>
      %mul3A_1092 = arith.muli %shift_right_arithmetic3A_1076, %mul3A_1091 : vector<16xi32>
      %sub3A_1093 = arith.subi %get3A_1067, %mul3A_1092 : vector<16xi32>
      %add3A_1094 = arith.addi %add3A_1089, %sub3A_1093 : vector<16xi32>
      %add3A_1095 = vector.broadcast %add3A_1064 : i32 to vector<16xi32>
      %add3A_1096 = arith.addi %add3A_1095, %iota3A : vector<16xi32>
      %lt3A_1097 = arith.constant 8000 : i32
      %lt3A_1098 = vector.broadcast %lt3A_1097 : i32 to vector<16xi32>
      %lt3A_1099 = arith.cmpi slt, %add3A_1096, %lt3A_1098 : vector<16xi32>
      %jit3A_1100 = arith.constant 0 : i32
      %broadcast_in_dim3A_1101 = vector.broadcast %jit3A_1100 : i32 to vector<16xi32>
      %select_n3A_1102 = arith.select %lt3A_1099, %add3A_1094, %broadcast_in_dim3A_1101 : vector<16xi1>, vector<16xi32>
      %swap3A_1103 = arith.index_cast %add3A_1064 : i32 to index
      %swap3A_1104 = tpu.vector_load %arg9[%swap3A_1103] {strides = array<i32>} : memref<8064xi32, #tpu.memory_space<vmem>>, vector<16xi32>,
      %swap3A_1105 = vector.shape_cast %swap3A_1104 : vector<16xi32> to vector<16xi32>
      %swap3A_1106 = vector.shape_cast %select_n3A_1102 : vector<16xi32> to vector<16xi32>
      tpu.vector_store %arg9[%swap3A_1103], %swap3A_1106 {strides = array<i32>} : memref<8064xi32, #tpu.memory_space<vmem>>, vector<16xi32>,
      %mul3A_1107 = arith.constant 128 : i32
      %mul3A_1108 = arith.muli %add3A_931, %mul3A_1107 : i32
      %add3A_1109 = arith.constant 64 : i32
      %add3A_1110 = arith.addi %mul3A_1108, %add3A_1109 : i32
      %get3A_1111 = arith.index_cast %add3A_1110 : i32 to index
      %get3A_1112 = tpu.vector_load %arg6[%get3A_1111] {strides = array<i32>} : memref<8064xi32, #tpu.memory_space<vmem>>, vector<16xi32>,
      %get3A_1113 = vector.shape_cast %get3A_1112 : vector<16xi32> to vector<16xi32>
      %get3A_1114 = arith.index_cast %add3A_1110 : i32 to index
      %get3A_1115 = tpu.vector_load %arg7[%get3A_1114] {strides = array<i32>} : memref<8064xi32, #tpu.memory_space<vmem>>, vector<16xi32>,
      %get3A_1116 = vector.shape_cast %get3A_1115 : vector<16xi32> to vector<16xi32>
      %mul3A_1117 = arith.constant 5243 : i32
      %mul3A_1118 = vector.broadcast %mul3A_1117 : i32 to vector<16xi32>
      %mul3A_1119 = arith.muli %get3A_1113, %mul3A_1118 : vector<16xi32>
      %shift_right_arithmetic3A_1120 = arith.constant 19 : i32
      %shift_right_arithmetic3A_1121 = vector.broadcast %shift_right_arithmetic3A_1120 : i32 to vector<16xi32>
      %shift_right_arithmetic3A_1122 = arith.shrsi %mul3A_1119, %shift_right_arithmetic3A_1121 : vector<16xi32>
      %mul3A_1123 = arith.constant 5243 : i32
      %mul3A_1124 = vector.broadcast %mul3A_1123 : i32 to vector<16xi32>
      %mul3A_1125 = arith.muli %get3A_1116, %mul3A_1124 : vector<16xi32>
      %shift_right_arithmetic3A_1126 = arith.constant 19 : i32
      %shift_right_arithmetic3A_1127 = vector.broadcast %shift_right_arithmetic3A_1126 : i32 to vector<16xi32>
      %shift_right_arithmetic3A_1128 = arith.shrsi %mul3A_1125, %shift_right_arithmetic3A_1127 : vector<16xi32>
      %shift_left3A_1129 = arith.constant 7 : i32
      %shift_left3A_1130 = vector.broadcast %shift_left3A_1129 : i32 to vector<16xi32>
      %shift_left3A_1131 = arith.shli %get3A_1116, %shift_left3A_1130 : vector<16xi32>
      %shift_left3A_1132 = arith.constant 9 : i32
      %shift_left3A_1133 = vector.broadcast %shift_left3A_1132 : i32 to vector<16xi32>
      %shift_left3A_1134 = arith.shli %shift_right_arithmetic3A_1128, %shift_left3A_1133 : vector<16xi32>
      %add3A_1135 = arith.addi %shift_left3A_1131, %shift_left3A_1134 : vector<16xi32>
      %mul3A_1136 = arith.constant 100 : i32
      %mul3A_1137 = vector.broadcast %mul3A_1136 : i32 to vector<16xi32>
      %mul3A_1138 = arith.muli %shift_right_arithmetic3A_1122, %mul3A_1137 : vector<16xi32>
      %sub3A_1139 = arith.subi %get3A_1113, %mul3A_1138 : vector<16xi32>
      %add3A_1140 = arith.addi %add3A_1135, %sub3A_1139 : vector<16xi32>
      %add3A_1141 = vector.broadcast %add3A_1110 : i32 to vector<16xi32>
      %add3A_1142 = arith.addi %add3A_1141, %iota3A : vector<16xi32>
      %lt3A_1143 = arith.constant 8000 : i32
      %lt3A_1144 = vector.broadcast %lt3A_1143 : i32 to vector<16xi32>
      %lt3A_1145 = arith.cmpi slt, %add3A_1142, %lt3A_1144 : vector<16xi32>
      %jit3A_1146 = arith.constant 0 : i32
      %broadcast_in_dim3A_1147 = vector.broadcast %jit3A_1146 : i32 to vector<16xi32>
      %select_n3A_1148 = arith.select %lt3A_1145, %add3A_1140, %broadcast_in_dim3A_1147 : vector<16xi1>, vector<16xi32>
      %swap3A_1149 = arith.index_cast %add3A_1110 : i32 to index
      %swap3A_1150 = tpu.vector_load %arg9[%swap3A_1149] {strides = array<i32>} : memref<8064xi32, #tpu.memory_space<vmem>>, vector<16xi32>,
      %swap3A_1151 = vector.shape_cast %swap3A_1150 : vector<16xi32> to vector<16xi32>
      %swap3A_1152 = vector.shape_cast %select_n3A_1148 : vector<16xi32> to vector<16xi32>
      tpu.vector_store %arg9[%swap3A_1149], %swap3A_1152 {strides = array<i32>} : memref<8064xi32, #tpu.memory_space<vmem>>, vector<16xi32>,
      %mul3A_1153 = arith.constant 128 : i32
      %mul3A_1154 = arith.muli %add3A_931, %mul3A_1153 : i32
      %add3A_1155 = arith.constant 80 : i32
      %add3A_1156 = arith.addi %mul3A_1154, %add3A_1155 : i32
      %get3A_1157 = arith.index_cast %add3A_1156 : i32 to index
      %get3A_1158 = tpu.vector_load %arg6[%get3A_1157] {strides = array<i32>} : memref<8064xi32, #tpu.memory_space<vmem>>, vector<16xi32>,
      %get3A_1159 = vector.shape_cast %get3A_1158 : vector<16xi32> to vector<16xi32>
      %get3A_1160 = arith.index_cast %add3A_1156 : i32 to index
      %get3A_1161 = tpu.vector_load %arg7[%get3A_1160] {strides = array<i32>} : memref<8064xi32, #tpu.memory_space<vmem>>, vector<16xi32>,
      %get3A_1162 = vector.shape_cast %get3A_1161 : vector<16xi32> to vector<16xi32>
      %mul3A_1163 = arith.constant 5243 : i32
      %mul3A_1164 = vector.broadcast %mul3A_1163 : i32 to vector<16xi32>
      %mul3A_1165 = arith.muli %get3A_1159, %mul3A_1164 : vector<16xi32>
      %shift_right_arithmetic3A_1166 = arith.constant 19 : i32
      %shift_right_arithmetic3A_1167 = vector.broadcast %shift_right_arithmetic3A_1166 : i32 to vector<16xi32>
      %shift_right_arithmetic3A_1168 = arith.shrsi %mul3A_1165, %shift_right_arithmetic3A_1167 : vector<16xi32>
      %mul3A_1169 = arith.constant 5243 : i32
      %mul3A_1170 = vector.broadcast %mul3A_1169 : i32 to vector<16xi32>
      %mul3A_1171 = arith.muli %get3A_1162, %mul3A_1170 : vector<16xi32>
      %shift_right_arithmetic3A_1172 = arith.constant 19 : i32
      %shift_right_arithmetic3A_1173 = vector.broadcast %shift_right_arithmetic3A_1172 : i32 to vector<16xi32>
      %shift_right_arithmetic3A_1174 = arith.shrsi %mul3A_1171, %shift_right_arithmetic3A_1173 : vector<16xi32>
      %shift_left3A_1175 = arith.constant 7 : i32
      %shift_left3A_1176 = vector.broadcast %shift_left3A_1175 : i32 to vector<16xi32>
      %shift_left3A_1177 = arith.shli %get3A_1162, %shift_left3A_1176 : vector<16xi32>
      %shift_left3A_1178 = arith.constant 9 : i32
      %shift_left3A_1179 = vector.broadcast %shift_left3A_1178 : i32 to vector<16xi32>
      %shift_left3A_1180 = arith.shli %shift_right_arithmetic3A_1174, %shift_left3A_1179 : vector<16xi32>
      %add3A_1181 = arith.addi %shift_left3A_1177, %shift_left3A_1180 : vector<16xi32>
      %mul3A_1182 = arith.constant 100 : i32
      %mul3A_1183 = vector.broadcast %mul3A_1182 : i32 to vector<16xi32>
      %mul3A_1184 = arith.muli %shift_right_arithmetic3A_1168, %mul3A_1183 : vector<16xi32>
      %sub3A_1185 = arith.subi %get3A_1159, %mul3A_1184 : vector<16xi32>
      %add3A_1186 = arith.addi %add3A_1181, %sub3A_1185 : vector<16xi32>
      %add3A_1187 = vector.broadcast %add3A_1156 : i32 to vector<16xi32>
      %add3A_1188 = arith.addi %add3A_1187, %iota3A : vector<16xi32>
      %lt3A_1189 = arith.constant 8000 : i32
      %lt3A_1190 = vector.broadcast %lt3A_1189 : i32 to vector<16xi32>
      %lt3A_1191 = arith.cmpi slt, %add3A_1188, %lt3A_1190 : vector<16xi32>
      %jit3A_1192 = arith.constant 0 : i32
      %broadcast_in_dim3A_1193 = vector.broadcast %jit3A_1192 : i32 to vector<16xi32>
      %select_n3A_1194 = arith.select %lt3A_1191, %add3A_1186, %broadcast_in_dim3A_1193 : vector<16xi1>, vector<16xi32>
      %swap3A_1195 = arith.index_cast %add3A_1156 : i32 to index
      %swap3A_1196 = tpu.vector_load %arg9[%swap3A_1195] {strides = array<i32>} : memref<8064xi32, #tpu.memory_space<vmem>>, vector<16xi32>,
      %swap3A_1197 = vector.shape_cast %swap3A_1196 : vector<16xi32> to vector<16xi32>
      %swap3A_1198 = vector.shape_cast %select_n3A_1194 : vector<16xi32> to vector<16xi32>
      tpu.vector_store %arg9[%swap3A_1195], %swap3A_1198 {strides = array<i32>} : memref<8064xi32, #tpu.memory_space<vmem>>, vector<16xi32>,
      %mul3A_1199 = arith.constant 128 : i32
      %mul3A_1200 = arith.muli %add3A_931, %mul3A_1199 : i32
      %add3A_1201 = arith.constant 96 : i32
      %add3A_1202 = arith.addi %mul3A_1200, %add3A_1201 : i32
      %get3A_1203 = arith.index_cast %add3A_1202 : i32 to index
      %get3A_1204 = tpu.vector_load %arg6[%get3A_1203] {strides = array<i32>} : memref<8064xi32, #tpu.memory_space<vmem>>, vector<16xi32>,
      %get3A_1205 = vector.shape_cast %get3A_1204 : vector<16xi32> to vector<16xi32>
      %get3A_1206 = arith.index_cast %add3A_1202 : i32 to index
      %get3A_1207 = tpu.vector_load %arg7[%get3A_1206] {strides = array<i32>} : memref<8064xi32, #tpu.memory_space<vmem>>, vector<16xi32>,
      %get3A_1208 = vector.shape_cast %get3A_1207 : vector<16xi32> to vector<16xi32>
      %mul3A_1209 = arith.constant 5243 : i32
      %mul3A_1210 = vector.broadcast %mul3A_1209 : i32 to vector<16xi32>
      %mul3A_1211 = arith.muli %get3A_1205, %mul3A_1210 : vector<16xi32>
      %shift_right_arithmetic3A_1212 = arith.constant 19 : i32
      %shift_right_arithmetic3A_1213 = vector.broadcast %shift_right_arithmetic3A_1212 : i32 to vector<16xi32>
      %shift_right_arithmetic3A_1214 = arith.shrsi %mul3A_1211, %shift_right_arithmetic3A_1213 : vector<16xi32>
      %mul3A_1215 = arith.constant 5243 : i32
      %mul3A_1216 = vector.broadcast %mul3A_1215 : i32 to vector<16xi32>
      %mul3A_1217 = arith.muli %get3A_1208, %mul3A_1216 : vector<16xi32>
      %shift_right_arithmetic3A_1218 = arith.constant 19 : i32
      %shift_right_arithmetic3A_1219 = vector.broadcast %shift_right_arithmetic3A_1218 : i32 to vector<16xi32>
      %shift_right_arithmetic3A_1220 = arith.shrsi %mul3A_1217, %shift_right_arithmetic3A_1219 : vector<16xi32>
      %shift_left3A_1221 = arith.constant 7 : i32
      %shift_left3A_1222 = vector.broadcast %shift_left3A_1221 : i32 to vector<16xi32>
      %shift_left3A_1223 = arith.shli %get3A_1208, %shift_left3A_1222 : vector<16xi32>
      %shift_left3A_1224 = arith.constant 9 : i32
      %shift_left3A_1225 = vector.broadcast %shift_left3A_1224 : i32 to vector<16xi32>
      %shift_left3A_1226 = arith.shli %shift_right_arithmetic3A_1220, %shift_left3A_1225 : vector<16xi32>
      %add3A_1227 = arith.addi %shift_left3A_1223, %shift_left3A_1226 : vector<16xi32>
      %mul3A_1228 = arith.constant 100 : i32
      %mul3A_1229 = vector.broadcast %mul3A_1228 : i32 to vector<16xi32>
      %mul3A_1230 = arith.muli %shift_right_arithmetic3A_1214, %mul3A_1229 : vector<16xi32>
      %sub3A_1231 = arith.subi %get3A_1205, %mul3A_1230 : vector<16xi32>
      %add3A_1232 = arith.addi %add3A_1227, %sub3A_1231 : vector<16xi32>
      %add3A_1233 = vector.broadcast %add3A_1202 : i32 to vector<16xi32>
      %add3A_1234 = arith.addi %add3A_1233, %iota3A : vector<16xi32>
      %lt3A_1235 = arith.constant 8000 : i32
      %lt3A_1236 = vector.broadcast %lt3A_1235 : i32 to vector<16xi32>
      %lt3A_1237 = arith.cmpi slt, %add3A_1234, %lt3A_1236 : vector<16xi32>
      %jit3A_1238 = arith.constant 0 : i32
      %broadcast_in_dim3A_1239 = vector.broadcast %jit3A_1238 : i32 to vector<16xi32>
      %select_n3A_1240 = arith.select %lt3A_1237, %add3A_1232, %broadcast_in_dim3A_1239 : vector<16xi1>, vector<16xi32>
      %swap3A_1241 = arith.index_cast %add3A_1202 : i32 to index
      %swap3A_1242 = tpu.vector_load %arg9[%swap3A_1241] {strides = array<i32>} : memref<8064xi32, #tpu.memory_space<vmem>>, vector<16xi32>,
      %swap3A_1243 = vector.shape_cast %swap3A_1242 : vector<16xi32> to vector<16xi32>
      %swap3A_1244 = vector.shape_cast %select_n3A_1240 : vector<16xi32> to vector<16xi32>
      tpu.vector_store %arg9[%swap3A_1241], %swap3A_1244 {strides = array<i32>} : memref<8064xi32, #tpu.memory_space<vmem>>, vector<16xi32>,
      %mul3A_1245 = arith.constant 128 : i32
      %mul3A_1246 = arith.muli %add3A_931, %mul3A_1245 : i32
      %add3A_1247 = arith.constant 112 : i32
      %add3A_1248 = arith.addi %mul3A_1246, %add3A_1247 : i32
      %get3A_1249 = arith.index_cast %add3A_1248 : i32 to index
      %get3A_1250 = tpu.vector_load %arg6[%get3A_1249] {strides = array<i32>} : memref<8064xi32, #tpu.memory_space<vmem>>, vector<16xi32>,
      %get3A_1251 = vector.shape_cast %get3A_1250 : vector<16xi32> to vector<16xi32>
      %get3A_1252 = arith.index_cast %add3A_1248 : i32 to index
      %get3A_1253 = tpu.vector_load %arg7[%get3A_1252] {strides = array<i32>} : memref<8064xi32, #tpu.memory_space<vmem>>, vector<16xi32>,
      %get3A_1254 = vector.shape_cast %get3A_1253 : vector<16xi32> to vector<16xi32>
      %mul3A_1255 = arith.constant 5243 : i32
      %mul3A_1256 = vector.broadcast %mul3A_1255 : i32 to vector<16xi32>
      %mul3A_1257 = arith.muli %get3A_1251, %mul3A_1256 : vector<16xi32>
      %shift_right_arithmetic3A_1258 = arith.constant 19 : i32
      %shift_right_arithmetic3A_1259 = vector.broadcast %shift_right_arithmetic3A_1258 : i32 to vector<16xi32>
      %shift_right_arithmetic3A_1260 = arith.shrsi %mul3A_1257, %shift_right_arithmetic3A_1259 : vector<16xi32>
      %mul3A_1261 = arith.constant 5243 : i32
      %mul3A_1262 = vector.broadcast %mul3A_1261 : i32 to vector<16xi32>
      %mul3A_1263 = arith.muli %get3A_1254, %mul3A_1262 : vector<16xi32>
      %shift_right_arithmetic3A_1264 = arith.constant 19 : i32
      %shift_right_arithmetic3A_1265 = vector.broadcast %shift_right_arithmetic3A_1264 : i32 to vector<16xi32>
      %shift_right_arithmetic3A_1266 = arith.shrsi %mul3A_1263, %shift_right_arithmetic3A_1265 : vector<16xi32>
      %shift_left3A_1267 = arith.constant 7 : i32
      %shift_left3A_1268 = vector.broadcast %shift_left3A_1267 : i32 to vector<16xi32>
      %shift_left3A_1269 = arith.shli %get3A_1254, %shift_left3A_1268 : vector<16xi32>
      %shift_left3A_1270 = arith.constant 9 : i32
      %shift_left3A_1271 = vector.broadcast %shift_left3A_1270 : i32 to vector<16xi32>
      %shift_left3A_1272 = arith.shli %shift_right_arithmetic3A_1266, %shift_left3A_1271 : vector<16xi32>
      %add3A_1273 = arith.addi %shift_left3A_1269, %shift_left3A_1272 : vector<16xi32>
      %mul3A_1274 = arith.constant 100 : i32
      %mul3A_1275 = vector.broadcast %mul3A_1274 : i32 to vector<16xi32>
      %mul3A_1276 = arith.muli %shift_right_arithmetic3A_1260, %mul3A_1275 : vector<16xi32>
      %sub3A_1277 = arith.subi %get3A_1251, %mul3A_1276 : vector<16xi32>
      %add3A_1278 = arith.addi %add3A_1273, %sub3A_1277 : vector<16xi32>
      %add3A_1279 = vector.broadcast %add3A_1248 : i32 to vector<16xi32>
      %add3A_1280 = arith.addi %add3A_1279, %iota3A : vector<16xi32>
      %lt3A_1281 = arith.constant 8000 : i32
      %lt3A_1282 = vector.broadcast %lt3A_1281 : i32 to vector<16xi32>
      %lt3A_1283 = arith.cmpi slt, %add3A_1280, %lt3A_1282 : vector<16xi32>
      %jit3A_1284 = arith.constant 0 : i32
      %broadcast_in_dim3A_1285 = vector.broadcast %jit3A_1284 : i32 to vector<16xi32>
      %select_n3A_1286 = arith.select %lt3A_1283, %add3A_1278, %broadcast_in_dim3A_1285 : vector<16xi1>, vector<16xi32>
      %swap3A_1287 = arith.index_cast %add3A_1248 : i32 to index
      %swap3A_1288 = tpu.vector_load %arg9[%swap3A_1287] {strides = array<i32>} : memref<8064xi32, #tpu.memory_space<vmem>>, vector<16xi32>,
      %swap3A_1289 = vector.shape_cast %swap3A_1288 : vector<16xi32> to vector<16xi32>
      %swap3A_1290 = vector.shape_cast %select_n3A_1286 : vector<16xi32> to vector<16xi32>
      tpu.vector_store %arg9[%swap3A_1287], %swap3A_1290 {strides = array<i32>} : memref<8064xi32, #tpu.memory_space<vmem>>, vector<16xi32>,
    }
    %scan3A_220 = arith.constant 63 : i32
    %add3A_221 = arith.constant 16000 : i32
    %add3A_222 = arith.addi %mul3A_0, %add3A_221 : i32
    %dma_start3A_223 = arith.constant 0 : i32
    %dma_start3A_224 = tpu.memref_slice %arg6[%dma_start3A_223] : memref<8064xi32, #tpu.memory_space<vmem>> -> memref<8000xi32, #tpu.memory_space<vmem>>
    %dma_start3A_225 = tpu.memref_slice %arg2[%add3A_222] : memref<1280000xi32, #tpu.memory_space<hbm>> -> memref<8000xi32, #tpu.memory_space<hbm>>
    %dma_start3A_226 = arith.constant 0 : i32
    %dma_start3A_227 = tpu.memref_slice %arg6[%dma_start3A_226] : memref<8064xi32, #tpu.memory_space<vmem>> -> memref<8000xi32, #tpu.memory_space<vmem>>
    %dma_start3A_228 = tpu.memref_slice %arg2[%add3A_222] : memref<1280000xi32, #tpu.memory_space<hbm>> -> memref<8000xi32, #tpu.memory_space<hbm>>
    tpu.enqueue_dma source(%dma_start3A_228 : memref<8000xi32, #tpu.memory_space<hbm>>) target(%dma_start3A_227 : memref<8000xi32, #tpu.memory_space<vmem>>) target_semaphore(%arg11 : memref<!tpu.dma_semaphore, #tpu.memory_space<semaphore_mem>>)
    %add3A_229 = arith.constant 640000 : i32
    %add3A_230 = arith.addi %add3A_229, %add3A_222 : i32
    %dma_start3A_231 = arith.constant 0 : i32
    %dma_start3A_232 = tpu.memref_slice %arg7[%dma_start3A_231] : memref<8064xi32, #tpu.memory_space<vmem>> -> memref<8000xi32, #tpu.memory_space<vmem>>
    %dma_start3A_233 = tpu.memref_slice %arg2[%add3A_230] : memref<1280000xi32, #tpu.memory_space<hbm>> -> memref<8000xi32, #tpu.memory_space<hbm>>
    %dma_start3A_234 = arith.constant 0 : i32
    %dma_start3A_235 = tpu.memref_slice %arg7[%dma_start3A_234] : memref<8064xi32, #tpu.memory_space<vmem>> -> memref<8000xi32, #tpu.memory_space<vmem>>
    %dma_start3A_236 = tpu.memref_slice %arg2[%add3A_230] : memref<1280000xi32, #tpu.memory_space<hbm>> -> memref<8000xi32, #tpu.memory_space<hbm>>
    tpu.enqueue_dma source(%dma_start3A_236 : memref<8000xi32, #tpu.memory_space<hbm>>) target(%dma_start3A_235 : memref<8000xi32, #tpu.memory_space<vmem>>) target_semaphore(%arg11 : memref<!tpu.dma_semaphore, #tpu.memory_space<semaphore_mem>>)
    %dma_start3A_237 = arith.constant 0 : i32
    %dma_start3A_238 = tpu.memref_slice %arg16[%dma_start3A_237] : memref<1000000xf32, #tpu.memory_space<vmem_shared>> -> memref<1000000xf32, #tpu.memory_space<vmem_shared>>
    tpu.enqueue_indirect_dma source(%arg10 : memref<8064xf32, #tpu.memory_space<vmem>>) target(%dma_start3A_238 : memref<1000000xf32, #tpu.memory_space<vmem_shared>>) offsets(%arg9 : memref<8064xi32, #tpu.memory_space<vmem>>) semaphore(%arg13 : memref<!tpu.dma_semaphore, #tpu.memory_space<semaphore_mem>>) {add = true}
    %dma_wait3A_239 = arith.constant 0 : i32
    %dma_wait3A_240 = tpu.memref_slice %arg6[%dma_wait3A_239] : memref<8064xi32, #tpu.memory_space<vmem>> -> memref<8000xi32, #tpu.memory_space<vmem>>
    %dma_wait3A_241 = tpu.memref_slice %arg2[%add3A_222] : memref<1280000xi32, #tpu.memory_space<hbm>> -> memref<8000xi32, #tpu.memory_space<hbm>>
    %dma_wait3A_242 = arith.constant 0 : i32
    %dma_wait3A_243 = tpu.memref_slice %arg6[%dma_wait3A_242] : memref<8064xi32, #tpu.memory_space<vmem>> -> memref<8000xi32, #tpu.memory_space<vmem>>
    %dma_wait3A_244 = tpu.memref_slice %arg2[%add3A_222] : memref<1280000xi32, #tpu.memory_space<hbm>> -> memref<8000xi32, #tpu.memory_space<hbm>>
    tpu.wait_dma2 semaphore(%arg11 : memref<!tpu.dma_semaphore, #tpu.memory_space<semaphore_mem>>) src(%dma_wait3A_244 : memref<8000xi32, #tpu.memory_space<hbm>>) dst(%dma_wait3A_243 : memref<8000xi32, #tpu.memory_space<vmem>>)
    %dma_wait3A_245 = arith.constant 0 : i32
    %dma_wait3A_246 = tpu.memref_slice %arg7[%dma_wait3A_245] : memref<8064xi32, #tpu.memory_space<vmem>> -> memref<8000xi32, #tpu.memory_space<vmem>>
    %dma_wait3A_247 = tpu.memref_slice %arg2[%add3A_230] : memref<1280000xi32, #tpu.memory_space<hbm>> -> memref<8000xi32, #tpu.memory_space<hbm>>
    %dma_wait3A_248 = arith.constant 0 : i32
    %dma_wait3A_249 = tpu.memref_slice %arg7[%dma_wait3A_248] : memref<8064xi32, #tpu.memory_space<vmem>> -> memref<8000xi32, #tpu.memory_space<vmem>>
    %dma_wait3A_250 = tpu.memref_slice %arg2[%add3A_230] : memref<1280000xi32, #tpu.memory_space<hbm>> -> memref<8000xi32, #tpu.memory_space<hbm>>
    tpu.wait_dma2 semaphore(%arg11 : memref<!tpu.dma_semaphore, #tpu.memory_space<semaphore_mem>>) src(%dma_wait3A_250 : memref<8000xi32, #tpu.memory_space<hbm>>) dst(%dma_wait3A_249 : memref<8000xi32, #tpu.memory_space<vmem>>)
    %dma_wait3A_251 = arith.constant 0 : i32
    %dma_wait3A_252 = tpu.memref_slice %arg16[%dma_wait3A_251] : memref<1000000xf32, #tpu.memory_space<vmem_shared>> -> memref<1000000xf32, #tpu.memory_space<vmem_shared>>
    tpu.wait_indirect_dma semaphore(%arg13 : memref<!tpu.dma_semaphore, #tpu.memory_space<semaphore_mem>>) src(%arg10 : memref<8064xf32, #tpu.memory_space<vmem>>) dst(%dma_wait3A_252 : memref<1000000xf32, #tpu.memory_space<vmem_shared>>)
    %scan3A_253 = arith.constant 0 : i32
    %scan3A_254 = arith.constant 63 : i32
    %scan3A_255 = arith.addi %scan3A_253, %scan3A_254 : i32
    %scan3A_256 = arith.constant 1 : i32
    scf.for %scan3A_927 = %scan3A_253 to %scan3A_255 step %scan3A_256  : i32 {
      %mul3A_928 = arith.constant 1 : i32
      %mul3A_929 = arith.muli %scan3A_927, %mul3A_928 : i32
      %add3A_930 = arith.constant 0 : i32
      %add3A_931 = arith.addi %add3A_930, %mul3A_929 : i32
      %mul3A_932 = arith.constant 128 : i32
      %mul3A_933 = arith.muli %add3A_931, %mul3A_932 : i32
      %add3A_934 = arith.constant 0 : i32
      %add3A_935 = arith.addi %mul3A_933, %add3A_934 : i32
      %get3A = arith.index_cast %add3A_935 : i32 to index
      %get3A_936 = tpu.vector_load %arg6[%get3A] {strides = array<i32>} : memref<8064xi32, #tpu.memory_space<vmem>>, vector<16xi32>,
      %get3A_937 = vector.shape_cast %get3A_936 : vector<16xi32> to vector<16xi32>
      %get3A_938 = arith.index_cast %add3A_935 : i32 to index
      %get3A_939 = tpu.vector_load %arg7[%get3A_938] {strides = array<i32>} : memref<8064xi32, #tpu.memory_space<vmem>>, vector<16xi32>,
      %get3A_940 = vector.shape_cast %get3A_939 : vector<16xi32> to vector<16xi32>
      %mul3A_941 = arith.constant 5243 : i32
      %mul3A_942 = vector.broadcast %mul3A_941 : i32 to vector<16xi32>
      %mul3A_943 = arith.muli %get3A_937, %mul3A_942 : vector<16xi32>
      %shift_right_arithmetic3A = arith.constant 19 : i32
      %shift_right_arithmetic3A_944 = vector.broadcast %shift_right_arithmetic3A : i32 to vector<16xi32>
      %shift_right_arithmetic3A_945 = arith.shrsi %mul3A_943, %shift_right_arithmetic3A_944 : vector<16xi32>
      %mul3A_946 = arith.constant 5243 : i32
      %mul3A_947 = vector.broadcast %mul3A_946 : i32 to vector<16xi32>
      %mul3A_948 = arith.muli %get3A_940, %mul3A_947 : vector<16xi32>
      %shift_right_arithmetic3A_949 = arith.constant 19 : i32
      %shift_right_arithmetic3A_950 = vector.broadcast %shift_right_arithmetic3A_949 : i32 to vector<16xi32>
      %shift_right_arithmetic3A_951 = arith.shrsi %mul3A_948, %shift_right_arithmetic3A_950 : vector<16xi32>
      %shift_left3A = arith.constant 7 : i32
      %shift_left3A_952 = vector.broadcast %shift_left3A : i32 to vector<16xi32>
      %shift_left3A_953 = arith.shli %get3A_940, %shift_left3A_952 : vector<16xi32>
      %shift_left3A_954 = arith.constant 9 : i32
      %shift_left3A_955 = vector.broadcast %shift_left3A_954 : i32 to vector<16xi32>
      %shift_left3A_956 = arith.shli %shift_right_arithmetic3A_951, %shift_left3A_955 : vector<16xi32>
      %add3A_957 = arith.addi %shift_left3A_953, %shift_left3A_956 : vector<16xi32>
      %mul3A_958 = arith.constant 100 : i32
      %mul3A_959 = vector.broadcast %mul3A_958 : i32 to vector<16xi32>
      %mul3A_960 = arith.muli %shift_right_arithmetic3A_945, %mul3A_959 : vector<16xi32>
      %sub3A = arith.subi %get3A_937, %mul3A_960 : vector<16xi32>
      %add3A_961 = arith.addi %add3A_957, %sub3A : vector<16xi32>
      %add3A_962 = vector.broadcast %add3A_935 : i32 to vector<16xi32>
      %add3A_963 = arith.addi %add3A_962, %iota3A : vector<16xi32>
      %lt3A = arith.constant 8000 : i32
      %lt3A_964 = vector.broadcast %lt3A : i32 to vector<16xi32>
      %lt3A_965 = arith.cmpi slt, %add3A_963, %lt3A_964 : vector<16xi32>
      %jit3A = arith.constant 0 : i32
      %broadcast_in_dim3A = vector.broadcast %jit3A : i32 to vector<16xi32>
      %select_n3A = arith.select %lt3A_965, %add3A_961, %broadcast_in_dim3A : vector<16xi1>, vector<16xi32>
      %swap3A = arith.index_cast %add3A_935 : i32 to index
      %swap3A_966 = tpu.vector_load %arg8[%swap3A] {strides = array<i32>} : memref<8064xi32, #tpu.memory_space<vmem>>, vector<16xi32>,
      %swap3A_967 = vector.shape_cast %swap3A_966 : vector<16xi32> to vector<16xi32>
      %swap3A_968 = vector.shape_cast %select_n3A : vector<16xi32> to vector<16xi32>
      tpu.vector_store %arg8[%swap3A], %swap3A_968 {strides = array<i32>} : memref<8064xi32, #tpu.memory_space<vmem>>, vector<16xi32>,
      %mul3A_969 = arith.constant 128 : i32
      %mul3A_970 = arith.muli %add3A_931, %mul3A_969 : i32
      %add3A_971 = arith.constant 16 : i32
      %add3A_972 = arith.addi %mul3A_970, %add3A_971 : i32
      %get3A_973 = arith.index_cast %add3A_972 : i32 to index
      %get3A_974 = tpu.vector_load %arg6[%get3A_973] {strides = array<i32>} : memref<8064xi32, #tpu.memory_space<vmem>>, vector<16xi32>,
      %get3A_975 = vector.shape_cast %get3A_974 : vector<16xi32> to vector<16xi32>
      %get3A_976 = arith.index_cast %add3A_972 : i32 to index
      %get3A_977 = tpu.vector_load %arg7[%get3A_976] {strides = array<i32>} : memref<8064xi32, #tpu.memory_space<vmem>>, vector<16xi32>,
      %get3A_978 = vector.shape_cast %get3A_977 : vector<16xi32> to vector<16xi32>
      %mul3A_979 = arith.constant 5243 : i32
      %mul3A_980 = vector.broadcast %mul3A_979 : i32 to vector<16xi32>
      %mul3A_981 = arith.muli %get3A_975, %mul3A_980 : vector<16xi32>
      %shift_right_arithmetic3A_982 = arith.constant 19 : i32
      %shift_right_arithmetic3A_983 = vector.broadcast %shift_right_arithmetic3A_982 : i32 to vector<16xi32>
      %shift_right_arithmetic3A_984 = arith.shrsi %mul3A_981, %shift_right_arithmetic3A_983 : vector<16xi32>
      %mul3A_985 = arith.constant 5243 : i32
      %mul3A_986 = vector.broadcast %mul3A_985 : i32 to vector<16xi32>
      %mul3A_987 = arith.muli %get3A_978, %mul3A_986 : vector<16xi32>
      %shift_right_arithmetic3A_988 = arith.constant 19 : i32
      %shift_right_arithmetic3A_989 = vector.broadcast %shift_right_arithmetic3A_988 : i32 to vector<16xi32>
      %shift_right_arithmetic3A_990 = arith.shrsi %mul3A_987, %shift_right_arithmetic3A_989 : vector<16xi32>
      %shift_left3A_991 = arith.constant 7 : i32
      %shift_left3A_992 = vector.broadcast %shift_left3A_991 : i32 to vector<16xi32>
      %shift_left3A_993 = arith.shli %get3A_978, %shift_left3A_992 : vector<16xi32>
      %shift_left3A_994 = arith.constant 9 : i32
      %shift_left3A_995 = vector.broadcast %shift_left3A_994 : i32 to vector<16xi32>
      %shift_left3A_996 = arith.shli %shift_right_arithmetic3A_990, %shift_left3A_995 : vector<16xi32>
      %add3A_997 = arith.addi %shift_left3A_993, %shift_left3A_996 : vector<16xi32>
      %mul3A_998 = arith.constant 100 : i32
      %mul3A_999 = vector.broadcast %mul3A_998 : i32 to vector<16xi32>
      %mul3A_1000 = arith.muli %shift_right_arithmetic3A_984, %mul3A_999 : vector<16xi32>
      %sub3A_1001 = arith.subi %get3A_975, %mul3A_1000 : vector<16xi32>
      %add3A_1002 = arith.addi %add3A_997, %sub3A_1001 : vector<16xi32>
      %add3A_1003 = vector.broadcast %add3A_972 : i32 to vector<16xi32>
      %add3A_1004 = arith.addi %add3A_1003, %iota3A : vector<16xi32>
      %lt3A_1005 = arith.constant 8000 : i32
      %lt3A_1006 = vector.broadcast %lt3A_1005 : i32 to vector<16xi32>
      %lt3A_1007 = arith.cmpi slt, %add3A_1004, %lt3A_1006 : vector<16xi32>
      %jit3A_1008 = arith.constant 0 : i32
      %broadcast_in_dim3A_1009 = vector.broadcast %jit3A_1008 : i32 to vector<16xi32>
      %select_n3A_1010 = arith.select %lt3A_1007, %add3A_1002, %broadcast_in_dim3A_1009 : vector<16xi1>, vector<16xi32>
      %swap3A_1011 = arith.index_cast %add3A_972 : i32 to index
      %swap3A_1012 = tpu.vector_load %arg8[%swap3A_1011] {strides = array<i32>} : memref<8064xi32, #tpu.memory_space<vmem>>, vector<16xi32>,
      %swap3A_1013 = vector.shape_cast %swap3A_1012 : vector<16xi32> to vector<16xi32>
      %swap3A_1014 = vector.shape_cast %select_n3A_1010 : vector<16xi32> to vector<16xi32>
      tpu.vector_store %arg8[%swap3A_1011], %swap3A_1014 {strides = array<i32>} : memref<8064xi32, #tpu.memory_space<vmem>>, vector<16xi32>,
      %mul3A_1015 = arith.constant 128 : i32
      %mul3A_1016 = arith.muli %add3A_931, %mul3A_1015 : i32
      %add3A_1017 = arith.constant 32 : i32
      %add3A_1018 = arith.addi %mul3A_1016, %add3A_1017 : i32
      %get3A_1019 = arith.index_cast %add3A_1018 : i32 to index
      %get3A_1020 = tpu.vector_load %arg6[%get3A_1019] {strides = array<i32>} : memref<8064xi32, #tpu.memory_space<vmem>>, vector<16xi32>,
      %get3A_1021 = vector.shape_cast %get3A_1020 : vector<16xi32> to vector<16xi32>
      %get3A_1022 = arith.index_cast %add3A_1018 : i32 to index
      %get3A_1023 = tpu.vector_load %arg7[%get3A_1022] {strides = array<i32>} : memref<8064xi32, #tpu.memory_space<vmem>>, vector<16xi32>,
      %get3A_1024 = vector.shape_cast %get3A_1023 : vector<16xi32> to vector<16xi32>
      %mul3A_1025 = arith.constant 5243 : i32
      %mul3A_1026 = vector.broadcast %mul3A_1025 : i32 to vector<16xi32>
      %mul3A_1027 = arith.muli %get3A_1021, %mul3A_1026 : vector<16xi32>
      %shift_right_arithmetic3A_1028 = arith.constant 19 : i32
      %shift_right_arithmetic3A_1029 = vector.broadcast %shift_right_arithmetic3A_1028 : i32 to vector<16xi32>
      %shift_right_arithmetic3A_1030 = arith.shrsi %mul3A_1027, %shift_right_arithmetic3A_1029 : vector<16xi32>
      %mul3A_1031 = arith.constant 5243 : i32
      %mul3A_1032 = vector.broadcast %mul3A_1031 : i32 to vector<16xi32>
      %mul3A_1033 = arith.muli %get3A_1024, %mul3A_1032 : vector<16xi32>
      %shift_right_arithmetic3A_1034 = arith.constant 19 : i32
      %shift_right_arithmetic3A_1035 = vector.broadcast %shift_right_arithmetic3A_1034 : i32 to vector<16xi32>
      %shift_right_arithmetic3A_1036 = arith.shrsi %mul3A_1033, %shift_right_arithmetic3A_1035 : vector<16xi32>
      %shift_left3A_1037 = arith.constant 7 : i32
      %shift_left3A_1038 = vector.broadcast %shift_left3A_1037 : i32 to vector<16xi32>
      %shift_left3A_1039 = arith.shli %get3A_1024, %shift_left3A_1038 : vector<16xi32>
      %shift_left3A_1040 = arith.constant 9 : i32
      %shift_left3A_1041 = vector.broadcast %shift_left3A_1040 : i32 to vector<16xi32>
      %shift_left3A_1042 = arith.shli %shift_right_arithmetic3A_1036, %shift_left3A_1041 : vector<16xi32>
      %add3A_1043 = arith.addi %shift_left3A_1039, %shift_left3A_1042 : vector<16xi32>
      %mul3A_1044 = arith.constant 100 : i32
      %mul3A_1045 = vector.broadcast %mul3A_1044 : i32 to vector<16xi32>
      %mul3A_1046 = arith.muli %shift_right_arithmetic3A_1030, %mul3A_1045 : vector<16xi32>
      %sub3A_1047 = arith.subi %get3A_1021, %mul3A_1046 : vector<16xi32>
      %add3A_1048 = arith.addi %add3A_1043, %sub3A_1047 : vector<16xi32>
      %add3A_1049 = vector.broadcast %add3A_1018 : i32 to vector<16xi32>
      %add3A_1050 = arith.addi %add3A_1049, %iota3A : vector<16xi32>
      %lt3A_1051 = arith.constant 8000 : i32
      %lt3A_1052 = vector.broadcast %lt3A_1051 : i32 to vector<16xi32>
      %lt3A_1053 = arith.cmpi slt, %add3A_1050, %lt3A_1052 : vector<16xi32>
      %jit3A_1054 = arith.constant 0 : i32
      %broadcast_in_dim3A_1055 = vector.broadcast %jit3A_1054 : i32 to vector<16xi32>
      %select_n3A_1056 = arith.select %lt3A_1053, %add3A_1048, %broadcast_in_dim3A_1055 : vector<16xi1>, vector<16xi32>
      %swap3A_1057 = arith.index_cast %add3A_1018 : i32 to index
      %swap3A_1058 = tpu.vector_load %arg8[%swap3A_1057] {strides = array<i32>} : memref<8064xi32, #tpu.memory_space<vmem>>, vector<16xi32>,
      %swap3A_1059 = vector.shape_cast %swap3A_1058 : vector<16xi32> to vector<16xi32>
      %swap3A_1060 = vector.shape_cast %select_n3A_1056 : vector<16xi32> to vector<16xi32>
      tpu.vector_store %arg8[%swap3A_1057], %swap3A_1060 {strides = array<i32>} : memref<8064xi32, #tpu.memory_space<vmem>>, vector<16xi32>,
      %mul3A_1061 = arith.constant 128 : i32
      %mul3A_1062 = arith.muli %add3A_931, %mul3A_1061 : i32
      %add3A_1063 = arith.constant 48 : i32
      %add3A_1064 = arith.addi %mul3A_1062, %add3A_1063 : i32
      %get3A_1065 = arith.index_cast %add3A_1064 : i32 to index
      %get3A_1066 = tpu.vector_load %arg6[%get3A_1065] {strides = array<i32>} : memref<8064xi32, #tpu.memory_space<vmem>>, vector<16xi32>,
      %get3A_1067 = vector.shape_cast %get3A_1066 : vector<16xi32> to vector<16xi32>
      %get3A_1068 = arith.index_cast %add3A_1064 : i32 to index
      %get3A_1069 = tpu.vector_load %arg7[%get3A_1068] {strides = array<i32>} : memref<8064xi32, #tpu.memory_space<vmem>>, vector<16xi32>,
      %get3A_1070 = vector.shape_cast %get3A_1069 : vector<16xi32> to vector<16xi32>
      %mul3A_1071 = arith.constant 5243 : i32
      %mul3A_1072 = vector.broadcast %mul3A_1071 : i32 to vector<16xi32>
      %mul3A_1073 = arith.muli %get3A_1067, %mul3A_1072 : vector<16xi32>
      %shift_right_arithmetic3A_1074 = arith.constant 19 : i32
      %shift_right_arithmetic3A_1075 = vector.broadcast %shift_right_arithmetic3A_1074 : i32 to vector<16xi32>
      %shift_right_arithmetic3A_1076 = arith.shrsi %mul3A_1073, %shift_right_arithmetic3A_1075 : vector<16xi32>
      %mul3A_1077 = arith.constant 5243 : i32
      %mul3A_1078 = vector.broadcast %mul3A_1077 : i32 to vector<16xi32>
      %mul3A_1079 = arith.muli %get3A_1070, %mul3A_1078 : vector<16xi32>
      %shift_right_arithmetic3A_1080 = arith.constant 19 : i32
      %shift_right_arithmetic3A_1081 = vector.broadcast %shift_right_arithmetic3A_1080 : i32 to vector<16xi32>
      %shift_right_arithmetic3A_1082 = arith.shrsi %mul3A_1079, %shift_right_arithmetic3A_1081 : vector<16xi32>
      %shift_left3A_1083 = arith.constant 7 : i32
      %shift_left3A_1084 = vector.broadcast %shift_left3A_1083 : i32 to vector<16xi32>
      %shift_left3A_1085 = arith.shli %get3A_1070, %shift_left3A_1084 : vector<16xi32>
      %shift_left3A_1086 = arith.constant 9 : i32
      %shift_left3A_1087 = vector.broadcast %shift_left3A_1086 : i32 to vector<16xi32>
      %shift_left3A_1088 = arith.shli %shift_right_arithmetic3A_1082, %shift_left3A_1087 : vector<16xi32>
      %add3A_1089 = arith.addi %shift_left3A_1085, %shift_left3A_1088 : vector<16xi32>
      %mul3A_1090 = arith.constant 100 : i32
      %mul3A_1091 = vector.broadcast %mul3A_1090 : i32 to vector<16xi32>
      %mul3A_1092 = arith.muli %shift_right_arithmetic3A_1076, %mul3A_1091 : vector<16xi32>
      %sub3A_1093 = arith.subi %get3A_1067, %mul3A_1092 : vector<16xi32>
      %add3A_1094 = arith.addi %add3A_1089, %sub3A_1093 : vector<16xi32>
      %add3A_1095 = vector.broadcast %add3A_1064 : i32 to vector<16xi32>
      %add3A_1096 = arith.addi %add3A_1095, %iota3A : vector<16xi32>
      %lt3A_1097 = arith.constant 8000 : i32
      %lt3A_1098 = vector.broadcast %lt3A_1097 : i32 to vector<16xi32>
      %lt3A_1099 = arith.cmpi slt, %add3A_1096, %lt3A_1098 : vector<16xi32>
      %jit3A_1100 = arith.constant 0 : i32
      %broadcast_in_dim3A_1101 = vector.broadcast %jit3A_1100 : i32 to vector<16xi32>
      %select_n3A_1102 = arith.select %lt3A_1099, %add3A_1094, %broadcast_in_dim3A_1101 : vector<16xi1>, vector<16xi32>
      %swap3A_1103 = arith.index_cast %add3A_1064 : i32 to index
      %swap3A_1104 = tpu.vector_load %arg8[%swap3A_1103] {strides = array<i32>} : memref<8064xi32, #tpu.memory_space<vmem>>, vector<16xi32>,
      %swap3A_1105 = vector.shape_cast %swap3A_1104 : vector<16xi32> to vector<16xi32>
      %swap3A_1106 = vector.shape_cast %select_n3A_1102 : vector<16xi32> to vector<16xi32>
      tpu.vector_store %arg8[%swap3A_1103], %swap3A_1106 {strides = array<i32>} : memref<8064xi32, #tpu.memory_space<vmem>>, vector<16xi32>,
      %mul3A_1107 = arith.constant 128 : i32
      %mul3A_1108 = arith.muli %add3A_931, %mul3A_1107 : i32
      %add3A_1109 = arith.constant 64 : i32
      %add3A_1110 = arith.addi %mul3A_1108, %add3A_1109 : i32
      %get3A_1111 = arith.index_cast %add3A_1110 : i32 to index
      %get3A_1112 = tpu.vector_load %arg6[%get3A_1111] {strides = array<i32>} : memref<8064xi32, #tpu.memory_space<vmem>>, vector<16xi32>,
      %get3A_1113 = vector.shape_cast %get3A_1112 : vector<16xi32> to vector<16xi32>
      %get3A_1114 = arith.index_cast %add3A_1110 : i32 to index
      %get3A_1115 = tpu.vector_load %arg7[%get3A_1114] {strides = array<i32>} : memref<8064xi32, #tpu.memory_space<vmem>>, vector<16xi32>,
      %get3A_1116 = vector.shape_cast %get3A_1115 : vector<16xi32> to vector<16xi32>
      %mul3A_1117 = arith.constant 5243 : i32
      %mul3A_1118 = vector.broadcast %mul3A_1117 : i32 to vector<16xi32>
      %mul3A_1119 = arith.muli %get3A_1113, %mul3A_1118 : vector<16xi32>
      %shift_right_arithmetic3A_1120 = arith.constant 19 : i32
      %shift_right_arithmetic3A_1121 = vector.broadcast %shift_right_arithmetic3A_1120 : i32 to vector<16xi32>
      %shift_right_arithmetic3A_1122 = arith.shrsi %mul3A_1119, %shift_right_arithmetic3A_1121 : vector<16xi32>
      %mul3A_1123 = arith.constant 5243 : i32
      %mul3A_1124 = vector.broadcast %mul3A_1123 : i32 to vector<16xi32>
      %mul3A_1125 = arith.muli %get3A_1116, %mul3A_1124 : vector<16xi32>
      %shift_right_arithmetic3A_1126 = arith.constant 19 : i32
      %shift_right_arithmetic3A_1127 = vector.broadcast %shift_right_arithmetic3A_1126 : i32 to vector<16xi32>
      %shift_right_arithmetic3A_1128 = arith.shrsi %mul3A_1125, %shift_right_arithmetic3A_1127 : vector<16xi32>
      %shift_left3A_1129 = arith.constant 7 : i32
      %shift_left3A_1130 = vector.broadcast %shift_left3A_1129 : i32 to vector<16xi32>
      %shift_left3A_1131 = arith.shli %get3A_1116, %shift_left3A_1130 : vector<16xi32>
      %shift_left3A_1132 = arith.constant 9 : i32
      %shift_left3A_1133 = vector.broadcast %shift_left3A_1132 : i32 to vector<16xi32>
      %shift_left3A_1134 = arith.shli %shift_right_arithmetic3A_1128, %shift_left3A_1133 : vector<16xi32>
      %add3A_1135 = arith.addi %shift_left3A_1131, %shift_left3A_1134 : vector<16xi32>
      %mul3A_1136 = arith.constant 100 : i32
      %mul3A_1137 = vector.broadcast %mul3A_1136 : i32 to vector<16xi32>
      %mul3A_1138 = arith.muli %shift_right_arithmetic3A_1122, %mul3A_1137 : vector<16xi32>
      %sub3A_1139 = arith.subi %get3A_1113, %mul3A_1138 : vector<16xi32>
      %add3A_1140 = arith.addi %add3A_1135, %sub3A_1139 : vector<16xi32>
      %add3A_1141 = vector.broadcast %add3A_1110 : i32 to vector<16xi32>
      %add3A_1142 = arith.addi %add3A_1141, %iota3A : vector<16xi32>
      %lt3A_1143 = arith.constant 8000 : i32
      %lt3A_1144 = vector.broadcast %lt3A_1143 : i32 to vector<16xi32>
      %lt3A_1145 = arith.cmpi slt, %add3A_1142, %lt3A_1144 : vector<16xi32>
      %jit3A_1146 = arith.constant 0 : i32
      %broadcast_in_dim3A_1147 = vector.broadcast %jit3A_1146 : i32 to vector<16xi32>
      %select_n3A_1148 = arith.select %lt3A_1145, %add3A_1140, %broadcast_in_dim3A_1147 : vector<16xi1>, vector<16xi32>
      %swap3A_1149 = arith.index_cast %add3A_1110 : i32 to index
      %swap3A_1150 = tpu.vector_load %arg8[%swap3A_1149] {strides = array<i32>} : memref<8064xi32, #tpu.memory_space<vmem>>, vector<16xi32>,
      %swap3A_1151 = vector.shape_cast %swap3A_1150 : vector<16xi32> to vector<16xi32>
      %swap3A_1152 = vector.shape_cast %select_n3A_1148 : vector<16xi32> to vector<16xi32>
      tpu.vector_store %arg8[%swap3A_1149], %swap3A_1152 {strides = array<i32>} : memref<8064xi32, #tpu.memory_space<vmem>>, vector<16xi32>,
      %mul3A_1153 = arith.constant 128 : i32
      %mul3A_1154 = arith.muli %add3A_931, %mul3A_1153 : i32
      %add3A_1155 = arith.constant 80 : i32
      %add3A_1156 = arith.addi %mul3A_1154, %add3A_1155 : i32
      %get3A_1157 = arith.index_cast %add3A_1156 : i32 to index
      %get3A_1158 = tpu.vector_load %arg6[%get3A_1157] {strides = array<i32>} : memref<8064xi32, #tpu.memory_space<vmem>>, vector<16xi32>,
      %get3A_1159 = vector.shape_cast %get3A_1158 : vector<16xi32> to vector<16xi32>
      %get3A_1160 = arith.index_cast %add3A_1156 : i32 to index
      %get3A_1161 = tpu.vector_load %arg7[%get3A_1160] {strides = array<i32>} : memref<8064xi32, #tpu.memory_space<vmem>>, vector<16xi32>,
      %get3A_1162 = vector.shape_cast %get3A_1161 : vector<16xi32> to vector<16xi32>
      %mul3A_1163 = arith.constant 5243 : i32
      %mul3A_1164 = vector.broadcast %mul3A_1163 : i32 to vector<16xi32>
      %mul3A_1165 = arith.muli %get3A_1159, %mul3A_1164 : vector<16xi32>
      %shift_right_arithmetic3A_1166 = arith.constant 19 : i32
      %shift_right_arithmetic3A_1167 = vector.broadcast %shift_right_arithmetic3A_1166 : i32 to vector<16xi32>
      %shift_right_arithmetic3A_1168 = arith.shrsi %mul3A_1165, %shift_right_arithmetic3A_1167 : vector<16xi32>
      %mul3A_1169 = arith.constant 5243 : i32
      %mul3A_1170 = vector.broadcast %mul3A_1169 : i32 to vector<16xi32>
      %mul3A_1171 = arith.muli %get3A_1162, %mul3A_1170 : vector<16xi32>
      %shift_right_arithmetic3A_1172 = arith.constant 19 : i32
      %shift_right_arithmetic3A_1173 = vector.broadcast %shift_right_arithmetic3A_1172 : i32 to vector<16xi32>
      %shift_right_arithmetic3A_1174 = arith.shrsi %mul3A_1171, %shift_right_arithmetic3A_1173 : vector<16xi32>
      %shift_left3A_1175 = arith.constant 7 : i32
      %shift_left3A_1176 = vector.broadcast %shift_left3A_1175 : i32 to vector<16xi32>
      %shift_left3A_1177 = arith.shli %get3A_1162, %shift_left3A_1176 : vector<16xi32>
      %shift_left3A_1178 = arith.constant 9 : i32
      %shift_left3A_1179 = vector.broadcast %shift_left3A_1178 : i32 to vector<16xi32>
      %shift_left3A_1180 = arith.shli %shift_right_arithmetic3A_1174, %shift_left3A_1179 : vector<16xi32>
      %add3A_1181 = arith.addi %shift_left3A_1177, %shift_left3A_1180 : vector<16xi32>
      %mul3A_1182 = arith.constant 100 : i32
      %mul3A_1183 = vector.broadcast %mul3A_1182 : i32 to vector<16xi32>
      %mul3A_1184 = arith.muli %shift_right_arithmetic3A_1168, %mul3A_1183 : vector<16xi32>
      %sub3A_1185 = arith.subi %get3A_1159, %mul3A_1184 : vector<16xi32>
      %add3A_1186 = arith.addi %add3A_1181, %sub3A_1185 : vector<16xi32>
      %add3A_1187 = vector.broadcast %add3A_1156 : i32 to vector<16xi32>
      %add3A_1188 = arith.addi %add3A_1187, %iota3A : vector<16xi32>
      %lt3A_1189 = arith.constant 8000 : i32
      %lt3A_1190 = vector.broadcast %lt3A_1189 : i32 to vector<16xi32>
      %lt3A_1191 = arith.cmpi slt, %add3A_1188, %lt3A_1190 : vector<16xi32>
      %jit3A_1192 = arith.constant 0 : i32
      %broadcast_in_dim3A_1193 = vector.broadcast %jit3A_1192 : i32 to vector<16xi32>
      %select_n3A_1194 = arith.select %lt3A_1191, %add3A_1186, %broadcast_in_dim3A_1193 : vector<16xi1>, vector<16xi32>
      %swap3A_1195 = arith.index_cast %add3A_1156 : i32 to index
      %swap3A_1196 = tpu.vector_load %arg8[%swap3A_1195] {strides = array<i32>} : memref<8064xi32, #tpu.memory_space<vmem>>, vector<16xi32>,
      %swap3A_1197 = vector.shape_cast %swap3A_1196 : vector<16xi32> to vector<16xi32>
      %swap3A_1198 = vector.shape_cast %select_n3A_1194 : vector<16xi32> to vector<16xi32>
      tpu.vector_store %arg8[%swap3A_1195], %swap3A_1198 {strides = array<i32>} : memref<8064xi32, #tpu.memory_space<vmem>>, vector<16xi32>,
      %mul3A_1199 = arith.constant 128 : i32
      %mul3A_1200 = arith.muli %add3A_931, %mul3A_1199 : i32
      %add3A_1201 = arith.constant 96 : i32
      %add3A_1202 = arith.addi %mul3A_1200, %add3A_1201 : i32
      %get3A_1203 = arith.index_cast %add3A_1202 : i32 to index
      %get3A_1204 = tpu.vector_load %arg6[%get3A_1203] {strides = array<i32>} : memref<8064xi32, #tpu.memory_space<vmem>>, vector<16xi32>,
      %get3A_1205 = vector.shape_cast %get3A_1204 : vector<16xi32> to vector<16xi32>
      %get3A_1206 = arith.index_cast %add3A_1202 : i32 to index
      %get3A_1207 = tpu.vector_load %arg7[%get3A_1206] {strides = array<i32>} : memref<8064xi32, #tpu.memory_space<vmem>>, vector<16xi32>,
      %get3A_1208 = vector.shape_cast %get3A_1207 : vector<16xi32> to vector<16xi32>
      %mul3A_1209 = arith.constant 5243 : i32
      %mul3A_1210 = vector.broadcast %mul3A_1209 : i32 to vector<16xi32>
      %mul3A_1211 = arith.muli %get3A_1205, %mul3A_1210 : vector<16xi32>
      %shift_right_arithmetic3A_1212 = arith.constant 19 : i32
      %shift_right_arithmetic3A_1213 = vector.broadcast %shift_right_arithmetic3A_1212 : i32 to vector<16xi32>
      %shift_right_arithmetic3A_1214 = arith.shrsi %mul3A_1211, %shift_right_arithmetic3A_1213 : vector<16xi32>
      %mul3A_1215 = arith.constant 5243 : i32
      %mul3A_1216 = vector.broadcast %mul3A_1215 : i32 to vector<16xi32>
      %mul3A_1217 = arith.muli %get3A_1208, %mul3A_1216 : vector<16xi32>
      %shift_right_arithmetic3A_1218 = arith.constant 19 : i32
      %shift_right_arithmetic3A_1219 = vector.broadcast %shift_right_arithmetic3A_1218 : i32 to vector<16xi32>
      %shift_right_arithmetic3A_1220 = arith.shrsi %mul3A_1217, %shift_right_arithmetic3A_1219 : vector<16xi32>
      %shift_left3A_1221 = arith.constant 7 : i32
      %shift_left3A_1222 = vector.broadcast %shift_left3A_1221 : i32 to vector<16xi32>
      %shift_left3A_1223 = arith.shli %get3A_1208, %shift_left3A_1222 : vector<16xi32>
      %shift_left3A_1224 = arith.constant 9 : i32
      %shift_left3A_1225 = vector.broadcast %shift_left3A_1224 : i32 to vector<16xi32>
      %shift_left3A_1226 = arith.shli %shift_right_arithmetic3A_1220, %shift_left3A_1225 : vector<16xi32>
      %add3A_1227 = arith.addi %shift_left3A_1223, %shift_left3A_1226 : vector<16xi32>
      %mul3A_1228 = arith.constant 100 : i32
      %mul3A_1229 = vector.broadcast %mul3A_1228 : i32 to vector<16xi32>
      %mul3A_1230 = arith.muli %shift_right_arithmetic3A_1214, %mul3A_1229 : vector<16xi32>
      %sub3A_1231 = arith.subi %get3A_1205, %mul3A_1230 : vector<16xi32>
      %add3A_1232 = arith.addi %add3A_1227, %sub3A_1231 : vector<16xi32>
      %add3A_1233 = vector.broadcast %add3A_1202 : i32 to vector<16xi32>
      %add3A_1234 = arith.addi %add3A_1233, %iota3A : vector<16xi32>
      %lt3A_1235 = arith.constant 8000 : i32
      %lt3A_1236 = vector.broadcast %lt3A_1235 : i32 to vector<16xi32>
      %lt3A_1237 = arith.cmpi slt, %add3A_1234, %lt3A_1236 : vector<16xi32>
      %jit3A_1238 = arith.constant 0 : i32
      %broadcast_in_dim3A_1239 = vector.broadcast %jit3A_1238 : i32 to vector<16xi32>
      %select_n3A_1240 = arith.select %lt3A_1237, %add3A_1232, %broadcast_in_dim3A_1239 : vector<16xi1>, vector<16xi32>
      %swap3A_1241 = arith.index_cast %add3A_1202 : i32 to index
      %swap3A_1242 = tpu.vector_load %arg8[%swap3A_1241] {strides = array<i32>} : memref<8064xi32, #tpu.memory_space<vmem>>, vector<16xi32>,
      %swap3A_1243 = vector.shape_cast %swap3A_1242 : vector<16xi32> to vector<16xi32>
      %swap3A_1244 = vector.shape_cast %select_n3A_1240 : vector<16xi32> to vector<16xi32>
      tpu.vector_store %arg8[%swap3A_1241], %swap3A_1244 {strides = array<i32>} : memref<8064xi32, #tpu.memory_space<vmem>>, vector<16xi32>,
      %mul3A_1245 = arith.constant 128 : i32
      %mul3A_1246 = arith.muli %add3A_931, %mul3A_1245 : i32
      %add3A_1247 = arith.constant 112 : i32
      %add3A_1248 = arith.addi %mul3A_1246, %add3A_1247 : i32
      %get3A_1249 = arith.index_cast %add3A_1248 : i32 to index
      %get3A_1250 = tpu.vector_load %arg6[%get3A_1249] {strides = array<i32>} : memref<8064xi32, #tpu.memory_space<vmem>>, vector<16xi32>,
      %get3A_1251 = vector.shape_cast %get3A_1250 : vector<16xi32> to vector<16xi32>
      %get3A_1252 = arith.index_cast %add3A_1248 : i32 to index
      %get3A_1253 = tpu.vector_load %arg7[%get3A_1252] {strides = array<i32>} : memref<8064xi32, #tpu.memory_space<vmem>>, vector<16xi32>,
      %get3A_1254 = vector.shape_cast %get3A_1253 : vector<16xi32> to vector<16xi32>
      %mul3A_1255 = arith.constant 5243 : i32
      %mul3A_1256 = vector.broadcast %mul3A_1255 : i32 to vector<16xi32>
      %mul3A_1257 = arith.muli %get3A_1251, %mul3A_1256 : vector<16xi32>
      %shift_right_arithmetic3A_1258 = arith.constant 19 : i32
      %shift_right_arithmetic3A_1259 = vector.broadcast %shift_right_arithmetic3A_1258 : i32 to vector<16xi32>
      %shift_right_arithmetic3A_1260 = arith.shrsi %mul3A_1257, %shift_right_arithmetic3A_1259 : vector<16xi32>
      %mul3A_1261 = arith.constant 5243 : i32
      %mul3A_1262 = vector.broadcast %mul3A_1261 : i32 to vector<16xi32>
      %mul3A_1263 = arith.muli %get3A_1254, %mul3A_1262 : vector<16xi32>
      %shift_right_arithmetic3A_1264 = arith.constant 19 : i32
      %shift_right_arithmetic3A_1265 = vector.broadcast %shift_right_arithmetic3A_1264 : i32 to vector<16xi32>
      %shift_right_arithmetic3A_1266 = arith.shrsi %mul3A_1263, %shift_right_arithmetic3A_1265 : vector<16xi32>
      %shift_left3A_1267 = arith.constant 7 : i32
      %shift_left3A_1268 = vector.broadcast %shift_left3A_1267 : i32 to vector<16xi32>
      %shift_left3A_1269 = arith.shli %get3A_1254, %shift_left3A_1268 : vector<16xi32>
      %shift_left3A_1270 = arith.constant 9 : i32
      %shift_left3A_1271 = vector.broadcast %shift_left3A_1270 : i32 to vector<16xi32>
      %shift_left3A_1272 = arith.shli %shift_right_arithmetic3A_1266, %shift_left3A_1271 : vector<16xi32>
      %add3A_1273 = arith.addi %shift_left3A_1269, %shift_left3A_1272 : vector<16xi32>
      %mul3A_1274 = arith.constant 100 : i32
      %mul3A_1275 = vector.broadcast %mul3A_1274 : i32 to vector<16xi32>
      %mul3A_1276 = arith.muli %shift_right_arithmetic3A_1260, %mul3A_1275 : vector<16xi32>
      %sub3A_1277 = arith.subi %get3A_1251, %mul3A_1276 : vector<16xi32>
      %add3A_1278 = arith.addi %add3A_1273, %sub3A_1277 : vector<16xi32>
      %add3A_1279 = vector.broadcast %add3A_1248 : i32 to vector<16xi32>
      %add3A_1280 = arith.addi %add3A_1279, %iota3A : vector<16xi32>
      %lt3A_1281 = arith.constant 8000 : i32
      %lt3A_1282 = vector.broadcast %lt3A_1281 : i32 to vector<16xi32>
      %lt3A_1283 = arith.cmpi slt, %add3A_1280, %lt3A_1282 : vector<16xi32>
      %jit3A_1284 = arith.constant 0 : i32
      %broadcast_in_dim3A_1285 = vector.broadcast %jit3A_1284 : i32 to vector<16xi32>
      %select_n3A_1286 = arith.select %lt3A_1283, %add3A_1278, %broadcast_in_dim3A_1285 : vector<16xi1>, vector<16xi32>
      %swap3A_1287 = arith.index_cast %add3A_1248 : i32 to index
      %swap3A_1288 = tpu.vector_load %arg8[%swap3A_1287] {strides = array<i32>} : memref<8064xi32, #tpu.memory_space<vmem>>, vector<16xi32>,
      %swap3A_1289 = vector.shape_cast %swap3A_1288 : vector<16xi32> to vector<16xi32>
      %swap3A_1290 = vector.shape_cast %select_n3A_1286 : vector<16xi32> to vector<16xi32>
      tpu.vector_store %arg8[%swap3A_1287], %swap3A_1290 {strides = array<i32>} : memref<8064xi32, #tpu.memory_space<vmem>>, vector<16xi32>,
    }
    %scan3A_257 = arith.constant 63 : i32
    %add3A_258 = arith.constant 24000 : i32
    %add3A_259 = arith.addi %mul3A_0, %add3A_258 : i32
    %dma_start3A_260 = arith.constant 0 : i32
    %dma_start3A_261 = tpu.memref_slice %arg6[%dma_start3A_260] : memref<8064xi32, #tpu.memory_space<vmem>> -> memref<8000xi32, #tpu.memory_space<vmem>>
    %dma_start3A_262 = tpu.memref_slice %arg2[%add3A_259] : memref<1280000xi32, #tpu.memory_space<hbm>> -> memref<8000xi32, #tpu.memory_space<hbm>>
    %dma_start3A_263 = arith.constant 0 : i32
    %dma_start3A_264 = tpu.memref_slice %arg6[%dma_start3A_263] : memref<8064xi32, #tpu.memory_space<vmem>> -> memref<8000xi32, #tpu.memory_space<vmem>>
    %dma_start3A_265 = tpu.memref_slice %arg2[%add3A_259] : memref<1280000xi32, #tpu.memory_space<hbm>> -> memref<8000xi32, #tpu.memory_space<hbm>>
    tpu.enqueue_dma source(%dma_start3A_265 : memref<8000xi32, #tpu.memory_space<hbm>>) target(%dma_start3A_264 : memref<8000xi32, #tpu.memory_space<vmem>>) target_semaphore(%arg11 : memref<!tpu.dma_semaphore, #tpu.memory_space<semaphore_mem>>)
    %add3A_266 = arith.constant 640000 : i32
    %add3A_267 = arith.addi %add3A_266, %add3A_259 : i32
    %dma_start3A_268 = arith.constant 0 : i32
    %dma_start3A_269 = tpu.memref_slice %arg7[%dma_start3A_268] : memref<8064xi32, #tpu.memory_space<vmem>> -> memref<8000xi32, #tpu.memory_space<vmem>>
    %dma_start3A_270 = tpu.memref_slice %arg2[%add3A_267] : memref<1280000xi32, #tpu.memory_space<hbm>> -> memref<8000xi32, #tpu.memory_space<hbm>>
    %dma_start3A_271 = arith.constant 0 : i32
    %dma_start3A_272 = tpu.memref_slice %arg7[%dma_start3A_271] : memref<8064xi32, #tpu.memory_space<vmem>> -> memref<8000xi32, #tpu.memory_space<vmem>>
    %dma_start3A_273 = tpu.memref_slice %arg2[%add3A_267] : memref<1280000xi32, #tpu.memory_space<hbm>> -> memref<8000xi32, #tpu.memory_space<hbm>>
    tpu.enqueue_dma source(%dma_start3A_273 : memref<8000xi32, #tpu.memory_space<hbm>>) target(%dma_start3A_272 : memref<8000xi32, #tpu.memory_space<vmem>>) target_semaphore(%arg11 : memref<!tpu.dma_semaphore, #tpu.memory_space<semaphore_mem>>)
    %dma_start3A_274 = arith.constant 0 : i32
    %dma_start3A_275 = tpu.memref_slice %arg16[%dma_start3A_274] : memref<1000000xf32, #tpu.memory_space<vmem_shared>> -> memref<1000000xf32, #tpu.memory_space<vmem_shared>>
    tpu.enqueue_indirect_dma source(%arg10 : memref<8064xf32, #tpu.memory_space<vmem>>) target(%dma_start3A_275 : memref<1000000xf32, #tpu.memory_space<vmem_shared>>) offsets(%arg8 : memref<8064xi32, #tpu.memory_space<vmem>>) semaphore(%arg13 : memref<!tpu.dma_semaphore, #tpu.memory_space<semaphore_mem>>) {add = true}
    %dma_wait3A_276 = arith.constant 0 : i32
    %dma_wait3A_277 = tpu.memref_slice %arg6[%dma_wait3A_276] : memref<8064xi32, #tpu.memory_space<vmem>> -> memref<8000xi32, #tpu.memory_space<vmem>>
    %dma_wait3A_278 = tpu.memref_slice %arg2[%add3A_259] : memref<1280000xi32, #tpu.memory_space<hbm>> -> memref<8000xi32, #tpu.memory_space<hbm>>
    %dma_wait3A_279 = arith.constant 0 : i32
    %dma_wait3A_280 = tpu.memref_slice %arg6[%dma_wait3A_279] : memref<8064xi32, #tpu.memory_space<vmem>> -> memref<8000xi32, #tpu.memory_space<vmem>>
    %dma_wait3A_281 = tpu.memref_slice %arg2[%add3A_259] : memref<1280000xi32, #tpu.memory_space<hbm>> -> memref<8000xi32, #tpu.memory_space<hbm>>
    tpu.wait_dma2 semaphore(%arg11 : memref<!tpu.dma_semaphore, #tpu.memory_space<semaphore_mem>>) src(%dma_wait3A_281 : memref<8000xi32, #tpu.memory_space<hbm>>) dst(%dma_wait3A_280 : memref<8000xi32, #tpu.memory_space<vmem>>)
    %dma_wait3A_282 = arith.constant 0 : i32
    %dma_wait3A_283 = tpu.memref_slice %arg7[%dma_wait3A_282] : memref<8064xi32, #tpu.memory_space<vmem>> -> memref<8000xi32, #tpu.memory_space<vmem>>
    %dma_wait3A_284 = tpu.memref_slice %arg2[%add3A_267] : memref<1280000xi32, #tpu.memory_space<hbm>> -> memref<8000xi32, #tpu.memory_space<hbm>>
    %dma_wait3A_285 = arith.constant 0 : i32
    %dma_wait3A_286 = tpu.memref_slice %arg7[%dma_wait3A_285] : memref<8064xi32, #tpu.memory_space<vmem>> -> memref<8000xi32, #tpu.memory_space<vmem>>
    %dma_wait3A_287 = tpu.memref_slice %arg2[%add3A_267] : memref<1280000xi32, #tpu.memory_space<hbm>> -> memref<8000xi32, #tpu.memory_space<hbm>>
    tpu.wait_dma2 semaphore(%arg11 : memref<!tpu.dma_semaphore, #tpu.memory_space<semaphore_mem>>) src(%dma_wait3A_287 : memref<8000xi32, #tpu.memory_space<hbm>>) dst(%dma_wait3A_286 : memref<8000xi32, #tpu.memory_space<vmem>>)
    %dma_wait3A_288 = arith.constant 0 : i32
    %dma_wait3A_289 = tpu.memref_slice %arg16[%dma_wait3A_288] : memref<1000000xf32, #tpu.memory_space<vmem_shared>> -> memref<1000000xf32, #tpu.memory_space<vmem_shared>>
    tpu.wait_indirect_dma semaphore(%arg13 : memref<!tpu.dma_semaphore, #tpu.memory_space<semaphore_mem>>) src(%arg10 : memref<8064xf32, #tpu.memory_space<vmem>>) dst(%dma_wait3A_289 : memref<1000000xf32, #tpu.memory_space<vmem_shared>>)
    %scan3A_290 = arith.constant 0 : i32
    %scan3A_291 = arith.constant 63 : i32
    %scan3A_292 = arith.addi %scan3A_290, %scan3A_291 : i32
    %scan3A_293 = arith.constant 1 : i32
    scf.for %scan3A_927 = %scan3A_290 to %scan3A_292 step %scan3A_293  : i32 {
      %mul3A_928 = arith.constant 1 : i32
      %mul3A_929 = arith.muli %scan3A_927, %mul3A_928 : i32
      %add3A_930 = arith.constant 0 : i32
      %add3A_931 = arith.addi %add3A_930, %mul3A_929 : i32
      %mul3A_932 = arith.constant 128 : i32
      %mul3A_933 = arith.muli %add3A_931, %mul3A_932 : i32
      %add3A_934 = arith.constant 0 : i32
      %add3A_935 = arith.addi %mul3A_933, %add3A_934 : i32
      %get3A = arith.index_cast %add3A_935 : i32 to index
      %get3A_936 = tpu.vector_load %arg6[%get3A] {strides = array<i32>} : memref<8064xi32, #tpu.memory_space<vmem>>, vector<16xi32>,
      %get3A_937 = vector.shape_cast %get3A_936 : vector<16xi32> to vector<16xi32>
      %get3A_938 = arith.index_cast %add3A_935 : i32 to index
      %get3A_939 = tpu.vector_load %arg7[%get3A_938] {strides = array<i32>} : memref<8064xi32, #tpu.memory_space<vmem>>, vector<16xi32>,
      %get3A_940 = vector.shape_cast %get3A_939 : vector<16xi32> to vector<16xi32>
      %mul3A_941 = arith.constant 5243 : i32
      %mul3A_942 = vector.broadcast %mul3A_941 : i32 to vector<16xi32>
      %mul3A_943 = arith.muli %get3A_937, %mul3A_942 : vector<16xi32>
      %shift_right_arithmetic3A = arith.constant 19 : i32
      %shift_right_arithmetic3A_944 = vector.broadcast %shift_right_arithmetic3A : i32 to vector<16xi32>
      %shift_right_arithmetic3A_945 = arith.shrsi %mul3A_943, %shift_right_arithmetic3A_944 : vector<16xi32>
      %mul3A_946 = arith.constant 5243 : i32
      %mul3A_947 = vector.broadcast %mul3A_946 : i32 to vector<16xi32>
      %mul3A_948 = arith.muli %get3A_940, %mul3A_947 : vector<16xi32>
      %shift_right_arithmetic3A_949 = arith.constant 19 : i32
      %shift_right_arithmetic3A_950 = vector.broadcast %shift_right_arithmetic3A_949 : i32 to vector<16xi32>
      %shift_right_arithmetic3A_951 = arith.shrsi %mul3A_948, %shift_right_arithmetic3A_950 : vector<16xi32>
      %shift_left3A = arith.constant 7 : i32
      %shift_left3A_952 = vector.broadcast %shift_left3A : i32 to vector<16xi32>
      %shift_left3A_953 = arith.shli %get3A_940, %shift_left3A_952 : vector<16xi32>
      %shift_left3A_954 = arith.constant 9 : i32
      %shift_left3A_955 = vector.broadcast %shift_left3A_954 : i32 to vector<16xi32>
      %shift_left3A_956 = arith.shli %shift_right_arithmetic3A_951, %shift_left3A_955 : vector<16xi32>
      %add3A_957 = arith.addi %shift_left3A_953, %shift_left3A_956 : vector<16xi32>
      %mul3A_958 = arith.constant 100 : i32
      %mul3A_959 = vector.broadcast %mul3A_958 : i32 to vector<16xi32>
      %mul3A_960 = arith.muli %shift_right_arithmetic3A_945, %mul3A_959 : vector<16xi32>
      %sub3A = arith.subi %get3A_937, %mul3A_960 : vector<16xi32>
      %add3A_961 = arith.addi %add3A_957, %sub3A : vector<16xi32>
      %add3A_962 = vector.broadcast %add3A_935 : i32 to vector<16xi32>
      %add3A_963 = arith.addi %add3A_962, %iota3A : vector<16xi32>
      %lt3A = arith.constant 8000 : i32
      %lt3A_964 = vector.broadcast %lt3A : i32 to vector<16xi32>
      %lt3A_965 = arith.cmpi slt, %add3A_963, %lt3A_964 : vector<16xi32>
      %jit3A = arith.constant 0 : i32
      %broadcast_in_dim3A = vector.broadcast %jit3A : i32 to vector<16xi32>
      %select_n3A = arith.select %lt3A_965, %add3A_961, %broadcast_in_dim3A : vector<16xi1>, vector<16xi32>
      %swap3A = arith.index_cast %add3A_935 : i32 to index
      %swap3A_966 = tpu.vector_load %arg9[%swap3A] {strides = array<i32>} : memref<8064xi32, #tpu.memory_space<vmem>>, vector<16xi32>,
      %swap3A_967 = vector.shape_cast %swap3A_966 : vector<16xi32> to vector<16xi32>
      %swap3A_968 = vector.shape_cast %select_n3A : vector<16xi32> to vector<16xi32>
      tpu.vector_store %arg9[%swap3A], %swap3A_968 {strides = array<i32>} : memref<8064xi32, #tpu.memory_space<vmem>>, vector<16xi32>,
      %mul3A_969 = arith.constant 128 : i32
      %mul3A_970 = arith.muli %add3A_931, %mul3A_969 : i32
      %add3A_971 = arith.constant 16 : i32
      %add3A_972 = arith.addi %mul3A_970, %add3A_971 : i32
      %get3A_973 = arith.index_cast %add3A_972 : i32 to index
      %get3A_974 = tpu.vector_load %arg6[%get3A_973] {strides = array<i32>} : memref<8064xi32, #tpu.memory_space<vmem>>, vector<16xi32>,
      %get3A_975 = vector.shape_cast %get3A_974 : vector<16xi32> to vector<16xi32>
      %get3A_976 = arith.index_cast %add3A_972 : i32 to index
      %get3A_977 = tpu.vector_load %arg7[%get3A_976] {strides = array<i32>} : memref<8064xi32, #tpu.memory_space<vmem>>, vector<16xi32>,
      %get3A_978 = vector.shape_cast %get3A_977 : vector<16xi32> to vector<16xi32>
      %mul3A_979 = arith.constant 5243 : i32
      %mul3A_980 = vector.broadcast %mul3A_979 : i32 to vector<16xi32>
      %mul3A_981 = arith.muli %get3A_975, %mul3A_980 : vector<16xi32>
      %shift_right_arithmetic3A_982 = arith.constant 19 : i32
      %shift_right_arithmetic3A_983 = vector.broadcast %shift_right_arithmetic3A_982 : i32 to vector<16xi32>
      %shift_right_arithmetic3A_984 = arith.shrsi %mul3A_981, %shift_right_arithmetic3A_983 : vector<16xi32>
      %mul3A_985 = arith.constant 5243 : i32
      %mul3A_986 = vector.broadcast %mul3A_985 : i32 to vector<16xi32>
      %mul3A_987 = arith.muli %get3A_978, %mul3A_986 : vector<16xi32>
      %shift_right_arithmetic3A_988 = arith.constant 19 : i32
      %shift_right_arithmetic3A_989 = vector.broadcast %shift_right_arithmetic3A_988 : i32 to vector<16xi32>
      %shift_right_arithmetic3A_990 = arith.shrsi %mul3A_987, %shift_right_arithmetic3A_989 : vector<16xi32>
      %shift_left3A_991 = arith.constant 7 : i32
      %shift_left3A_992 = vector.broadcast %shift_left3A_991 : i32 to vector<16xi32>
      %shift_left3A_993 = arith.shli %get3A_978, %shift_left3A_992 : vector<16xi32>
      %shift_left3A_994 = arith.constant 9 : i32
      %shift_left3A_995 = vector.broadcast %shift_left3A_994 : i32 to vector<16xi32>
      %shift_left3A_996 = arith.shli %shift_right_arithmetic3A_990, %shift_left3A_995 : vector<16xi32>
      %add3A_997 = arith.addi %shift_left3A_993, %shift_left3A_996 : vector<16xi32>
      %mul3A_998 = arith.constant 100 : i32
      %mul3A_999 = vector.broadcast %mul3A_998 : i32 to vector<16xi32>
      %mul3A_1000 = arith.muli %shift_right_arithmetic3A_984, %mul3A_999 : vector<16xi32>
      %sub3A_1001 = arith.subi %get3A_975, %mul3A_1000 : vector<16xi32>
      %add3A_1002 = arith.addi %add3A_997, %sub3A_1001 : vector<16xi32>
      %add3A_1003 = vector.broadcast %add3A_972 : i32 to vector<16xi32>
      %add3A_1004 = arith.addi %add3A_1003, %iota3A : vector<16xi32>
      %lt3A_1005 = arith.constant 8000 : i32
      %lt3A_1006 = vector.broadcast %lt3A_1005 : i32 to vector<16xi32>
      %lt3A_1007 = arith.cmpi slt, %add3A_1004, %lt3A_1006 : vector<16xi32>
      %jit3A_1008 = arith.constant 0 : i32
      %broadcast_in_dim3A_1009 = vector.broadcast %jit3A_1008 : i32 to vector<16xi32>
      %select_n3A_1010 = arith.select %lt3A_1007, %add3A_1002, %broadcast_in_dim3A_1009 : vector<16xi1>, vector<16xi32>
      %swap3A_1011 = arith.index_cast %add3A_972 : i32 to index
      %swap3A_1012 = tpu.vector_load %arg9[%swap3A_1011] {strides = array<i32>} : memref<8064xi32, #tpu.memory_space<vmem>>, vector<16xi32>,
      %swap3A_1013 = vector.shape_cast %swap3A_1012 : vector<16xi32> to vector<16xi32>
      %swap3A_1014 = vector.shape_cast %select_n3A_1010 : vector<16xi32> to vector<16xi32>
      tpu.vector_store %arg9[%swap3A_1011], %swap3A_1014 {strides = array<i32>} : memref<8064xi32, #tpu.memory_space<vmem>>, vector<16xi32>,
      %mul3A_1015 = arith.constant 128 : i32
      %mul3A_1016 = arith.muli %add3A_931, %mul3A_1015 : i32
      %add3A_1017 = arith.constant 32 : i32
      %add3A_1018 = arith.addi %mul3A_1016, %add3A_1017 : i32
      %get3A_1019 = arith.index_cast %add3A_1018 : i32 to index
      %get3A_1020 = tpu.vector_load %arg6[%get3A_1019] {strides = array<i32>} : memref<8064xi32, #tpu.memory_space<vmem>>, vector<16xi32>,
      %get3A_1021 = vector.shape_cast %get3A_1020 : vector<16xi32> to vector<16xi32>
      %get3A_1022 = arith.index_cast %add3A_1018 : i32 to index
      %get3A_1023 = tpu.vector_load %arg7[%get3A_1022] {strides = array<i32>} : memref<8064xi32, #tpu.memory_space<vmem>>, vector<16xi32>,
      %get3A_1024 = vector.shape_cast %get3A_1023 : vector<16xi32> to vector<16xi32>
      %mul3A_1025 = arith.constant 5243 : i32
      %mul3A_1026 = vector.broadcast %mul3A_1025 : i32 to vector<16xi32>
      %mul3A_1027 = arith.muli %get3A_1021, %mul3A_1026 : vector<16xi32>
      %shift_right_arithmetic3A_1028 = arith.constant 19 : i32
      %shift_right_arithmetic3A_1029 = vector.broadcast %shift_right_arithmetic3A_1028 : i32 to vector<16xi32>
      %shift_right_arithmetic3A_1030 = arith.shrsi %mul3A_1027, %shift_right_arithmetic3A_1029 : vector<16xi32>
      %mul3A_1031 = arith.constant 5243 : i32
      %mul3A_1032 = vector.broadcast %mul3A_1031 : i32 to vector<16xi32>
      %mul3A_1033 = arith.muli %get3A_1024, %mul3A_1032 : vector<16xi32>
      %shift_right_arithmetic3A_1034 = arith.constant 19 : i32
      %shift_right_arithmetic3A_1035 = vector.broadcast %shift_right_arithmetic3A_1034 : i32 to vector<16xi32>
      %shift_right_arithmetic3A_1036 = arith.shrsi %mul3A_1033, %shift_right_arithmetic3A_1035 : vector<16xi32>
      %shift_left3A_1037 = arith.constant 7 : i32
      %shift_left3A_1038 = vector.broadcast %shift_left3A_1037 : i32 to vector<16xi32>
      %shift_left3A_1039 = arith.shli %get3A_1024, %shift_left3A_1038 : vector<16xi32>
      %shift_left3A_1040 = arith.constant 9 : i32
      %shift_left3A_1041 = vector.broadcast %shift_left3A_1040 : i32 to vector<16xi32>
      %shift_left3A_1042 = arith.shli %shift_right_arithmetic3A_1036, %shift_left3A_1041 : vector<16xi32>
      %add3A_1043 = arith.addi %shift_left3A_1039, %shift_left3A_1042 : vector<16xi32>
      %mul3A_1044 = arith.constant 100 : i32
      %mul3A_1045 = vector.broadcast %mul3A_1044 : i32 to vector<16xi32>
      %mul3A_1046 = arith.muli %shift_right_arithmetic3A_1030, %mul3A_1045 : vector<16xi32>
      %sub3A_1047 = arith.subi %get3A_1021, %mul3A_1046 : vector<16xi32>
      %add3A_1048 = arith.addi %add3A_1043, %sub3A_1047 : vector<16xi32>
      %add3A_1049 = vector.broadcast %add3A_1018 : i32 to vector<16xi32>
      %add3A_1050 = arith.addi %add3A_1049, %iota3A : vector<16xi32>
      %lt3A_1051 = arith.constant 8000 : i32
      %lt3A_1052 = vector.broadcast %lt3A_1051 : i32 to vector<16xi32>
      %lt3A_1053 = arith.cmpi slt, %add3A_1050, %lt3A_1052 : vector<16xi32>
      %jit3A_1054 = arith.constant 0 : i32
      %broadcast_in_dim3A_1055 = vector.broadcast %jit3A_1054 : i32 to vector<16xi32>
      %select_n3A_1056 = arith.select %lt3A_1053, %add3A_1048, %broadcast_in_dim3A_1055 : vector<16xi1>, vector<16xi32>
      %swap3A_1057 = arith.index_cast %add3A_1018 : i32 to index
      %swap3A_1058 = tpu.vector_load %arg9[%swap3A_1057] {strides = array<i32>} : memref<8064xi32, #tpu.memory_space<vmem>>, vector<16xi32>,
      %swap3A_1059 = vector.shape_cast %swap3A_1058 : vector<16xi32> to vector<16xi32>
      %swap3A_1060 = vector.shape_cast %select_n3A_1056 : vector<16xi32> to vector<16xi32>
      tpu.vector_store %arg9[%swap3A_1057], %swap3A_1060 {strides = array<i32>} : memref<8064xi32, #tpu.memory_space<vmem>>, vector<16xi32>,
      %mul3A_1061 = arith.constant 128 : i32
      %mul3A_1062 = arith.muli %add3A_931, %mul3A_1061 : i32
      %add3A_1063 = arith.constant 48 : i32
      %add3A_1064 = arith.addi %mul3A_1062, %add3A_1063 : i32
      %get3A_1065 = arith.index_cast %add3A_1064 : i32 to index
      %get3A_1066 = tpu.vector_load %arg6[%get3A_1065] {strides = array<i32>} : memref<8064xi32, #tpu.memory_space<vmem>>, vector<16xi32>,
      %get3A_1067 = vector.shape_cast %get3A_1066 : vector<16xi32> to vector<16xi32>
      %get3A_1068 = arith.index_cast %add3A_1064 : i32 to index
      %get3A_1069 = tpu.vector_load %arg7[%get3A_1068] {strides = array<i32>} : memref<8064xi32, #tpu.memory_space<vmem>>, vector<16xi32>,
      %get3A_1070 = vector.shape_cast %get3A_1069 : vector<16xi32> to vector<16xi32>
      %mul3A_1071 = arith.constant 5243 : i32
      %mul3A_1072 = vector.broadcast %mul3A_1071 : i32 to vector<16xi32>
      %mul3A_1073 = arith.muli %get3A_1067, %mul3A_1072 : vector<16xi32>
      %shift_right_arithmetic3A_1074 = arith.constant 19 : i32
      %shift_right_arithmetic3A_1075 = vector.broadcast %shift_right_arithmetic3A_1074 : i32 to vector<16xi32>
      %shift_right_arithmetic3A_1076 = arith.shrsi %mul3A_1073, %shift_right_arithmetic3A_1075 : vector<16xi32>
      %mul3A_1077 = arith.constant 5243 : i32
      %mul3A_1078 = vector.broadcast %mul3A_1077 : i32 to vector<16xi32>
      %mul3A_1079 = arith.muli %get3A_1070, %mul3A_1078 : vector<16xi32>
      %shift_right_arithmetic3A_1080 = arith.constant 19 : i32
      %shift_right_arithmetic3A_1081 = vector.broadcast %shift_right_arithmetic3A_1080 : i32 to vector<16xi32>
      %shift_right_arithmetic3A_1082 = arith.shrsi %mul3A_1079, %shift_right_arithmetic3A_1081 : vector<16xi32>
      %shift_left3A_1083 = arith.constant 7 : i32
      %shift_left3A_1084 = vector.broadcast %shift_left3A_1083 : i32 to vector<16xi32>
      %shift_left3A_1085 = arith.shli %get3A_1070, %shift_left3A_1084 : vector<16xi32>
      %shift_left3A_1086 = arith.constant 9 : i32
      %shift_left3A_1087 = vector.broadcast %shift_left3A_1086 : i32 to vector<16xi32>
      %shift_left3A_1088 = arith.shli %shift_right_arithmetic3A_1082, %shift_left3A_1087 : vector<16xi32>
      %add3A_1089 = arith.addi %shift_left3A_1085, %shift_left3A_1088 : vector<16xi32>
      %mul3A_1090 = arith.constant 100 : i32
      %mul3A_1091 = vector.broadcast %mul3A_1090 : i32 to vector<16xi32>
      %mul3A_1092 = arith.muli %shift_right_arithmetic3A_1076, %mul3A_1091 : vector<16xi32>
      %sub3A_1093 = arith.subi %get3A_1067, %mul3A_1092 : vector<16xi32>
      %add3A_1094 = arith.addi %add3A_1089, %sub3A_1093 : vector<16xi32>
      %add3A_1095 = vector.broadcast %add3A_1064 : i32 to vector<16xi32>
      %add3A_1096 = arith.addi %add3A_1095, %iota3A : vector<16xi32>
      %lt3A_1097 = arith.constant 8000 : i32
      %lt3A_1098 = vector.broadcast %lt3A_1097 : i32 to vector<16xi32>
      %lt3A_1099 = arith.cmpi slt, %add3A_1096, %lt3A_1098 : vector<16xi32>
      %jit3A_1100 = arith.constant 0 : i32
      %broadcast_in_dim3A_1101 = vector.broadcast %jit3A_1100 : i32 to vector<16xi32>
      %select_n3A_1102 = arith.select %lt3A_1099, %add3A_1094, %broadcast_in_dim3A_1101 : vector<16xi1>, vector<16xi32>
      %swap3A_1103 = arith.index_cast %add3A_1064 : i32 to index
      %swap3A_1104 = tpu.vector_load %arg9[%swap3A_1103] {strides = array<i32>} : memref<8064xi32, #tpu.memory_space<vmem>>, vector<16xi32>,
      %swap3A_1105 = vector.shape_cast %swap3A_1104 : vector<16xi32> to vector<16xi32>
      %swap3A_1106 = vector.shape_cast %select_n3A_1102 : vector<16xi32> to vector<16xi32>
      tpu.vector_store %arg9[%swap3A_1103], %swap3A_1106 {strides = array<i32>} : memref<8064xi32, #tpu.memory_space<vmem>>, vector<16xi32>,
      %mul3A_1107 = arith.constant 128 : i32
      %mul3A_1108 = arith.muli %add3A_931, %mul3A_1107 : i32
      %add3A_1109 = arith.constant 64 : i32
      %add3A_1110 = arith.addi %mul3A_1108, %add3A_1109 : i32
      %get3A_1111 = arith.index_cast %add3A_1110 : i32 to index
      %get3A_1112 = tpu.vector_load %arg6[%get3A_1111] {strides = array<i32>} : memref<8064xi32, #tpu.memory_space<vmem>>, vector<16xi32>,
      %get3A_1113 = vector.shape_cast %get3A_1112 : vector<16xi32> to vector<16xi32>
      %get3A_1114 = arith.index_cast %add3A_1110 : i32 to index
      %get3A_1115 = tpu.vector_load %arg7[%get3A_1114] {strides = array<i32>} : memref<8064xi32, #tpu.memory_space<vmem>>, vector<16xi32>,
      %get3A_1116 = vector.shape_cast %get3A_1115 : vector<16xi32> to vector<16xi32>
      %mul3A_1117 = arith.constant 5243 : i32
      %mul3A_1118 = vector.broadcast %mul3A_1117 : i32 to vector<16xi32>
      %mul3A_1119 = arith.muli %get3A_1113, %mul3A_1118 : vector<16xi32>
      %shift_right_arithmetic3A_1120 = arith.constant 19 : i32
      %shift_right_arithmetic3A_1121 = vector.broadcast %shift_right_arithmetic3A_1120 : i32 to vector<16xi32>
      %shift_right_arithmetic3A_1122 = arith.shrsi %mul3A_1119, %shift_right_arithmetic3A_1121 : vector<16xi32>
      %mul3A_1123 = arith.constant 5243 : i32
      %mul3A_1124 = vector.broadcast %mul3A_1123 : i32 to vector<16xi32>
      %mul3A_1125 = arith.muli %get3A_1116, %mul3A_1124 : vector<16xi32>
      %shift_right_arithmetic3A_1126 = arith.constant 19 : i32
      %shift_right_arithmetic3A_1127 = vector.broadcast %shift_right_arithmetic3A_1126 : i32 to vector<16xi32>
      %shift_right_arithmetic3A_1128 = arith.shrsi %mul3A_1125, %shift_right_arithmetic3A_1127 : vector<16xi32>
      %shift_left3A_1129 = arith.constant 7 : i32
      %shift_left3A_1130 = vector.broadcast %shift_left3A_1129 : i32 to vector<16xi32>
      %shift_left3A_1131 = arith.shli %get3A_1116, %shift_left3A_1130 : vector<16xi32>
      %shift_left3A_1132 = arith.constant 9 : i32
      %shift_left3A_1133 = vector.broadcast %shift_left3A_1132 : i32 to vector<16xi32>
      %shift_left3A_1134 = arith.shli %shift_right_arithmetic3A_1128, %shift_left3A_1133 : vector<16xi32>
      %add3A_1135 = arith.addi %shift_left3A_1131, %shift_left3A_1134 : vector<16xi32>
      %mul3A_1136 = arith.constant 100 : i32
      %mul3A_1137 = vector.broadcast %mul3A_1136 : i32 to vector<16xi32>
      %mul3A_1138 = arith.muli %shift_right_arithmetic3A_1122, %mul3A_1137 : vector<16xi32>
      %sub3A_1139 = arith.subi %get3A_1113, %mul3A_1138 : vector<16xi32>
      %add3A_1140 = arith.addi %add3A_1135, %sub3A_1139 : vector<16xi32>
      %add3A_1141 = vector.broadcast %add3A_1110 : i32 to vector<16xi32>
      %add3A_1142 = arith.addi %add3A_1141, %iota3A : vector<16xi32>
      %lt3A_1143 = arith.constant 8000 : i32
      %lt3A_1144 = vector.broadcast %lt3A_1143 : i32 to vector<16xi32>
      %lt3A_1145 = arith.cmpi slt, %add3A_1142, %lt3A_1144 : vector<16xi32>
      %jit3A_1146 = arith.constant 0 : i32
      %broadcast_in_dim3A_1147 = vector.broadcast %jit3A_1146 : i32 to vector<16xi32>
      %select_n3A_1148 = arith.select %lt3A_1145, %add3A_1140, %broadcast_in_dim3A_1147 : vector<16xi1>, vector<16xi32>
      %swap3A_1149 = arith.index_cast %add3A_1110 : i32 to index
      %swap3A_1150 = tpu.vector_load %arg9[%swap3A_1149] {strides = array<i32>} : memref<8064xi32, #tpu.memory_space<vmem>>, vector<16xi32>,
      %swap3A_1151 = vector.shape_cast %swap3A_1150 : vector<16xi32> to vector<16xi32>
      %swap3A_1152 = vector.shape_cast %select_n3A_1148 : vector<16xi32> to vector<16xi32>
      tpu.vector_store %arg9[%swap3A_1149], %swap3A_1152 {strides = array<i32>} : memref<8064xi32, #tpu.memory_space<vmem>>, vector<16xi32>,
      %mul3A_1153 = arith.constant 128 : i32
      %mul3A_1154 = arith.muli %add3A_931, %mul3A_1153 : i32
      %add3A_1155 = arith.constant 80 : i32
      %add3A_1156 = arith.addi %mul3A_1154, %add3A_1155 : i32
      %get3A_1157 = arith.index_cast %add3A_1156 : i32 to index
      %get3A_1158 = tpu.vector_load %arg6[%get3A_1157] {strides = array<i32>} : memref<8064xi32, #tpu.memory_space<vmem>>, vector<16xi32>,
      %get3A_1159 = vector.shape_cast %get3A_1158 : vector<16xi32> to vector<16xi32>
      %get3A_1160 = arith.index_cast %add3A_1156 : i32 to index
      %get3A_1161 = tpu.vector_load %arg7[%get3A_1160] {strides = array<i32>} : memref<8064xi32, #tpu.memory_space<vmem>>, vector<16xi32>,
      %get3A_1162 = vector.shape_cast %get3A_1161 : vector<16xi32> to vector<16xi32>
      %mul3A_1163 = arith.constant 5243 : i32
      %mul3A_1164 = vector.broadcast %mul3A_1163 : i32 to vector<16xi32>
      %mul3A_1165 = arith.muli %get3A_1159, %mul3A_1164 : vector<16xi32>
      %shift_right_arithmetic3A_1166 = arith.constant 19 : i32
      %shift_right_arithmetic3A_1167 = vector.broadcast %shift_right_arithmetic3A_1166 : i32 to vector<16xi32>
      %shift_right_arithmetic3A_1168 = arith.shrsi %mul3A_1165, %shift_right_arithmetic3A_1167 : vector<16xi32>
      %mul3A_1169 = arith.constant 5243 : i32
      %mul3A_1170 = vector.broadcast %mul3A_1169 : i32 to vector<16xi32>
      %mul3A_1171 = arith.muli %get3A_1162, %mul3A_1170 : vector<16xi32>
      %shift_right_arithmetic3A_1172 = arith.constant 19 : i32
      %shift_right_arithmetic3A_1173 = vector.broadcast %shift_right_arithmetic3A_1172 : i32 to vector<16xi32>
      %shift_right_arithmetic3A_1174 = arith.shrsi %mul3A_1171, %shift_right_arithmetic3A_1173 : vector<16xi32>
      %shift_left3A_1175 = arith.constant 7 : i32
      %shift_left3A_1176 = vector.broadcast %shift_left3A_1175 : i32 to vector<16xi32>
      %shift_left3A_1177 = arith.shli %get3A_1162, %shift_left3A_1176 : vector<16xi32>
      %shift_left3A_1178 = arith.constant 9 : i32
      %shift_left3A_1179 = vector.broadcast %shift_left3A_1178 : i32 to vector<16xi32>
      %shift_left3A_1180 = arith.shli %shift_right_arithmetic3A_1174, %shift_left3A_1179 : vector<16xi32>
      %add3A_1181 = arith.addi %shift_left3A_1177, %shift_left3A_1180 : vector<16xi32>
      %mul3A_1182 = arith.constant 100 : i32
      %mul3A_1183 = vector.broadcast %mul3A_1182 : i32 to vector<16xi32>
      %mul3A_1184 = arith.muli %shift_right_arithmetic3A_1168, %mul3A_1183 : vector<16xi32>
      %sub3A_1185 = arith.subi %get3A_1159, %mul3A_1184 : vector<16xi32>
      %add3A_1186 = arith.addi %add3A_1181, %sub3A_1185 : vector<16xi32>
      %add3A_1187 = vector.broadcast %add3A_1156 : i32 to vector<16xi32>
      %add3A_1188 = arith.addi %add3A_1187, %iota3A : vector<16xi32>
      %lt3A_1189 = arith.constant 8000 : i32
      %lt3A_1190 = vector.broadcast %lt3A_1189 : i32 to vector<16xi32>
      %lt3A_1191 = arith.cmpi slt, %add3A_1188, %lt3A_1190 : vector<16xi32>
      %jit3A_1192 = arith.constant 0 : i32
      %broadcast_in_dim3A_1193 = vector.broadcast %jit3A_1192 : i32 to vector<16xi32>
      %select_n3A_1194 = arith.select %lt3A_1191, %add3A_1186, %broadcast_in_dim3A_1193 : vector<16xi1>, vector<16xi32>
      %swap3A_1195 = arith.index_cast %add3A_1156 : i32 to index
      %swap3A_1196 = tpu.vector_load %arg9[%swap3A_1195] {strides = array<i32>} : memref<8064xi32, #tpu.memory_space<vmem>>, vector<16xi32>,
      %swap3A_1197 = vector.shape_cast %swap3A_1196 : vector<16xi32> to vector<16xi32>
      %swap3A_1198 = vector.shape_cast %select_n3A_1194 : vector<16xi32> to vector<16xi32>
      tpu.vector_store %arg9[%swap3A_1195], %swap3A_1198 {strides = array<i32>} : memref<8064xi32, #tpu.memory_space<vmem>>, vector<16xi32>,
      %mul3A_1199 = arith.constant 128 : i32
      %mul3A_1200 = arith.muli %add3A_931, %mul3A_1199 : i32
      %add3A_1201 = arith.constant 96 : i32
      %add3A_1202 = arith.addi %mul3A_1200, %add3A_1201 : i32
      %get3A_1203 = arith.index_cast %add3A_1202 : i32 to index
      %get3A_1204 = tpu.vector_load %arg6[%get3A_1203] {strides = array<i32>} : memref<8064xi32, #tpu.memory_space<vmem>>, vector<16xi32>,
      %get3A_1205 = vector.shape_cast %get3A_1204 : vector<16xi32> to vector<16xi32>
      %get3A_1206 = arith.index_cast %add3A_1202 : i32 to index
      %get3A_1207 = tpu.vector_load %arg7[%get3A_1206] {strides = array<i32>} : memref<8064xi32, #tpu.memory_space<vmem>>, vector<16xi32>,
      %get3A_1208 = vector.shape_cast %get3A_1207 : vector<16xi32> to vector<16xi32>
      %mul3A_1209 = arith.constant 5243 : i32
      %mul3A_1210 = vector.broadcast %mul3A_1209 : i32 to vector<16xi32>
      %mul3A_1211 = arith.muli %get3A_1205, %mul3A_1210 : vector<16xi32>
      %shift_right_arithmetic3A_1212 = arith.constant 19 : i32
      %shift_right_arithmetic3A_1213 = vector.broadcast %shift_right_arithmetic3A_1212 : i32 to vector<16xi32>
      %shift_right_arithmetic3A_1214 = arith.shrsi %mul3A_1211, %shift_right_arithmetic3A_1213 : vector<16xi32>
      %mul3A_1215 = arith.constant 5243 : i32
      %mul3A_1216 = vector.broadcast %mul3A_1215 : i32 to vector<16xi32>
      %mul3A_1217 = arith.muli %get3A_1208, %mul3A_1216 : vector<16xi32>
      %shift_right_arithmetic3A_1218 = arith.constant 19 : i32
      %shift_right_arithmetic3A_1219 = vector.broadcast %shift_right_arithmetic3A_1218 : i32 to vector<16xi32>
      %shift_right_arithmetic3A_1220 = arith.shrsi %mul3A_1217, %shift_right_arithmetic3A_1219 : vector<16xi32>
      %shift_left3A_1221 = arith.constant 7 : i32
      %shift_left3A_1222 = vector.broadcast %shift_left3A_1221 : i32 to vector<16xi32>
      %shift_left3A_1223 = arith.shli %get3A_1208, %shift_left3A_1222 : vector<16xi32>
      %shift_left3A_1224 = arith.constant 9 : i32
      %shift_left3A_1225 = vector.broadcast %shift_left3A_1224 : i32 to vector<16xi32>
      %shift_left3A_1226 = arith.shli %shift_right_arithmetic3A_1220, %shift_left3A_1225 : vector<16xi32>
      %add3A_1227 = arith.addi %shift_left3A_1223, %shift_left3A_1226 : vector<16xi32>
      %mul3A_1228 = arith.constant 100 : i32
      %mul3A_1229 = vector.broadcast %mul3A_1228 : i32 to vector<16xi32>
      %mul3A_1230 = arith.muli %shift_right_arithmetic3A_1214, %mul3A_1229 : vector<16xi32>
      %sub3A_1231 = arith.subi %get3A_1205, %mul3A_1230 : vector<16xi32>
      %add3A_1232 = arith.addi %add3A_1227, %sub3A_1231 : vector<16xi32>
      %add3A_1233 = vector.broadcast %add3A_1202 : i32 to vector<16xi32>
      %add3A_1234 = arith.addi %add3A_1233, %iota3A : vector<16xi32>
      %lt3A_1235 = arith.constant 8000 : i32
      %lt3A_1236 = vector.broadcast %lt3A_1235 : i32 to vector<16xi32>
      %lt3A_1237 = arith.cmpi slt, %add3A_1234, %lt3A_1236 : vector<16xi32>
      %jit3A_1238 = arith.constant 0 : i32
      %broadcast_in_dim3A_1239 = vector.broadcast %jit3A_1238 : i32 to vector<16xi32>
      %select_n3A_1240 = arith.select %lt3A_1237, %add3A_1232, %broadcast_in_dim3A_1239 : vector<16xi1>, vector<16xi32>
      %swap3A_1241 = arith.index_cast %add3A_1202 : i32 to index
      %swap3A_1242 = tpu.vector_load %arg9[%swap3A_1241] {strides = array<i32>} : memref<8064xi32, #tpu.memory_space<vmem>>, vector<16xi32>,
      %swap3A_1243 = vector.shape_cast %swap3A_1242 : vector<16xi32> to vector<16xi32>
      %swap3A_1244 = vector.shape_cast %select_n3A_1240 : vector<16xi32> to vector<16xi32>
      tpu.vector_store %arg9[%swap3A_1241], %swap3A_1244 {strides = array<i32>} : memref<8064xi32, #tpu.memory_space<vmem>>, vector<16xi32>,
      %mul3A_1245 = arith.constant 128 : i32
      %mul3A_1246 = arith.muli %add3A_931, %mul3A_1245 : i32
      %add3A_1247 = arith.constant 112 : i32
      %add3A_1248 = arith.addi %mul3A_1246, %add3A_1247 : i32
      %get3A_1249 = arith.index_cast %add3A_1248 : i32 to index
      %get3A_1250 = tpu.vector_load %arg6[%get3A_1249] {strides = array<i32>} : memref<8064xi32, #tpu.memory_space<vmem>>, vector<16xi32>,
      %get3A_1251 = vector.shape_cast %get3A_1250 : vector<16xi32> to vector<16xi32>
      %get3A_1252 = arith.index_cast %add3A_1248 : i32 to index
      %get3A_1253 = tpu.vector_load %arg7[%get3A_1252] {strides = array<i32>} : memref<8064xi32, #tpu.memory_space<vmem>>, vector<16xi32>,
      %get3A_1254 = vector.shape_cast %get3A_1253 : vector<16xi32> to vector<16xi32>
      %mul3A_1255 = arith.constant 5243 : i32
      %mul3A_1256 = vector.broadcast %mul3A_1255 : i32 to vector<16xi32>
      %mul3A_1257 = arith.muli %get3A_1251, %mul3A_1256 : vector<16xi32>
      %shift_right_arithmetic3A_1258 = arith.constant 19 : i32
      %shift_right_arithmetic3A_1259 = vector.broadcast %shift_right_arithmetic3A_1258 : i32 to vector<16xi32>
      %shift_right_arithmetic3A_1260 = arith.shrsi %mul3A_1257, %shift_right_arithmetic3A_1259 : vector<16xi32>
      %mul3A_1261 = arith.constant 5243 : i32
      %mul3A_1262 = vector.broadcast %mul3A_1261 : i32 to vector<16xi32>
      %mul3A_1263 = arith.muli %get3A_1254, %mul3A_1262 : vector<16xi32>
      %shift_right_arithmetic3A_1264 = arith.constant 19 : i32
      %shift_right_arithmetic3A_1265 = vector.broadcast %shift_right_arithmetic3A_1264 : i32 to vector<16xi32>
      %shift_right_arithmetic3A_1266 = arith.shrsi %mul3A_1263, %shift_right_arithmetic3A_1265 : vector<16xi32>
      %shift_left3A_1267 = arith.constant 7 : i32
      %shift_left3A_1268 = vector.broadcast %shift_left3A_1267 : i32 to vector<16xi32>
      %shift_left3A_1269 = arith.shli %get3A_1254, %shift_left3A_1268 : vector<16xi32>
      %shift_left3A_1270 = arith.constant 9 : i32
      %shift_left3A_1271 = vector.broadcast %shift_left3A_1270 : i32 to vector<16xi32>
      %shift_left3A_1272 = arith.shli %shift_right_arithmetic3A_1266, %shift_left3A_1271 : vector<16xi32>
      %add3A_1273 = arith.addi %shift_left3A_1269, %shift_left3A_1272 : vector<16xi32>
      %mul3A_1274 = arith.constant 100 : i32
      %mul3A_1275 = vector.broadcast %mul3A_1274 : i32 to vector<16xi32>
      %mul3A_1276 = arith.muli %shift_right_arithmetic3A_1260, %mul3A_1275 : vector<16xi32>
      %sub3A_1277 = arith.subi %get3A_1251, %mul3A_1276 : vector<16xi32>
      %add3A_1278 = arith.addi %add3A_1273, %sub3A_1277 : vector<16xi32>
      %add3A_1279 = vector.broadcast %add3A_1248 : i32 to vector<16xi32>
      %add3A_1280 = arith.addi %add3A_1279, %iota3A : vector<16xi32>
      %lt3A_1281 = arith.constant 8000 : i32
      %lt3A_1282 = vector.broadcast %lt3A_1281 : i32 to vector<16xi32>
      %lt3A_1283 = arith.cmpi slt, %add3A_1280, %lt3A_1282 : vector<16xi32>
      %jit3A_1284 = arith.constant 0 : i32
      %broadcast_in_dim3A_1285 = vector.broadcast %jit3A_1284 : i32 to vector<16xi32>
      %select_n3A_1286 = arith.select %lt3A_1283, %add3A_1278, %broadcast_in_dim3A_1285 : vector<16xi1>, vector<16xi32>
      %swap3A_1287 = arith.index_cast %add3A_1248 : i32 to index
      %swap3A_1288 = tpu.vector_load %arg9[%swap3A_1287] {strides = array<i32>} : memref<8064xi32, #tpu.memory_space<vmem>>, vector<16xi32>,
      %swap3A_1289 = vector.shape_cast %swap3A_1288 : vector<16xi32> to vector<16xi32>
      %swap3A_1290 = vector.shape_cast %select_n3A_1286 : vector<16xi32> to vector<16xi32>
      tpu.vector_store %arg9[%swap3A_1287], %swap3A_1290 {strides = array<i32>} : memref<8064xi32, #tpu.memory_space<vmem>>, vector<16xi32>,
    }
    %scan3A_294 = arith.constant 63 : i32
    %add3A_295 = arith.constant 32000 : i32
    %add3A_296 = arith.addi %mul3A_0, %add3A_295 : i32
    %dma_start3A_297 = arith.constant 0 : i32
    %dma_start3A_298 = tpu.memref_slice %arg6[%dma_start3A_297] : memref<8064xi32, #tpu.memory_space<vmem>> -> memref<8000xi32, #tpu.memory_space<vmem>>
    %dma_start3A_299 = tpu.memref_slice %arg2[%add3A_296] : memref<1280000xi32, #tpu.memory_space<hbm>> -> memref<8000xi32, #tpu.memory_space<hbm>>
    %dma_start3A_300 = arith.constant 0 : i32
    %dma_start3A_301 = tpu.memref_slice %arg6[%dma_start3A_300] : memref<8064xi32, #tpu.memory_space<vmem>> -> memref<8000xi32, #tpu.memory_space<vmem>>
    %dma_start3A_302 = tpu.memref_slice %arg2[%add3A_296] : memref<1280000xi32, #tpu.memory_space<hbm>> -> memref<8000xi32, #tpu.memory_space<hbm>>
    tpu.enqueue_dma source(%dma_start3A_302 : memref<8000xi32, #tpu.memory_space<hbm>>) target(%dma_start3A_301 : memref<8000xi32, #tpu.memory_space<vmem>>) target_semaphore(%arg11 : memref<!tpu.dma_semaphore, #tpu.memory_space<semaphore_mem>>)
    %add3A_303 = arith.constant 640000 : i32
    %add3A_304 = arith.addi %add3A_303, %add3A_296 : i32
    %dma_start3A_305 = arith.constant 0 : i32
    %dma_start3A_306 = tpu.memref_slice %arg7[%dma_start3A_305] : memref<8064xi32, #tpu.memory_space<vmem>> -> memref<8000xi32, #tpu.memory_space<vmem>>
    %dma_start3A_307 = tpu.memref_slice %arg2[%add3A_304] : memref<1280000xi32, #tpu.memory_space<hbm>> -> memref<8000xi32, #tpu.memory_space<hbm>>
    %dma_start3A_308 = arith.constant 0 : i32
    %dma_start3A_309 = tpu.memref_slice %arg7[%dma_start3A_308] : memref<8064xi32, #tpu.memory_space<vmem>> -> memref<8000xi32, #tpu.memory_space<vmem>>
    %dma_start3A_310 = tpu.memref_slice %arg2[%add3A_304] : memref<1280000xi32, #tpu.memory_space<hbm>> -> memref<8000xi32, #tpu.memory_space<hbm>>
    tpu.enqueue_dma source(%dma_start3A_310 : memref<8000xi32, #tpu.memory_space<hbm>>) target(%dma_start3A_309 : memref<8000xi32, #tpu.memory_space<vmem>>) target_semaphore(%arg11 : memref<!tpu.dma_semaphore, #tpu.memory_space<semaphore_mem>>)
    %dma_start3A_311 = arith.constant 0 : i32
    %dma_start3A_312 = tpu.memref_slice %arg16[%dma_start3A_311] : memref<1000000xf32, #tpu.memory_space<vmem_shared>> -> memref<1000000xf32, #tpu.memory_space<vmem_shared>>
    tpu.enqueue_indirect_dma source(%arg10 : memref<8064xf32, #tpu.memory_space<vmem>>) target(%dma_start3A_312 : memref<1000000xf32, #tpu.memory_space<vmem_shared>>) offsets(%arg9 : memref<8064xi32, #tpu.memory_space<vmem>>) semaphore(%arg13 : memref<!tpu.dma_semaphore, #tpu.memory_space<semaphore_mem>>) {add = true}
    %dma_wait3A_313 = arith.constant 0 : i32
    %dma_wait3A_314 = tpu.memref_slice %arg6[%dma_wait3A_313] : memref<8064xi32, #tpu.memory_space<vmem>> -> memref<8000xi32, #tpu.memory_space<vmem>>
    %dma_wait3A_315 = tpu.memref_slice %arg2[%add3A_296] : memref<1280000xi32, #tpu.memory_space<hbm>> -> memref<8000xi32, #tpu.memory_space<hbm>>
    %dma_wait3A_316 = arith.constant 0 : i32
    %dma_wait3A_317 = tpu.memref_slice %arg6[%dma_wait3A_316] : memref<8064xi32, #tpu.memory_space<vmem>> -> memref<8000xi32, #tpu.memory_space<vmem>>
    %dma_wait3A_318 = tpu.memref_slice %arg2[%add3A_296] : memref<1280000xi32, #tpu.memory_space<hbm>> -> memref<8000xi32, #tpu.memory_space<hbm>>
    tpu.wait_dma2 semaphore(%arg11 : memref<!tpu.dma_semaphore, #tpu.memory_space<semaphore_mem>>) src(%dma_wait3A_318 : memref<8000xi32, #tpu.memory_space<hbm>>) dst(%dma_wait3A_317 : memref<8000xi32, #tpu.memory_space<vmem>>)
    %dma_wait3A_319 = arith.constant 0 : i32
    %dma_wait3A_320 = tpu.memref_slice %arg7[%dma_wait3A_319] : memref<8064xi32, #tpu.memory_space<vmem>> -> memref<8000xi32, #tpu.memory_space<vmem>>
    %dma_wait3A_321 = tpu.memref_slice %arg2[%add3A_304] : memref<1280000xi32, #tpu.memory_space<hbm>> -> memref<8000xi32, #tpu.memory_space<hbm>>
    %dma_wait3A_322 = arith.constant 0 : i32
    %dma_wait3A_323 = tpu.memref_slice %arg7[%dma_wait3A_322] : memref<8064xi32, #tpu.memory_space<vmem>> -> memref<8000xi32, #tpu.memory_space<vmem>>
    %dma_wait3A_324 = tpu.memref_slice %arg2[%add3A_304] : memref<1280000xi32, #tpu.memory_space<hbm>> -> memref<8000xi32, #tpu.memory_space<hbm>>
    tpu.wait_dma2 semaphore(%arg11 : memref<!tpu.dma_semaphore, #tpu.memory_space<semaphore_mem>>) src(%dma_wait3A_324 : memref<8000xi32, #tpu.memory_space<hbm>>) dst(%dma_wait3A_323 : memref<8000xi32, #tpu.memory_space<vmem>>)
    %dma_wait3A_325 = arith.constant 0 : i32
    %dma_wait3A_326 = tpu.memref_slice %arg16[%dma_wait3A_325] : memref<1000000xf32, #tpu.memory_space<vmem_shared>> -> memref<1000000xf32, #tpu.memory_space<vmem_shared>>
    tpu.wait_indirect_dma semaphore(%arg13 : memref<!tpu.dma_semaphore, #tpu.memory_space<semaphore_mem>>) src(%arg10 : memref<8064xf32, #tpu.memory_space<vmem>>) dst(%dma_wait3A_326 : memref<1000000xf32, #tpu.memory_space<vmem_shared>>)
    %scan3A_327 = arith.constant 0 : i32
    %scan3A_328 = arith.constant 63 : i32
    %scan3A_329 = arith.addi %scan3A_327, %scan3A_328 : i32
    %scan3A_330 = arith.constant 1 : i32
    scf.for %scan3A_927 = %scan3A_327 to %scan3A_329 step %scan3A_330  : i32 {
      %mul3A_928 = arith.constant 1 : i32
      %mul3A_929 = arith.muli %scan3A_927, %mul3A_928 : i32
      %add3A_930 = arith.constant 0 : i32
      %add3A_931 = arith.addi %add3A_930, %mul3A_929 : i32
      %mul3A_932 = arith.constant 128 : i32
      %mul3A_933 = arith.muli %add3A_931, %mul3A_932 : i32
      %add3A_934 = arith.constant 0 : i32
      %add3A_935 = arith.addi %mul3A_933, %add3A_934 : i32
      %get3A = arith.index_cast %add3A_935 : i32 to index
      %get3A_936 = tpu.vector_load %arg6[%get3A] {strides = array<i32>} : memref<8064xi32, #tpu.memory_space<vmem>>, vector<16xi32>,
      %get3A_937 = vector.shape_cast %get3A_936 : vector<16xi32> to vector<16xi32>
      %get3A_938 = arith.index_cast %add3A_935 : i32 to index
      %get3A_939 = tpu.vector_load %arg7[%get3A_938] {strides = array<i32>} : memref<8064xi32, #tpu.memory_space<vmem>>, vector<16xi32>,
      %get3A_940 = vector.shape_cast %get3A_939 : vector<16xi32> to vector<16xi32>
      %mul3A_941 = arith.constant 5243 : i32
      %mul3A_942 = vector.broadcast %mul3A_941 : i32 to vector<16xi32>
      %mul3A_943 = arith.muli %get3A_937, %mul3A_942 : vector<16xi32>
      %shift_right_arithmetic3A = arith.constant 19 : i32
      %shift_right_arithmetic3A_944 = vector.broadcast %shift_right_arithmetic3A : i32 to vector<16xi32>
      %shift_right_arithmetic3A_945 = arith.shrsi %mul3A_943, %shift_right_arithmetic3A_944 : vector<16xi32>
      %mul3A_946 = arith.constant 5243 : i32
      %mul3A_947 = vector.broadcast %mul3A_946 : i32 to vector<16xi32>
      %mul3A_948 = arith.muli %get3A_940, %mul3A_947 : vector<16xi32>
      %shift_right_arithmetic3A_949 = arith.constant 19 : i32
      %shift_right_arithmetic3A_950 = vector.broadcast %shift_right_arithmetic3A_949 : i32 to vector<16xi32>
      %shift_right_arithmetic3A_951 = arith.shrsi %mul3A_948, %shift_right_arithmetic3A_950 : vector<16xi32>
      %shift_left3A = arith.constant 7 : i32
      %shift_left3A_952 = vector.broadcast %shift_left3A : i32 to vector<16xi32>
      %shift_left3A_953 = arith.shli %get3A_940, %shift_left3A_952 : vector<16xi32>
      %shift_left3A_954 = arith.constant 9 : i32
      %shift_left3A_955 = vector.broadcast %shift_left3A_954 : i32 to vector<16xi32>
      %shift_left3A_956 = arith.shli %shift_right_arithmetic3A_951, %shift_left3A_955 : vector<16xi32>
      %add3A_957 = arith.addi %shift_left3A_953, %shift_left3A_956 : vector<16xi32>
      %mul3A_958 = arith.constant 100 : i32
      %mul3A_959 = vector.broadcast %mul3A_958 : i32 to vector<16xi32>
      %mul3A_960 = arith.muli %shift_right_arithmetic3A_945, %mul3A_959 : vector<16xi32>
      %sub3A = arith.subi %get3A_937, %mul3A_960 : vector<16xi32>
      %add3A_961 = arith.addi %add3A_957, %sub3A : vector<16xi32>
      %add3A_962 = vector.broadcast %add3A_935 : i32 to vector<16xi32>
      %add3A_963 = arith.addi %add3A_962, %iota3A : vector<16xi32>
      %lt3A = arith.constant 8000 : i32
      %lt3A_964 = vector.broadcast %lt3A : i32 to vector<16xi32>
      %lt3A_965 = arith.cmpi slt, %add3A_963, %lt3A_964 : vector<16xi32>
      %jit3A = arith.constant 0 : i32
      %broadcast_in_dim3A = vector.broadcast %jit3A : i32 to vector<16xi32>
      %select_n3A = arith.select %lt3A_965, %add3A_961, %broadcast_in_dim3A : vector<16xi1>, vector<16xi32>
      %swap3A = arith.index_cast %add3A_935 : i32 to index
      %swap3A_966 = tpu.vector_load %arg8[%swap3A] {strides = array<i32>} : memref<8064xi32, #tpu.memory_space<vmem>>, vector<16xi32>,
      %swap3A_967 = vector.shape_cast %swap3A_966 : vector<16xi32> to vector<16xi32>
      %swap3A_968 = vector.shape_cast %select_n3A : vector<16xi32> to vector<16xi32>
      tpu.vector_store %arg8[%swap3A], %swap3A_968 {strides = array<i32>} : memref<8064xi32, #tpu.memory_space<vmem>>, vector<16xi32>,
      %mul3A_969 = arith.constant 128 : i32
      %mul3A_970 = arith.muli %add3A_931, %mul3A_969 : i32
      %add3A_971 = arith.constant 16 : i32
      %add3A_972 = arith.addi %mul3A_970, %add3A_971 : i32
      %get3A_973 = arith.index_cast %add3A_972 : i32 to index
      %get3A_974 = tpu.vector_load %arg6[%get3A_973] {strides = array<i32>} : memref<8064xi32, #tpu.memory_space<vmem>>, vector<16xi32>,
      %get3A_975 = vector.shape_cast %get3A_974 : vector<16xi32> to vector<16xi32>
      %get3A_976 = arith.index_cast %add3A_972 : i32 to index
      %get3A_977 = tpu.vector_load %arg7[%get3A_976] {strides = array<i32>} : memref<8064xi32, #tpu.memory_space<vmem>>, vector<16xi32>,
      %get3A_978 = vector.shape_cast %get3A_977 : vector<16xi32> to vector<16xi32>
      %mul3A_979 = arith.constant 5243 : i32
      %mul3A_980 = vector.broadcast %mul3A_979 : i32 to vector<16xi32>
      %mul3A_981 = arith.muli %get3A_975, %mul3A_980 : vector<16xi32>
      %shift_right_arithmetic3A_982 = arith.constant 19 : i32
      %shift_right_arithmetic3A_983 = vector.broadcast %shift_right_arithmetic3A_982 : i32 to vector<16xi32>
      %shift_right_arithmetic3A_984 = arith.shrsi %mul3A_981, %shift_right_arithmetic3A_983 : vector<16xi32>
      %mul3A_985 = arith.constant 5243 : i32
      %mul3A_986 = vector.broadcast %mul3A_985 : i32 to vector<16xi32>
      %mul3A_987 = arith.muli %get3A_978, %mul3A_986 : vector<16xi32>
      %shift_right_arithmetic3A_988 = arith.constant 19 : i32
      %shift_right_arithmetic3A_989 = vector.broadcast %shift_right_arithmetic3A_988 : i32 to vector<16xi32>
      %shift_right_arithmetic3A_990 = arith.shrsi %mul3A_987, %shift_right_arithmetic3A_989 : vector<16xi32>
      %shift_left3A_991 = arith.constant 7 : i32
      %shift_left3A_992 = vector.broadcast %shift_left3A_991 : i32 to vector<16xi32>
      %shift_left3A_993 = arith.shli %get3A_978, %shift_left3A_992 : vector<16xi32>
      %shift_left3A_994 = arith.constant 9 : i32
      %shift_left3A_995 = vector.broadcast %shift_left3A_994 : i32 to vector<16xi32>
      %shift_left3A_996 = arith.shli %shift_right_arithmetic3A_990, %shift_left3A_995 : vector<16xi32>
      %add3A_997 = arith.addi %shift_left3A_993, %shift_left3A_996 : vector<16xi32>
      %mul3A_998 = arith.constant 100 : i32
      %mul3A_999 = vector.broadcast %mul3A_998 : i32 to vector<16xi32>
      %mul3A_1000 = arith.muli %shift_right_arithmetic3A_984, %mul3A_999 : vector<16xi32>
      %sub3A_1001 = arith.subi %get3A_975, %mul3A_1000 : vector<16xi32>
      %add3A_1002 = arith.addi %add3A_997, %sub3A_1001 : vector<16xi32>
      %add3A_1003 = vector.broadcast %add3A_972 : i32 to vector<16xi32>
      %add3A_1004 = arith.addi %add3A_1003, %iota3A : vector<16xi32>
      %lt3A_1005 = arith.constant 8000 : i32
      %lt3A_1006 = vector.broadcast %lt3A_1005 : i32 to vector<16xi32>
      %lt3A_1007 = arith.cmpi slt, %add3A_1004, %lt3A_1006 : vector<16xi32>
      %jit3A_1008 = arith.constant 0 : i32
      %broadcast_in_dim3A_1009 = vector.broadcast %jit3A_1008 : i32 to vector<16xi32>
      %select_n3A_1010 = arith.select %lt3A_1007, %add3A_1002, %broadcast_in_dim3A_1009 : vector<16xi1>, vector<16xi32>
      %swap3A_1011 = arith.index_cast %add3A_972 : i32 to index
      %swap3A_1012 = tpu.vector_load %arg8[%swap3A_1011] {strides = array<i32>} : memref<8064xi32, #tpu.memory_space<vmem>>, vector<16xi32>,
      %swap3A_1013 = vector.shape_cast %swap3A_1012 : vector<16xi32> to vector<16xi32>
      %swap3A_1014 = vector.shape_cast %select_n3A_1010 : vector<16xi32> to vector<16xi32>
      tpu.vector_store %arg8[%swap3A_1011], %swap3A_1014 {strides = array<i32>} : memref<8064xi32, #tpu.memory_space<vmem>>, vector<16xi32>,
      %mul3A_1015 = arith.constant 128 : i32
      %mul3A_1016 = arith.muli %add3A_931, %mul3A_1015 : i32
      %add3A_1017 = arith.constant 32 : i32
      %add3A_1018 = arith.addi %mul3A_1016, %add3A_1017 : i32
      %get3A_1019 = arith.index_cast %add3A_1018 : i32 to index
      %get3A_1020 = tpu.vector_load %arg6[%get3A_1019] {strides = array<i32>} : memref<8064xi32, #tpu.memory_space<vmem>>, vector<16xi32>,
      %get3A_1021 = vector.shape_cast %get3A_1020 : vector<16xi32> to vector<16xi32>
      %get3A_1022 = arith.index_cast %add3A_1018 : i32 to index
      %get3A_1023 = tpu.vector_load %arg7[%get3A_1022] {strides = array<i32>} : memref<8064xi32, #tpu.memory_space<vmem>>, vector<16xi32>,
      %get3A_1024 = vector.shape_cast %get3A_1023 : vector<16xi32> to vector<16xi32>
      %mul3A_1025 = arith.constant 5243 : i32
      %mul3A_1026 = vector.broadcast %mul3A_1025 : i32 to vector<16xi32>
      %mul3A_1027 = arith.muli %get3A_1021, %mul3A_1026 : vector<16xi32>
      %shift_right_arithmetic3A_1028 = arith.constant 19 : i32
      %shift_right_arithmetic3A_1029 = vector.broadcast %shift_right_arithmetic3A_1028 : i32 to vector<16xi32>
      %shift_right_arithmetic3A_1030 = arith.shrsi %mul3A_1027, %shift_right_arithmetic3A_1029 : vector<16xi32>
      %mul3A_1031 = arith.constant 5243 : i32
      %mul3A_1032 = vector.broadcast %mul3A_1031 : i32 to vector<16xi32>
      %mul3A_1033 = arith.muli %get3A_1024, %mul3A_1032 : vector<16xi32>
      %shift_right_arithmetic3A_1034 = arith.constant 19 : i32
      %shift_right_arithmetic3A_1035 = vector.broadcast %shift_right_arithmetic3A_1034 : i32 to vector<16xi32>
      %shift_right_arithmetic3A_1036 = arith.shrsi %mul3A_1033, %shift_right_arithmetic3A_1035 : vector<16xi32>
      %shift_left3A_1037 = arith.constant 7 : i32
      %shift_left3A_1038 = vector.broadcast %shift_left3A_1037 : i32 to vector<16xi32>
      %shift_left3A_1039 = arith.shli %get3A_1024, %shift_left3A_1038 : vector<16xi32>
      %shift_left3A_1040 = arith.constant 9 : i32
      %shift_left3A_1041 = vector.broadcast %shift_left3A_1040 : i32 to vector<16xi32>
      %shift_left3A_1042 = arith.shli %shift_right_arithmetic3A_1036, %shift_left3A_1041 : vector<16xi32>
      %add3A_1043 = arith.addi %shift_left3A_1039, %shift_left3A_1042 : vector<16xi32>
      %mul3A_1044 = arith.constant 100 : i32
      %mul3A_1045 = vector.broadcast %mul3A_1044 : i32 to vector<16xi32>
      %mul3A_1046 = arith.muli %shift_right_arithmetic3A_1030, %mul3A_1045 : vector<16xi32>
      %sub3A_1047 = arith.subi %get3A_1021, %mul3A_1046 : vector<16xi32>
      %add3A_1048 = arith.addi %add3A_1043, %sub3A_1047 : vector<16xi32>
      %add3A_1049 = vector.broadcast %add3A_1018 : i32 to vector<16xi32>
      %add3A_1050 = arith.addi %add3A_1049, %iota3A : vector<16xi32>
      %lt3A_1051 = arith.constant 8000 : i32
      %lt3A_1052 = vector.broadcast %lt3A_1051 : i32 to vector<16xi32>
      %lt3A_1053 = arith.cmpi slt, %add3A_1050, %lt3A_1052 : vector<16xi32>
      %jit3A_1054 = arith.constant 0 : i32
      %broadcast_in_dim3A_1055 = vector.broadcast %jit3A_1054 : i32 to vector<16xi32>
      %select_n3A_1056 = arith.select %lt3A_1053, %add3A_1048, %broadcast_in_dim3A_1055 : vector<16xi1>, vector<16xi32>
      %swap3A_1057 = arith.index_cast %add3A_1018 : i32 to index
      %swap3A_1058 = tpu.vector_load %arg8[%swap3A_1057] {strides = array<i32>} : memref<8064xi32, #tpu.memory_space<vmem>>, vector<16xi32>,
      %swap3A_1059 = vector.shape_cast %swap3A_1058 : vector<16xi32> to vector<16xi32>
      %swap3A_1060 = vector.shape_cast %select_n3A_1056 : vector<16xi32> to vector<16xi32>
      tpu.vector_store %arg8[%swap3A_1057], %swap3A_1060 {strides = array<i32>} : memref<8064xi32, #tpu.memory_space<vmem>>, vector<16xi32>,
      %mul3A_1061 = arith.constant 128 : i32
      %mul3A_1062 = arith.muli %add3A_931, %mul3A_1061 : i32
      %add3A_1063 = arith.constant 48 : i32
      %add3A_1064 = arith.addi %mul3A_1062, %add3A_1063 : i32
      %get3A_1065 = arith.index_cast %add3A_1064 : i32 to index
      %get3A_1066 = tpu.vector_load %arg6[%get3A_1065] {strides = array<i32>} : memref<8064xi32, #tpu.memory_space<vmem>>, vector<16xi32>,
      %get3A_1067 = vector.shape_cast %get3A_1066 : vector<16xi32> to vector<16xi32>
      %get3A_1068 = arith.index_cast %add3A_1064 : i32 to index
      %get3A_1069 = tpu.vector_load %arg7[%get3A_1068] {strides = array<i32>} : memref<8064xi32, #tpu.memory_space<vmem>>, vector<16xi32>,
      %get3A_1070 = vector.shape_cast %get3A_1069 : vector<16xi32> to vector<16xi32>
      %mul3A_1071 = arith.constant 5243 : i32
      %mul3A_1072 = vector.broadcast %mul3A_1071 : i32 to vector<16xi32>
      %mul3A_1073 = arith.muli %get3A_1067, %mul3A_1072 : vector<16xi32>
      %shift_right_arithmetic3A_1074 = arith.constant 19 : i32
      %shift_right_arithmetic3A_1075 = vector.broadcast %shift_right_arithmetic3A_1074 : i32 to vector<16xi32>
      %shift_right_arithmetic3A_1076 = arith.shrsi %mul3A_1073, %shift_right_arithmetic3A_1075 : vector<16xi32>
      %mul3A_1077 = arith.constant 5243 : i32
      %mul3A_1078 = vector.broadcast %mul3A_1077 : i32 to vector<16xi32>
      %mul3A_1079 = arith.muli %get3A_1070, %mul3A_1078 : vector<16xi32>
      %shift_right_arithmetic3A_1080 = arith.constant 19 : i32
      %shift_right_arithmetic3A_1081 = vector.broadcast %shift_right_arithmetic3A_1080 : i32 to vector<16xi32>
      %shift_right_arithmetic3A_1082 = arith.shrsi %mul3A_1079, %shift_right_arithmetic3A_1081 : vector<16xi32>
      %shift_left3A_1083 = arith.constant 7 : i32
      %shift_left3A_1084 = vector.broadcast %shift_left3A_1083 : i32 to vector<16xi32>
      %shift_left3A_1085 = arith.shli %get3A_1070, %shift_left3A_1084 : vector<16xi32>
      %shift_left3A_1086 = arith.constant 9 : i32
      %shift_left3A_1087 = vector.broadcast %shift_left3A_1086 : i32 to vector<16xi32>
      %shift_left3A_1088 = arith.shli %shift_right_arithmetic3A_1082, %shift_left3A_1087 : vector<16xi32>
      %add3A_1089 = arith.addi %shift_left3A_1085, %shift_left3A_1088 : vector<16xi32>
      %mul3A_1090 = arith.constant 100 : i32
      %mul3A_1091 = vector.broadcast %mul3A_1090 : i32 to vector<16xi32>
      %mul3A_1092 = arith.muli %shift_right_arithmetic3A_1076, %mul3A_1091 : vector<16xi32>
      %sub3A_1093 = arith.subi %get3A_1067, %mul3A_1092 : vector<16xi32>
      %add3A_1094 = arith.addi %add3A_1089, %sub3A_1093 : vector<16xi32>
      %add3A_1095 = vector.broadcast %add3A_1064 : i32 to vector<16xi32>
      %add3A_1096 = arith.addi %add3A_1095, %iota3A : vector<16xi32>
      %lt3A_1097 = arith.constant 8000 : i32
      %lt3A_1098 = vector.broadcast %lt3A_1097 : i32 to vector<16xi32>
      %lt3A_1099 = arith.cmpi slt, %add3A_1096, %lt3A_1098 : vector<16xi32>
      %jit3A_1100 = arith.constant 0 : i32
      %broadcast_in_dim3A_1101 = vector.broadcast %jit3A_1100 : i32 to vector<16xi32>
      %select_n3A_1102 = arith.select %lt3A_1099, %add3A_1094, %broadcast_in_dim3A_1101 : vector<16xi1>, vector<16xi32>
      %swap3A_1103 = arith.index_cast %add3A_1064 : i32 to index
      %swap3A_1104 = tpu.vector_load %arg8[%swap3A_1103] {strides = array<i32>} : memref<8064xi32, #tpu.memory_space<vmem>>, vector<16xi32>,
      %swap3A_1105 = vector.shape_cast %swap3A_1104 : vector<16xi32> to vector<16xi32>
      %swap3A_1106 = vector.shape_cast %select_n3A_1102 : vector<16xi32> to vector<16xi32>
      tpu.vector_store %arg8[%swap3A_1103], %swap3A_1106 {strides = array<i32>} : memref<8064xi32, #tpu.memory_space<vmem>>, vector<16xi32>,
      %mul3A_1107 = arith.constant 128 : i32
      %mul3A_1108 = arith.muli %add3A_931, %mul3A_1107 : i32
      %add3A_1109 = arith.constant 64 : i32
      %add3A_1110 = arith.addi %mul3A_1108, %add3A_1109 : i32
      %get3A_1111 = arith.index_cast %add3A_1110 : i32 to index
      %get3A_1112 = tpu.vector_load %arg6[%get3A_1111] {strides = array<i32>} : memref<8064xi32, #tpu.memory_space<vmem>>, vector<16xi32>,
      %get3A_1113 = vector.shape_cast %get3A_1112 : vector<16xi32> to vector<16xi32>
      %get3A_1114 = arith.index_cast %add3A_1110 : i32 to index
      %get3A_1115 = tpu.vector_load %arg7[%get3A_1114] {strides = array<i32>} : memref<8064xi32, #tpu.memory_space<vmem>>, vector<16xi32>,
      %get3A_1116 = vector.shape_cast %get3A_1115 : vector<16xi32> to vector<16xi32>
      %mul3A_1117 = arith.constant 5243 : i32
      %mul3A_1118 = vector.broadcast %mul3A_1117 : i32 to vector<16xi32>
      %mul3A_1119 = arith.muli %get3A_1113, %mul3A_1118 : vector<16xi32>
      %shift_right_arithmetic3A_1120 = arith.constant 19 : i32
      %shift_right_arithmetic3A_1121 = vector.broadcast %shift_right_arithmetic3A_1120 : i32 to vector<16xi32>
      %shift_right_arithmetic3A_1122 = arith.shrsi %mul3A_1119, %shift_right_arithmetic3A_1121 : vector<16xi32>
      %mul3A_1123 = arith.constant 5243 : i32
      %mul3A_1124 = vector.broadcast %mul3A_1123 : i32 to vector<16xi32>
      %mul3A_1125 = arith.muli %get3A_1116, %mul3A_1124 : vector<16xi32>
      %shift_right_arithmetic3A_1126 = arith.constant 19 : i32
      %shift_right_arithmetic3A_1127 = vector.broadcast %shift_right_arithmetic3A_1126 : i32 to vector<16xi32>
      %shift_right_arithmetic3A_1128 = arith.shrsi %mul3A_1125, %shift_right_arithmetic3A_1127 : vector<16xi32>
      %shift_left3A_1129 = arith.constant 7 : i32
      %shift_left3A_1130 = vector.broadcast %shift_left3A_1129 : i32 to vector<16xi32>
      %shift_left3A_1131 = arith.shli %get3A_1116, %shift_left3A_1130 : vector<16xi32>
      %shift_left3A_1132 = arith.constant 9 : i32
      %shift_left3A_1133 = vector.broadcast %shift_left3A_1132 : i32 to vector<16xi32>
      %shift_left3A_1134 = arith.shli %shift_right_arithmetic3A_1128, %shift_left3A_1133 : vector<16xi32>
      %add3A_1135 = arith.addi %shift_left3A_1131, %shift_left3A_1134 : vector<16xi32>
      %mul3A_1136 = arith.constant 100 : i32
      %mul3A_1137 = vector.broadcast %mul3A_1136 : i32 to vector<16xi32>
      %mul3A_1138 = arith.muli %shift_right_arithmetic3A_1122, %mul3A_1137 : vector<16xi32>
      %sub3A_1139 = arith.subi %get3A_1113, %mul3A_1138 : vector<16xi32>
      %add3A_1140 = arith.addi %add3A_1135, %sub3A_1139 : vector<16xi32>
      %add3A_1141 = vector.broadcast %add3A_1110 : i32 to vector<16xi32>
      %add3A_1142 = arith.addi %add3A_1141, %iota3A : vector<16xi32>
      %lt3A_1143 = arith.constant 8000 : i32
      %lt3A_1144 = vector.broadcast %lt3A_1143 : i32 to vector<16xi32>
      %lt3A_1145 = arith.cmpi slt, %add3A_1142, %lt3A_1144 : vector<16xi32>
      %jit3A_1146 = arith.constant 0 : i32
      %broadcast_in_dim3A_1147 = vector.broadcast %jit3A_1146 : i32 to vector<16xi32>
      %select_n3A_1148 = arith.select %lt3A_1145, %add3A_1140, %broadcast_in_dim3A_1147 : vector<16xi1>, vector<16xi32>
      %swap3A_1149 = arith.index_cast %add3A_1110 : i32 to index
      %swap3A_1150 = tpu.vector_load %arg8[%swap3A_1149] {strides = array<i32>} : memref<8064xi32, #tpu.memory_space<vmem>>, vector<16xi32>,
      %swap3A_1151 = vector.shape_cast %swap3A_1150 : vector<16xi32> to vector<16xi32>
      %swap3A_1152 = vector.shape_cast %select_n3A_1148 : vector<16xi32> to vector<16xi32>
      tpu.vector_store %arg8[%swap3A_1149], %swap3A_1152 {strides = array<i32>} : memref<8064xi32, #tpu.memory_space<vmem>>, vector<16xi32>,
      %mul3A_1153 = arith.constant 128 : i32
      %mul3A_1154 = arith.muli %add3A_931, %mul3A_1153 : i32
      %add3A_1155 = arith.constant 80 : i32
      %add3A_1156 = arith.addi %mul3A_1154, %add3A_1155 : i32
      %get3A_1157 = arith.index_cast %add3A_1156 : i32 to index
      %get3A_1158 = tpu.vector_load %arg6[%get3A_1157] {strides = array<i32>} : memref<8064xi32, #tpu.memory_space<vmem>>, vector<16xi32>,
      %get3A_1159 = vector.shape_cast %get3A_1158 : vector<16xi32> to vector<16xi32>
      %get3A_1160 = arith.index_cast %add3A_1156 : i32 to index
      %get3A_1161 = tpu.vector_load %arg7[%get3A_1160] {strides = array<i32>} : memref<8064xi32, #tpu.memory_space<vmem>>, vector<16xi32>,
      %get3A_1162 = vector.shape_cast %get3A_1161 : vector<16xi32> to vector<16xi32>
      %mul3A_1163 = arith.constant 5243 : i32
      %mul3A_1164 = vector.broadcast %mul3A_1163 : i32 to vector<16xi32>
      %mul3A_1165 = arith.muli %get3A_1159, %mul3A_1164 : vector<16xi32>
      %shift_right_arithmetic3A_1166 = arith.constant 19 : i32
      %shift_right_arithmetic3A_1167 = vector.broadcast %shift_right_arithmetic3A_1166 : i32 to vector<16xi32>
      %shift_right_arithmetic3A_1168 = arith.shrsi %mul3A_1165, %shift_right_arithmetic3A_1167 : vector<16xi32>
      %mul3A_1169 = arith.constant 5243 : i32
      %mul3A_1170 = vector.broadcast %mul3A_1169 : i32 to vector<16xi32>
      %mul3A_1171 = arith.muli %get3A_1162, %mul3A_1170 : vector<16xi32>
      %shift_right_arithmetic3A_1172 = arith.constant 19 : i32
      %shift_right_arithmetic3A_1173 = vector.broadcast %shift_right_arithmetic3A_1172 : i32 to vector<16xi32>
      %shift_right_arithmetic3A_1174 = arith.shrsi %mul3A_1171, %shift_right_arithmetic3A_1173 : vector<16xi32>
      %shift_left3A_1175 = arith.constant 7 : i32
      %shift_left3A_1176 = vector.broadcast %shift_left3A_1175 : i32 to vector<16xi32>
      %shift_left3A_1177 = arith.shli %get3A_1162, %shift_left3A_1176 : vector<16xi32>
      %shift_left3A_1178 = arith.constant 9 : i32
      %shift_left3A_1179 = vector.broadcast %shift_left3A_1178 : i32 to vector<16xi32>
      %shift_left3A_1180 = arith.shli %shift_right_arithmetic3A_1174, %shift_left3A_1179 : vector<16xi32>
      %add3A_1181 = arith.addi %shift_left3A_1177, %shift_left3A_1180 : vector<16xi32>
      %mul3A_1182 = arith.constant 100 : i32
      %mul3A_1183 = vector.broadcast %mul3A_1182 : i32 to vector<16xi32>
      %mul3A_1184 = arith.muli %shift_right_arithmetic3A_1168, %mul3A_1183 : vector<16xi32>
      %sub3A_1185 = arith.subi %get3A_1159, %mul3A_1184 : vector<16xi32>
      %add3A_1186 = arith.addi %add3A_1181, %sub3A_1185 : vector<16xi32>
      %add3A_1187 = vector.broadcast %add3A_1156 : i32 to vector<16xi32>
      %add3A_1188 = arith.addi %add3A_1187, %iota3A : vector<16xi32>
      %lt3A_1189 = arith.constant 8000 : i32
      %lt3A_1190 = vector.broadcast %lt3A_1189 : i32 to vector<16xi32>
      %lt3A_1191 = arith.cmpi slt, %add3A_1188, %lt3A_1190 : vector<16xi32>
      %jit3A_1192 = arith.constant 0 : i32
      %broadcast_in_dim3A_1193 = vector.broadcast %jit3A_1192 : i32 to vector<16xi32>
      %select_n3A_1194 = arith.select %lt3A_1191, %add3A_1186, %broadcast_in_dim3A_1193 : vector<16xi1>, vector<16xi32>
      %swap3A_1195 = arith.index_cast %add3A_1156 : i32 to index
      %swap3A_1196 = tpu.vector_load %arg8[%swap3A_1195] {strides = array<i32>} : memref<8064xi32, #tpu.memory_space<vmem>>, vector<16xi32>,
      %swap3A_1197 = vector.shape_cast %swap3A_1196 : vector<16xi32> to vector<16xi32>
      %swap3A_1198 = vector.shape_cast %select_n3A_1194 : vector<16xi32> to vector<16xi32>
      tpu.vector_store %arg8[%swap3A_1195], %swap3A_1198 {strides = array<i32>} : memref<8064xi32, #tpu.memory_space<vmem>>, vector<16xi32>,
      %mul3A_1199 = arith.constant 128 : i32
      %mul3A_1200 = arith.muli %add3A_931, %mul3A_1199 : i32
      %add3A_1201 = arith.constant 96 : i32
      %add3A_1202 = arith.addi %mul3A_1200, %add3A_1201 : i32
      %get3A_1203 = arith.index_cast %add3A_1202 : i32 to index
      %get3A_1204 = tpu.vector_load %arg6[%get3A_1203] {strides = array<i32>} : memref<8064xi32, #tpu.memory_space<vmem>>, vector<16xi32>,
      %get3A_1205 = vector.shape_cast %get3A_1204 : vector<16xi32> to vector<16xi32>
      %get3A_1206 = arith.index_cast %add3A_1202 : i32 to index
      %get3A_1207 = tpu.vector_load %arg7[%get3A_1206] {strides = array<i32>} : memref<8064xi32, #tpu.memory_space<vmem>>, vector<16xi32>,
      %get3A_1208 = vector.shape_cast %get3A_1207 : vector<16xi32> to vector<16xi32>
      %mul3A_1209 = arith.constant 5243 : i32
      %mul3A_1210 = vector.broadcast %mul3A_1209 : i32 to vector<16xi32>
      %mul3A_1211 = arith.muli %get3A_1205, %mul3A_1210 : vector<16xi32>
      %shift_right_arithmetic3A_1212 = arith.constant 19 : i32
      %shift_right_arithmetic3A_1213 = vector.broadcast %shift_right_arithmetic3A_1212 : i32 to vector<16xi32>
      %shift_right_arithmetic3A_1214 = arith.shrsi %mul3A_1211, %shift_right_arithmetic3A_1213 : vector<16xi32>
      %mul3A_1215 = arith.constant 5243 : i32
      %mul3A_1216 = vector.broadcast %mul3A_1215 : i32 to vector<16xi32>
      %mul3A_1217 = arith.muli %get3A_1208, %mul3A_1216 : vector<16xi32>
      %shift_right_arithmetic3A_1218 = arith.constant 19 : i32
      %shift_right_arithmetic3A_1219 = vector.broadcast %shift_right_arithmetic3A_1218 : i32 to vector<16xi32>
      %shift_right_arithmetic3A_1220 = arith.shrsi %mul3A_1217, %shift_right_arithmetic3A_1219 : vector<16xi32>
      %shift_left3A_1221 = arith.constant 7 : i32
      %shift_left3A_1222 = vector.broadcast %shift_left3A_1221 : i32 to vector<16xi32>
      %shift_left3A_1223 = arith.shli %get3A_1208, %shift_left3A_1222 : vector<16xi32>
      %shift_left3A_1224 = arith.constant 9 : i32
      %shift_left3A_1225 = vector.broadcast %shift_left3A_1224 : i32 to vector<16xi32>
      %shift_left3A_1226 = arith.shli %shift_right_arithmetic3A_1220, %shift_left3A_1225 : vector<16xi32>
      %add3A_1227 = arith.addi %shift_left3A_1223, %shift_left3A_1226 : vector<16xi32>
      %mul3A_1228 = arith.constant 100 : i32
      %mul3A_1229 = vector.broadcast %mul3A_1228 : i32 to vector<16xi32>
      %mul3A_1230 = arith.muli %shift_right_arithmetic3A_1214, %mul3A_1229 : vector<16xi32>
      %sub3A_1231 = arith.subi %get3A_1205, %mul3A_1230 : vector<16xi32>
      %add3A_1232 = arith.addi %add3A_1227, %sub3A_1231 : vector<16xi32>
      %add3A_1233 = vector.broadcast %add3A_1202 : i32 to vector<16xi32>
      %add3A_1234 = arith.addi %add3A_1233, %iota3A : vector<16xi32>
      %lt3A_1235 = arith.constant 8000 : i32
      %lt3A_1236 = vector.broadcast %lt3A_1235 : i32 to vector<16xi32>
      %lt3A_1237 = arith.cmpi slt, %add3A_1234, %lt3A_1236 : vector<16xi32>
      %jit3A_1238 = arith.constant 0 : i32
      %broadcast_in_dim3A_1239 = vector.broadcast %jit3A_1238 : i32 to vector<16xi32>
      %select_n3A_1240 = arith.select %lt3A_1237, %add3A_1232, %broadcast_in_dim3A_1239 : vector<16xi1>, vector<16xi32>
      %swap3A_1241 = arith.index_cast %add3A_1202 : i32 to index
      %swap3A_1242 = tpu.vector_load %arg8[%swap3A_1241] {strides = array<i32>} : memref<8064xi32, #tpu.memory_space<vmem>>, vector<16xi32>,
      %swap3A_1243 = vector.shape_cast %swap3A_1242 : vector<16xi32> to vector<16xi32>
      %swap3A_1244 = vector.shape_cast %select_n3A_1240 : vector<16xi32> to vector<16xi32>
      tpu.vector_store %arg8[%swap3A_1241], %swap3A_1244 {strides = array<i32>} : memref<8064xi32, #tpu.memory_space<vmem>>, vector<16xi32>,
      %mul3A_1245 = arith.constant 128 : i32
      %mul3A_1246 = arith.muli %add3A_931, %mul3A_1245 : i32
      %add3A_1247 = arith.constant 112 : i32
      %add3A_1248 = arith.addi %mul3A_1246, %add3A_1247 : i32
      %get3A_1249 = arith.index_cast %add3A_1248 : i32 to index
      %get3A_1250 = tpu.vector_load %arg6[%get3A_1249] {strides = array<i32>} : memref<8064xi32, #tpu.memory_space<vmem>>, vector<16xi32>,
      %get3A_1251 = vector.shape_cast %get3A_1250 : vector<16xi32> to vector<16xi32>
      %get3A_1252 = arith.index_cast %add3A_1248 : i32 to index
      %get3A_1253 = tpu.vector_load %arg7[%get3A_1252] {strides = array<i32>} : memref<8064xi32, #tpu.memory_space<vmem>>, vector<16xi32>,
      %get3A_1254 = vector.shape_cast %get3A_1253 : vector<16xi32> to vector<16xi32>
      %mul3A_1255 = arith.constant 5243 : i32
      %mul3A_1256 = vector.broadcast %mul3A_1255 : i32 to vector<16xi32>
      %mul3A_1257 = arith.muli %get3A_1251, %mul3A_1256 : vector<16xi32>
      %shift_right_arithmetic3A_1258 = arith.constant 19 : i32
      %shift_right_arithmetic3A_1259 = vector.broadcast %shift_right_arithmetic3A_1258 : i32 to vector<16xi32>
      %shift_right_arithmetic3A_1260 = arith.shrsi %mul3A_1257, %shift_right_arithmetic3A_1259 : vector<16xi32>
      %mul3A_1261 = arith.constant 5243 : i32
      %mul3A_1262 = vector.broadcast %mul3A_1261 : i32 to vector<16xi32>
      %mul3A_1263 = arith.muli %get3A_1254, %mul3A_1262 : vector<16xi32>
      %shift_right_arithmetic3A_1264 = arith.constant 19 : i32
      %shift_right_arithmetic3A_1265 = vector.broadcast %shift_right_arithmetic3A_1264 : i32 to vector<16xi32>
      %shift_right_arithmetic3A_1266 = arith.shrsi %mul3A_1263, %shift_right_arithmetic3A_1265 : vector<16xi32>
      %shift_left3A_1267 = arith.constant 7 : i32
      %shift_left3A_1268 = vector.broadcast %shift_left3A_1267 : i32 to vector<16xi32>
      %shift_left3A_1269 = arith.shli %get3A_1254, %shift_left3A_1268 : vector<16xi32>
      %shift_left3A_1270 = arith.constant 9 : i32
      %shift_left3A_1271 = vector.broadcast %shift_left3A_1270 : i32 to vector<16xi32>
      %shift_left3A_1272 = arith.shli %shift_right_arithmetic3A_1266, %shift_left3A_1271 : vector<16xi32>
      %add3A_1273 = arith.addi %shift_left3A_1269, %shift_left3A_1272 : vector<16xi32>
      %mul3A_1274 = arith.constant 100 : i32
      %mul3A_1275 = vector.broadcast %mul3A_1274 : i32 to vector<16xi32>
      %mul3A_1276 = arith.muli %shift_right_arithmetic3A_1260, %mul3A_1275 : vector<16xi32>
      %sub3A_1277 = arith.subi %get3A_1251, %mul3A_1276 : vector<16xi32>
      %add3A_1278 = arith.addi %add3A_1273, %sub3A_1277 : vector<16xi32>
      %add3A_1279 = vector.broadcast %add3A_1248 : i32 to vector<16xi32>
      %add3A_1280 = arith.addi %add3A_1279, %iota3A : vector<16xi32>
      %lt3A_1281 = arith.constant 8000 : i32
      %lt3A_1282 = vector.broadcast %lt3A_1281 : i32 to vector<16xi32>
      %lt3A_1283 = arith.cmpi slt, %add3A_1280, %lt3A_1282 : vector<16xi32>
      %jit3A_1284 = arith.constant 0 : i32
      %broadcast_in_dim3A_1285 = vector.broadcast %jit3A_1284 : i32 to vector<16xi32>
      %select_n3A_1286 = arith.select %lt3A_1283, %add3A_1278, %broadcast_in_dim3A_1285 : vector<16xi1>, vector<16xi32>
      %swap3A_1287 = arith.index_cast %add3A_1248 : i32 to index
      %swap3A_1288 = tpu.vector_load %arg8[%swap3A_1287] {strides = array<i32>} : memref<8064xi32, #tpu.memory_space<vmem>>, vector<16xi32>,
      %swap3A_1289 = vector.shape_cast %swap3A_1288 : vector<16xi32> to vector<16xi32>
      %swap3A_1290 = vector.shape_cast %select_n3A_1286 : vector<16xi32> to vector<16xi32>
      tpu.vector_store %arg8[%swap3A_1287], %swap3A_1290 {strides = array<i32>} : memref<8064xi32, #tpu.memory_space<vmem>>, vector<16xi32>,
    }
    %scan3A_331 = arith.constant 63 : i32
    %dma_start3A_332 = arith.constant 0 : i32
    %dma_start3A_333 = tpu.memref_slice %arg16[%dma_start3A_332] : memref<1000000xf32, #tpu.memory_space<vmem_shared>> -> memref<1000000xf32, #tpu.memory_space<vmem_shared>>
    tpu.enqueue_indirect_dma source(%arg10 : memref<8064xf32, #tpu.memory_space<vmem>>) target(%dma_start3A_333 : memref<1000000xf32, #tpu.memory_space<vmem_shared>>) offsets(%arg8 : memref<8064xi32, #tpu.memory_space<vmem>>) semaphore(%arg13 : memref<!tpu.dma_semaphore, #tpu.memory_space<semaphore_mem>>) {add = true}
    %dma_wait3A_334 = arith.constant 0 : i32
    %dma_wait3A_335 = tpu.memref_slice %arg16[%dma_wait3A_334] : memref<1000000xf32, #tpu.memory_space<vmem_shared>> -> memref<1000000xf32, #tpu.memory_space<vmem_shared>>
    tpu.wait_indirect_dma semaphore(%arg13 : memref<!tpu.dma_semaphore, #tpu.memory_space<semaphore_mem>>) src(%arg10 : memref<8064xf32, #tpu.memory_space<vmem>>) dst(%dma_wait3A_335 : memref<1000000xf32, #tpu.memory_space<vmem_shared>>)
    %dma_wait3A_336 = arith.constant 0 : i32
    %dma_wait3A_337 = tpu.memref_slice %arg16[%dma_wait3A_336] : memref<1000000xf32, #tpu.memory_space<vmem_shared>> -> memref<1000000xf32, #tpu.memory_space<vmem_shared>>
    tpu.wait_indirect_dma semaphore(%arg13 : memref<!tpu.dma_semaphore, #tpu.memory_space<semaphore_mem>>) src(%arg10 : memref<8064xf32, #tpu.memory_space<vmem>>) dst(%dma_wait3A_337 : memref<1000000xf32, #tpu.memory_space<vmem_shared>>)
    %barrier3A_338 = arith.constant 0 : index
    tpu.barrier barrier_id(%barrier3A_338)
    %add3A_339 = arith.constant 0 : i32
    %add3A_340 = arith.addi %multiple_of3A, %add3A_339 : i32
    %dma_start3A_341 = arith.constant 0 : i32
    %dma_start3A_342 = tpu.memref_slice %arg10[%dma_start3A_341] : memref<8064xf32, #tpu.memory_space<vmem>> -> memref<4032xf32, #tpu.memory_space<vmem>>
    %dma_start3A_343 = tpu.memref_slice %arg16[%add3A_340] : memref<1000000xf32, #tpu.memory_space<vmem_shared>> -> memref<4032xf32, #tpu.memory_space<vmem_shared>>
    %dma_start3A_344 = arith.constant 0 : i32
    %dma_start3A_345 = tpu.memref_slice %arg10[%dma_start3A_344] : memref<8064xf32, #tpu.memory_space<vmem>> -> memref<4032xf32, #tpu.memory_space<vmem>>
    %dma_start3A_346 = tpu.memref_slice %arg16[%add3A_340] : memref<1000000xf32, #tpu.memory_space<vmem_shared>> -> memref<4032xf32, #tpu.memory_space<vmem_shared>>
    tpu.enqueue_dma source(%dma_start3A_346 : memref<4032xf32, #tpu.memory_space<vmem_shared>>) target(%dma_start3A_345 : memref<4032xf32, #tpu.memory_space<vmem>>) target_semaphore(%arg14 : memref<!tpu.dma_semaphore, #tpu.memory_space<semaphore_mem>>)
    %dma_wait3A_347 = arith.constant 0 : i32
    %dma_wait3A_348 = tpu.memref_slice %arg10[%dma_wait3A_347] : memref<8064xf32, #tpu.memory_space<vmem>> -> memref<4032xf32, #tpu.memory_space<vmem>>
    %dma_wait3A_349 = tpu.memref_slice %arg16[%add3A_340] : memref<1000000xf32, #tpu.memory_space<vmem_shared>> -> memref<4032xf32, #tpu.memory_space<vmem_shared>>
    %dma_wait3A_350 = arith.constant 0 : i32
    %dma_wait3A_351 = tpu.memref_slice %arg10[%dma_wait3A_350] : memref<8064xf32, #tpu.memory_space<vmem>> -> memref<4032xf32, #tpu.memory_space<vmem>>
    %dma_wait3A_352 = tpu.memref_slice %arg16[%add3A_340] : memref<1000000xf32, #tpu.memory_space<vmem_shared>> -> memref<4032xf32, #tpu.memory_space<vmem_shared>>
    tpu.wait_dma2 semaphore(%arg14 : memref<!tpu.dma_semaphore, #tpu.memory_space<semaphore_mem>>) src(%dma_wait3A_352 : memref<4032xf32, #tpu.memory_space<vmem_shared>>) dst(%dma_wait3A_351 : memref<4032xf32, #tpu.memory_space<vmem>>)
    %add3A_353 = arith.constant 0 : i32
    %add3A_354 = arith.addi %multiple_of3A, %add3A_353 : i32
    %dma_start3A_355 = arith.constant 0 : i32
    %dma_start3A_356 = tpu.memref_slice %arg10[%dma_start3A_355] : memref<8064xf32, #tpu.memory_space<vmem>> -> memref<4032xf32, #tpu.memory_space<vmem>>
    %dma_start3A_357 = tpu.memref_slice %arg5[%add3A_354] : memref<1331200xf32, #tpu.memory_space<hbm>> -> memref<4032xf32, #tpu.memory_space<hbm>>
    %dma_start3A_358 = tpu.memref_slice %arg5[%add3A_354] : memref<1331200xf32, #tpu.memory_space<hbm>> -> memref<4032xf32, #tpu.memory_space<hbm>>
    %dma_start3A_359 = arith.constant 0 : i32
    %dma_start3A_360 = tpu.memref_slice %arg10[%dma_start3A_359] : memref<8064xf32, #tpu.memory_space<vmem>> -> memref<4032xf32, #tpu.memory_space<vmem>>
    tpu.enqueue_dma source(%dma_start3A_360 : memref<4032xf32, #tpu.memory_space<vmem>>) target(%dma_start3A_358 : memref<4032xf32, #tpu.memory_space<hbm>>) target_semaphore(%arg15 : memref<!tpu.dma_semaphore, #tpu.memory_space<semaphore_mem>>)
    %add3A_361 = arith.constant 4032 : i32
    %add3A_362 = arith.addi %multiple_of3A, %add3A_361 : i32
    %dma_start3A_363 = arith.constant 4032 : i32
    %dma_start3A_364 = tpu.memref_slice %arg10[%dma_start3A_363] : memref<8064xf32, #tpu.memory_space<vmem>> -> memref<4032xf32, #tpu.memory_space<vmem>>
    %dma_start3A_365 = tpu.memref_slice %arg16[%add3A_362] : memref<1000000xf32, #tpu.memory_space<vmem_shared>> -> memref<4032xf32, #tpu.memory_space<vmem_shared>>
    %dma_start3A_366 = arith.constant 4032 : i32
    %dma_start3A_367 = tpu.memref_slice %arg10[%dma_start3A_366] : memref<8064xf32, #tpu.memory_space<vmem>> -> memref<4032xf32, #tpu.memory_space<vmem>>
    %dma_start3A_368 = tpu.memref_slice %arg16[%add3A_362] : memref<1000000xf32, #tpu.memory_space<vmem_shared>> -> memref<4032xf32, #tpu.memory_space<vmem_shared>>
    tpu.enqueue_dma source(%dma_start3A_368 : memref<4032xf32, #tpu.memory_space<vmem_shared>>) target(%dma_start3A_367 : memref<4032xf32, #tpu.memory_space<vmem>>) target_semaphore(%arg14 : memref<!tpu.dma_semaphore, #tpu.memory_space<semaphore_mem>>)
    %dma_wait3A_369 = arith.constant 4032 : i32
    %dma_wait3A_370 = tpu.memref_slice %arg10[%dma_wait3A_369] : memref<8064xf32, #tpu.memory_space<vmem>> -> memref<4032xf32, #tpu.memory_space<vmem>>
    %dma_wait3A_371 = tpu.memref_slice %arg16[%add3A_362] : memref<1000000xf32, #tpu.memory_space<vmem_shared>> -> memref<4032xf32, #tpu.memory_space<vmem_shared>>
    %dma_wait3A_372 = arith.constant 4032 : i32
    %dma_wait3A_373 = tpu.memref_slice %arg10[%dma_wait3A_372] : memref<8064xf32, #tpu.memory_space<vmem>> -> memref<4032xf32, #tpu.memory_space<vmem>>
    %dma_wait3A_374 = tpu.memref_slice %arg16[%add3A_362] : memref<1000000xf32, #tpu.memory_space<vmem_shared>> -> memref<4032xf32, #tpu.memory_space<vmem_shared>>
    tpu.wait_dma2 semaphore(%arg14 : memref<!tpu.dma_semaphore, #tpu.memory_space<semaphore_mem>>) src(%dma_wait3A_374 : memref<4032xf32, #tpu.memory_space<vmem_shared>>) dst(%dma_wait3A_373 : memref<4032xf32, #tpu.memory_space<vmem>>)
    %add3A_375 = arith.constant 4032 : i32
    %add3A_376 = arith.addi %multiple_of3A, %add3A_375 : i32
    %dma_start3A_377 = arith.constant 4032 : i32
    %dma_start3A_378 = tpu.memref_slice %arg10[%dma_start3A_377] : memref<8064xf32, #tpu.memory_space<vmem>> -> memref<4032xf32, #tpu.memory_space<vmem>>
    %dma_start3A_379 = tpu.memref_slice %arg5[%add3A_376] : memref<1331200xf32, #tpu.memory_space<hbm>> -> memref<4032xf32, #tpu.memory_space<hbm>>
    %dma_start3A_380 = tpu.memref_slice %arg5[%add3A_376] : memref<1331200xf32, #tpu.memory_space<hbm>> -> memref<4032xf32, #tpu.memory_space<hbm>>
    %dma_start3A_381 = arith.constant 4032 : i32
    %dma_start3A_382 = tpu.memref_slice %arg10[%dma_start3A_381] : memref<8064xf32, #tpu.memory_space<vmem>> -> memref<4032xf32, #tpu.memory_space<vmem>>
    tpu.enqueue_dma source(%dma_start3A_382 : memref<4032xf32, #tpu.memory_space<vmem>>) target(%dma_start3A_380 : memref<4032xf32, #tpu.memory_space<hbm>>) target_semaphore(%arg15 : memref<!tpu.dma_semaphore, #tpu.memory_space<semaphore_mem>>)
    %dma_wait3A_383 = arith.constant 0 : i32
    %dma_wait3A_384 = tpu.memref_slice %arg10[%dma_wait3A_383] : memref<8064xf32, #tpu.memory_space<vmem>> -> memref<4032xf32, #tpu.memory_space<vmem>>
    %dma_wait3A_385 = tpu.memref_slice %arg5[%add3A_354] : memref<1331200xf32, #tpu.memory_space<hbm>> -> memref<4032xf32, #tpu.memory_space<hbm>>
    %dma_wait3A_386 = tpu.memref_slice %arg5[%add3A_354] : memref<1331200xf32, #tpu.memory_space<hbm>> -> memref<4032xf32, #tpu.memory_space<hbm>>
    %dma_wait3A_387 = arith.constant 0 : i32
    %dma_wait3A_388 = tpu.memref_slice %arg10[%dma_wait3A_387] : memref<8064xf32, #tpu.memory_space<vmem>> -> memref<4032xf32, #tpu.memory_space<vmem>>
    tpu.wait_dma2 semaphore(%arg15 : memref<!tpu.dma_semaphore, #tpu.memory_space<semaphore_mem>>) src(%dma_wait3A_388 : memref<4032xf32, #tpu.memory_space<vmem>>) dst(%dma_wait3A_386 : memref<4032xf32, #tpu.memory_space<hbm>>)
    %add3A_389 = arith.constant 8064 : i32
    %add3A_390 = arith.addi %multiple_of3A, %add3A_389 : i32
    %dma_start3A_391 = arith.constant 0 : i32
    %dma_start3A_392 = tpu.memref_slice %arg10[%dma_start3A_391] : memref<8064xf32, #tpu.memory_space<vmem>> -> memref<4032xf32, #tpu.memory_space<vmem>>
    %dma_start3A_393 = tpu.memref_slice %arg16[%add3A_390] : memref<1000000xf32, #tpu.memory_space<vmem_shared>> -> memref<4032xf32, #tpu.memory_space<vmem_shared>>
    %dma_start3A_394 = arith.constant 0 : i32
    %dma_start3A_395 = tpu.memref_slice %arg10[%dma_start3A_394] : memref<8064xf32, #tpu.memory_space<vmem>> -> memref<4032xf32, #tpu.memory_space<vmem>>
    %dma_start3A_396 = tpu.memref_slice %arg16[%add3A_390] : memref<1000000xf32, #tpu.memory_space<vmem_shared>> -> memref<4032xf32, #tpu.memory_space<vmem_shared>>
    tpu.enqueue_dma source(%dma_start3A_396 : memref<4032xf32, #tpu.memory_space<vmem_shared>>) target(%dma_start3A_395 : memref<4032xf32, #tpu.memory_space<vmem>>) target_semaphore(%arg14 : memref<!tpu.dma_semaphore, #tpu.memory_space<semaphore_mem>>)
    %dma_wait3A_397 = arith.constant 0 : i32
    %dma_wait3A_398 = tpu.memref_slice %arg10[%dma_wait3A_397] : memref<8064xf32, #tpu.memory_space<vmem>> -> memref<4032xf32, #tpu.memory_space<vmem>>
    %dma_wait3A_399 = tpu.memref_slice %arg16[%add3A_390] : memref<1000000xf32, #tpu.memory_space<vmem_shared>> -> memref<4032xf32, #tpu.memory_space<vmem_shared>>
    %dma_wait3A_400 = arith.constant 0 : i32
    %dma_wait3A_401 = tpu.memref_slice %arg10[%dma_wait3A_400] : memref<8064xf32, #tpu.memory_space<vmem>> -> memref<4032xf32, #tpu.memory_space<vmem>>
    %dma_wait3A_402 = tpu.memref_slice %arg16[%add3A_390] : memref<1000000xf32, #tpu.memory_space<vmem_shared>> -> memref<4032xf32, #tpu.memory_space<vmem_shared>>
    tpu.wait_dma2 semaphore(%arg14 : memref<!tpu.dma_semaphore, #tpu.memory_space<semaphore_mem>>) src(%dma_wait3A_402 : memref<4032xf32, #tpu.memory_space<vmem_shared>>) dst(%dma_wait3A_401 : memref<4032xf32, #tpu.memory_space<vmem>>)
    %add3A_403 = arith.constant 8064 : i32
    %add3A_404 = arith.addi %multiple_of3A, %add3A_403 : i32
    %dma_start3A_405 = arith.constant 0 : i32
    %dma_start3A_406 = tpu.memref_slice %arg10[%dma_start3A_405] : memref<8064xf32, #tpu.memory_space<vmem>> -> memref<4032xf32, #tpu.memory_space<vmem>>
    %dma_start3A_407 = tpu.memref_slice %arg5[%add3A_404] : memref<1331200xf32, #tpu.memory_space<hbm>> -> memref<4032xf32, #tpu.memory_space<hbm>>
    %dma_start3A_408 = tpu.memref_slice %arg5[%add3A_404] : memref<1331200xf32, #tpu.memory_space<hbm>> -> memref<4032xf32, #tpu.memory_space<hbm>>
    %dma_start3A_409 = arith.constant 0 : i32
    %dma_start3A_410 = tpu.memref_slice %arg10[%dma_start3A_409] : memref<8064xf32, #tpu.memory_space<vmem>> -> memref<4032xf32, #tpu.memory_space<vmem>>
    tpu.enqueue_dma source(%dma_start3A_410 : memref<4032xf32, #tpu.memory_space<vmem>>) target(%dma_start3A_408 : memref<4032xf32, #tpu.memory_space<hbm>>) target_semaphore(%arg15 : memref<!tpu.dma_semaphore, #tpu.memory_space<semaphore_mem>>)
    %dma_wait3A_411 = arith.constant 4032 : i32
    %dma_wait3A_412 = tpu.memref_slice %arg10[%dma_wait3A_411] : memref<8064xf32, #tpu.memory_space<vmem>> -> memref<4032xf32, #tpu.memory_space<vmem>>
    %dma_wait3A_413 = tpu.memref_slice %arg5[%add3A_376] : memref<1331200xf32, #tpu.memory_space<hbm>> -> memref<4032xf32, #tpu.memory_space<hbm>>
    %dma_wait3A_414 = tpu.memref_slice %arg5[%add3A_376] : memref<1331200xf32, #tpu.memory_space<hbm>> -> memref<4032xf32, #tpu.memory_space<hbm>>
    %dma_wait3A_415 = arith.constant 4032 : i32
    %dma_wait3A_416 = tpu.memref_slice %arg10[%dma_wait3A_415] : memref<8064xf32, #tpu.memory_space<vmem>> -> memref<4032xf32, #tpu.memory_space<vmem>>
    tpu.wait_dma2 semaphore(%arg15 : memref<!tpu.dma_semaphore, #tpu.memory_space<semaphore_mem>>) src(%dma_wait3A_416 : memref<4032xf32, #tpu.memory_space<vmem>>) dst(%dma_wait3A_414 : memref<4032xf32, #tpu.memory_space<hbm>>)
    %add3A_417 = arith.constant 12096 : i32
    %add3A_418 = arith.addi %multiple_of3A, %add3A_417 : i32
    %dma_start3A_419 = arith.constant 4032 : i32
    %dma_start3A_420 = tpu.memref_slice %arg10[%dma_start3A_419] : memref<8064xf32, #tpu.memory_space<vmem>> -> memref<4032xf32, #tpu.memory_space<vmem>>
    %dma_start3A_421 = tpu.memref_slice %arg16[%add3A_418] : memref<1000000xf32, #tpu.memory_space<vmem_shared>> -> memref<4032xf32, #tpu.memory_space<vmem_shared>>
    %dma_start3A_422 = arith.constant 4032 : i32
    %dma_start3A_423 = tpu.memref_slice %arg10[%dma_start3A_422] : memref<8064xf32, #tpu.memory_space<vmem>> -> memref<4032xf32, #tpu.memory_space<vmem>>
    %dma_start3A_424 = tpu.memref_slice %arg16[%add3A_418] : memref<1000000xf32, #tpu.memory_space<vmem_shared>> -> memref<4032xf32, #tpu.memory_space<vmem_shared>>
    tpu.enqueue_dma source(%dma_start3A_424 : memref<4032xf32, #tpu.memory_space<vmem_shared>>) target(%dma_start3A_423 : memref<4032xf32, #tpu.memory_space<vmem>>) target_semaphore(%arg14 : memref<!tpu.dma_semaphore, #tpu.memory_space<semaphore_mem>>)
    %dma_wait3A_425 = arith.constant 4032 : i32
    %dma_wait3A_426 = tpu.memref_slice %arg10[%dma_wait3A_425] : memref<8064xf32, #tpu.memory_space<vmem>> -> memref<4032xf32, #tpu.memory_space<vmem>>
    %dma_wait3A_427 = tpu.memref_slice %arg16[%add3A_418] : memref<1000000xf32, #tpu.memory_space<vmem_shared>> -> memref<4032xf32, #tpu.memory_space<vmem_shared>>
    %dma_wait3A_428 = arith.constant 4032 : i32
    %dma_wait3A_429 = tpu.memref_slice %arg10[%dma_wait3A_428] : memref<8064xf32, #tpu.memory_space<vmem>> -> memref<4032xf32, #tpu.memory_space<vmem>>
    %dma_wait3A_430 = tpu.memref_slice %arg16[%add3A_418] : memref<1000000xf32, #tpu.memory_space<vmem_shared>> -> memref<4032xf32, #tpu.memory_space<vmem_shared>>
    tpu.wait_dma2 semaphore(%arg14 : memref<!tpu.dma_semaphore, #tpu.memory_space<semaphore_mem>>) src(%dma_wait3A_430 : memref<4032xf32, #tpu.memory_space<vmem_shared>>) dst(%dma_wait3A_429 : memref<4032xf32, #tpu.memory_space<vmem>>)
    %add3A_431 = arith.constant 12096 : i32
    %add3A_432 = arith.addi %multiple_of3A, %add3A_431 : i32
    %dma_start3A_433 = arith.constant 4032 : i32
    %dma_start3A_434 = tpu.memref_slice %arg10[%dma_start3A_433] : memref<8064xf32, #tpu.memory_space<vmem>> -> memref<4032xf32, #tpu.memory_space<vmem>>
    %dma_start3A_435 = tpu.memref_slice %arg5[%add3A_432] : memref<1331200xf32, #tpu.memory_space<hbm>> -> memref<4032xf32, #tpu.memory_space<hbm>>
    %dma_start3A_436 = tpu.memref_slice %arg5[%add3A_432] : memref<1331200xf32, #tpu.memory_space<hbm>> -> memref<4032xf32, #tpu.memory_space<hbm>>
    %dma_start3A_437 = arith.constant 4032 : i32
    %dma_start3A_438 = tpu.memref_slice %arg10[%dma_start3A_437] : memref<8064xf32, #tpu.memory_space<vmem>> -> memref<4032xf32, #tpu.memory_space<vmem>>
    tpu.enqueue_dma source(%dma_start3A_438 : memref<4032xf32, #tpu.memory_space<vmem>>) target(%dma_start3A_436 : memref<4032xf32, #tpu.memory_space<hbm>>) target_semaphore(%arg15 : memref<!tpu.dma_semaphore, #tpu.memory_space<semaphore_mem>>)
    %dma_wait3A_439 = arith.constant 0 : i32
    %dma_wait3A_440 = tpu.memref_slice %arg10[%dma_wait3A_439] : memref<8064xf32, #tpu.memory_space<vmem>> -> memref<4032xf32, #tpu.memory_space<vmem>>
    %dma_wait3A_441 = tpu.memref_slice %arg5[%add3A_404] : memref<1331200xf32, #tpu.memory_space<hbm>> -> memref<4032xf32, #tpu.memory_space<hbm>>
    %dma_wait3A_442 = tpu.memref_slice %arg5[%add3A_404] : memref<1331200xf32, #tpu.memory_space<hbm>> -> memref<4032xf32, #tpu.memory_space<hbm>>
    %dma_wait3A_443 = arith.constant 0 : i32
    %dma_wait3A_444 = tpu.memref_slice %arg10[%dma_wait3A_443] : memref<8064xf32, #tpu.memory_space<vmem>> -> memref<4032xf32, #tpu.memory_space<vmem>>
    tpu.wait_dma2 semaphore(%arg15 : memref<!tpu.dma_semaphore, #tpu.memory_space<semaphore_mem>>) src(%dma_wait3A_444 : memref<4032xf32, #tpu.memory_space<vmem>>) dst(%dma_wait3A_442 : memref<4032xf32, #tpu.memory_space<hbm>>)
    %add3A_445 = arith.constant 16128 : i32
    %add3A_446 = arith.addi %multiple_of3A, %add3A_445 : i32
    %dma_start3A_447 = arith.constant 0 : i32
    %dma_start3A_448 = tpu.memref_slice %arg10[%dma_start3A_447] : memref<8064xf32, #tpu.memory_space<vmem>> -> memref<4032xf32, #tpu.memory_space<vmem>>
    %dma_start3A_449 = tpu.memref_slice %arg16[%add3A_446] : memref<1000000xf32, #tpu.memory_space<vmem_shared>> -> memref<4032xf32, #tpu.memory_space<vmem_shared>>
    %dma_start3A_450 = arith.constant 0 : i32
    %dma_start3A_451 = tpu.memref_slice %arg10[%dma_start3A_450] : memref<8064xf32, #tpu.memory_space<vmem>> -> memref<4032xf32, #tpu.memory_space<vmem>>
    %dma_start3A_452 = tpu.memref_slice %arg16[%add3A_446] : memref<1000000xf32, #tpu.memory_space<vmem_shared>> -> memref<4032xf32, #tpu.memory_space<vmem_shared>>
    tpu.enqueue_dma source(%dma_start3A_452 : memref<4032xf32, #tpu.memory_space<vmem_shared>>) target(%dma_start3A_451 : memref<4032xf32, #tpu.memory_space<vmem>>) target_semaphore(%arg14 : memref<!tpu.dma_semaphore, #tpu.memory_space<semaphore_mem>>)
    %dma_wait3A_453 = arith.constant 0 : i32
    %dma_wait3A_454 = tpu.memref_slice %arg10[%dma_wait3A_453] : memref<8064xf32, #tpu.memory_space<vmem>> -> memref<4032xf32, #tpu.memory_space<vmem>>
    %dma_wait3A_455 = tpu.memref_slice %arg16[%add3A_446] : memref<1000000xf32, #tpu.memory_space<vmem_shared>> -> memref<4032xf32, #tpu.memory_space<vmem_shared>>
    %dma_wait3A_456 = arith.constant 0 : i32
    %dma_wait3A_457 = tpu.memref_slice %arg10[%dma_wait3A_456] : memref<8064xf32, #tpu.memory_space<vmem>> -> memref<4032xf32, #tpu.memory_space<vmem>>
    %dma_wait3A_458 = tpu.memref_slice %arg16[%add3A_446] : memref<1000000xf32, #tpu.memory_space<vmem_shared>> -> memref<4032xf32, #tpu.memory_space<vmem_shared>>
    tpu.wait_dma2 semaphore(%arg14 : memref<!tpu.dma_semaphore, #tpu.memory_space<semaphore_mem>>) src(%dma_wait3A_458 : memref<4032xf32, #tpu.memory_space<vmem_shared>>) dst(%dma_wait3A_457 : memref<4032xf32, #tpu.memory_space<vmem>>)
    %add3A_459 = arith.constant 16128 : i32
    %add3A_460 = arith.addi %multiple_of3A, %add3A_459 : i32
    %dma_start3A_461 = arith.constant 0 : i32
    %dma_start3A_462 = tpu.memref_slice %arg10[%dma_start3A_461] : memref<8064xf32, #tpu.memory_space<vmem>> -> memref<4032xf32, #tpu.memory_space<vmem>>
    %dma_start3A_463 = tpu.memref_slice %arg5[%add3A_460] : memref<1331200xf32, #tpu.memory_space<hbm>> -> memref<4032xf32, #tpu.memory_space<hbm>>
    %dma_start3A_464 = tpu.memref_slice %arg5[%add3A_460] : memref<1331200xf32, #tpu.memory_space<hbm>> -> memref<4032xf32, #tpu.memory_space<hbm>>
    %dma_start3A_465 = arith.constant 0 : i32
    %dma_start3A_466 = tpu.memref_slice %arg10[%dma_start3A_465] : memref<8064xf32, #tpu.memory_space<vmem>> -> memref<4032xf32, #tpu.memory_space<vmem>>
    tpu.enqueue_dma source(%dma_start3A_466 : memref<4032xf32, #tpu.memory_space<vmem>>) target(%dma_start3A_464 : memref<4032xf32, #tpu.memory_space<hbm>>) target_semaphore(%arg15 : memref<!tpu.dma_semaphore, #tpu.memory_space<semaphore_mem>>)
    %dma_wait3A_467 = arith.constant 4032 : i32
    %dma_wait3A_468 = tpu.memref_slice %arg10[%dma_wait3A_467] : memref<8064xf32, #tpu.memory_space<vmem>> -> memref<4032xf32, #tpu.memory_space<vmem>>
    %dma_wait3A_469 = tpu.memref_slice %arg5[%add3A_432] : memref<1331200xf32, #tpu.memory_space<hbm>> -> memref<4032xf32, #tpu.memory_space<hbm>>
    %dma_wait3A_470 = tpu.memref_slice %arg5[%add3A_432] : memref<1331200xf32, #tpu.memory_space<hbm>> -> memref<4032xf32, #tpu.memory_space<hbm>>
    %dma_wait3A_471 = arith.constant 4032 : i32
    %dma_wait3A_472 = tpu.memref_slice %arg10[%dma_wait3A_471] : memref<8064xf32, #tpu.memory_space<vmem>> -> memref<4032xf32, #tpu.memory_space<vmem>>
    tpu.wait_dma2 semaphore(%arg15 : memref<!tpu.dma_semaphore, #tpu.memory_space<semaphore_mem>>) src(%dma_wait3A_472 : memref<4032xf32, #tpu.memory_space<vmem>>) dst(%dma_wait3A_470 : memref<4032xf32, #tpu.memory_space<hbm>>)
    %add3A_473 = arith.constant 20160 : i32
    %add3A_474 = arith.addi %multiple_of3A, %add3A_473 : i32
    %dma_start3A_475 = arith.constant 4032 : i32
    %dma_start3A_476 = tpu.memref_slice %arg10[%dma_start3A_475] : memref<8064xf32, #tpu.memory_space<vmem>> -> memref<4032xf32, #tpu.memory_space<vmem>>
    %dma_start3A_477 = tpu.memref_slice %arg16[%add3A_474] : memref<1000000xf32, #tpu.memory_space<vmem_shared>> -> memref<4032xf32, #tpu.memory_space<vmem_shared>>
    %dma_start3A_478 = arith.constant 4032 : i32
    %dma_start3A_479 = tpu.memref_slice %arg10[%dma_start3A_478] : memref<8064xf32, #tpu.memory_space<vmem>> -> memref<4032xf32, #tpu.memory_space<vmem>>
    %dma_start3A_480 = tpu.memref_slice %arg16[%add3A_474] : memref<1000000xf32, #tpu.memory_space<vmem_shared>> -> memref<4032xf32, #tpu.memory_space<vmem_shared>>
    tpu.enqueue_dma source(%dma_start3A_480 : memref<4032xf32, #tpu.memory_space<vmem_shared>>) target(%dma_start3A_479 : memref<4032xf32, #tpu.memory_space<vmem>>) target_semaphore(%arg14 : memref<!tpu.dma_semaphore, #tpu.memory_space<semaphore_mem>>)
    %dma_wait3A_481 = arith.constant 4032 : i32
    %dma_wait3A_482 = tpu.memref_slice %arg10[%dma_wait3A_481] : memref<8064xf32, #tpu.memory_space<vmem>> -> memref<4032xf32, #tpu.memory_space<vmem>>
    %dma_wait3A_483 = tpu.memref_slice %arg16[%add3A_474] : memref<1000000xf32, #tpu.memory_space<vmem_shared>> -> memref<4032xf32, #tpu.memory_space<vmem_shared>>
    %dma_wait3A_484 = arith.constant 4032 : i32
    %dma_wait3A_485 = tpu.memref_slice %arg10[%dma_wait3A_484] : memref<8064xf32, #tpu.memory_space<vmem>> -> memref<4032xf32, #tpu.memory_space<vmem>>
    %dma_wait3A_486 = tpu.memref_slice %arg16[%add3A_474] : memref<1000000xf32, #tpu.memory_space<vmem_shared>> -> memref<4032xf32, #tpu.memory_space<vmem_shared>>
    tpu.wait_dma2 semaphore(%arg14 : memref<!tpu.dma_semaphore, #tpu.memory_space<semaphore_mem>>) src(%dma_wait3A_486 : memref<4032xf32, #tpu.memory_space<vmem_shared>>) dst(%dma_wait3A_485 : memref<4032xf32, #tpu.memory_space<vmem>>)
    %add3A_487 = arith.constant 20160 : i32
    %add3A_488 = arith.addi %multiple_of3A, %add3A_487 : i32
    %dma_start3A_489 = arith.constant 4032 : i32
    %dma_start3A_490 = tpu.memref_slice %arg10[%dma_start3A_489] : memref<8064xf32, #tpu.memory_space<vmem>> -> memref<4032xf32, #tpu.memory_space<vmem>>
    %dma_start3A_491 = tpu.memref_slice %arg5[%add3A_488] : memref<1331200xf32, #tpu.memory_space<hbm>> -> memref<4032xf32, #tpu.memory_space<hbm>>
    %dma_start3A_492 = tpu.memref_slice %arg5[%add3A_488] : memref<1331200xf32, #tpu.memory_space<hbm>> -> memref<4032xf32, #tpu.memory_space<hbm>>
    %dma_start3A_493 = arith.constant 4032 : i32
    %dma_start3A_494 = tpu.memref_slice %arg10[%dma_start3A_493] : memref<8064xf32, #tpu.memory_space<vmem>> -> memref<4032xf32, #tpu.memory_space<vmem>>
    tpu.enqueue_dma source(%dma_start3A_494 : memref<4032xf32, #tpu.memory_space<vmem>>) target(%dma_start3A_492 : memref<4032xf32, #tpu.memory_space<hbm>>) target_semaphore(%arg15 : memref<!tpu.dma_semaphore, #tpu.memory_space<semaphore_mem>>)
    %dma_wait3A_495 = arith.constant 0 : i32
    %dma_wait3A_496 = tpu.memref_slice %arg10[%dma_wait3A_495] : memref<8064xf32, #tpu.memory_space<vmem>> -> memref<4032xf32, #tpu.memory_space<vmem>>
    %dma_wait3A_497 = tpu.memref_slice %arg5[%add3A_460] : memref<1331200xf32, #tpu.memory_space<hbm>> -> memref<4032xf32, #tpu.memory_space<hbm>>
    %dma_wait3A_498 = tpu.memref_slice %arg5[%add3A_460] : memref<1331200xf32, #tpu.memory_space<hbm>> -> memref<4032xf32, #tpu.memory_space<hbm>>
    %dma_wait3A_499 = arith.constant 0 : i32
    %dma_wait3A_500 = tpu.memref_slice %arg10[%dma_wait3A_499] : memref<8064xf32, #tpu.memory_space<vmem>> -> memref<4032xf32, #tpu.memory_space<vmem>>
    tpu.wait_dma2 semaphore(%arg15 : memref<!tpu.dma_semaphore, #tpu.memory_space<semaphore_mem>>) src(%dma_wait3A_500 : memref<4032xf32, #tpu.memory_space<vmem>>) dst(%dma_wait3A_498 : memref<4032xf32, #tpu.memory_space<hbm>>)
    %add3A_501 = arith.constant 24192 : i32
    %add3A_502 = arith.addi %multiple_of3A, %add3A_501 : i32
    %dma_start3A_503 = arith.constant 0 : i32
    %dma_start3A_504 = tpu.memref_slice %arg10[%dma_start3A_503] : memref<8064xf32, #tpu.memory_space<vmem>> -> memref<4032xf32, #tpu.memory_space<vmem>>
    %dma_start3A_505 = tpu.memref_slice %arg16[%add3A_502] : memref<1000000xf32, #tpu.memory_space<vmem_shared>> -> memref<4032xf32, #tpu.memory_space<vmem_shared>>
    %dma_start3A_506 = arith.constant 0 : i32
    %dma_start3A_507 = tpu.memref_slice %arg10[%dma_start3A_506] : memref<8064xf32, #tpu.memory_space<vmem>> -> memref<4032xf32, #tpu.memory_space<vmem>>
    %dma_start3A_508 = tpu.memref_slice %arg16[%add3A_502] : memref<1000000xf32, #tpu.memory_space<vmem_shared>> -> memref<4032xf32, #tpu.memory_space<vmem_shared>>
    tpu.enqueue_dma source(%dma_start3A_508 : memref<4032xf32, #tpu.memory_space<vmem_shared>>) target(%dma_start3A_507 : memref<4032xf32, #tpu.memory_space<vmem>>) target_semaphore(%arg14 : memref<!tpu.dma_semaphore, #tpu.memory_space<semaphore_mem>>)
    %dma_wait3A_509 = arith.constant 0 : i32
    %dma_wait3A_510 = tpu.memref_slice %arg10[%dma_wait3A_509] : memref<8064xf32, #tpu.memory_space<vmem>> -> memref<4032xf32, #tpu.memory_space<vmem>>
    %dma_wait3A_511 = tpu.memref_slice %arg16[%add3A_502] : memref<1000000xf32, #tpu.memory_space<vmem_shared>> -> memref<4032xf32, #tpu.memory_space<vmem_shared>>
    %dma_wait3A_512 = arith.constant 0 : i32
    %dma_wait3A_513 = tpu.memref_slice %arg10[%dma_wait3A_512] : memref<8064xf32, #tpu.memory_space<vmem>> -> memref<4032xf32, #tpu.memory_space<vmem>>
    %dma_wait3A_514 = tpu.memref_slice %arg16[%add3A_502] : memref<1000000xf32, #tpu.memory_space<vmem_shared>> -> memref<4032xf32, #tpu.memory_space<vmem_shared>>
    tpu.wait_dma2 semaphore(%arg14 : memref<!tpu.dma_semaphore, #tpu.memory_space<semaphore_mem>>) src(%dma_wait3A_514 : memref<4032xf32, #tpu.memory_space<vmem_shared>>) dst(%dma_wait3A_513 : memref<4032xf32, #tpu.memory_space<vmem>>)
    %add3A_515 = arith.constant 24192 : i32
    %add3A_516 = arith.addi %multiple_of3A, %add3A_515 : i32
    %dma_start3A_517 = arith.constant 0 : i32
    %dma_start3A_518 = tpu.memref_slice %arg10[%dma_start3A_517] : memref<8064xf32, #tpu.memory_space<vmem>> -> memref<4032xf32, #tpu.memory_space<vmem>>
    %dma_start3A_519 = tpu.memref_slice %arg5[%add3A_516] : memref<1331200xf32, #tpu.memory_space<hbm>> -> memref<4032xf32, #tpu.memory_space<hbm>>
    %dma_start3A_520 = tpu.memref_slice %arg5[%add3A_516] : memref<1331200xf32, #tpu.memory_space<hbm>> -> memref<4032xf32, #tpu.memory_space<hbm>>
    %dma_start3A_521 = arith.constant 0 : i32
    %dma_start3A_522 = tpu.memref_slice %arg10[%dma_start3A_521] : memref<8064xf32, #tpu.memory_space<vmem>> -> memref<4032xf32, #tpu.memory_space<vmem>>
    tpu.enqueue_dma source(%dma_start3A_522 : memref<4032xf32, #tpu.memory_space<vmem>>) target(%dma_start3A_520 : memref<4032xf32, #tpu.memory_space<hbm>>) target_semaphore(%arg15 : memref<!tpu.dma_semaphore, #tpu.memory_space<semaphore_mem>>)
    %dma_wait3A_523 = arith.constant 4032 : i32
    %dma_wait3A_524 = tpu.memref_slice %arg10[%dma_wait3A_523] : memref<8064xf32, #tpu.memory_space<vmem>> -> memref<4032xf32, #tpu.memory_space<vmem>>
    %dma_wait3A_525 = tpu.memref_slice %arg5[%add3A_488] : memref<1331200xf32, #tpu.memory_space<hbm>> -> memref<4032xf32, #tpu.memory_space<hbm>>
    %dma_wait3A_526 = tpu.memref_slice %arg5[%add3A_488] : memref<1331200xf32, #tpu.memory_space<hbm>> -> memref<4032xf32, #tpu.memory_space<hbm>>
    %dma_wait3A_527 = arith.constant 4032 : i32
    %dma_wait3A_528 = tpu.memref_slice %arg10[%dma_wait3A_527] : memref<8064xf32, #tpu.memory_space<vmem>> -> memref<4032xf32, #tpu.memory_space<vmem>>
    tpu.wait_dma2 semaphore(%arg15 : memref<!tpu.dma_semaphore, #tpu.memory_space<semaphore_mem>>) src(%dma_wait3A_528 : memref<4032xf32, #tpu.memory_space<vmem>>) dst(%dma_wait3A_526 : memref<4032xf32, #tpu.memory_space<hbm>>)
    %add3A_529 = arith.constant 28224 : i32
    %add3A_530 = arith.addi %multiple_of3A, %add3A_529 : i32
    %dma_start3A_531 = arith.constant 4032 : i32
    %dma_start3A_532 = tpu.memref_slice %arg10[%dma_start3A_531] : memref<8064xf32, #tpu.memory_space<vmem>> -> memref<4032xf32, #tpu.memory_space<vmem>>
    %dma_start3A_533 = tpu.memref_slice %arg16[%add3A_530] : memref<1000000xf32, #tpu.memory_space<vmem_shared>> -> memref<4032xf32, #tpu.memory_space<vmem_shared>>
    %dma_start3A_534 = arith.constant 4032 : i32
    %dma_start3A_535 = tpu.memref_slice %arg10[%dma_start3A_534] : memref<8064xf32, #tpu.memory_space<vmem>> -> memref<4032xf32, #tpu.memory_space<vmem>>
    %dma_start3A_536 = tpu.memref_slice %arg16[%add3A_530] : memref<1000000xf32, #tpu.memory_space<vmem_shared>> -> memref<4032xf32, #tpu.memory_space<vmem_shared>>
    tpu.enqueue_dma source(%dma_start3A_536 : memref<4032xf32, #tpu.memory_space<vmem_shared>>) target(%dma_start3A_535 : memref<4032xf32, #tpu.memory_space<vmem>>) target_semaphore(%arg14 : memref<!tpu.dma_semaphore, #tpu.memory_space<semaphore_mem>>)
    %dma_wait3A_537 = arith.constant 4032 : i32
    %dma_wait3A_538 = tpu.memref_slice %arg10[%dma_wait3A_537] : memref<8064xf32, #tpu.memory_space<vmem>> -> memref<4032xf32, #tpu.memory_space<vmem>>
    %dma_wait3A_539 = tpu.memref_slice %arg16[%add3A_530] : memref<1000000xf32, #tpu.memory_space<vmem_shared>> -> memref<4032xf32, #tpu.memory_space<vmem_shared>>
    %dma_wait3A_540 = arith.constant 4032 : i32
    %dma_wait3A_541 = tpu.memref_slice %arg10[%dma_wait3A_540] : memref<8064xf32, #tpu.memory_space<vmem>> -> memref<4032xf32, #tpu.memory_space<vmem>>
    %dma_wait3A_542 = tpu.memref_slice %arg16[%add3A_530] : memref<1000000xf32, #tpu.memory_space<vmem_shared>> -> memref<4032xf32, #tpu.memory_space<vmem_shared>>
    tpu.wait_dma2 semaphore(%arg14 : memref<!tpu.dma_semaphore, #tpu.memory_space<semaphore_mem>>) src(%dma_wait3A_542 : memref<4032xf32, #tpu.memory_space<vmem_shared>>) dst(%dma_wait3A_541 : memref<4032xf32, #tpu.memory_space<vmem>>)
    %add3A_543 = arith.constant 28224 : i32
    %add3A_544 = arith.addi %multiple_of3A, %add3A_543 : i32
    %dma_start3A_545 = arith.constant 4032 : i32
    %dma_start3A_546 = tpu.memref_slice %arg10[%dma_start3A_545] : memref<8064xf32, #tpu.memory_space<vmem>> -> memref<4032xf32, #tpu.memory_space<vmem>>
    %dma_start3A_547 = tpu.memref_slice %arg5[%add3A_544] : memref<1331200xf32, #tpu.memory_space<hbm>> -> memref<4032xf32, #tpu.memory_space<hbm>>
    %dma_start3A_548 = tpu.memref_slice %arg5[%add3A_544] : memref<1331200xf32, #tpu.memory_space<hbm>> -> memref<4032xf32, #tpu.memory_space<hbm>>
    %dma_start3A_549 = arith.constant 4032 : i32
    %dma_start3A_550 = tpu.memref_slice %arg10[%dma_start3A_549] : memref<8064xf32, #tpu.memory_space<vmem>> -> memref<4032xf32, #tpu.memory_space<vmem>>
    tpu.enqueue_dma source(%dma_start3A_550 : memref<4032xf32, #tpu.memory_space<vmem>>) target(%dma_start3A_548 : memref<4032xf32, #tpu.memory_space<hbm>>) target_semaphore(%arg15 : memref<!tpu.dma_semaphore, #tpu.memory_space<semaphore_mem>>)
    %dma_wait3A_551 = arith.constant 0 : i32
    %dma_wait3A_552 = tpu.memref_slice %arg10[%dma_wait3A_551] : memref<8064xf32, #tpu.memory_space<vmem>> -> memref<4032xf32, #tpu.memory_space<vmem>>
    %dma_wait3A_553 = tpu.memref_slice %arg5[%add3A_516] : memref<1331200xf32, #tpu.memory_space<hbm>> -> memref<4032xf32, #tpu.memory_space<hbm>>
    %dma_wait3A_554 = tpu.memref_slice %arg5[%add3A_516] : memref<1331200xf32, #tpu.memory_space<hbm>> -> memref<4032xf32, #tpu.memory_space<hbm>>
    %dma_wait3A_555 = arith.constant 0 : i32
    %dma_wait3A_556 = tpu.memref_slice %arg10[%dma_wait3A_555] : memref<8064xf32, #tpu.memory_space<vmem>> -> memref<4032xf32, #tpu.memory_space<vmem>>
    tpu.wait_dma2 semaphore(%arg15 : memref<!tpu.dma_semaphore, #tpu.memory_space<semaphore_mem>>) src(%dma_wait3A_556 : memref<4032xf32, #tpu.memory_space<vmem>>) dst(%dma_wait3A_554 : memref<4032xf32, #tpu.memory_space<hbm>>)
    %add3A_557 = arith.constant 32256 : i32
    %add3A_558 = arith.addi %multiple_of3A, %add3A_557 : i32
    %dma_start3A_559 = arith.constant 0 : i32
    %dma_start3A_560 = tpu.memref_slice %arg10[%dma_start3A_559] : memref<8064xf32, #tpu.memory_space<vmem>> -> memref<4032xf32, #tpu.memory_space<vmem>>
    %dma_start3A_561 = tpu.memref_slice %arg16[%add3A_558] : memref<1000000xf32, #tpu.memory_space<vmem_shared>> -> memref<4032xf32, #tpu.memory_space<vmem_shared>>
    %dma_start3A_562 = arith.constant 0 : i32
    %dma_start3A_563 = tpu.memref_slice %arg10[%dma_start3A_562] : memref<8064xf32, #tpu.memory_space<vmem>> -> memref<4032xf32, #tpu.memory_space<vmem>>
    %dma_start3A_564 = tpu.memref_slice %arg16[%add3A_558] : memref<1000000xf32, #tpu.memory_space<vmem_shared>> -> memref<4032xf32, #tpu.memory_space<vmem_shared>>
    tpu.enqueue_dma source(%dma_start3A_564 : memref<4032xf32, #tpu.memory_space<vmem_shared>>) target(%dma_start3A_563 : memref<4032xf32, #tpu.memory_space<vmem>>) target_semaphore(%arg14 : memref<!tpu.dma_semaphore, #tpu.memory_space<semaphore_mem>>)
    %dma_wait3A_565 = arith.constant 0 : i32
    %dma_wait3A_566 = tpu.memref_slice %arg10[%dma_wait3A_565] : memref<8064xf32, #tpu.memory_space<vmem>> -> memref<4032xf32, #tpu.memory_space<vmem>>
    %dma_wait3A_567 = tpu.memref_slice %arg16[%add3A_558] : memref<1000000xf32, #tpu.memory_space<vmem_shared>> -> memref<4032xf32, #tpu.memory_space<vmem_shared>>
    %dma_wait3A_568 = arith.constant 0 : i32
    %dma_wait3A_569 = tpu.memref_slice %arg10[%dma_wait3A_568] : memref<8064xf32, #tpu.memory_space<vmem>> -> memref<4032xf32, #tpu.memory_space<vmem>>
    %dma_wait3A_570 = tpu.memref_slice %arg16[%add3A_558] : memref<1000000xf32, #tpu.memory_space<vmem_shared>> -> memref<4032xf32, #tpu.memory_space<vmem_shared>>
    tpu.wait_dma2 semaphore(%arg14 : memref<!tpu.dma_semaphore, #tpu.memory_space<semaphore_mem>>) src(%dma_wait3A_570 : memref<4032xf32, #tpu.memory_space<vmem_shared>>) dst(%dma_wait3A_569 : memref<4032xf32, #tpu.memory_space<vmem>>)
    %add3A_571 = arith.constant 32256 : i32
    %add3A_572 = arith.addi %multiple_of3A, %add3A_571 : i32
    %dma_start3A_573 = arith.constant 0 : i32
    %dma_start3A_574 = tpu.memref_slice %arg10[%dma_start3A_573] : memref<8064xf32, #tpu.memory_space<vmem>> -> memref<4032xf32, #tpu.memory_space<vmem>>
    %dma_start3A_575 = tpu.memref_slice %arg5[%add3A_572] : memref<1331200xf32, #tpu.memory_space<hbm>> -> memref<4032xf32, #tpu.memory_space<hbm>>
    %dma_start3A_576 = tpu.memref_slice %arg5[%add3A_572] : memref<1331200xf32, #tpu.memory_space<hbm>> -> memref<4032xf32, #tpu.memory_space<hbm>>
    %dma_start3A_577 = arith.constant 0 : i32
    %dma_start3A_578 = tpu.memref_slice %arg10[%dma_start3A_577] : memref<8064xf32, #tpu.memory_space<vmem>> -> memref<4032xf32, #tpu.memory_space<vmem>>
    tpu.enqueue_dma source(%dma_start3A_578 : memref<4032xf32, #tpu.memory_space<vmem>>) target(%dma_start3A_576 : memref<4032xf32, #tpu.memory_space<hbm>>) target_semaphore(%arg15 : memref<!tpu.dma_semaphore, #tpu.memory_space<semaphore_mem>>)
    %dma_wait3A_579 = arith.constant 4032 : i32
    %dma_wait3A_580 = tpu.memref_slice %arg10[%dma_wait3A_579] : memref<8064xf32, #tpu.memory_space<vmem>> -> memref<4032xf32, #tpu.memory_space<vmem>>
    %dma_wait3A_581 = tpu.memref_slice %arg5[%add3A_544] : memref<1331200xf32, #tpu.memory_space<hbm>> -> memref<4032xf32, #tpu.memory_space<hbm>>
    %dma_wait3A_582 = tpu.memref_slice %arg5[%add3A_544] : memref<1331200xf32, #tpu.memory_space<hbm>> -> memref<4032xf32, #tpu.memory_space<hbm>>
    %dma_wait3A_583 = arith.constant 4032 : i32
    %dma_wait3A_584 = tpu.memref_slice %arg10[%dma_wait3A_583] : memref<8064xf32, #tpu.memory_space<vmem>> -> memref<4032xf32, #tpu.memory_space<vmem>>
    tpu.wait_dma2 semaphore(%arg15 : memref<!tpu.dma_semaphore, #tpu.memory_space<semaphore_mem>>) src(%dma_wait3A_584 : memref<4032xf32, #tpu.memory_space<vmem>>) dst(%dma_wait3A_582 : memref<4032xf32, #tpu.memory_space<hbm>>)
    %add3A_585 = arith.constant 36288 : i32
    %add3A_586 = arith.addi %multiple_of3A, %add3A_585 : i32
    %dma_start3A_587 = arith.constant 4032 : i32
    %dma_start3A_588 = tpu.memref_slice %arg10[%dma_start3A_587] : memref<8064xf32, #tpu.memory_space<vmem>> -> memref<4032xf32, #tpu.memory_space<vmem>>
    %dma_start3A_589 = tpu.memref_slice %arg16[%add3A_586] : memref<1000000xf32, #tpu.memory_space<vmem_shared>> -> memref<4032xf32, #tpu.memory_space<vmem_shared>>
    %dma_start3A_590 = arith.constant 4032 : i32
    %dma_start3A_591 = tpu.memref_slice %arg10[%dma_start3A_590] : memref<8064xf32, #tpu.memory_space<vmem>> -> memref<4032xf32, #tpu.memory_space<vmem>>
    %dma_start3A_592 = tpu.memref_slice %arg16[%add3A_586] : memref<1000000xf32, #tpu.memory_space<vmem_shared>> -> memref<4032xf32, #tpu.memory_space<vmem_shared>>
    tpu.enqueue_dma source(%dma_start3A_592 : memref<4032xf32, #tpu.memory_space<vmem_shared>>) target(%dma_start3A_591 : memref<4032xf32, #tpu.memory_space<vmem>>) target_semaphore(%arg14 : memref<!tpu.dma_semaphore, #tpu.memory_space<semaphore_mem>>)
    %dma_wait3A_593 = arith.constant 4032 : i32
    %dma_wait3A_594 = tpu.memref_slice %arg10[%dma_wait3A_593] : memref<8064xf32, #tpu.memory_space<vmem>> -> memref<4032xf32, #tpu.memory_space<vmem>>
    %dma_wait3A_595 = tpu.memref_slice %arg16[%add3A_586] : memref<1000000xf32, #tpu.memory_space<vmem_shared>> -> memref<4032xf32, #tpu.memory_space<vmem_shared>>
    %dma_wait3A_596 = arith.constant 4032 : i32
    %dma_wait3A_597 = tpu.memref_slice %arg10[%dma_wait3A_596] : memref<8064xf32, #tpu.memory_space<vmem>> -> memref<4032xf32, #tpu.memory_space<vmem>>
    %dma_wait3A_598 = tpu.memref_slice %arg16[%add3A_586] : memref<1000000xf32, #tpu.memory_space<vmem_shared>> -> memref<4032xf32, #tpu.memory_space<vmem_shared>>
    tpu.wait_dma2 semaphore(%arg14 : memref<!tpu.dma_semaphore, #tpu.memory_space<semaphore_mem>>) src(%dma_wait3A_598 : memref<4032xf32, #tpu.memory_space<vmem_shared>>) dst(%dma_wait3A_597 : memref<4032xf32, #tpu.memory_space<vmem>>)
    %add3A_599 = arith.constant 36288 : i32
    %add3A_600 = arith.addi %multiple_of3A, %add3A_599 : i32
    %dma_start3A_601 = arith.constant 4032 : i32
    %dma_start3A_602 = tpu.memref_slice %arg10[%dma_start3A_601] : memref<8064xf32, #tpu.memory_space<vmem>> -> memref<4032xf32, #tpu.memory_space<vmem>>
    %dma_start3A_603 = tpu.memref_slice %arg5[%add3A_600] : memref<1331200xf32, #tpu.memory_space<hbm>> -> memref<4032xf32, #tpu.memory_space<hbm>>
    %dma_start3A_604 = tpu.memref_slice %arg5[%add3A_600] : memref<1331200xf32, #tpu.memory_space<hbm>> -> memref<4032xf32, #tpu.memory_space<hbm>>
    %dma_start3A_605 = arith.constant 4032 : i32
    %dma_start3A_606 = tpu.memref_slice %arg10[%dma_start3A_605] : memref<8064xf32, #tpu.memory_space<vmem>> -> memref<4032xf32, #tpu.memory_space<vmem>>
    tpu.enqueue_dma source(%dma_start3A_606 : memref<4032xf32, #tpu.memory_space<vmem>>) target(%dma_start3A_604 : memref<4032xf32, #tpu.memory_space<hbm>>) target_semaphore(%arg15 : memref<!tpu.dma_semaphore, #tpu.memory_space<semaphore_mem>>)
    %dma_wait3A_607 = arith.constant 0 : i32
    %dma_wait3A_608 = tpu.memref_slice %arg10[%dma_wait3A_607] : memref<8064xf32, #tpu.memory_space<vmem>> -> memref<4032xf32, #tpu.memory_space<vmem>>
    %dma_wait3A_609 = tpu.memref_slice %arg5[%add3A_572] : memref<1331200xf32, #tpu.memory_space<hbm>> -> memref<4032xf32, #tpu.memory_space<hbm>>
    %dma_wait3A_610 = tpu.memref_slice %arg5[%add3A_572] : memref<1331200xf32, #tpu.memory_space<hbm>> -> memref<4032xf32, #tpu.memory_space<hbm>>
    %dma_wait3A_611 = arith.constant 0 : i32
    %dma_wait3A_612 = tpu.memref_slice %arg10[%dma_wait3A_611] : memref<8064xf32, #tpu.memory_space<vmem>> -> memref<4032xf32, #tpu.memory_space<vmem>>
    tpu.wait_dma2 semaphore(%arg15 : memref<!tpu.dma_semaphore, #tpu.memory_space<semaphore_mem>>) src(%dma_wait3A_612 : memref<4032xf32, #tpu.memory_space<vmem>>) dst(%dma_wait3A_610 : memref<4032xf32, #tpu.memory_space<hbm>>)
    %add3A_613 = arith.constant 40320 : i32
    %add3A_614 = arith.addi %multiple_of3A, %add3A_613 : i32
    %dma_start3A_615 = arith.constant 0 : i32
    %dma_start3A_616 = tpu.memref_slice %arg10[%dma_start3A_615] : memref<8064xf32, #tpu.memory_space<vmem>> -> memref<4032xf32, #tpu.memory_space<vmem>>
    %dma_start3A_617 = tpu.memref_slice %arg16[%add3A_614] : memref<1000000xf32, #tpu.memory_space<vmem_shared>> -> memref<4032xf32, #tpu.memory_space<vmem_shared>>
    %dma_start3A_618 = arith.constant 0 : i32
    %dma_start3A_619 = tpu.memref_slice %arg10[%dma_start3A_618] : memref<8064xf32, #tpu.memory_space<vmem>> -> memref<4032xf32, #tpu.memory_space<vmem>>
    %dma_start3A_620 = tpu.memref_slice %arg16[%add3A_614] : memref<1000000xf32, #tpu.memory_space<vmem_shared>> -> memref<4032xf32, #tpu.memory_space<vmem_shared>>
    tpu.enqueue_dma source(%dma_start3A_620 : memref<4032xf32, #tpu.memory_space<vmem_shared>>) target(%dma_start3A_619 : memref<4032xf32, #tpu.memory_space<vmem>>) target_semaphore(%arg14 : memref<!tpu.dma_semaphore, #tpu.memory_space<semaphore_mem>>)
    %dma_wait3A_621 = arith.constant 0 : i32
    %dma_wait3A_622 = tpu.memref_slice %arg10[%dma_wait3A_621] : memref<8064xf32, #tpu.memory_space<vmem>> -> memref<4032xf32, #tpu.memory_space<vmem>>
    %dma_wait3A_623 = tpu.memref_slice %arg16[%add3A_614] : memref<1000000xf32, #tpu.memory_space<vmem_shared>> -> memref<4032xf32, #tpu.memory_space<vmem_shared>>
    %dma_wait3A_624 = arith.constant 0 : i32
    %dma_wait3A_625 = tpu.memref_slice %arg10[%dma_wait3A_624] : memref<8064xf32, #tpu.memory_space<vmem>> -> memref<4032xf32, #tpu.memory_space<vmem>>
    %dma_wait3A_626 = tpu.memref_slice %arg16[%add3A_614] : memref<1000000xf32, #tpu.memory_space<vmem_shared>> -> memref<4032xf32, #tpu.memory_space<vmem_shared>>
    tpu.wait_dma2 semaphore(%arg14 : memref<!tpu.dma_semaphore, #tpu.memory_space<semaphore_mem>>) src(%dma_wait3A_626 : memref<4032xf32, #tpu.memory_space<vmem_shared>>) dst(%dma_wait3A_625 : memref<4032xf32, #tpu.memory_space<vmem>>)
    %add3A_627 = arith.constant 40320 : i32
    %add3A_628 = arith.addi %multiple_of3A, %add3A_627 : i32
    %dma_start3A_629 = arith.constant 0 : i32
    %dma_start3A_630 = tpu.memref_slice %arg10[%dma_start3A_629] : memref<8064xf32, #tpu.memory_space<vmem>> -> memref<4032xf32, #tpu.memory_space<vmem>>
    %dma_start3A_631 = tpu.memref_slice %arg5[%add3A_628] : memref<1331200xf32, #tpu.memory_space<hbm>> -> memref<4032xf32, #tpu.memory_space<hbm>>
    %dma_start3A_632 = tpu.memref_slice %arg5[%add3A_628] : memref<1331200xf32, #tpu.memory_space<hbm>> -> memref<4032xf32, #tpu.memory_space<hbm>>
    %dma_start3A_633 = arith.constant 0 : i32
    %dma_start3A_634 = tpu.memref_slice %arg10[%dma_start3A_633] : memref<8064xf32, #tpu.memory_space<vmem>> -> memref<4032xf32, #tpu.memory_space<vmem>>
    tpu.enqueue_dma source(%dma_start3A_634 : memref<4032xf32, #tpu.memory_space<vmem>>) target(%dma_start3A_632 : memref<4032xf32, #tpu.memory_space<hbm>>) target_semaphore(%arg15 : memref<!tpu.dma_semaphore, #tpu.memory_space<semaphore_mem>>)
    %dma_wait3A_635 = arith.constant 4032 : i32
    %dma_wait3A_636 = tpu.memref_slice %arg10[%dma_wait3A_635] : memref<8064xf32, #tpu.memory_space<vmem>> -> memref<4032xf32, #tpu.memory_space<vmem>>
    %dma_wait3A_637 = tpu.memref_slice %arg5[%add3A_600] : memref<1331200xf32, #tpu.memory_space<hbm>> -> memref<4032xf32, #tpu.memory_space<hbm>>
    %dma_wait3A_638 = tpu.memref_slice %arg5[%add3A_600] : memref<1331200xf32, #tpu.memory_space<hbm>> -> memref<4032xf32, #tpu.memory_space<hbm>>
    %dma_wait3A_639 = arith.constant 4032 : i32
    %dma_wait3A_640 = tpu.memref_slice %arg10[%dma_wait3A_639] : memref<8064xf32, #tpu.memory_space<vmem>> -> memref<4032xf32, #tpu.memory_space<vmem>>
    tpu.wait_dma2 semaphore(%arg15 : memref<!tpu.dma_semaphore, #tpu.memory_space<semaphore_mem>>) src(%dma_wait3A_640 : memref<4032xf32, #tpu.memory_space<vmem>>) dst(%dma_wait3A_638 : memref<4032xf32, #tpu.memory_space<hbm>>)
    %add3A_641 = arith.constant 44352 : i32
    %add3A_642 = arith.addi %multiple_of3A, %add3A_641 : i32
    %dma_start3A_643 = arith.constant 4032 : i32
    %dma_start3A_644 = tpu.memref_slice %arg10[%dma_start3A_643] : memref<8064xf32, #tpu.memory_space<vmem>> -> memref<4032xf32, #tpu.memory_space<vmem>>
    %dma_start3A_645 = tpu.memref_slice %arg16[%add3A_642] : memref<1000000xf32, #tpu.memory_space<vmem_shared>> -> memref<4032xf32, #tpu.memory_space<vmem_shared>>
    %dma_start3A_646 = arith.constant 4032 : i32
    %dma_start3A_647 = tpu.memref_slice %arg10[%dma_start3A_646] : memref<8064xf32, #tpu.memory_space<vmem>> -> memref<4032xf32, #tpu.memory_space<vmem>>
    %dma_start3A_648 = tpu.memref_slice %arg16[%add3A_642] : memref<1000000xf32, #tpu.memory_space<vmem_shared>> -> memref<4032xf32, #tpu.memory_space<vmem_shared>>
    tpu.enqueue_dma source(%dma_start3A_648 : memref<4032xf32, #tpu.memory_space<vmem_shared>>) target(%dma_start3A_647 : memref<4032xf32, #tpu.memory_space<vmem>>) target_semaphore(%arg14 : memref<!tpu.dma_semaphore, #tpu.memory_space<semaphore_mem>>)
    %dma_wait3A_649 = arith.constant 4032 : i32
    %dma_wait3A_650 = tpu.memref_slice %arg10[%dma_wait3A_649] : memref<8064xf32, #tpu.memory_space<vmem>> -> memref<4032xf32, #tpu.memory_space<vmem>>
    %dma_wait3A_651 = tpu.memref_slice %arg16[%add3A_642] : memref<1000000xf32, #tpu.memory_space<vmem_shared>> -> memref<4032xf32, #tpu.memory_space<vmem_shared>>
    %dma_wait3A_652 = arith.constant 4032 : i32
    %dma_wait3A_653 = tpu.memref_slice %arg10[%dma_wait3A_652] : memref<8064xf32, #tpu.memory_space<vmem>> -> memref<4032xf32, #tpu.memory_space<vmem>>
    %dma_wait3A_654 = tpu.memref_slice %arg16[%add3A_642] : memref<1000000xf32, #tpu.memory_space<vmem_shared>> -> memref<4032xf32, #tpu.memory_space<vmem_shared>>
    tpu.wait_dma2 semaphore(%arg14 : memref<!tpu.dma_semaphore, #tpu.memory_space<semaphore_mem>>) src(%dma_wait3A_654 : memref<4032xf32, #tpu.memory_space<vmem_shared>>) dst(%dma_wait3A_653 : memref<4032xf32, #tpu.memory_space<vmem>>)
    %add3A_655 = arith.constant 44352 : i32
    %add3A_656 = arith.addi %multiple_of3A, %add3A_655 : i32
    %dma_start3A_657 = arith.constant 4032 : i32
    %dma_start3A_658 = tpu.memref_slice %arg10[%dma_start3A_657] : memref<8064xf32, #tpu.memory_space<vmem>> -> memref<4032xf32, #tpu.memory_space<vmem>>
    %dma_start3A_659 = tpu.memref_slice %arg5[%add3A_656] : memref<1331200xf32, #tpu.memory_space<hbm>> -> memref<4032xf32, #tpu.memory_space<hbm>>
    %dma_start3A_660 = tpu.memref_slice %arg5[%add3A_656] : memref<1331200xf32, #tpu.memory_space<hbm>> -> memref<4032xf32, #tpu.memory_space<hbm>>
    %dma_start3A_661 = arith.constant 4032 : i32
    %dma_start3A_662 = tpu.memref_slice %arg10[%dma_start3A_661] : memref<8064xf32, #tpu.memory_space<vmem>> -> memref<4032xf32, #tpu.memory_space<vmem>>
    tpu.enqueue_dma source(%dma_start3A_662 : memref<4032xf32, #tpu.memory_space<vmem>>) target(%dma_start3A_660 : memref<4032xf32, #tpu.memory_space<hbm>>) target_semaphore(%arg15 : memref<!tpu.dma_semaphore, #tpu.memory_space<semaphore_mem>>)
    %dma_wait3A_663 = arith.constant 0 : i32
    %dma_wait3A_664 = tpu.memref_slice %arg10[%dma_wait3A_663] : memref<8064xf32, #tpu.memory_space<vmem>> -> memref<4032xf32, #tpu.memory_space<vmem>>
    %dma_wait3A_665 = tpu.memref_slice %arg5[%add3A_628] : memref<1331200xf32, #tpu.memory_space<hbm>> -> memref<4032xf32, #tpu.memory_space<hbm>>
    %dma_wait3A_666 = tpu.memref_slice %arg5[%add3A_628] : memref<1331200xf32, #tpu.memory_space<hbm>> -> memref<4032xf32, #tpu.memory_space<hbm>>
    %dma_wait3A_667 = arith.constant 0 : i32
    %dma_wait3A_668 = tpu.memref_slice %arg10[%dma_wait3A_667] : memref<8064xf32, #tpu.memory_space<vmem>> -> memref<4032xf32, #tpu.memory_space<vmem>>
    tpu.wait_dma2 semaphore(%arg15 : memref<!tpu.dma_semaphore, #tpu.memory_space<semaphore_mem>>) src(%dma_wait3A_668 : memref<4032xf32, #tpu.memory_space<vmem>>) dst(%dma_wait3A_666 : memref<4032xf32, #tpu.memory_space<hbm>>)
    %add3A_669 = arith.constant 48384 : i32
    %add3A_670 = arith.addi %multiple_of3A, %add3A_669 : i32
    %dma_start3A_671 = arith.constant 0 : i32
    %dma_start3A_672 = tpu.memref_slice %arg10[%dma_start3A_671] : memref<8064xf32, #tpu.memory_space<vmem>> -> memref<4032xf32, #tpu.memory_space<vmem>>
    %dma_start3A_673 = tpu.memref_slice %arg16[%add3A_670] : memref<1000000xf32, #tpu.memory_space<vmem_shared>> -> memref<4032xf32, #tpu.memory_space<vmem_shared>>
    %dma_start3A_674 = arith.constant 0 : i32
    %dma_start3A_675 = tpu.memref_slice %arg10[%dma_start3A_674] : memref<8064xf32, #tpu.memory_space<vmem>> -> memref<4032xf32, #tpu.memory_space<vmem>>
    %dma_start3A_676 = tpu.memref_slice %arg16[%add3A_670] : memref<1000000xf32, #tpu.memory_space<vmem_shared>> -> memref<4032xf32, #tpu.memory_space<vmem_shared>>
    tpu.enqueue_dma source(%dma_start3A_676 : memref<4032xf32, #tpu.memory_space<vmem_shared>>) target(%dma_start3A_675 : memref<4032xf32, #tpu.memory_space<vmem>>) target_semaphore(%arg14 : memref<!tpu.dma_semaphore, #tpu.memory_space<semaphore_mem>>)
    %dma_wait3A_677 = arith.constant 0 : i32
    %dma_wait3A_678 = tpu.memref_slice %arg10[%dma_wait3A_677] : memref<8064xf32, #tpu.memory_space<vmem>> -> memref<4032xf32, #tpu.memory_space<vmem>>
    %dma_wait3A_679 = tpu.memref_slice %arg16[%add3A_670] : memref<1000000xf32, #tpu.memory_space<vmem_shared>> -> memref<4032xf32, #tpu.memory_space<vmem_shared>>
    %dma_wait3A_680 = arith.constant 0 : i32
    %dma_wait3A_681 = tpu.memref_slice %arg10[%dma_wait3A_680] : memref<8064xf32, #tpu.memory_space<vmem>> -> memref<4032xf32, #tpu.memory_space<vmem>>
    %dma_wait3A_682 = tpu.memref_slice %arg16[%add3A_670] : memref<1000000xf32, #tpu.memory_space<vmem_shared>> -> memref<4032xf32, #tpu.memory_space<vmem_shared>>
    tpu.wait_dma2 semaphore(%arg14 : memref<!tpu.dma_semaphore, #tpu.memory_space<semaphore_mem>>) src(%dma_wait3A_682 : memref<4032xf32, #tpu.memory_space<vmem_shared>>) dst(%dma_wait3A_681 : memref<4032xf32, #tpu.memory_space<vmem>>)
    %add3A_683 = arith.constant 48384 : i32
    %add3A_684 = arith.addi %multiple_of3A, %add3A_683 : i32
    %dma_start3A_685 = arith.constant 0 : i32
    %dma_start3A_686 = tpu.memref_slice %arg10[%dma_start3A_685] : memref<8064xf32, #tpu.memory_space<vmem>> -> memref<4032xf32, #tpu.memory_space<vmem>>
    %dma_start3A_687 = tpu.memref_slice %arg5[%add3A_684] : memref<1331200xf32, #tpu.memory_space<hbm>> -> memref<4032xf32, #tpu.memory_space<hbm>>
    %dma_start3A_688 = tpu.memref_slice %arg5[%add3A_684] : memref<1331200xf32, #tpu.memory_space<hbm>> -> memref<4032xf32, #tpu.memory_space<hbm>>
    %dma_start3A_689 = arith.constant 0 : i32
    %dma_start3A_690 = tpu.memref_slice %arg10[%dma_start3A_689] : memref<8064xf32, #tpu.memory_space<vmem>> -> memref<4032xf32, #tpu.memory_space<vmem>>
    tpu.enqueue_dma source(%dma_start3A_690 : memref<4032xf32, #tpu.memory_space<vmem>>) target(%dma_start3A_688 : memref<4032xf32, #tpu.memory_space<hbm>>) target_semaphore(%arg15 : memref<!tpu.dma_semaphore, #tpu.memory_space<semaphore_mem>>)
    %dma_wait3A_691 = arith.constant 4032 : i32
    %dma_wait3A_692 = tpu.memref_slice %arg10[%dma_wait3A_691] : memref<8064xf32, #tpu.memory_space<vmem>> -> memref<4032xf32, #tpu.memory_space<vmem>>
    %dma_wait3A_693 = tpu.memref_slice %arg5[%add3A_656] : memref<1331200xf32, #tpu.memory_space<hbm>> -> memref<4032xf32, #tpu.memory_space<hbm>>
    %dma_wait3A_694 = tpu.memref_slice %arg5[%add3A_656] : memref<1331200xf32, #tpu.memory_space<hbm>> -> memref<4032xf32, #tpu.memory_space<hbm>>
    %dma_wait3A_695 = arith.constant 4032 : i32
    %dma_wait3A_696 = tpu.memref_slice %arg10[%dma_wait3A_695] : memref<8064xf32, #tpu.memory_space<vmem>> -> memref<4032xf32, #tpu.memory_space<vmem>>
    tpu.wait_dma2 semaphore(%arg15 : memref<!tpu.dma_semaphore, #tpu.memory_space<semaphore_mem>>) src(%dma_wait3A_696 : memref<4032xf32, #tpu.memory_space<vmem>>) dst(%dma_wait3A_694 : memref<4032xf32, #tpu.memory_space<hbm>>)
    %add3A_697 = arith.constant 52416 : i32
    %add3A_698 = arith.addi %multiple_of3A, %add3A_697 : i32
    %dma_start3A_699 = arith.constant 4032 : i32
    %dma_start3A_700 = tpu.memref_slice %arg10[%dma_start3A_699] : memref<8064xf32, #tpu.memory_space<vmem>> -> memref<4032xf32, #tpu.memory_space<vmem>>
    %dma_start3A_701 = tpu.memref_slice %arg16[%add3A_698] : memref<1000000xf32, #tpu.memory_space<vmem_shared>> -> memref<4032xf32, #tpu.memory_space<vmem_shared>>
    %dma_start3A_702 = arith.constant 4032 : i32
    %dma_start3A_703 = tpu.memref_slice %arg10[%dma_start3A_702] : memref<8064xf32, #tpu.memory_space<vmem>> -> memref<4032xf32, #tpu.memory_space<vmem>>
    %dma_start3A_704 = tpu.memref_slice %arg16[%add3A_698] : memref<1000000xf32, #tpu.memory_space<vmem_shared>> -> memref<4032xf32, #tpu.memory_space<vmem_shared>>
    tpu.enqueue_dma source(%dma_start3A_704 : memref<4032xf32, #tpu.memory_space<vmem_shared>>) target(%dma_start3A_703 : memref<4032xf32, #tpu.memory_space<vmem>>) target_semaphore(%arg14 : memref<!tpu.dma_semaphore, #tpu.memory_space<semaphore_mem>>)
    %dma_wait3A_705 = arith.constant 4032 : i32
    %dma_wait3A_706 = tpu.memref_slice %arg10[%dma_wait3A_705] : memref<8064xf32, #tpu.memory_space<vmem>> -> memref<4032xf32, #tpu.memory_space<vmem>>
    %dma_wait3A_707 = tpu.memref_slice %arg16[%add3A_698] : memref<1000000xf32, #tpu.memory_space<vmem_shared>> -> memref<4032xf32, #tpu.memory_space<vmem_shared>>
    %dma_wait3A_708 = arith.constant 4032 : i32
    %dma_wait3A_709 = tpu.memref_slice %arg10[%dma_wait3A_708] : memref<8064xf32, #tpu.memory_space<vmem>> -> memref<4032xf32, #tpu.memory_space<vmem>>
    %dma_wait3A_710 = tpu.memref_slice %arg16[%add3A_698] : memref<1000000xf32, #tpu.memory_space<vmem_shared>> -> memref<4032xf32, #tpu.memory_space<vmem_shared>>
    tpu.wait_dma2 semaphore(%arg14 : memref<!tpu.dma_semaphore, #tpu.memory_space<semaphore_mem>>) src(%dma_wait3A_710 : memref<4032xf32, #tpu.memory_space<vmem_shared>>) dst(%dma_wait3A_709 : memref<4032xf32, #tpu.memory_space<vmem>>)
    %add3A_711 = arith.constant 52416 : i32
    %add3A_712 = arith.addi %multiple_of3A, %add3A_711 : i32
    %dma_start3A_713 = arith.constant 4032 : i32
    %dma_start3A_714 = tpu.memref_slice %arg10[%dma_start3A_713] : memref<8064xf32, #tpu.memory_space<vmem>> -> memref<4032xf32, #tpu.memory_space<vmem>>
    %dma_start3A_715 = tpu.memref_slice %arg5[%add3A_712] : memref<1331200xf32, #tpu.memory_space<hbm>> -> memref<4032xf32, #tpu.memory_space<hbm>>
    %dma_start3A_716 = tpu.memref_slice %arg5[%add3A_712] : memref<1331200xf32, #tpu.memory_space<hbm>> -> memref<4032xf32, #tpu.memory_space<hbm>>
    %dma_start3A_717 = arith.constant 4032 : i32
    %dma_start3A_718 = tpu.memref_slice %arg10[%dma_start3A_717] : memref<8064xf32, #tpu.memory_space<vmem>> -> memref<4032xf32, #tpu.memory_space<vmem>>
    tpu.enqueue_dma source(%dma_start3A_718 : memref<4032xf32, #tpu.memory_space<vmem>>) target(%dma_start3A_716 : memref<4032xf32, #tpu.memory_space<hbm>>) target_semaphore(%arg15 : memref<!tpu.dma_semaphore, #tpu.memory_space<semaphore_mem>>)
    %dma_wait3A_719 = arith.constant 0 : i32
    %dma_wait3A_720 = tpu.memref_slice %arg10[%dma_wait3A_719] : memref<8064xf32, #tpu.memory_space<vmem>> -> memref<4032xf32, #tpu.memory_space<vmem>>
    %dma_wait3A_721 = tpu.memref_slice %arg5[%add3A_684] : memref<1331200xf32, #tpu.memory_space<hbm>> -> memref<4032xf32, #tpu.memory_space<hbm>>
    %dma_wait3A_722 = tpu.memref_slice %arg5[%add3A_684] : memref<1331200xf32, #tpu.memory_space<hbm>> -> memref<4032xf32, #tpu.memory_space<hbm>>
    %dma_wait3A_723 = arith.constant 0 : i32
    %dma_wait3A_724 = tpu.memref_slice %arg10[%dma_wait3A_723] : memref<8064xf32, #tpu.memory_space<vmem>> -> memref<4032xf32, #tpu.memory_space<vmem>>
    tpu.wait_dma2 semaphore(%arg15 : memref<!tpu.dma_semaphore, #tpu.memory_space<semaphore_mem>>) src(%dma_wait3A_724 : memref<4032xf32, #tpu.memory_space<vmem>>) dst(%dma_wait3A_722 : memref<4032xf32, #tpu.memory_space<hbm>>)
    %add3A_725 = arith.constant 56448 : i32
    %add3A_726 = arith.addi %multiple_of3A, %add3A_725 : i32
    %dma_start3A_727 = arith.constant 0 : i32
    %dma_start3A_728 = tpu.memref_slice %arg10[%dma_start3A_727] : memref<8064xf32, #tpu.memory_space<vmem>> -> memref<4032xf32, #tpu.memory_space<vmem>>
    %dma_start3A_729 = tpu.memref_slice %arg16[%add3A_726] : memref<1000000xf32, #tpu.memory_space<vmem_shared>> -> memref<4032xf32, #tpu.memory_space<vmem_shared>>
    %dma_start3A_730 = arith.constant 0 : i32
    %dma_start3A_731 = tpu.memref_slice %arg10[%dma_start3A_730] : memref<8064xf32, #tpu.memory_space<vmem>> -> memref<4032xf32, #tpu.memory_space<vmem>>
    %dma_start3A_732 = tpu.memref_slice %arg16[%add3A_726] : memref<1000000xf32, #tpu.memory_space<vmem_shared>> -> memref<4032xf32, #tpu.memory_space<vmem_shared>>
    tpu.enqueue_dma source(%dma_start3A_732 : memref<4032xf32, #tpu.memory_space<vmem_shared>>) target(%dma_start3A_731 : memref<4032xf32, #tpu.memory_space<vmem>>) target_semaphore(%arg14 : memref<!tpu.dma_semaphore, #tpu.memory_space<semaphore_mem>>)
    %dma_wait3A_733 = arith.constant 0 : i32
    %dma_wait3A_734 = tpu.memref_slice %arg10[%dma_wait3A_733] : memref<8064xf32, #tpu.memory_space<vmem>> -> memref<4032xf32, #tpu.memory_space<vmem>>
    %dma_wait3A_735 = tpu.memref_slice %arg16[%add3A_726] : memref<1000000xf32, #tpu.memory_space<vmem_shared>> -> memref<4032xf32, #tpu.memory_space<vmem_shared>>
    %dma_wait3A_736 = arith.constant 0 : i32
    %dma_wait3A_737 = tpu.memref_slice %arg10[%dma_wait3A_736] : memref<8064xf32, #tpu.memory_space<vmem>> -> memref<4032xf32, #tpu.memory_space<vmem>>
    %dma_wait3A_738 = tpu.memref_slice %arg16[%add3A_726] : memref<1000000xf32, #tpu.memory_space<vmem_shared>> -> memref<4032xf32, #tpu.memory_space<vmem_shared>>
    tpu.wait_dma2 semaphore(%arg14 : memref<!tpu.dma_semaphore, #tpu.memory_space<semaphore_mem>>) src(%dma_wait3A_738 : memref<4032xf32, #tpu.memory_space<vmem_shared>>) dst(%dma_wait3A_737 : memref<4032xf32, #tpu.memory_space<vmem>>)
    %add3A_739 = arith.constant 56448 : i32
    %add3A_740 = arith.addi %multiple_of3A, %add3A_739 : i32
    %dma_start3A_741 = arith.constant 0 : i32
    %dma_start3A_742 = tpu.memref_slice %arg10[%dma_start3A_741] : memref<8064xf32, #tpu.memory_space<vmem>> -> memref<4032xf32, #tpu.memory_space<vmem>>
    %dma_start3A_743 = tpu.memref_slice %arg5[%add3A_740] : memref<1331200xf32, #tpu.memory_space<hbm>> -> memref<4032xf32, #tpu.memory_space<hbm>>
    %dma_start3A_744 = tpu.memref_slice %arg5[%add3A_740] : memref<1331200xf32, #tpu.memory_space<hbm>> -> memref<4032xf32, #tpu.memory_space<hbm>>
    %dma_start3A_745 = arith.constant 0 : i32
    %dma_start3A_746 = tpu.memref_slice %arg10[%dma_start3A_745] : memref<8064xf32, #tpu.memory_space<vmem>> -> memref<4032xf32, #tpu.memory_space<vmem>>
    tpu.enqueue_dma source(%dma_start3A_746 : memref<4032xf32, #tpu.memory_space<vmem>>) target(%dma_start3A_744 : memref<4032xf32, #tpu.memory_space<hbm>>) target_semaphore(%arg15 : memref<!tpu.dma_semaphore, #tpu.memory_space<semaphore_mem>>)
    %dma_wait3A_747 = arith.constant 4032 : i32
    %dma_wait3A_748 = tpu.memref_slice %arg10[%dma_wait3A_747] : memref<8064xf32, #tpu.memory_space<vmem>> -> memref<4032xf32, #tpu.memory_space<vmem>>
    %dma_wait3A_749 = tpu.memref_slice %arg5[%add3A_712] : memref<1331200xf32, #tpu.memory_space<hbm>> -> memref<4032xf32, #tpu.memory_space<hbm>>
    %dma_wait3A_750 = tpu.memref_slice %arg5[%add3A_712] : memref<1331200xf32, #tpu.memory_space<hbm>> -> memref<4032xf32, #tpu.memory_space<hbm>>
    %dma_wait3A_751 = arith.constant 4032 : i32
    %dma_wait3A_752 = tpu.memref_slice %arg10[%dma_wait3A_751] : memref<8064xf32, #tpu.memory_space<vmem>> -> memref<4032xf32, #tpu.memory_space<vmem>>
    tpu.wait_dma2 semaphore(%arg15 : memref<!tpu.dma_semaphore, #tpu.memory_space<semaphore_mem>>) src(%dma_wait3A_752 : memref<4032xf32, #tpu.memory_space<vmem>>) dst(%dma_wait3A_750 : memref<4032xf32, #tpu.memory_space<hbm>>)
    %add3A_753 = arith.constant 60480 : i32
    %add3A_754 = arith.addi %multiple_of3A, %add3A_753 : i32
    %dma_start3A_755 = arith.constant 4032 : i32
    %dma_start3A_756 = tpu.memref_slice %arg10[%dma_start3A_755] : memref<8064xf32, #tpu.memory_space<vmem>> -> memref<4032xf32, #tpu.memory_space<vmem>>
    %dma_start3A_757 = tpu.memref_slice %arg16[%add3A_754] : memref<1000000xf32, #tpu.memory_space<vmem_shared>> -> memref<4032xf32, #tpu.memory_space<vmem_shared>>
    %dma_start3A_758 = arith.constant 4032 : i32
    %dma_start3A_759 = tpu.memref_slice %arg10[%dma_start3A_758] : memref<8064xf32, #tpu.memory_space<vmem>> -> memref<4032xf32, #tpu.memory_space<vmem>>
    %dma_start3A_760 = tpu.memref_slice %arg16[%add3A_754] : memref<1000000xf32, #tpu.memory_space<vmem_shared>> -> memref<4032xf32, #tpu.memory_space<vmem_shared>>
    tpu.enqueue_dma source(%dma_start3A_760 : memref<4032xf32, #tpu.memory_space<vmem_shared>>) target(%dma_start3A_759 : memref<4032xf32, #tpu.memory_space<vmem>>) target_semaphore(%arg14 : memref<!tpu.dma_semaphore, #tpu.memory_space<semaphore_mem>>)
    %dma_wait3A_761 = arith.constant 4032 : i32
    %dma_wait3A_762 = tpu.memref_slice %arg10[%dma_wait3A_761] : memref<8064xf32, #tpu.memory_space<vmem>> -> memref<4032xf32, #tpu.memory_space<vmem>>
    %dma_wait3A_763 = tpu.memref_slice %arg16[%add3A_754] : memref<1000000xf32, #tpu.memory_space<vmem_shared>> -> memref<4032xf32, #tpu.memory_space<vmem_shared>>
    %dma_wait3A_764 = arith.constant 4032 : i32
    %dma_wait3A_765 = tpu.memref_slice %arg10[%dma_wait3A_764] : memref<8064xf32, #tpu.memory_space<vmem>> -> memref<4032xf32, #tpu.memory_space<vmem>>
    %dma_wait3A_766 = tpu.memref_slice %arg16[%add3A_754] : memref<1000000xf32, #tpu.memory_space<vmem_shared>> -> memref<4032xf32, #tpu.memory_space<vmem_shared>>
    tpu.wait_dma2 semaphore(%arg14 : memref<!tpu.dma_semaphore, #tpu.memory_space<semaphore_mem>>) src(%dma_wait3A_766 : memref<4032xf32, #tpu.memory_space<vmem_shared>>) dst(%dma_wait3A_765 : memref<4032xf32, #tpu.memory_space<vmem>>)
    %add3A_767 = arith.constant 60480 : i32
    %add3A_768 = arith.addi %multiple_of3A, %add3A_767 : i32
    %dma_start3A_769 = arith.constant 4032 : i32
    %dma_start3A_770 = tpu.memref_slice %arg10[%dma_start3A_769] : memref<8064xf32, #tpu.memory_space<vmem>> -> memref<4032xf32, #tpu.memory_space<vmem>>
    %dma_start3A_771 = tpu.memref_slice %arg5[%add3A_768] : memref<1331200xf32, #tpu.memory_space<hbm>> -> memref<4032xf32, #tpu.memory_space<hbm>>
    %dma_start3A_772 = tpu.memref_slice %arg5[%add3A_768] : memref<1331200xf32, #tpu.memory_space<hbm>> -> memref<4032xf32, #tpu.memory_space<hbm>>
    %dma_start3A_773 = arith.constant 4032 : i32
    %dma_start3A_774 = tpu.memref_slice %arg10[%dma_start3A_773] : memref<8064xf32, #tpu.memory_space<vmem>> -> memref<4032xf32, #tpu.memory_space<vmem>>
    tpu.enqueue_dma source(%dma_start3A_774 : memref<4032xf32, #tpu.memory_space<vmem>>) target(%dma_start3A_772 : memref<4032xf32, #tpu.memory_space<hbm>>) target_semaphore(%arg15 : memref<!tpu.dma_semaphore, #tpu.memory_space<semaphore_mem>>)
    %dma_wait3A_775 = arith.constant 0 : i32
    %dma_wait3A_776 = tpu.memref_slice %arg10[%dma_wait3A_775] : memref<8064xf32, #tpu.memory_space<vmem>> -> memref<4032xf32, #tpu.memory_space<vmem>>
    %dma_wait3A_777 = tpu.memref_slice %arg5[%add3A_740] : memref<1331200xf32, #tpu.memory_space<hbm>> -> memref<4032xf32, #tpu.memory_space<hbm>>
    %dma_wait3A_778 = tpu.memref_slice %arg5[%add3A_740] : memref<1331200xf32, #tpu.memory_space<hbm>> -> memref<4032xf32, #tpu.memory_space<hbm>>
    %dma_wait3A_779 = arith.constant 0 : i32
    %dma_wait3A_780 = tpu.memref_slice %arg10[%dma_wait3A_779] : memref<8064xf32, #tpu.memory_space<vmem>> -> memref<4032xf32, #tpu.memory_space<vmem>>
    tpu.wait_dma2 semaphore(%arg15 : memref<!tpu.dma_semaphore, #tpu.memory_space<semaphore_mem>>) src(%dma_wait3A_780 : memref<4032xf32, #tpu.memory_space<vmem>>) dst(%dma_wait3A_778 : memref<4032xf32, #tpu.memory_space<hbm>>)
    %add3A_781 = arith.constant 64512 : i32
    %add3A_782 = arith.addi %multiple_of3A, %add3A_781 : i32
    %dma_start3A_783 = arith.constant 0 : i32
    %dma_start3A_784 = tpu.memref_slice %arg10[%dma_start3A_783] : memref<8064xf32, #tpu.memory_space<vmem>> -> memref<4032xf32, #tpu.memory_space<vmem>>
    %dma_start3A_785 = tpu.memref_slice %arg16[%add3A_782] : memref<1000000xf32, #tpu.memory_space<vmem_shared>> -> memref<4032xf32, #tpu.memory_space<vmem_shared>>
    %dma_start3A_786 = arith.constant 0 : i32
    %dma_start3A_787 = tpu.memref_slice %arg10[%dma_start3A_786] : memref<8064xf32, #tpu.memory_space<vmem>> -> memref<4032xf32, #tpu.memory_space<vmem>>
    %dma_start3A_788 = tpu.memref_slice %arg16[%add3A_782] : memref<1000000xf32, #tpu.memory_space<vmem_shared>> -> memref<4032xf32, #tpu.memory_space<vmem_shared>>
    tpu.enqueue_dma source(%dma_start3A_788 : memref<4032xf32, #tpu.memory_space<vmem_shared>>) target(%dma_start3A_787 : memref<4032xf32, #tpu.memory_space<vmem>>) target_semaphore(%arg14 : memref<!tpu.dma_semaphore, #tpu.memory_space<semaphore_mem>>)
    %dma_wait3A_789 = arith.constant 0 : i32
    %dma_wait3A_790 = tpu.memref_slice %arg10[%dma_wait3A_789] : memref<8064xf32, #tpu.memory_space<vmem>> -> memref<4032xf32, #tpu.memory_space<vmem>>
    %dma_wait3A_791 = tpu.memref_slice %arg16[%add3A_782] : memref<1000000xf32, #tpu.memory_space<vmem_shared>> -> memref<4032xf32, #tpu.memory_space<vmem_shared>>
    %dma_wait3A_792 = arith.constant 0 : i32
    %dma_wait3A_793 = tpu.memref_slice %arg10[%dma_wait3A_792] : memref<8064xf32, #tpu.memory_space<vmem>> -> memref<4032xf32, #tpu.memory_space<vmem>>
    %dma_wait3A_794 = tpu.memref_slice %arg16[%add3A_782] : memref<1000000xf32, #tpu.memory_space<vmem_shared>> -> memref<4032xf32, #tpu.memory_space<vmem_shared>>
    tpu.wait_dma2 semaphore(%arg14 : memref<!tpu.dma_semaphore, #tpu.memory_space<semaphore_mem>>) src(%dma_wait3A_794 : memref<4032xf32, #tpu.memory_space<vmem_shared>>) dst(%dma_wait3A_793 : memref<4032xf32, #tpu.memory_space<vmem>>)
    %add3A_795 = arith.constant 64512 : i32
    %add3A_796 = arith.addi %multiple_of3A, %add3A_795 : i32
    %dma_start3A_797 = arith.constant 0 : i32
    %dma_start3A_798 = tpu.memref_slice %arg10[%dma_start3A_797] : memref<8064xf32, #tpu.memory_space<vmem>> -> memref<4032xf32, #tpu.memory_space<vmem>>
    %dma_start3A_799 = tpu.memref_slice %arg5[%add3A_796] : memref<1331200xf32, #tpu.memory_space<hbm>> -> memref<4032xf32, #tpu.memory_space<hbm>>
    %dma_start3A_800 = tpu.memref_slice %arg5[%add3A_796] : memref<1331200xf32, #tpu.memory_space<hbm>> -> memref<4032xf32, #tpu.memory_space<hbm>>
    %dma_start3A_801 = arith.constant 0 : i32
    %dma_start3A_802 = tpu.memref_slice %arg10[%dma_start3A_801] : memref<8064xf32, #tpu.memory_space<vmem>> -> memref<4032xf32, #tpu.memory_space<vmem>>
    tpu.enqueue_dma source(%dma_start3A_802 : memref<4032xf32, #tpu.memory_space<vmem>>) target(%dma_start3A_800 : memref<4032xf32, #tpu.memory_space<hbm>>) target_semaphore(%arg15 : memref<!tpu.dma_semaphore, #tpu.memory_space<semaphore_mem>>)
    %dma_wait3A_803 = arith.constant 4032 : i32
    %dma_wait3A_804 = tpu.memref_slice %arg10[%dma_wait3A_803] : memref<8064xf32, #tpu.memory_space<vmem>> -> memref<4032xf32, #tpu.memory_space<vmem>>
    %dma_wait3A_805 = tpu.memref_slice %arg5[%add3A_768] : memref<1331200xf32, #tpu.memory_space<hbm>> -> memref<4032xf32, #tpu.memory_space<hbm>>
    %dma_wait3A_806 = tpu.memref_slice %arg5[%add3A_768] : memref<1331200xf32, #tpu.memory_space<hbm>> -> memref<4032xf32, #tpu.memory_space<hbm>>
    %dma_wait3A_807 = arith.constant 4032 : i32
    %dma_wait3A_808 = tpu.memref_slice %arg10[%dma_wait3A_807] : memref<8064xf32, #tpu.memory_space<vmem>> -> memref<4032xf32, #tpu.memory_space<vmem>>
    tpu.wait_dma2 semaphore(%arg15 : memref<!tpu.dma_semaphore, #tpu.memory_space<semaphore_mem>>) src(%dma_wait3A_808 : memref<4032xf32, #tpu.memory_space<vmem>>) dst(%dma_wait3A_806 : memref<4032xf32, #tpu.memory_space<hbm>>)
    %add3A_809 = arith.constant 68544 : i32
    %add3A_810 = arith.addi %multiple_of3A, %add3A_809 : i32
    %dma_start3A_811 = arith.constant 4032 : i32
    %dma_start3A_812 = tpu.memref_slice %arg10[%dma_start3A_811] : memref<8064xf32, #tpu.memory_space<vmem>> -> memref<4032xf32, #tpu.memory_space<vmem>>
    %dma_start3A_813 = tpu.memref_slice %arg16[%add3A_810] : memref<1000000xf32, #tpu.memory_space<vmem_shared>> -> memref<4032xf32, #tpu.memory_space<vmem_shared>>
    %dma_start3A_814 = arith.constant 4032 : i32
    %dma_start3A_815 = tpu.memref_slice %arg10[%dma_start3A_814] : memref<8064xf32, #tpu.memory_space<vmem>> -> memref<4032xf32, #tpu.memory_space<vmem>>
    %dma_start3A_816 = tpu.memref_slice %arg16[%add3A_810] : memref<1000000xf32, #tpu.memory_space<vmem_shared>> -> memref<4032xf32, #tpu.memory_space<vmem_shared>>
    tpu.enqueue_dma source(%dma_start3A_816 : memref<4032xf32, #tpu.memory_space<vmem_shared>>) target(%dma_start3A_815 : memref<4032xf32, #tpu.memory_space<vmem>>) target_semaphore(%arg14 : memref<!tpu.dma_semaphore, #tpu.memory_space<semaphore_mem>>)
    %dma_wait3A_817 = arith.constant 4032 : i32
    %dma_wait3A_818 = tpu.memref_slice %arg10[%dma_wait3A_817] : memref<8064xf32, #tpu.memory_space<vmem>> -> memref<4032xf32, #tpu.memory_space<vmem>>
    %dma_wait3A_819 = tpu.memref_slice %arg16[%add3A_810] : memref<1000000xf32, #tpu.memory_space<vmem_shared>> -> memref<4032xf32, #tpu.memory_space<vmem_shared>>
    %dma_wait3A_820 = arith.constant 4032 : i32
    %dma_wait3A_821 = tpu.memref_slice %arg10[%dma_wait3A_820] : memref<8064xf32, #tpu.memory_space<vmem>> -> memref<4032xf32, #tpu.memory_space<vmem>>
    %dma_wait3A_822 = tpu.memref_slice %arg16[%add3A_810] : memref<1000000xf32, #tpu.memory_space<vmem_shared>> -> memref<4032xf32, #tpu.memory_space<vmem_shared>>
    tpu.wait_dma2 semaphore(%arg14 : memref<!tpu.dma_semaphore, #tpu.memory_space<semaphore_mem>>) src(%dma_wait3A_822 : memref<4032xf32, #tpu.memory_space<vmem_shared>>) dst(%dma_wait3A_821 : memref<4032xf32, #tpu.memory_space<vmem>>)
    %add3A_823 = arith.constant 68544 : i32
    %add3A_824 = arith.addi %multiple_of3A, %add3A_823 : i32
    %dma_start3A_825 = arith.constant 4032 : i32
    %dma_start3A_826 = tpu.memref_slice %arg10[%dma_start3A_825] : memref<8064xf32, #tpu.memory_space<vmem>> -> memref<4032xf32, #tpu.memory_space<vmem>>
    %dma_start3A_827 = tpu.memref_slice %arg5[%add3A_824] : memref<1331200xf32, #tpu.memory_space<hbm>> -> memref<4032xf32, #tpu.memory_space<hbm>>
    %dma_start3A_828 = tpu.memref_slice %arg5[%add3A_824] : memref<1331200xf32, #tpu.memory_space<hbm>> -> memref<4032xf32, #tpu.memory_space<hbm>>
    %dma_start3A_829 = arith.constant 4032 : i32
    %dma_start3A_830 = tpu.memref_slice %arg10[%dma_start3A_829] : memref<8064xf32, #tpu.memory_space<vmem>> -> memref<4032xf32, #tpu.memory_space<vmem>>
    tpu.enqueue_dma source(%dma_start3A_830 : memref<4032xf32, #tpu.memory_space<vmem>>) target(%dma_start3A_828 : memref<4032xf32, #tpu.memory_space<hbm>>) target_semaphore(%arg15 : memref<!tpu.dma_semaphore, #tpu.memory_space<semaphore_mem>>)
    %dma_wait3A_831 = arith.constant 0 : i32
    %dma_wait3A_832 = tpu.memref_slice %arg10[%dma_wait3A_831] : memref<8064xf32, #tpu.memory_space<vmem>> -> memref<4032xf32, #tpu.memory_space<vmem>>
    %dma_wait3A_833 = tpu.memref_slice %arg5[%add3A_796] : memref<1331200xf32, #tpu.memory_space<hbm>> -> memref<4032xf32, #tpu.memory_space<hbm>>
    %dma_wait3A_834 = tpu.memref_slice %arg5[%add3A_796] : memref<1331200xf32, #tpu.memory_space<hbm>> -> memref<4032xf32, #tpu.memory_space<hbm>>
    %dma_wait3A_835 = arith.constant 0 : i32
    %dma_wait3A_836 = tpu.memref_slice %arg10[%dma_wait3A_835] : memref<8064xf32, #tpu.memory_space<vmem>> -> memref<4032xf32, #tpu.memory_space<vmem>>
    tpu.wait_dma2 semaphore(%arg15 : memref<!tpu.dma_semaphore, #tpu.memory_space<semaphore_mem>>) src(%dma_wait3A_836 : memref<4032xf32, #tpu.memory_space<vmem>>) dst(%dma_wait3A_834 : memref<4032xf32, #tpu.memory_space<hbm>>)
    %add3A_837 = arith.constant 72576 : i32
    %add3A_838 = arith.addi %multiple_of3A, %add3A_837 : i32
    %dma_start3A_839 = arith.constant 0 : i32
    %dma_start3A_840 = tpu.memref_slice %arg10[%dma_start3A_839] : memref<8064xf32, #tpu.memory_space<vmem>> -> memref<4032xf32, #tpu.memory_space<vmem>>
    %dma_start3A_841 = tpu.memref_slice %arg16[%add3A_838] : memref<1000000xf32, #tpu.memory_space<vmem_shared>> -> memref<4032xf32, #tpu.memory_space<vmem_shared>>
    %dma_start3A_842 = arith.constant 0 : i32
    %dma_start3A_843 = tpu.memref_slice %arg10[%dma_start3A_842] : memref<8064xf32, #tpu.memory_space<vmem>> -> memref<4032xf32, #tpu.memory_space<vmem>>
    %dma_start3A_844 = tpu.memref_slice %arg16[%add3A_838] : memref<1000000xf32, #tpu.memory_space<vmem_shared>> -> memref<4032xf32, #tpu.memory_space<vmem_shared>>
    tpu.enqueue_dma source(%dma_start3A_844 : memref<4032xf32, #tpu.memory_space<vmem_shared>>) target(%dma_start3A_843 : memref<4032xf32, #tpu.memory_space<vmem>>) target_semaphore(%arg14 : memref<!tpu.dma_semaphore, #tpu.memory_space<semaphore_mem>>)
    %dma_wait3A_845 = arith.constant 0 : i32
    %dma_wait3A_846 = tpu.memref_slice %arg10[%dma_wait3A_845] : memref<8064xf32, #tpu.memory_space<vmem>> -> memref<4032xf32, #tpu.memory_space<vmem>>
    %dma_wait3A_847 = tpu.memref_slice %arg16[%add3A_838] : memref<1000000xf32, #tpu.memory_space<vmem_shared>> -> memref<4032xf32, #tpu.memory_space<vmem_shared>>
    %dma_wait3A_848 = arith.constant 0 : i32
    %dma_wait3A_849 = tpu.memref_slice %arg10[%dma_wait3A_848] : memref<8064xf32, #tpu.memory_space<vmem>> -> memref<4032xf32, #tpu.memory_space<vmem>>
    %dma_wait3A_850 = tpu.memref_slice %arg16[%add3A_838] : memref<1000000xf32, #tpu.memory_space<vmem_shared>> -> memref<4032xf32, #tpu.memory_space<vmem_shared>>
    tpu.wait_dma2 semaphore(%arg14 : memref<!tpu.dma_semaphore, #tpu.memory_space<semaphore_mem>>) src(%dma_wait3A_850 : memref<4032xf32, #tpu.memory_space<vmem_shared>>) dst(%dma_wait3A_849 : memref<4032xf32, #tpu.memory_space<vmem>>)
    %add3A_851 = arith.constant 72576 : i32
    %add3A_852 = arith.addi %multiple_of3A, %add3A_851 : i32
    %dma_start3A_853 = arith.constant 0 : i32
    %dma_start3A_854 = tpu.memref_slice %arg10[%dma_start3A_853] : memref<8064xf32, #tpu.memory_space<vmem>> -> memref<4032xf32, #tpu.memory_space<vmem>>
    %dma_start3A_855 = tpu.memref_slice %arg5[%add3A_852] : memref<1331200xf32, #tpu.memory_space<hbm>> -> memref<4032xf32, #tpu.memory_space<hbm>>
    %dma_start3A_856 = tpu.memref_slice %arg5[%add3A_852] : memref<1331200xf32, #tpu.memory_space<hbm>> -> memref<4032xf32, #tpu.memory_space<hbm>>
    %dma_start3A_857 = arith.constant 0 : i32
    %dma_start3A_858 = tpu.memref_slice %arg10[%dma_start3A_857] : memref<8064xf32, #tpu.memory_space<vmem>> -> memref<4032xf32, #tpu.memory_space<vmem>>
    tpu.enqueue_dma source(%dma_start3A_858 : memref<4032xf32, #tpu.memory_space<vmem>>) target(%dma_start3A_856 : memref<4032xf32, #tpu.memory_space<hbm>>) target_semaphore(%arg15 : memref<!tpu.dma_semaphore, #tpu.memory_space<semaphore_mem>>)
    %dma_wait3A_859 = arith.constant 4032 : i32
    %dma_wait3A_860 = tpu.memref_slice %arg10[%dma_wait3A_859] : memref<8064xf32, #tpu.memory_space<vmem>> -> memref<4032xf32, #tpu.memory_space<vmem>>
    %dma_wait3A_861 = tpu.memref_slice %arg5[%add3A_824] : memref<1331200xf32, #tpu.memory_space<hbm>> -> memref<4032xf32, #tpu.memory_space<hbm>>
    %dma_wait3A_862 = tpu.memref_slice %arg5[%add3A_824] : memref<1331200xf32, #tpu.memory_space<hbm>> -> memref<4032xf32, #tpu.memory_space<hbm>>
    %dma_wait3A_863 = arith.constant 4032 : i32
    %dma_wait3A_864 = tpu.memref_slice %arg10[%dma_wait3A_863] : memref<8064xf32, #tpu.memory_space<vmem>> -> memref<4032xf32, #tpu.memory_space<vmem>>
    tpu.wait_dma2 semaphore(%arg15 : memref<!tpu.dma_semaphore, #tpu.memory_space<semaphore_mem>>) src(%dma_wait3A_864 : memref<4032xf32, #tpu.memory_space<vmem>>) dst(%dma_wait3A_862 : memref<4032xf32, #tpu.memory_space<hbm>>)
    %add3A_865 = arith.constant 76608 : i32
    %add3A_866 = arith.addi %multiple_of3A, %add3A_865 : i32
    %dma_start3A_867 = arith.constant 4032 : i32
    %dma_start3A_868 = tpu.memref_slice %arg10[%dma_start3A_867] : memref<8064xf32, #tpu.memory_space<vmem>> -> memref<4032xf32, #tpu.memory_space<vmem>>
    %dma_start3A_869 = tpu.memref_slice %arg16[%add3A_866] : memref<1000000xf32, #tpu.memory_space<vmem_shared>> -> memref<4032xf32, #tpu.memory_space<vmem_shared>>
    %dma_start3A_870 = arith.constant 4032 : i32
    %dma_start3A_871 = tpu.memref_slice %arg10[%dma_start3A_870] : memref<8064xf32, #tpu.memory_space<vmem>> -> memref<4032xf32, #tpu.memory_space<vmem>>
    %dma_start3A_872 = tpu.memref_slice %arg16[%add3A_866] : memref<1000000xf32, #tpu.memory_space<vmem_shared>> -> memref<4032xf32, #tpu.memory_space<vmem_shared>>
    tpu.enqueue_dma source(%dma_start3A_872 : memref<4032xf32, #tpu.memory_space<vmem_shared>>) target(%dma_start3A_871 : memref<4032xf32, #tpu.memory_space<vmem>>) target_semaphore(%arg14 : memref<!tpu.dma_semaphore, #tpu.memory_space<semaphore_mem>>)
    %dma_wait3A_873 = arith.constant 4032 : i32
    %dma_wait3A_874 = tpu.memref_slice %arg10[%dma_wait3A_873] : memref<8064xf32, #tpu.memory_space<vmem>> -> memref<4032xf32, #tpu.memory_space<vmem>>
    %dma_wait3A_875 = tpu.memref_slice %arg16[%add3A_866] : memref<1000000xf32, #tpu.memory_space<vmem_shared>> -> memref<4032xf32, #tpu.memory_space<vmem_shared>>
    %dma_wait3A_876 = arith.constant 4032 : i32
    %dma_wait3A_877 = tpu.memref_slice %arg10[%dma_wait3A_876] : memref<8064xf32, #tpu.memory_space<vmem>> -> memref<4032xf32, #tpu.memory_space<vmem>>
    %dma_wait3A_878 = tpu.memref_slice %arg16[%add3A_866] : memref<1000000xf32, #tpu.memory_space<vmem_shared>> -> memref<4032xf32, #tpu.memory_space<vmem_shared>>
    tpu.wait_dma2 semaphore(%arg14 : memref<!tpu.dma_semaphore, #tpu.memory_space<semaphore_mem>>) src(%dma_wait3A_878 : memref<4032xf32, #tpu.memory_space<vmem_shared>>) dst(%dma_wait3A_877 : memref<4032xf32, #tpu.memory_space<vmem>>)
    %add3A_879 = arith.constant 76608 : i32
    %add3A_880 = arith.addi %multiple_of3A, %add3A_879 : i32
    %dma_start3A_881 = arith.constant 4032 : i32
    %dma_start3A_882 = tpu.memref_slice %arg10[%dma_start3A_881] : memref<8064xf32, #tpu.memory_space<vmem>> -> memref<4032xf32, #tpu.memory_space<vmem>>
    %dma_start3A_883 = tpu.memref_slice %arg5[%add3A_880] : memref<1331200xf32, #tpu.memory_space<hbm>> -> memref<4032xf32, #tpu.memory_space<hbm>>
    %dma_start3A_884 = tpu.memref_slice %arg5[%add3A_880] : memref<1331200xf32, #tpu.memory_space<hbm>> -> memref<4032xf32, #tpu.memory_space<hbm>>
    %dma_start3A_885 = arith.constant 4032 : i32
    %dma_start3A_886 = tpu.memref_slice %arg10[%dma_start3A_885] : memref<8064xf32, #tpu.memory_space<vmem>> -> memref<4032xf32, #tpu.memory_space<vmem>>
    tpu.enqueue_dma source(%dma_start3A_886 : memref<4032xf32, #tpu.memory_space<vmem>>) target(%dma_start3A_884 : memref<4032xf32, #tpu.memory_space<hbm>>) target_semaphore(%arg15 : memref<!tpu.dma_semaphore, #tpu.memory_space<semaphore_mem>>)
    %dma_wait3A_887 = arith.constant 0 : i32
    %dma_wait3A_888 = tpu.memref_slice %arg10[%dma_wait3A_887] : memref<8064xf32, #tpu.memory_space<vmem>> -> memref<4032xf32, #tpu.memory_space<vmem>>
    %dma_wait3A_889 = tpu.memref_slice %arg5[%add3A_852] : memref<1331200xf32, #tpu.memory_space<hbm>> -> memref<4032xf32, #tpu.memory_space<hbm>>
    %dma_wait3A_890 = tpu.memref_slice %arg5[%add3A_852] : memref<1331200xf32, #tpu.memory_space<hbm>> -> memref<4032xf32, #tpu.memory_space<hbm>>
    %dma_wait3A_891 = arith.constant 0 : i32
    %dma_wait3A_892 = tpu.memref_slice %arg10[%dma_wait3A_891] : memref<8064xf32, #tpu.memory_space<vmem>> -> memref<4032xf32, #tpu.memory_space<vmem>>
    tpu.wait_dma2 semaphore(%arg15 : memref<!tpu.dma_semaphore, #tpu.memory_space<semaphore_mem>>) src(%dma_wait3A_892 : memref<4032xf32, #tpu.memory_space<vmem>>) dst(%dma_wait3A_890 : memref<4032xf32, #tpu.memory_space<hbm>>)
    %add3A_893 = arith.constant 80640 : i32
    %add3A_894 = arith.addi %multiple_of3A, %add3A_893 : i32
    %dma_start3A_895 = arith.constant 0 : i32
    %dma_start3A_896 = tpu.memref_slice %arg10[%dma_start3A_895] : memref<8064xf32, #tpu.memory_space<vmem>> -> memref<2560xf32, #tpu.memory_space<vmem>>
    %dma_start3A_897 = tpu.memref_slice %arg16[%add3A_894] : memref<1000000xf32, #tpu.memory_space<vmem_shared>> -> memref<2560xf32, #tpu.memory_space<vmem_shared>>
    %dma_start3A_898 = arith.constant 0 : i32
    %dma_start3A_899 = tpu.memref_slice %arg10[%dma_start3A_898] : memref<8064xf32, #tpu.memory_space<vmem>> -> memref<2560xf32, #tpu.memory_space<vmem>>
    %dma_start3A_900 = tpu.memref_slice %arg16[%add3A_894] : memref<1000000xf32, #tpu.memory_space<vmem_shared>> -> memref<2560xf32, #tpu.memory_space<vmem_shared>>
    tpu.enqueue_dma source(%dma_start3A_900 : memref<2560xf32, #tpu.memory_space<vmem_shared>>) target(%dma_start3A_899 : memref<2560xf32, #tpu.memory_space<vmem>>) target_semaphore(%arg14 : memref<!tpu.dma_semaphore, #tpu.memory_space<semaphore_mem>>)
    %dma_wait3A_901 = arith.constant 0 : i32
    %dma_wait3A_902 = tpu.memref_slice %arg10[%dma_wait3A_901] : memref<8064xf32, #tpu.memory_space<vmem>> -> memref<2560xf32, #tpu.memory_space<vmem>>
    %dma_wait3A_903 = tpu.memref_slice %arg16[%add3A_894] : memref<1000000xf32, #tpu.memory_space<vmem_shared>> -> memref<2560xf32, #tpu.memory_space<vmem_shared>>
    %dma_wait3A_904 = arith.constant 0 : i32
    %dma_wait3A_905 = tpu.memref_slice %arg10[%dma_wait3A_904] : memref<8064xf32, #tpu.memory_space<vmem>> -> memref<2560xf32, #tpu.memory_space<vmem>>
    %dma_wait3A_906 = tpu.memref_slice %arg16[%add3A_894] : memref<1000000xf32, #tpu.memory_space<vmem_shared>> -> memref<2560xf32, #tpu.memory_space<vmem_shared>>
    tpu.wait_dma2 semaphore(%arg14 : memref<!tpu.dma_semaphore, #tpu.memory_space<semaphore_mem>>) src(%dma_wait3A_906 : memref<2560xf32, #tpu.memory_space<vmem_shared>>) dst(%dma_wait3A_905 : memref<2560xf32, #tpu.memory_space<vmem>>)
    %add3A_907 = arith.constant 80640 : i32
    %add3A_908 = arith.addi %multiple_of3A, %add3A_907 : i32
    %dma_start3A_909 = arith.constant 0 : i32
    %dma_start3A_910 = tpu.memref_slice %arg10[%dma_start3A_909] : memref<8064xf32, #tpu.memory_space<vmem>> -> memref<2560xf32, #tpu.memory_space<vmem>>
    %dma_start3A_911 = tpu.memref_slice %arg5[%add3A_908] : memref<1331200xf32, #tpu.memory_space<hbm>> -> memref<2560xf32, #tpu.memory_space<hbm>>
    %dma_start3A_912 = tpu.memref_slice %arg5[%add3A_908] : memref<1331200xf32, #tpu.memory_space<hbm>> -> memref<2560xf32, #tpu.memory_space<hbm>>
    %dma_start3A_913 = arith.constant 0 : i32
    %dma_start3A_914 = tpu.memref_slice %arg10[%dma_start3A_913] : memref<8064xf32, #tpu.memory_space<vmem>> -> memref<2560xf32, #tpu.memory_space<vmem>>
    tpu.enqueue_dma source(%dma_start3A_914 : memref<2560xf32, #tpu.memory_space<vmem>>) target(%dma_start3A_912 : memref<2560xf32, #tpu.memory_space<hbm>>) target_semaphore(%arg15 : memref<!tpu.dma_semaphore, #tpu.memory_space<semaphore_mem>>)
    %dma_wait3A_915 = arith.constant 4032 : i32
    %dma_wait3A_916 = tpu.memref_slice %arg10[%dma_wait3A_915] : memref<8064xf32, #tpu.memory_space<vmem>> -> memref<4032xf32, #tpu.memory_space<vmem>>
    %dma_wait3A_917 = tpu.memref_slice %arg5[%add3A_880] : memref<1331200xf32, #tpu.memory_space<hbm>> -> memref<4032xf32, #tpu.memory_space<hbm>>
    %dma_wait3A_918 = tpu.memref_slice %arg5[%add3A_880] : memref<1331200xf32, #tpu.memory_space<hbm>> -> memref<4032xf32, #tpu.memory_space<hbm>>
    %dma_wait3A_919 = arith.constant 4032 : i32
    %dma_wait3A_920 = tpu.memref_slice %arg10[%dma_wait3A_919] : memref<8064xf32, #tpu.memory_space<vmem>> -> memref<4032xf32, #tpu.memory_space<vmem>>
    tpu.wait_dma2 semaphore(%arg15 : memref<!tpu.dma_semaphore, #tpu.memory_space<semaphore_mem>>) src(%dma_wait3A_920 : memref<4032xf32, #tpu.memory_space<vmem>>) dst(%dma_wait3A_918 : memref<4032xf32, #tpu.memory_space<hbm>>)
    %dma_wait3A_921 = arith.constant 0 : i32
    %dma_wait3A_922 = tpu.memref_slice %arg10[%dma_wait3A_921] : memref<8064xf32, #tpu.memory_space<vmem>> -> memref<2560xf32, #tpu.memory_space<vmem>>
    %dma_wait3A_923 = tpu.memref_slice %arg5[%add3A_908] : memref<1331200xf32, #tpu.memory_space<hbm>> -> memref<2560xf32, #tpu.memory_space<hbm>>
    %dma_wait3A_924 = tpu.memref_slice %arg5[%add3A_908] : memref<1331200xf32, #tpu.memory_space<hbm>> -> memref<2560xf32, #tpu.memory_space<hbm>>
    %dma_wait3A_925 = arith.constant 0 : i32
    %dma_wait3A_926 = tpu.memref_slice %arg10[%dma_wait3A_925] : memref<8064xf32, #tpu.memory_space<vmem>> -> memref<2560xf32, #tpu.memory_space<vmem>>
    tpu.wait_dma2 semaphore(%arg15 : memref<!tpu.dma_semaphore, #tpu.memory_space<semaphore_mem>>) src(%dma_wait3A_926 : memref<2560xf32, #tpu.memory_space<vmem>>) dst(%dma_wait3A_924 : memref<2560xf32, #tpu.memory_space<hbm>>)
    return
  }
}

module attributes {stable_mosaic.version = 14 : i64} {
  func.func @_dense_body(%arg0: memref<100x104x128xf32, #tpu.memory_space<vmem>>, %arg1: memref<100x100xi32, #tpu.memory_space<vmem>>, %arg2: memref<100x128xf32, #tpu.memory_space<vmem>>, %arg3: memref<128x128xf32, #tpu.memory_space<vmem>>, %arg4: memref<1x128xf32, #tpu.memory_space<vmem>>, %arg5: memref<1x128xf32, #tpu.memory_space<vmem>>, %arg6: memref<1x128xf32, #tpu.memory_space<vmem>>, %arg7: memref<128x128xf32, #tpu.memory_space<vmem>>, %arg8: memref<1x128xf32, #tpu.memory_space<vmem>>, %arg9: memref<128x128xf32, #tpu.memory_space<vmem>>, %arg10: memref<1x128xf32, #tpu.memory_space<vmem>>, %arg11: memref<128x128xf32, #tpu.memory_space<vmem>>, %arg12: memref<1x128xf32, #tpu.memory_space<vmem>>, %arg13: memref<128x128xf32, #tpu.memory_space<vmem>>, %arg14: memref<1x128xf32, #tpu.memory_space<vmem>>, %arg15: memref<1x128xf32, #tpu.memory_space<vmem>>, %arg16: memref<1x128xf32, #tpu.memory_space<vmem>>, %arg17: memref<128x128xf32, #tpu.memory_space<vmem>>, %arg18: memref<1x128xf32, #tpu.memory_space<vmem>>, %arg19: memref<128x128xf32, #tpu.memory_space<vmem>>, %arg20: memref<1x128xf32, #tpu.memory_space<vmem>>, %arg21: memref<128x128xf32, #tpu.memory_space<vmem>>, %arg22: memref<1x128xf32, #tpu.memory_space<vmem>>, %arg23: memref<1x128xf32, #tpu.memory_space<vmem>>, %arg24: memref<1x128xf32, #tpu.memory_space<vmem>>, %arg25: memref<128x128xf32, #tpu.memory_space<vmem>>, %arg26: memref<1x128xf32, #tpu.memory_space<vmem>>, %arg27: memref<1x128xf32, #tpu.memory_space<vmem>>, %arg28: memref<1x128xf32, #tpu.memory_space<vmem>>, %arg29: memref<128x1xf32, #tpu.memory_space<vmem>>, %arg30: memref<1x1xf32, #tpu.memory_space<vmem>>, %arg31: memref<100x3xf32, #tpu.memory_space<vmem>>, %arg32: memref<100x4950xf32, #tpu.memory_space<vmem>>, %arg33: memref<100x100x128xf32, #tpu.memory_space<vmem>>) attributes {dimension_semantics = [], scalar_prefetch = 0 : i64, scratch_operands = 1 : i64, tpu.core_type = #tpu.core_type<tc>} {
    %get3A = arith.constant 0 : index
    %get3A_0 = arith.constant 0 : index
    %get3A_1 = vector.load %arg1[%get3A, %get3A_0] : memref<100x100xi32, #tpu.memory_space<vmem>>, vector<100x100xi32>
    %iota3A = tpu.iota {dimensions = array<i32: 2>} : vector<100x100x100xi32>
    %broadcast_in_dim3A = vector.shape_cast %get3A_1 : vector<100x100xi32> to vector<100x100x1xi32>
    %eq3A = vector.broadcast %broadcast_in_dim3A : vector<100x100x1xi32> to vector<100x100x100xi32>
    %eq3A_2 = arith.cmpi eq, %eq3A, %iota3A : vector<100x100x100xi32>
    %jit3A = arith.constant 1.000000e+00 : f32
    %jit3A_3 = arith.constant 0.000000e+00 : f32
    %broadcast_in_dim3A_4 = vector.broadcast %jit3A : f32 to vector<100x100x100xf32>
    %broadcast_in_dim3A_5 = vector.broadcast %jit3A_3 : f32 to vector<100x100x100xf32>
    %select_n3A = arith.select %eq3A_2, %broadcast_in_dim3A_4, %broadcast_in_dim3A_5 : vector<100x100x100xi1>, vector<100x100x100xf32>
    %reshape3A = vector.shape_cast %select_n3A : vector<100x100x100xf32> to vector<10000x100xf32>
    %get3A_6 = arith.constant 0 : index
    %get3A_7 = arith.constant 0 : index
    %get3A_8 = vector.load %arg2[%get3A_6, %get3A_7] : memref<100x128xf32, #tpu.memory_space<vmem>>, vector<100x128xf32>
    %dot_general3A = arith.constant dense<0.000000e+00> : vector<10000x128xf32>
    %dot_general3A_9 = tpu.matmul %reshape3A, %get3A_8, %dot_general3A {dimension_numbers = #tpu.dot_dimension_numbers<[1], [0], [0], [1], [0, 0, 1, 1], [], []>, transpose_lhs_hint = false} : vector<10000x100xf32>, vector<100x128xf32>, vector<10000x128xf32> -> vector<10000x128xf32>
    %reshape3A_10 = vector.shape_cast %dot_general3A_9 : vector<10000x128xf32> to vector<100x100x128xf32>
    %swap3A = arith.constant 0 : index
    %swap3A_11 = arith.constant 0 : index
    %swap3A_12 = arith.constant 0 : index
    %swap3A_13 = vector.load %arg33[%swap3A, %swap3A_11, %swap3A_12] : memref<100x100x128xf32, #tpu.memory_space<vmem>>, vector<100x100x128xf32>
    tpu.vector_store %arg33[%swap3A, %swap3A_11, %swap3A_12], %reshape3A_10 {strides = array<i32>} : memref<100x100x128xf32, #tpu.memory_space<vmem>>, vector<100x100x128xf32>,
    %get3A_14 = arith.constant 0 : index
    %get3A_15 = arith.constant 0 : index
    %get3A_16 = arith.constant 0 : index
    %get3A_17 = vector.load %arg0[%get3A_14, %get3A_15, %get3A_16] : memref<100x104x128xf32, #tpu.memory_space<vmem>>, vector<100x104x128xf32>
    %slice3A = vector.extract_strided_slice %get3A_17 {offsets = [0, 0, 0], sizes = [100, 100, 100], strides = [1, 1, 1]} : vector<100x104x128xf32> to vector<100x100x100xf32>
    %get3A_18 = arith.constant 0 : index
    %get3A_19 = arith.constant 0 : index
    %get3A_20 = arith.constant 0 : index
    %get3A_21 = vector.load %arg33[%get3A_18, %get3A_19, %get3A_20] : memref<100x100x128xf32, #tpu.memory_space<vmem>>, vector<100x100x128xf32>
    %dot_general3A_22 = arith.constant dense<0.000000e+00> : vector<100x100x128xf32>
    %dot_general3A_23 = tpu.matmul %slice3A, %get3A_21, %dot_general3A_22 {dimension_numbers = #tpu.dot_dimension_numbers<[2], [1], [1], [2], [0, 0, 0, 1, 1, 2], [0], [0]>, transpose_lhs_hint = false} : vector<100x100x100xf32>, vector<100x100x128xf32>, vector<100x100x128xf32> -> vector<100x100x128xf32>
    %get3A_24 = arith.constant 0 : index
    %get3A_25 = arith.constant 0 : index
    %get3A_26 = arith.constant 0 : index
    %get3A_27 = vector.load %arg33[%get3A_24, %get3A_25, %get3A_26] : memref<100x100x128xf32, #tpu.memory_space<vmem>>, vector<100x100x128xf32>
    %add3A = arith.addf %get3A_27, %dot_general3A_23 : vector<100x100x128xf32>
    %reshape3A_28 = vector.shape_cast %add3A : vector<100x100x128xf32> to vector<10000x128xf32>
    %get3A_29 = arith.constant 0 : index
    %get3A_30 = arith.constant 0 : index
    %get3A_31 = vector.load %arg3[%get3A_29, %get3A_30] : memref<128x128xf32, #tpu.memory_space<vmem>>, vector<128x128xf32>
    %dot_general3A_32 = arith.constant dense<0.000000e+00> : vector<10000x128xf32>
    %dot_general3A_33 = tpu.matmul %reshape3A_28, %get3A_31, %dot_general3A_32 {dimension_numbers = #tpu.dot_dimension_numbers<[1], [0], [0], [1], [0, 0, 1, 1], [], []>, transpose_lhs_hint = false} : vector<10000x128xf32>, vector<128x128xf32>, vector<10000x128xf32> -> vector<10000x128xf32>
    %get3A_34 = arith.constant 0 : index
    %get3A_35 = arith.constant 0 : index
    %get3A_36 = vector.load %arg4[%get3A_34, %get3A_35] : memref<1x128xf32, #tpu.memory_space<vmem>>, vector<1x128xf32>
    %add3A_37 = vector.broadcast %get3A_36 : vector<1x128xf32> to vector<10000x128xf32>
    %add3A_38 = arith.addf %dot_general3A_33, %add3A_37 : vector<10000x128xf32>
    %get3A_39 = arith.constant 0 : index
    %get3A_40 = arith.constant 0 : index
    %get3A_41 = vector.load %arg5[%get3A_39, %get3A_40] : memref<1x128xf32, #tpu.memory_space<vmem>>, vector<1x128xf32>
    %get3A_42 = arith.constant 0 : index
    %get3A_43 = arith.constant 0 : index
    %get3A_44 = vector.load %arg6[%get3A_42, %get3A_43] : memref<1x128xf32, #tpu.memory_space<vmem>>, vector<1x128xf32>
    %reduce_sum3A = arith.constant dense<0.000000e+00> : vector<10000xf32>
    %reduce_sum3A_45 = vector.multi_reduction <add>, %add3A_38, %reduce_sum3A [1] : vector<10000x128xf32> to vector<10000xf32>
    %broadcast_in_dim3A_46 = vector.shape_cast %reduce_sum3A_45 : vector<10000xf32> to vector<10000x1xf32>
    %div3A = arith.constant 1.280000e+02 : f32
    %div3A_47 = vector.broadcast %div3A : f32 to vector<10000x1xf32>
    %div3A_48 = arith.divf %broadcast_in_dim3A_46, %div3A_47 : vector<10000x1xf32>
    %sub3A = vector.broadcast %div3A_48 : vector<10000x1xf32> to vector<10000x128xf32>
    %sub3A_49 = arith.subf %add3A_38, %sub3A : vector<10000x128xf32>
    %integer_pow3A = arith.mulf %sub3A_49, %sub3A_49 : vector<10000x128xf32>
    %reduce_sum3A_50 = arith.constant dense<0.000000e+00> : vector<10000xf32>
    %reduce_sum3A_51 = vector.multi_reduction <add>, %integer_pow3A, %reduce_sum3A_50 [1] : vector<10000x128xf32> to vector<10000xf32>
    %broadcast_in_dim3A_52 = vector.shape_cast %reduce_sum3A_51 : vector<10000xf32> to vector<10000x1xf32>
    %div3A_53 = arith.constant 1.280000e+02 : f32
    %div3A_54 = vector.broadcast %div3A_53 : f32 to vector<10000x1xf32>
    %div3A_55 = arith.divf %broadcast_in_dim3A_52, %div3A_54 : vector<10000x1xf32>
    %sub3A_56 = vector.broadcast %div3A_48 : vector<10000x1xf32> to vector<10000x128xf32>
    %sub3A_57 = arith.subf %add3A_38, %sub3A_56 : vector<10000x128xf32>
    %add3A_58 = arith.constant 9.99999974E-6 : f32
    %add3A_59 = vector.broadcast %add3A_58 : f32 to vector<10000x1xf32>
    %add3A_60 = arith.addf %div3A_55, %add3A_59 : vector<10000x1xf32>
    %rsqrt3A = math.rsqrt %add3A_60 : vector<10000x1xf32>
    %mul3A = vector.broadcast %rsqrt3A : vector<10000x1xf32> to vector<10000x128xf32>
    %mul3A_61 = arith.mulf %sub3A_57, %mul3A : vector<10000x128xf32>
    %mul3A_62 = vector.broadcast %get3A_41 : vector<1x128xf32> to vector<10000x128xf32>
    %mul3A_63 = arith.mulf %mul3A_61, %mul3A_62 : vector<10000x128xf32>
    %add3A_64 = vector.broadcast %get3A_44 : vector<1x128xf32> to vector<10000x128xf32>
    %add3A_65 = arith.addf %mul3A_63, %add3A_64 : vector<10000x128xf32>
    %max3A = arith.constant 0.000000e+00 : f32
    %max3A_66 = vector.broadcast %max3A : f32 to vector<10000x128xf32>
    %max3A_67 = arith.maximumf %add3A_65, %max3A_66 : vector<10000x128xf32>
    %get3A_68 = arith.constant 0 : index
    %get3A_69 = arith.constant 0 : index
    %get3A_70 = vector.load %arg7[%get3A_68, %get3A_69] : memref<128x128xf32, #tpu.memory_space<vmem>>, vector<128x128xf32>
    %dot_general3A_71 = arith.constant dense<0.000000e+00> : vector<10000x128xf32>
    %dot_general3A_72 = tpu.matmul %max3A_67, %get3A_70, %dot_general3A_71 {dimension_numbers = #tpu.dot_dimension_numbers<[1], [0], [0], [1], [0, 0, 1, 1], [], []>, transpose_lhs_hint = false} : vector<10000x128xf32>, vector<128x128xf32>, vector<10000x128xf32> -> vector<10000x128xf32>
    %get3A_73 = arith.constant 0 : index
    %get3A_74 = arith.constant 0 : index
    %get3A_75 = vector.load %arg8[%get3A_73, %get3A_74] : memref<1x128xf32, #tpu.memory_space<vmem>>, vector<1x128xf32>
    %add3A_76 = vector.broadcast %get3A_75 : vector<1x128xf32> to vector<10000x128xf32>
    %add3A_77 = arith.addf %dot_general3A_72, %add3A_76 : vector<10000x128xf32>
    %get3A_78 = arith.constant 0 : index
    %get3A_79 = arith.constant 0 : index
    %get3A_80 = vector.load %arg9[%get3A_78, %get3A_79] : memref<128x128xf32, #tpu.memory_space<vmem>>, vector<128x128xf32>
    %dot_general3A_81 = arith.constant dense<0.000000e+00> : vector<10000x128xf32>
    %dot_general3A_82 = tpu.matmul %add3A_77, %get3A_80, %dot_general3A_81 {dimension_numbers = #tpu.dot_dimension_numbers<[1], [0], [0], [1], [0, 0, 1, 1], [], []>, transpose_lhs_hint = false} : vector<10000x128xf32>, vector<128x128xf32>, vector<10000x128xf32> -> vector<10000x128xf32>
    %get3A_83 = arith.constant 0 : index
    %get3A_84 = arith.constant 0 : index
    %get3A_85 = vector.load %arg10[%get3A_83, %get3A_84] : memref<1x128xf32, #tpu.memory_space<vmem>>, vector<1x128xf32>
    %add3A_86 = vector.broadcast %get3A_85 : vector<1x128xf32> to vector<10000x128xf32>
    %add3A_87 = arith.addf %dot_general3A_82, %add3A_86 : vector<10000x128xf32>
    %max3A_88 = arith.constant 0.000000e+00 : f32
    %max3A_89 = vector.broadcast %max3A_88 : f32 to vector<10000x128xf32>
    %max3A_90 = arith.maximumf %add3A_87, %max3A_89 : vector<10000x128xf32>
    %get3A_91 = arith.constant 0 : index
    %get3A_92 = arith.constant 0 : index
    %get3A_93 = vector.load %arg11[%get3A_91, %get3A_92] : memref<128x128xf32, #tpu.memory_space<vmem>>, vector<128x128xf32>
    %dot_general3A_94 = arith.constant dense<0.000000e+00> : vector<10000x128xf32>
    %dot_general3A_95 = tpu.matmul %max3A_90, %get3A_93, %dot_general3A_94 {dimension_numbers = #tpu.dot_dimension_numbers<[1], [0], [0], [1], [0, 0, 1, 1], [], []>, transpose_lhs_hint = false} : vector<10000x128xf32>, vector<128x128xf32>, vector<10000x128xf32> -> vector<10000x128xf32>
    %get3A_96 = arith.constant 0 : index
    %get3A_97 = arith.constant 0 : index
    %get3A_98 = vector.load %arg12[%get3A_96, %get3A_97] : memref<1x128xf32, #tpu.memory_space<vmem>>, vector<1x128xf32>
    %add3A_99 = vector.broadcast %get3A_98 : vector<1x128xf32> to vector<10000x128xf32>
    %add3A_100 = arith.addf %dot_general3A_95, %add3A_99 : vector<10000x128xf32>
    %get3A_101 = arith.constant 0 : index
    %get3A_102 = arith.constant 0 : index
    %get3A_103 = vector.load %arg23[%get3A_101, %get3A_102] : memref<1x128xf32, #tpu.memory_space<vmem>>, vector<1x128xf32>
    %get3A_104 = arith.constant 0 : index
    %get3A_105 = arith.constant 0 : index
    %get3A_106 = vector.load %arg24[%get3A_104, %get3A_105] : memref<1x128xf32, #tpu.memory_space<vmem>>, vector<1x128xf32>
    %reduce_sum3A_107 = arith.constant dense<0.000000e+00> : vector<10000xf32>
    %reduce_sum3A_108 = vector.multi_reduction <add>, %add3A_100, %reduce_sum3A_107 [1] : vector<10000x128xf32> to vector<10000xf32>
    %broadcast_in_dim3A_109 = vector.shape_cast %reduce_sum3A_108 : vector<10000xf32> to vector<10000x1xf32>
    %div3A_110 = arith.constant 1.280000e+02 : f32
    %div3A_111 = vector.broadcast %div3A_110 : f32 to vector<10000x1xf32>
    %div3A_112 = arith.divf %broadcast_in_dim3A_109, %div3A_111 : vector<10000x1xf32>
    %sub3A_113 = vector.broadcast %div3A_112 : vector<10000x1xf32> to vector<10000x128xf32>
    %sub3A_114 = arith.subf %add3A_100, %sub3A_113 : vector<10000x128xf32>
    %integer_pow3A_115 = arith.mulf %sub3A_114, %sub3A_114 : vector<10000x128xf32>
    %reduce_sum3A_116 = arith.constant dense<0.000000e+00> : vector<10000xf32>
    %reduce_sum3A_117 = vector.multi_reduction <add>, %integer_pow3A_115, %reduce_sum3A_116 [1] : vector<10000x128xf32> to vector<10000xf32>
    %broadcast_in_dim3A_118 = vector.shape_cast %reduce_sum3A_117 : vector<10000xf32> to vector<10000x1xf32>
    %div3A_119 = arith.constant 1.280000e+02 : f32
    %div3A_120 = vector.broadcast %div3A_119 : f32 to vector<10000x1xf32>
    %div3A_121 = arith.divf %broadcast_in_dim3A_118, %div3A_120 : vector<10000x1xf32>
    %sub3A_122 = vector.broadcast %div3A_112 : vector<10000x1xf32> to vector<10000x128xf32>
    %sub3A_123 = arith.subf %add3A_100, %sub3A_122 : vector<10000x128xf32>
    %add3A_124 = arith.constant 9.99999974E-6 : f32
    %add3A_125 = vector.broadcast %add3A_124 : f32 to vector<10000x1xf32>
    %add3A_126 = arith.addf %div3A_121, %add3A_125 : vector<10000x1xf32>
    %rsqrt3A_127 = math.rsqrt %add3A_126 : vector<10000x1xf32>
    %mul3A_128 = vector.broadcast %rsqrt3A_127 : vector<10000x1xf32> to vector<10000x128xf32>
    %mul3A_129 = arith.mulf %sub3A_123, %mul3A_128 : vector<10000x128xf32>
    %mul3A_130 = vector.broadcast %get3A_103 : vector<1x128xf32> to vector<10000x128xf32>
    %mul3A_131 = arith.mulf %mul3A_129, %mul3A_130 : vector<10000x128xf32>
    %add3A_132 = vector.broadcast %get3A_106 : vector<1x128xf32> to vector<10000x128xf32>
    %add3A_133 = arith.addf %mul3A_131, %add3A_132 : vector<10000x128xf32>
    %reshape3A_134 = vector.shape_cast %add3A_133 : vector<10000x128xf32> to vector<100x100x128xf32>
    %swap3A_135 = arith.constant 0 : index
    %swap3A_136 = arith.constant 0 : index
    %swap3A_137 = arith.constant 0 : index
    %swap3A_138 = vector.load %arg33[%swap3A_135, %swap3A_136, %swap3A_137] : memref<100x100x128xf32, #tpu.memory_space<vmem>>, vector<100x100x128xf32>
    tpu.vector_store %arg33[%swap3A_135, %swap3A_136, %swap3A_137], %reshape3A_134 {strides = array<i32>} : memref<100x100x128xf32, #tpu.memory_space<vmem>>, vector<100x100x128xf32>,
    %get3A_139 = arith.constant 0 : index
    %get3A_140 = arith.constant 0 : index
    %get3A_141 = arith.constant 0 : index
    %get3A_142 = vector.load %arg0[%get3A_139, %get3A_140, %get3A_141] : memref<100x104x128xf32, #tpu.memory_space<vmem>>, vector<100x104x128xf32>
    %slice3A_143 = vector.extract_strided_slice %get3A_142 {offsets = [0, 0, 0], sizes = [100, 100, 100], strides = [1, 1, 1]} : vector<100x104x128xf32> to vector<100x100x100xf32>
    %get3A_144 = arith.constant 0 : index
    %get3A_145 = arith.constant 0 : index
    %get3A_146 = arith.constant 0 : index
    %get3A_147 = vector.load %arg33[%get3A_144, %get3A_145, %get3A_146] : memref<100x100x128xf32, #tpu.memory_space<vmem>>, vector<100x100x128xf32>
    %dot_general3A_148 = arith.constant dense<0.000000e+00> : vector<100x100x128xf32>
    %dot_general3A_149 = tpu.matmul %slice3A_143, %get3A_147, %dot_general3A_148 {dimension_numbers = #tpu.dot_dimension_numbers<[2], [1], [1], [2], [0, 0, 0, 1, 1, 2], [0], [0]>, transpose_lhs_hint = false} : vector<100x100x100xf32>, vector<100x100x128xf32>, vector<100x100x128xf32> -> vector<100x100x128xf32>
    %get3A_150 = arith.constant 0 : index
    %get3A_151 = arith.constant 0 : index
    %get3A_152 = arith.constant 0 : index
    %get3A_153 = vector.load %arg33[%get3A_150, %get3A_151, %get3A_152] : memref<100x100x128xf32, #tpu.memory_space<vmem>>, vector<100x100x128xf32>
    %add3A_154 = arith.addf %get3A_153, %dot_general3A_149 : vector<100x100x128xf32>
    %reshape3A_155 = vector.shape_cast %add3A_154 : vector<100x100x128xf32> to vector<10000x128xf32>
    %get3A_156 = arith.constant 0 : index
    %get3A_157 = arith.constant 0 : index
    %get3A_158 = vector.load %arg13[%get3A_156, %get3A_157] : memref<128x128xf32, #tpu.memory_space<vmem>>, vector<128x128xf32>
    %dot_general3A_159 = arith.constant dense<0.000000e+00> : vector<10000x128xf32>
    %dot_general3A_160 = tpu.matmul %reshape3A_155, %get3A_158, %dot_general3A_159 {dimension_numbers = #tpu.dot_dimension_numbers<[1], [0], [0], [1], [0, 0, 1, 1], [], []>, transpose_lhs_hint = false} : vector<10000x128xf32>, vector<128x128xf32>, vector<10000x128xf32> -> vector<10000x128xf32>
    %get3A_161 = arith.constant 0 : index
    %get3A_162 = arith.constant 0 : index
    %get3A_163 = vector.load %arg14[%get3A_161, %get3A_162] : memref<1x128xf32, #tpu.memory_space<vmem>>, vector<1x128xf32>
    %add3A_164 = vector.broadcast %get3A_163 : vector<1x128xf32> to vector<10000x128xf32>
    %add3A_165 = arith.addf %dot_general3A_160, %add3A_164 : vector<10000x128xf32>
    %get3A_166 = arith.constant 0 : index
    %get3A_167 = arith.constant 0 : index
    %get3A_168 = vector.load %arg15[%get3A_166, %get3A_167] : memref<1x128xf32, #tpu.memory_space<vmem>>, vector<1x128xf32>
    %get3A_169 = arith.constant 0 : index
    %get3A_170 = arith.constant 0 : index
    %get3A_171 = vector.load %arg16[%get3A_169, %get3A_170] : memref<1x128xf32, #tpu.memory_space<vmem>>, vector<1x128xf32>
    %reduce_sum3A_172 = arith.constant dense<0.000000e+00> : vector<10000xf32>
    %reduce_sum3A_173 = vector.multi_reduction <add>, %add3A_165, %reduce_sum3A_172 [1] : vector<10000x128xf32> to vector<10000xf32>
    %broadcast_in_dim3A_174 = vector.shape_cast %reduce_sum3A_173 : vector<10000xf32> to vector<10000x1xf32>
    %div3A_175 = arith.constant 1.280000e+02 : f32
    %div3A_176 = vector.broadcast %div3A_175 : f32 to vector<10000x1xf32>
    %div3A_177 = arith.divf %broadcast_in_dim3A_174, %div3A_176 : vector<10000x1xf32>
    %sub3A_178 = vector.broadcast %div3A_177 : vector<10000x1xf32> to vector<10000x128xf32>
    %sub3A_179 = arith.subf %add3A_165, %sub3A_178 : vector<10000x128xf32>
    %integer_pow3A_180 = arith.mulf %sub3A_179, %sub3A_179 : vector<10000x128xf32>
    %reduce_sum3A_181 = arith.constant dense<0.000000e+00> : vector<10000xf32>
    %reduce_sum3A_182 = vector.multi_reduction <add>, %integer_pow3A_180, %reduce_sum3A_181 [1] : vector<10000x128xf32> to vector<10000xf32>
    %broadcast_in_dim3A_183 = vector.shape_cast %reduce_sum3A_182 : vector<10000xf32> to vector<10000x1xf32>
    %div3A_184 = arith.constant 1.280000e+02 : f32
    %div3A_185 = vector.broadcast %div3A_184 : f32 to vector<10000x1xf32>
    %div3A_186 = arith.divf %broadcast_in_dim3A_183, %div3A_185 : vector<10000x1xf32>
    %sub3A_187 = vector.broadcast %div3A_177 : vector<10000x1xf32> to vector<10000x128xf32>
    %sub3A_188 = arith.subf %add3A_165, %sub3A_187 : vector<10000x128xf32>
    %add3A_189 = arith.constant 9.99999974E-6 : f32
    %add3A_190 = vector.broadcast %add3A_189 : f32 to vector<10000x1xf32>
    %add3A_191 = arith.addf %div3A_186, %add3A_190 : vector<10000x1xf32>
    %rsqrt3A_192 = math.rsqrt %add3A_191 : vector<10000x1xf32>
    %mul3A_193 = vector.broadcast %rsqrt3A_192 : vector<10000x1xf32> to vector<10000x128xf32>
    %mul3A_194 = arith.mulf %sub3A_188, %mul3A_193 : vector<10000x128xf32>
    %mul3A_195 = vector.broadcast %get3A_168 : vector<1x128xf32> to vector<10000x128xf32>
    %mul3A_196 = arith.mulf %mul3A_194, %mul3A_195 : vector<10000x128xf32>
    %add3A_197 = vector.broadcast %get3A_171 : vector<1x128xf32> to vector<10000x128xf32>
    %add3A_198 = arith.addf %mul3A_196, %add3A_197 : vector<10000x128xf32>
    %max3A_199 = arith.constant 0.000000e+00 : f32
    %max3A_200 = vector.broadcast %max3A_199 : f32 to vector<10000x128xf32>
    %max3A_201 = arith.maximumf %add3A_198, %max3A_200 : vector<10000x128xf32>
    %get3A_202 = arith.constant 0 : index
    %get3A_203 = arith.constant 0 : index
    %get3A_204 = vector.load %arg17[%get3A_202, %get3A_203] : memref<128x128xf32, #tpu.memory_space<vmem>>, vector<128x128xf32>
    %dot_general3A_205 = arith.constant dense<0.000000e+00> : vector<10000x128xf32>
    %dot_general3A_206 = tpu.matmul %max3A_201, %get3A_204, %dot_general3A_205 {dimension_numbers = #tpu.dot_dimension_numbers<[1], [0], [0], [1], [0, 0, 1, 1], [], []>, transpose_lhs_hint = false} : vector<10000x128xf32>, vector<128x128xf32>, vector<10000x128xf32> -> vector<10000x128xf32>
    %get3A_207 = arith.constant 0 : index
    %get3A_208 = arith.constant 0 : index
    %get3A_209 = vector.load %arg18[%get3A_207, %get3A_208] : memref<1x128xf32, #tpu.memory_space<vmem>>, vector<1x128xf32>
    %add3A_210 = vector.broadcast %get3A_209 : vector<1x128xf32> to vector<10000x128xf32>
    %add3A_211 = arith.addf %dot_general3A_206, %add3A_210 : vector<10000x128xf32>
    %get3A_212 = arith.constant 0 : index
    %get3A_213 = arith.constant 0 : index
    %get3A_214 = vector.load %arg19[%get3A_212, %get3A_213] : memref<128x128xf32, #tpu.memory_space<vmem>>, vector<128x128xf32>
    %dot_general3A_215 = arith.constant dense<0.000000e+00> : vector<10000x128xf32>
    %dot_general3A_216 = tpu.matmul %add3A_211, %get3A_214, %dot_general3A_215 {dimension_numbers = #tpu.dot_dimension_numbers<[1], [0], [0], [1], [0, 0, 1, 1], [], []>, transpose_lhs_hint = false} : vector<10000x128xf32>, vector<128x128xf32>, vector<10000x128xf32> -> vector<10000x128xf32>
    %get3A_217 = arith.constant 0 : index
    %get3A_218 = arith.constant 0 : index
    %get3A_219 = vector.load %arg20[%get3A_217, %get3A_218] : memref<1x128xf32, #tpu.memory_space<vmem>>, vector<1x128xf32>
    %add3A_220 = vector.broadcast %get3A_219 : vector<1x128xf32> to vector<10000x128xf32>
    %add3A_221 = arith.addf %dot_general3A_216, %add3A_220 : vector<10000x128xf32>
    %max3A_222 = arith.constant 0.000000e+00 : f32
    %max3A_223 = vector.broadcast %max3A_222 : f32 to vector<10000x128xf32>
    %max3A_224 = arith.maximumf %add3A_221, %max3A_223 : vector<10000x128xf32>
    %get3A_225 = arith.constant 0 : index
    %get3A_226 = arith.constant 0 : index
    %get3A_227 = vector.load %arg21[%get3A_225, %get3A_226] : memref<128x128xf32, #tpu.memory_space<vmem>>, vector<128x128xf32>
    %dot_general3A_228 = arith.constant dense<0.000000e+00> : vector<10000x128xf32>
    %dot_general3A_229 = tpu.matmul %max3A_224, %get3A_227, %dot_general3A_228 {dimension_numbers = #tpu.dot_dimension_numbers<[1], [0], [0], [1], [0, 0, 1, 1], [], []>, transpose_lhs_hint = false} : vector<10000x128xf32>, vector<128x128xf32>, vector<10000x128xf32> -> vector<10000x128xf32>
    %get3A_230 = arith.constant 0 : index
    %get3A_231 = arith.constant 0 : index
    %get3A_232 = vector.load %arg22[%get3A_230, %get3A_231] : memref<1x128xf32, #tpu.memory_space<vmem>>, vector<1x128xf32>
    %add3A_233 = vector.broadcast %get3A_232 : vector<1x128xf32> to vector<10000x128xf32>
    %add3A_234 = arith.addf %dot_general3A_229, %add3A_233 : vector<10000x128xf32>
    %get3A_235 = arith.constant 0 : index
    %get3A_236 = arith.constant 0 : index
    %get3A_237 = arith.constant 0 : index
    %get3A_238 = vector.load %arg33[%get3A_235, %get3A_236, %get3A_237] : memref<100x100x128xf32, #tpu.memory_space<vmem>>, vector<100x100x128xf32>
    %reshape3A_239 = vector.shape_cast %get3A_238 : vector<100x100x128xf32> to vector<10000x128xf32>
    %add3A_240 = arith.addf %add3A_234, %reshape3A_239 : vector<10000x128xf32>
    %get3A_241 = arith.constant 0 : index
    %get3A_242 = arith.constant 0 : index
    %get3A_243 = vector.load %arg23[%get3A_241, %get3A_242] : memref<1x128xf32, #tpu.memory_space<vmem>>, vector<1x128xf32>
    %get3A_244 = arith.constant 0 : index
    %get3A_245 = arith.constant 0 : index
    %get3A_246 = vector.load %arg24[%get3A_244, %get3A_245] : memref<1x128xf32, #tpu.memory_space<vmem>>, vector<1x128xf32>
    %reduce_sum3A_247 = arith.constant dense<0.000000e+00> : vector<10000xf32>
    %reduce_sum3A_248 = vector.multi_reduction <add>, %add3A_240, %reduce_sum3A_247 [1] : vector<10000x128xf32> to vector<10000xf32>
    %broadcast_in_dim3A_249 = vector.shape_cast %reduce_sum3A_248 : vector<10000xf32> to vector<10000x1xf32>
    %div3A_250 = arith.constant 1.280000e+02 : f32
    %div3A_251 = vector.broadcast %div3A_250 : f32 to vector<10000x1xf32>
    %div3A_252 = arith.divf %broadcast_in_dim3A_249, %div3A_251 : vector<10000x1xf32>
    %sub3A_253 = vector.broadcast %div3A_252 : vector<10000x1xf32> to vector<10000x128xf32>
    %sub3A_254 = arith.subf %add3A_240, %sub3A_253 : vector<10000x128xf32>
    %integer_pow3A_255 = arith.mulf %sub3A_254, %sub3A_254 : vector<10000x128xf32>
    %reduce_sum3A_256 = arith.constant dense<0.000000e+00> : vector<10000xf32>
    %reduce_sum3A_257 = vector.multi_reduction <add>, %integer_pow3A_255, %reduce_sum3A_256 [1] : vector<10000x128xf32> to vector<10000xf32>
    %broadcast_in_dim3A_258 = vector.shape_cast %reduce_sum3A_257 : vector<10000xf32> to vector<10000x1xf32>
    %div3A_259 = arith.constant 1.280000e+02 : f32
    %div3A_260 = vector.broadcast %div3A_259 : f32 to vector<10000x1xf32>
    %div3A_261 = arith.divf %broadcast_in_dim3A_258, %div3A_260 : vector<10000x1xf32>
    %sub3A_262 = vector.broadcast %div3A_252 : vector<10000x1xf32> to vector<10000x128xf32>
    %sub3A_263 = arith.subf %add3A_240, %sub3A_262 : vector<10000x128xf32>
    %add3A_264 = arith.constant 9.99999974E-6 : f32
    %add3A_265 = vector.broadcast %add3A_264 : f32 to vector<10000x1xf32>
    %add3A_266 = arith.addf %div3A_261, %add3A_265 : vector<10000x1xf32>
    %rsqrt3A_267 = math.rsqrt %add3A_266 : vector<10000x1xf32>
    %mul3A_268 = vector.broadcast %rsqrt3A_267 : vector<10000x1xf32> to vector<10000x128xf32>
    %mul3A_269 = arith.mulf %sub3A_263, %mul3A_268 : vector<10000x128xf32>
    %mul3A_270 = vector.broadcast %get3A_243 : vector<1x128xf32> to vector<10000x128xf32>
    %mul3A_271 = arith.mulf %mul3A_269, %mul3A_270 : vector<10000x128xf32>
    %add3A_272 = vector.broadcast %get3A_246 : vector<1x128xf32> to vector<10000x128xf32>
    %add3A_273 = arith.addf %mul3A_271, %add3A_272 : vector<10000x128xf32>
    %reshape3A_274 = vector.shape_cast %add3A_273 : vector<10000x128xf32> to vector<100x100x128xf32>
    %swap3A_275 = arith.constant 0 : index
    %swap3A_276 = arith.constant 0 : index
    %swap3A_277 = arith.constant 0 : index
    %swap3A_278 = vector.load %arg33[%swap3A_275, %swap3A_276, %swap3A_277] : memref<100x100x128xf32, #tpu.memory_space<vmem>>, vector<100x100x128xf32>
    tpu.vector_store %arg33[%swap3A_275, %swap3A_276, %swap3A_277], %reshape3A_274 {strides = array<i32>} : memref<100x100x128xf32, #tpu.memory_space<vmem>>, vector<100x100x128xf32>,
    %get3A_279 = arith.constant 0 : index
    %get3A_280 = arith.constant 0 : index
    %get3A_281 = arith.constant 0 : index
    %get3A_282 = vector.load %arg33[%get3A_279, %get3A_280, %get3A_281] : memref<100x100x128xf32, #tpu.memory_space<vmem>>, vector<100x100x128xf32>
    %reduce_sum3A_283 = arith.constant dense<0.000000e+00> : vector<100x128xf32>
    %reduce_sum3A_284 = vector.multi_reduction <add>, %get3A_282, %reduce_sum3A_283 [1] : vector<100x100x128xf32> to vector<100x128xf32>
    %div3A_285 = arith.constant 1.000000e+02 : f32
    %div3A_286 = vector.broadcast %div3A_285 : f32 to vector<100x128xf32>
    %div3A_287 = arith.divf %reduce_sum3A_284, %div3A_286 : vector<100x128xf32>
    %get3A_288 = arith.constant 0 : index
    %get3A_289 = arith.constant 0 : index
    %get3A_290 = vector.load %arg25[%get3A_288, %get3A_289] : memref<128x128xf32, #tpu.memory_space<vmem>>, vector<128x128xf32>
    %dot_general3A_291 = arith.constant dense<0.000000e+00> : vector<100x128xf32>
    %dot_general3A_292 = tpu.matmul %div3A_287, %get3A_290, %dot_general3A_291 {dimension_numbers = #tpu.dot_dimension_numbers<[1], [0], [0], [1], [0, 0, 1, 1], [], []>, transpose_lhs_hint = false} : vector<100x128xf32>, vector<128x128xf32>, vector<100x128xf32> -> vector<100x128xf32>
    %get3A_293 = arith.constant 0 : index
    %get3A_294 = arith.constant 0 : index
    %get3A_295 = vector.load %arg26[%get3A_293, %get3A_294] : memref<1x128xf32, #tpu.memory_space<vmem>>, vector<1x128xf32>
    %add3A_296 = vector.broadcast %get3A_295 : vector<1x128xf32> to vector<100x128xf32>
    %add3A_297 = arith.addf %dot_general3A_292, %add3A_296 : vector<100x128xf32>
    %get3A_298 = arith.constant 0 : index
    %get3A_299 = arith.constant 0 : index
    %get3A_300 = vector.load %arg27[%get3A_298, %get3A_299] : memref<1x128xf32, #tpu.memory_space<vmem>>, vector<1x128xf32>
    %get3A_301 = arith.constant 0 : index
    %get3A_302 = arith.constant 0 : index
    %get3A_303 = vector.load %arg28[%get3A_301, %get3A_302] : memref<1x128xf32, #tpu.memory_space<vmem>>, vector<1x128xf32>
    %reduce_sum3A_304 = arith.constant dense<0.000000e+00> : vector<100xf32>
    %reduce_sum3A_305 = vector.multi_reduction <add>, %add3A_297, %reduce_sum3A_304 [1] : vector<100x128xf32> to vector<100xf32>
    %broadcast_in_dim3A_306 = vector.shape_cast %reduce_sum3A_305 : vector<100xf32> to vector<100x1xf32>
    %div3A_307 = arith.constant 1.280000e+02 : f32
    %div3A_308 = vector.broadcast %div3A_307 : f32 to vector<100x1xf32>
    %div3A_309 = arith.divf %broadcast_in_dim3A_306, %div3A_308 : vector<100x1xf32>
    %sub3A_310 = vector.broadcast %div3A_309 : vector<100x1xf32> to vector<100x128xf32>
    %sub3A_311 = arith.subf %add3A_297, %sub3A_310 : vector<100x128xf32>
    %integer_pow3A_312 = arith.mulf %sub3A_311, %sub3A_311 : vector<100x128xf32>
    %reduce_sum3A_313 = arith.constant dense<0.000000e+00> : vector<100xf32>
    %reduce_sum3A_314 = vector.multi_reduction <add>, %integer_pow3A_312, %reduce_sum3A_313 [1] : vector<100x128xf32> to vector<100xf32>
    %broadcast_in_dim3A_315 = vector.shape_cast %reduce_sum3A_314 : vector<100xf32> to vector<100x1xf32>
    %div3A_316 = arith.constant 1.280000e+02 : f32
    %div3A_317 = vector.broadcast %div3A_316 : f32 to vector<100x1xf32>
    %div3A_318 = arith.divf %broadcast_in_dim3A_315, %div3A_317 : vector<100x1xf32>
    %sub3A_319 = vector.broadcast %div3A_309 : vector<100x1xf32> to vector<100x128xf32>
    %sub3A_320 = arith.subf %add3A_297, %sub3A_319 : vector<100x128xf32>
    %add3A_321 = arith.constant 9.99999974E-6 : f32
    %add3A_322 = vector.broadcast %add3A_321 : f32 to vector<100x1xf32>
    %add3A_323 = arith.addf %div3A_318, %add3A_322 : vector<100x1xf32>
    %rsqrt3A_324 = math.rsqrt %add3A_323 : vector<100x1xf32>
    %mul3A_325 = vector.broadcast %rsqrt3A_324 : vector<100x1xf32> to vector<100x128xf32>
    %mul3A_326 = arith.mulf %sub3A_320, %mul3A_325 : vector<100x128xf32>
    %mul3A_327 = vector.broadcast %get3A_300 : vector<1x128xf32> to vector<100x128xf32>
    %mul3A_328 = arith.mulf %mul3A_326, %mul3A_327 : vector<100x128xf32>
    %add3A_329 = vector.broadcast %get3A_303 : vector<1x128xf32> to vector<100x128xf32>
    %add3A_330 = arith.addf %mul3A_328, %add3A_329 : vector<100x128xf32>
    %max3A_331 = arith.constant 0.000000e+00 : f32
    %max3A_332 = vector.broadcast %max3A_331 : f32 to vector<100x128xf32>
    %max3A_333 = arith.maximumf %add3A_330, %max3A_332 : vector<100x128xf32>
    %get3A_334 = arith.constant 0 : index
    %get3A_335 = arith.constant 0 : index
    %get3A_336 = vector.load %arg29[%get3A_334, %get3A_335] : memref<128x1xf32, #tpu.memory_space<vmem>>, vector<128x1xf32>
    %dot_general3A_337 = arith.constant dense<0.000000e+00> : vector<100x1xf32>
    %dot_general3A_338 = tpu.matmul %max3A_333, %get3A_336, %dot_general3A_337 {dimension_numbers = #tpu.dot_dimension_numbers<[1], [0], [0], [1], [0, 0, 1, 1], [], []>, transpose_lhs_hint = false} : vector<100x128xf32>, vector<128x1xf32>, vector<100x1xf32> -> vector<100x1xf32>
    %get3A_339 = arith.constant 0 : index
    %get3A_340 = arith.constant 0 : index
    %get3A_341 = vector.load %arg30[%get3A_339, %get3A_340] : memref<1x1xf32, #tpu.memory_space<vmem>>, vector<1x1xf32>
    %add3A_342 = vector.broadcast %get3A_341 : vector<1x1xf32> to vector<100x1xf32>
    %add3A_343 = arith.addf %dot_general3A_338, %add3A_342 : vector<100x1xf32>
    %broadcast_in_dim3A_344 = arith.constant 0.000000e+00 : f32
    %broadcast_in_dim3A_345 = vector.broadcast %broadcast_in_dim3A_344 : f32 to vector<100x1xf32>
    %sub3A_346 = arith.constant 1.000000e+00 : f32
    %sub3A_347 = vector.broadcast %sub3A_346 : f32 to vector<100x1xf32>
    %sub3A_348 = arith.subf %sub3A_347, %add3A_343 : vector<100x1xf32>
    %concatenate3A = tpu.concatenate %broadcast_in_dim3A_345, %sub3A_348, %add3A_343 in 1 : vector<100x1xf32>, vector<100x1xf32>, vector<100x1xf32> -> vector<100x3xf32>
    %swap3A_349 = arith.constant 0 : index
    %swap3A_350 = arith.constant 0 : index
    %swap3A_351 = vector.load %arg31[%swap3A_349, %swap3A_350] : memref<100x3xf32, #tpu.memory_space<vmem>>, vector<100x3xf32>
    tpu.vector_store %arg31[%swap3A_349, %swap3A_350], %concatenate3A {strides = array<i32>} : memref<100x3xf32, #tpu.memory_space<vmem>>, vector<100x3xf32>,
    %get3A_352 = arith.constant 0 : index
    %get3A_353 = arith.constant 0 : index
    %get3A_354 = arith.constant 0 : index
    %get3A_355 = vector.load %arg33[%get3A_352, %get3A_353, %get3A_354] : memref<100x100x128xf32, #tpu.memory_space<vmem>>, vector<100x100x128xf32>
    %dot_general3A_356 = arith.constant dense<0.000000e+00> : vector<100x100x100xf32>
    %dot_general3A_357 = tpu.matmul %get3A_355, %get3A_355, %dot_general3A_356 {dimension_numbers = #tpu.dot_dimension_numbers<[2], [2], [1], [1], [0, 0, 0, 1, 1, 1], [0], [0]>, transpose_lhs_hint = false} : vector<100x100x128xf32>, vector<100x100x128xf32>, vector<100x100x100xf32> -> vector<100x100x100xf32>
    %mul3A_358 = arith.constant 0.0883883461 : f32
    %mul3A_359 = vector.broadcast %mul3A_358 : f32 to vector<100x100x100xf32>
    %mul3A_360 = arith.mulf %dot_general3A_357, %mul3A_359 : vector<100x100x100xf32>
    %slice3A_361 = vector.extract_strided_slice %mul3A_360 {offsets = [0, 0, 1], sizes = [100, 1, 99], strides = [1, 1, 1]} : vector<100x100x100xf32> to vector<100x1x99xf32>
    %squeeze3A = vector.shape_cast %slice3A_361 : vector<100x1x99xf32> to vector<100x99xf32>
    %swap3A_362 = arith.constant 0 : index
    %swap3A_363 = arith.constant 0 : index
    %swap3A_364 = vector.load %arg32[%swap3A_362, %swap3A_363] : memref<100x4950xf32, #tpu.memory_space<vmem>>, vector<100x99xf32>
    tpu.vector_store %arg32[%swap3A_362, %swap3A_363], %squeeze3A {strides = array<i32>} : memref<100x4950xf32, #tpu.memory_space<vmem>>, vector<100x99xf32>,
    %slice3A_365 = vector.extract_strided_slice %mul3A_360 {offsets = [0, 1, 2], sizes = [100, 1, 98], strides = [1, 1, 1]} : vector<100x100x100xf32> to vector<100x1x98xf32>
    %squeeze3A_366 = vector.shape_cast %slice3A_365 : vector<100x1x98xf32> to vector<100x98xf32>
    %swap3A_367 = arith.constant 0 : index
    %swap3A_368 = arith.constant 99 : index
    %swap3A_369 = vector.load %arg32[%swap3A_367, %swap3A_368] : memref<100x4950xf32, #tpu.memory_space<vmem>>, vector<100x98xf32>
    tpu.vector_store %arg32[%swap3A_367, %swap3A_368], %squeeze3A_366 {strides = array<i32>} : memref<100x4950xf32, #tpu.memory_space<vmem>>, vector<100x98xf32>,
    %slice3A_370 = vector.extract_strided_slice %mul3A_360 {offsets = [0, 2, 3], sizes = [100, 1, 97], strides = [1, 1, 1]} : vector<100x100x100xf32> to vector<100x1x97xf32>
    %squeeze3A_371 = vector.shape_cast %slice3A_370 : vector<100x1x97xf32> to vector<100x97xf32>
    %swap3A_372 = arith.constant 0 : index
    %swap3A_373 = arith.constant 197 : index
    %swap3A_374 = vector.load %arg32[%swap3A_372, %swap3A_373] : memref<100x4950xf32, #tpu.memory_space<vmem>>, vector<100x97xf32>
    tpu.vector_store %arg32[%swap3A_372, %swap3A_373], %squeeze3A_371 {strides = array<i32>} : memref<100x4950xf32, #tpu.memory_space<vmem>>, vector<100x97xf32>,
    %slice3A_375 = vector.extract_strided_slice %mul3A_360 {offsets = [0, 3, 4], sizes = [100, 1, 96], strides = [1, 1, 1]} : vector<100x100x100xf32> to vector<100x1x96xf32>
    %squeeze3A_376 = vector.shape_cast %slice3A_375 : vector<100x1x96xf32> to vector<100x96xf32>
    %swap3A_377 = arith.constant 0 : index
    %swap3A_378 = arith.constant 294 : index
    %swap3A_379 = vector.load %arg32[%swap3A_377, %swap3A_378] : memref<100x4950xf32, #tpu.memory_space<vmem>>, vector<100x96xf32>
    tpu.vector_store %arg32[%swap3A_377, %swap3A_378], %squeeze3A_376 {strides = array<i32>} : memref<100x4950xf32, #tpu.memory_space<vmem>>, vector<100x96xf32>,
    %slice3A_380 = vector.extract_strided_slice %mul3A_360 {offsets = [0, 4, 5], sizes = [100, 1, 95], strides = [1, 1, 1]} : vector<100x100x100xf32> to vector<100x1x95xf32>
    %squeeze3A_381 = vector.shape_cast %slice3A_380 : vector<100x1x95xf32> to vector<100x95xf32>
    %swap3A_382 = arith.constant 0 : index
    %swap3A_383 = arith.constant 390 : index
    %swap3A_384 = vector.load %arg32[%swap3A_382, %swap3A_383] : memref<100x4950xf32, #tpu.memory_space<vmem>>, vector<100x95xf32>
    tpu.vector_store %arg32[%swap3A_382, %swap3A_383], %squeeze3A_381 {strides = array<i32>} : memref<100x4950xf32, #tpu.memory_space<vmem>>, vector<100x95xf32>,
    %slice3A_385 = vector.extract_strided_slice %mul3A_360 {offsets = [0, 5, 6], sizes = [100, 1, 94], strides = [1, 1, 1]} : vector<100x100x100xf32> to vector<100x1x94xf32>
    %squeeze3A_386 = vector.shape_cast %slice3A_385 : vector<100x1x94xf32> to vector<100x94xf32>
    %swap3A_387 = arith.constant 0 : index
    %swap3A_388 = arith.constant 485 : index
    %swap3A_389 = vector.load %arg32[%swap3A_387, %swap3A_388] : memref<100x4950xf32, #tpu.memory_space<vmem>>, vector<100x94xf32>
    tpu.vector_store %arg32[%swap3A_387, %swap3A_388], %squeeze3A_386 {strides = array<i32>} : memref<100x4950xf32, #tpu.memory_space<vmem>>, vector<100x94xf32>,
    %slice3A_390 = vector.extract_strided_slice %mul3A_360 {offsets = [0, 6, 7], sizes = [100, 1, 93], strides = [1, 1, 1]} : vector<100x100x100xf32> to vector<100x1x93xf32>
    %squeeze3A_391 = vector.shape_cast %slice3A_390 : vector<100x1x93xf32> to vector<100x93xf32>
    %swap3A_392 = arith.constant 0 : index
    %swap3A_393 = arith.constant 579 : index
    %swap3A_394 = vector.load %arg32[%swap3A_392, %swap3A_393] : memref<100x4950xf32, #tpu.memory_space<vmem>>, vector<100x93xf32>
    tpu.vector_store %arg32[%swap3A_392, %swap3A_393], %squeeze3A_391 {strides = array<i32>} : memref<100x4950xf32, #tpu.memory_space<vmem>>, vector<100x93xf32>,
    %slice3A_395 = vector.extract_strided_slice %mul3A_360 {offsets = [0, 7, 8], sizes = [100, 1, 92], strides = [1, 1, 1]} : vector<100x100x100xf32> to vector<100x1x92xf32>
    %squeeze3A_396 = vector.shape_cast %slice3A_395 : vector<100x1x92xf32> to vector<100x92xf32>
    %swap3A_397 = arith.constant 0 : index
    %swap3A_398 = arith.constant 672 : index
    %swap3A_399 = vector.load %arg32[%swap3A_397, %swap3A_398] : memref<100x4950xf32, #tpu.memory_space<vmem>>, vector<100x92xf32>
    tpu.vector_store %arg32[%swap3A_397, %swap3A_398], %squeeze3A_396 {strides = array<i32>} : memref<100x4950xf32, #tpu.memory_space<vmem>>, vector<100x92xf32>,
    %slice3A_400 = vector.extract_strided_slice %mul3A_360 {offsets = [0, 8, 9], sizes = [100, 1, 91], strides = [1, 1, 1]} : vector<100x100x100xf32> to vector<100x1x91xf32>
    %squeeze3A_401 = vector.shape_cast %slice3A_400 : vector<100x1x91xf32> to vector<100x91xf32>
    %swap3A_402 = arith.constant 0 : index
    %swap3A_403 = arith.constant 764 : index
    %swap3A_404 = vector.load %arg32[%swap3A_402, %swap3A_403] : memref<100x4950xf32, #tpu.memory_space<vmem>>, vector<100x91xf32>
    tpu.vector_store %arg32[%swap3A_402, %swap3A_403], %squeeze3A_401 {strides = array<i32>} : memref<100x4950xf32, #tpu.memory_space<vmem>>, vector<100x91xf32>,
    %slice3A_405 = vector.extract_strided_slice %mul3A_360 {offsets = [0, 9, 10], sizes = [100, 1, 90], strides = [1, 1, 1]} : vector<100x100x100xf32> to vector<100x1x90xf32>
    %squeeze3A_406 = vector.shape_cast %slice3A_405 : vector<100x1x90xf32> to vector<100x90xf32>
    %swap3A_407 = arith.constant 0 : index
    %swap3A_408 = arith.constant 855 : index
    %swap3A_409 = vector.load %arg32[%swap3A_407, %swap3A_408] : memref<100x4950xf32, #tpu.memory_space<vmem>>, vector<100x90xf32>
    tpu.vector_store %arg32[%swap3A_407, %swap3A_408], %squeeze3A_406 {strides = array<i32>} : memref<100x4950xf32, #tpu.memory_space<vmem>>, vector<100x90xf32>,
    %slice3A_410 = vector.extract_strided_slice %mul3A_360 {offsets = [0, 10, 11], sizes = [100, 1, 89], strides = [1, 1, 1]} : vector<100x100x100xf32> to vector<100x1x89xf32>
    %squeeze3A_411 = vector.shape_cast %slice3A_410 : vector<100x1x89xf32> to vector<100x89xf32>
    %swap3A_412 = arith.constant 0 : index
    %swap3A_413 = arith.constant 945 : index
    %swap3A_414 = vector.load %arg32[%swap3A_412, %swap3A_413] : memref<100x4950xf32, #tpu.memory_space<vmem>>, vector<100x89xf32>
    tpu.vector_store %arg32[%swap3A_412, %swap3A_413], %squeeze3A_411 {strides = array<i32>} : memref<100x4950xf32, #tpu.memory_space<vmem>>, vector<100x89xf32>,
    %slice3A_415 = vector.extract_strided_slice %mul3A_360 {offsets = [0, 11, 12], sizes = [100, 1, 88], strides = [1, 1, 1]} : vector<100x100x100xf32> to vector<100x1x88xf32>
    %squeeze3A_416 = vector.shape_cast %slice3A_415 : vector<100x1x88xf32> to vector<100x88xf32>
    %swap3A_417 = arith.constant 0 : index
    %swap3A_418 = arith.constant 1034 : index
    %swap3A_419 = vector.load %arg32[%swap3A_417, %swap3A_418] : memref<100x4950xf32, #tpu.memory_space<vmem>>, vector<100x88xf32>
    tpu.vector_store %arg32[%swap3A_417, %swap3A_418], %squeeze3A_416 {strides = array<i32>} : memref<100x4950xf32, #tpu.memory_space<vmem>>, vector<100x88xf32>,
    %slice3A_420 = vector.extract_strided_slice %mul3A_360 {offsets = [0, 12, 13], sizes = [100, 1, 87], strides = [1, 1, 1]} : vector<100x100x100xf32> to vector<100x1x87xf32>
    %squeeze3A_421 = vector.shape_cast %slice3A_420 : vector<100x1x87xf32> to vector<100x87xf32>
    %swap3A_422 = arith.constant 0 : index
    %swap3A_423 = arith.constant 1122 : index
    %swap3A_424 = vector.load %arg32[%swap3A_422, %swap3A_423] : memref<100x4950xf32, #tpu.memory_space<vmem>>, vector<100x87xf32>
    tpu.vector_store %arg32[%swap3A_422, %swap3A_423], %squeeze3A_421 {strides = array<i32>} : memref<100x4950xf32, #tpu.memory_space<vmem>>, vector<100x87xf32>,
    %slice3A_425 = vector.extract_strided_slice %mul3A_360 {offsets = [0, 13, 14], sizes = [100, 1, 86], strides = [1, 1, 1]} : vector<100x100x100xf32> to vector<100x1x86xf32>
    %squeeze3A_426 = vector.shape_cast %slice3A_425 : vector<100x1x86xf32> to vector<100x86xf32>
    %swap3A_427 = arith.constant 0 : index
    %swap3A_428 = arith.constant 1209 : index
    %swap3A_429 = vector.load %arg32[%swap3A_427, %swap3A_428] : memref<100x4950xf32, #tpu.memory_space<vmem>>, vector<100x86xf32>
    tpu.vector_store %arg32[%swap3A_427, %swap3A_428], %squeeze3A_426 {strides = array<i32>} : memref<100x4950xf32, #tpu.memory_space<vmem>>, vector<100x86xf32>,
    %slice3A_430 = vector.extract_strided_slice %mul3A_360 {offsets = [0, 14, 15], sizes = [100, 1, 85], strides = [1, 1, 1]} : vector<100x100x100xf32> to vector<100x1x85xf32>
    %squeeze3A_431 = vector.shape_cast %slice3A_430 : vector<100x1x85xf32> to vector<100x85xf32>
    %swap3A_432 = arith.constant 0 : index
    %swap3A_433 = arith.constant 1295 : index
    %swap3A_434 = vector.load %arg32[%swap3A_432, %swap3A_433] : memref<100x4950xf32, #tpu.memory_space<vmem>>, vector<100x85xf32>
    tpu.vector_store %arg32[%swap3A_432, %swap3A_433], %squeeze3A_431 {strides = array<i32>} : memref<100x4950xf32, #tpu.memory_space<vmem>>, vector<100x85xf32>,
    %slice3A_435 = vector.extract_strided_slice %mul3A_360 {offsets = [0, 15, 16], sizes = [100, 1, 84], strides = [1, 1, 1]} : vector<100x100x100xf32> to vector<100x1x84xf32>
    %squeeze3A_436 = vector.shape_cast %slice3A_435 : vector<100x1x84xf32> to vector<100x84xf32>
    %swap3A_437 = arith.constant 0 : index
    %swap3A_438 = arith.constant 1380 : index
    %swap3A_439 = vector.load %arg32[%swap3A_437, %swap3A_438] : memref<100x4950xf32, #tpu.memory_space<vmem>>, vector<100x84xf32>
    tpu.vector_store %arg32[%swap3A_437, %swap3A_438], %squeeze3A_436 {strides = array<i32>} : memref<100x4950xf32, #tpu.memory_space<vmem>>, vector<100x84xf32>,
    %slice3A_440 = vector.extract_strided_slice %mul3A_360 {offsets = [0, 16, 17], sizes = [100, 1, 83], strides = [1, 1, 1]} : vector<100x100x100xf32> to vector<100x1x83xf32>
    %squeeze3A_441 = vector.shape_cast %slice3A_440 : vector<100x1x83xf32> to vector<100x83xf32>
    %swap3A_442 = arith.constant 0 : index
    %swap3A_443 = arith.constant 1464 : index
    %swap3A_444 = vector.load %arg32[%swap3A_442, %swap3A_443] : memref<100x4950xf32, #tpu.memory_space<vmem>>, vector<100x83xf32>
    tpu.vector_store %arg32[%swap3A_442, %swap3A_443], %squeeze3A_441 {strides = array<i32>} : memref<100x4950xf32, #tpu.memory_space<vmem>>, vector<100x83xf32>,
    %slice3A_445 = vector.extract_strided_slice %mul3A_360 {offsets = [0, 17, 18], sizes = [100, 1, 82], strides = [1, 1, 1]} : vector<100x100x100xf32> to vector<100x1x82xf32>
    %squeeze3A_446 = vector.shape_cast %slice3A_445 : vector<100x1x82xf32> to vector<100x82xf32>
    %swap3A_447 = arith.constant 0 : index
    %swap3A_448 = arith.constant 1547 : index
    %swap3A_449 = vector.load %arg32[%swap3A_447, %swap3A_448] : memref<100x4950xf32, #tpu.memory_space<vmem>>, vector<100x82xf32>
    tpu.vector_store %arg32[%swap3A_447, %swap3A_448], %squeeze3A_446 {strides = array<i32>} : memref<100x4950xf32, #tpu.memory_space<vmem>>, vector<100x82xf32>,
    %slice3A_450 = vector.extract_strided_slice %mul3A_360 {offsets = [0, 18, 19], sizes = [100, 1, 81], strides = [1, 1, 1]} : vector<100x100x100xf32> to vector<100x1x81xf32>
    %squeeze3A_451 = vector.shape_cast %slice3A_450 : vector<100x1x81xf32> to vector<100x81xf32>
    %swap3A_452 = arith.constant 0 : index
    %swap3A_453 = arith.constant 1629 : index
    %swap3A_454 = vector.load %arg32[%swap3A_452, %swap3A_453] : memref<100x4950xf32, #tpu.memory_space<vmem>>, vector<100x81xf32>
    tpu.vector_store %arg32[%swap3A_452, %swap3A_453], %squeeze3A_451 {strides = array<i32>} : memref<100x4950xf32, #tpu.memory_space<vmem>>, vector<100x81xf32>,
    %slice3A_455 = vector.extract_strided_slice %mul3A_360 {offsets = [0, 19, 20], sizes = [100, 1, 80], strides = [1, 1, 1]} : vector<100x100x100xf32> to vector<100x1x80xf32>
    %squeeze3A_456 = vector.shape_cast %slice3A_455 : vector<100x1x80xf32> to vector<100x80xf32>
    %swap3A_457 = arith.constant 0 : index
    %swap3A_458 = arith.constant 1710 : index
    %swap3A_459 = vector.load %arg32[%swap3A_457, %swap3A_458] : memref<100x4950xf32, #tpu.memory_space<vmem>>, vector<100x80xf32>
    tpu.vector_store %arg32[%swap3A_457, %swap3A_458], %squeeze3A_456 {strides = array<i32>} : memref<100x4950xf32, #tpu.memory_space<vmem>>, vector<100x80xf32>,
    %slice3A_460 = vector.extract_strided_slice %mul3A_360 {offsets = [0, 20, 21], sizes = [100, 1, 79], strides = [1, 1, 1]} : vector<100x100x100xf32> to vector<100x1x79xf32>
    %squeeze3A_461 = vector.shape_cast %slice3A_460 : vector<100x1x79xf32> to vector<100x79xf32>
    %swap3A_462 = arith.constant 0 : index
    %swap3A_463 = arith.constant 1790 : index
    %swap3A_464 = vector.load %arg32[%swap3A_462, %swap3A_463] : memref<100x4950xf32, #tpu.memory_space<vmem>>, vector<100x79xf32>
    tpu.vector_store %arg32[%swap3A_462, %swap3A_463], %squeeze3A_461 {strides = array<i32>} : memref<100x4950xf32, #tpu.memory_space<vmem>>, vector<100x79xf32>,
    %slice3A_465 = vector.extract_strided_slice %mul3A_360 {offsets = [0, 21, 22], sizes = [100, 1, 78], strides = [1, 1, 1]} : vector<100x100x100xf32> to vector<100x1x78xf32>
    %squeeze3A_466 = vector.shape_cast %slice3A_465 : vector<100x1x78xf32> to vector<100x78xf32>
    %swap3A_467 = arith.constant 0 : index
    %swap3A_468 = arith.constant 1869 : index
    %swap3A_469 = vector.load %arg32[%swap3A_467, %swap3A_468] : memref<100x4950xf32, #tpu.memory_space<vmem>>, vector<100x78xf32>
    tpu.vector_store %arg32[%swap3A_467, %swap3A_468], %squeeze3A_466 {strides = array<i32>} : memref<100x4950xf32, #tpu.memory_space<vmem>>, vector<100x78xf32>,
    %slice3A_470 = vector.extract_strided_slice %mul3A_360 {offsets = [0, 22, 23], sizes = [100, 1, 77], strides = [1, 1, 1]} : vector<100x100x100xf32> to vector<100x1x77xf32>
    %squeeze3A_471 = vector.shape_cast %slice3A_470 : vector<100x1x77xf32> to vector<100x77xf32>
    %swap3A_472 = arith.constant 0 : index
    %swap3A_473 = arith.constant 1947 : index
    %swap3A_474 = vector.load %arg32[%swap3A_472, %swap3A_473] : memref<100x4950xf32, #tpu.memory_space<vmem>>, vector<100x77xf32>
    tpu.vector_store %arg32[%swap3A_472, %swap3A_473], %squeeze3A_471 {strides = array<i32>} : memref<100x4950xf32, #tpu.memory_space<vmem>>, vector<100x77xf32>,
    %slice3A_475 = vector.extract_strided_slice %mul3A_360 {offsets = [0, 23, 24], sizes = [100, 1, 76], strides = [1, 1, 1]} : vector<100x100x100xf32> to vector<100x1x76xf32>
    %squeeze3A_476 = vector.shape_cast %slice3A_475 : vector<100x1x76xf32> to vector<100x76xf32>
    %swap3A_477 = arith.constant 0 : index
    %swap3A_478 = arith.constant 2024 : index
    %swap3A_479 = vector.load %arg32[%swap3A_477, %swap3A_478] : memref<100x4950xf32, #tpu.memory_space<vmem>>, vector<100x76xf32>
    tpu.vector_store %arg32[%swap3A_477, %swap3A_478], %squeeze3A_476 {strides = array<i32>} : memref<100x4950xf32, #tpu.memory_space<vmem>>, vector<100x76xf32>,
    %slice3A_480 = vector.extract_strided_slice %mul3A_360 {offsets = [0, 24, 25], sizes = [100, 1, 75], strides = [1, 1, 1]} : vector<100x100x100xf32> to vector<100x1x75xf32>
    %squeeze3A_481 = vector.shape_cast %slice3A_480 : vector<100x1x75xf32> to vector<100x75xf32>
    %swap3A_482 = arith.constant 0 : index
    %swap3A_483 = arith.constant 2100 : index
    %swap3A_484 = vector.load %arg32[%swap3A_482, %swap3A_483] : memref<100x4950xf32, #tpu.memory_space<vmem>>, vector<100x75xf32>
    tpu.vector_store %arg32[%swap3A_482, %swap3A_483], %squeeze3A_481 {strides = array<i32>} : memref<100x4950xf32, #tpu.memory_space<vmem>>, vector<100x75xf32>,
    %slice3A_485 = vector.extract_strided_slice %mul3A_360 {offsets = [0, 25, 26], sizes = [100, 1, 74], strides = [1, 1, 1]} : vector<100x100x100xf32> to vector<100x1x74xf32>
    %squeeze3A_486 = vector.shape_cast %slice3A_485 : vector<100x1x74xf32> to vector<100x74xf32>
    %swap3A_487 = arith.constant 0 : index
    %swap3A_488 = arith.constant 2175 : index
    %swap3A_489 = vector.load %arg32[%swap3A_487, %swap3A_488] : memref<100x4950xf32, #tpu.memory_space<vmem>>, vector<100x74xf32>
    tpu.vector_store %arg32[%swap3A_487, %swap3A_488], %squeeze3A_486 {strides = array<i32>} : memref<100x4950xf32, #tpu.memory_space<vmem>>, vector<100x74xf32>,
    %slice3A_490 = vector.extract_strided_slice %mul3A_360 {offsets = [0, 26, 27], sizes = [100, 1, 73], strides = [1, 1, 1]} : vector<100x100x100xf32> to vector<100x1x73xf32>
    %squeeze3A_491 = vector.shape_cast %slice3A_490 : vector<100x1x73xf32> to vector<100x73xf32>
    %swap3A_492 = arith.constant 0 : index
    %swap3A_493 = arith.constant 2249 : index
    %swap3A_494 = vector.load %arg32[%swap3A_492, %swap3A_493] : memref<100x4950xf32, #tpu.memory_space<vmem>>, vector<100x73xf32>
    tpu.vector_store %arg32[%swap3A_492, %swap3A_493], %squeeze3A_491 {strides = array<i32>} : memref<100x4950xf32, #tpu.memory_space<vmem>>, vector<100x73xf32>,
    %slice3A_495 = vector.extract_strided_slice %mul3A_360 {offsets = [0, 27, 28], sizes = [100, 1, 72], strides = [1, 1, 1]} : vector<100x100x100xf32> to vector<100x1x72xf32>
    %squeeze3A_496 = vector.shape_cast %slice3A_495 : vector<100x1x72xf32> to vector<100x72xf32>
    %swap3A_497 = arith.constant 0 : index
    %swap3A_498 = arith.constant 2322 : index
    %swap3A_499 = vector.load %arg32[%swap3A_497, %swap3A_498] : memref<100x4950xf32, #tpu.memory_space<vmem>>, vector<100x72xf32>
    tpu.vector_store %arg32[%swap3A_497, %swap3A_498], %squeeze3A_496 {strides = array<i32>} : memref<100x4950xf32, #tpu.memory_space<vmem>>, vector<100x72xf32>,
    %slice3A_500 = vector.extract_strided_slice %mul3A_360 {offsets = [0, 28, 29], sizes = [100, 1, 71], strides = [1, 1, 1]} : vector<100x100x100xf32> to vector<100x1x71xf32>
    %squeeze3A_501 = vector.shape_cast %slice3A_500 : vector<100x1x71xf32> to vector<100x71xf32>
    %swap3A_502 = arith.constant 0 : index
    %swap3A_503 = arith.constant 2394 : index
    %swap3A_504 = vector.load %arg32[%swap3A_502, %swap3A_503] : memref<100x4950xf32, #tpu.memory_space<vmem>>, vector<100x71xf32>
    tpu.vector_store %arg32[%swap3A_502, %swap3A_503], %squeeze3A_501 {strides = array<i32>} : memref<100x4950xf32, #tpu.memory_space<vmem>>, vector<100x71xf32>,
    %slice3A_505 = vector.extract_strided_slice %mul3A_360 {offsets = [0, 29, 30], sizes = [100, 1, 70], strides = [1, 1, 1]} : vector<100x100x100xf32> to vector<100x1x70xf32>
    %squeeze3A_506 = vector.shape_cast %slice3A_505 : vector<100x1x70xf32> to vector<100x70xf32>
    %swap3A_507 = arith.constant 0 : index
    %swap3A_508 = arith.constant 2465 : index
    %swap3A_509 = vector.load %arg32[%swap3A_507, %swap3A_508] : memref<100x4950xf32, #tpu.memory_space<vmem>>, vector<100x70xf32>
    tpu.vector_store %arg32[%swap3A_507, %swap3A_508], %squeeze3A_506 {strides = array<i32>} : memref<100x4950xf32, #tpu.memory_space<vmem>>, vector<100x70xf32>,
    %slice3A_510 = vector.extract_strided_slice %mul3A_360 {offsets = [0, 30, 31], sizes = [100, 1, 69], strides = [1, 1, 1]} : vector<100x100x100xf32> to vector<100x1x69xf32>
    %squeeze3A_511 = vector.shape_cast %slice3A_510 : vector<100x1x69xf32> to vector<100x69xf32>
    %swap3A_512 = arith.constant 0 : index
    %swap3A_513 = arith.constant 2535 : index
    %swap3A_514 = vector.load %arg32[%swap3A_512, %swap3A_513] : memref<100x4950xf32, #tpu.memory_space<vmem>>, vector<100x69xf32>
    tpu.vector_store %arg32[%swap3A_512, %swap3A_513], %squeeze3A_511 {strides = array<i32>} : memref<100x4950xf32, #tpu.memory_space<vmem>>, vector<100x69xf32>,
    %slice3A_515 = vector.extract_strided_slice %mul3A_360 {offsets = [0, 31, 32], sizes = [100, 1, 68], strides = [1, 1, 1]} : vector<100x100x100xf32> to vector<100x1x68xf32>
    %squeeze3A_516 = vector.shape_cast %slice3A_515 : vector<100x1x68xf32> to vector<100x68xf32>
    %swap3A_517 = arith.constant 0 : index
    %swap3A_518 = arith.constant 2604 : index
    %swap3A_519 = vector.load %arg32[%swap3A_517, %swap3A_518] : memref<100x4950xf32, #tpu.memory_space<vmem>>, vector<100x68xf32>
    tpu.vector_store %arg32[%swap3A_517, %swap3A_518], %squeeze3A_516 {strides = array<i32>} : memref<100x4950xf32, #tpu.memory_space<vmem>>, vector<100x68xf32>,
    %slice3A_520 = vector.extract_strided_slice %mul3A_360 {offsets = [0, 32, 33], sizes = [100, 1, 67], strides = [1, 1, 1]} : vector<100x100x100xf32> to vector<100x1x67xf32>
    %squeeze3A_521 = vector.shape_cast %slice3A_520 : vector<100x1x67xf32> to vector<100x67xf32>
    %swap3A_522 = arith.constant 0 : index
    %swap3A_523 = arith.constant 2672 : index
    %swap3A_524 = vector.load %arg32[%swap3A_522, %swap3A_523] : memref<100x4950xf32, #tpu.memory_space<vmem>>, vector<100x67xf32>
    tpu.vector_store %arg32[%swap3A_522, %swap3A_523], %squeeze3A_521 {strides = array<i32>} : memref<100x4950xf32, #tpu.memory_space<vmem>>, vector<100x67xf32>,
    %slice3A_525 = vector.extract_strided_slice %mul3A_360 {offsets = [0, 33, 34], sizes = [100, 1, 66], strides = [1, 1, 1]} : vector<100x100x100xf32> to vector<100x1x66xf32>
    %squeeze3A_526 = vector.shape_cast %slice3A_525 : vector<100x1x66xf32> to vector<100x66xf32>
    %swap3A_527 = arith.constant 0 : index
    %swap3A_528 = arith.constant 2739 : index
    %swap3A_529 = vector.load %arg32[%swap3A_527, %swap3A_528] : memref<100x4950xf32, #tpu.memory_space<vmem>>, vector<100x66xf32>
    tpu.vector_store %arg32[%swap3A_527, %swap3A_528], %squeeze3A_526 {strides = array<i32>} : memref<100x4950xf32, #tpu.memory_space<vmem>>, vector<100x66xf32>,
    %slice3A_530 = vector.extract_strided_slice %mul3A_360 {offsets = [0, 34, 35], sizes = [100, 1, 65], strides = [1, 1, 1]} : vector<100x100x100xf32> to vector<100x1x65xf32>
    %squeeze3A_531 = vector.shape_cast %slice3A_530 : vector<100x1x65xf32> to vector<100x65xf32>
    %swap3A_532 = arith.constant 0 : index
    %swap3A_533 = arith.constant 2805 : index
    %swap3A_534 = vector.load %arg32[%swap3A_532, %swap3A_533] : memref<100x4950xf32, #tpu.memory_space<vmem>>, vector<100x65xf32>
    tpu.vector_store %arg32[%swap3A_532, %swap3A_533], %squeeze3A_531 {strides = array<i32>} : memref<100x4950xf32, #tpu.memory_space<vmem>>, vector<100x65xf32>,
    %slice3A_535 = vector.extract_strided_slice %mul3A_360 {offsets = [0, 35, 36], sizes = [100, 1, 64], strides = [1, 1, 1]} : vector<100x100x100xf32> to vector<100x1x64xf32>
    %squeeze3A_536 = vector.shape_cast %slice3A_535 : vector<100x1x64xf32> to vector<100x64xf32>
    %swap3A_537 = arith.constant 0 : index
    %swap3A_538 = arith.constant 2870 : index
    %swap3A_539 = vector.load %arg32[%swap3A_537, %swap3A_538] : memref<100x4950xf32, #tpu.memory_space<vmem>>, vector<100x64xf32>
    tpu.vector_store %arg32[%swap3A_537, %swap3A_538], %squeeze3A_536 {strides = array<i32>} : memref<100x4950xf32, #tpu.memory_space<vmem>>, vector<100x64xf32>,
    %slice3A_540 = vector.extract_strided_slice %mul3A_360 {offsets = [0, 36, 37], sizes = [100, 1, 63], strides = [1, 1, 1]} : vector<100x100x100xf32> to vector<100x1x63xf32>
    %squeeze3A_541 = vector.shape_cast %slice3A_540 : vector<100x1x63xf32> to vector<100x63xf32>
    %swap3A_542 = arith.constant 0 : index
    %swap3A_543 = arith.constant 2934 : index
    %swap3A_544 = vector.load %arg32[%swap3A_542, %swap3A_543] : memref<100x4950xf32, #tpu.memory_space<vmem>>, vector<100x63xf32>
    tpu.vector_store %arg32[%swap3A_542, %swap3A_543], %squeeze3A_541 {strides = array<i32>} : memref<100x4950xf32, #tpu.memory_space<vmem>>, vector<100x63xf32>,
    %slice3A_545 = vector.extract_strided_slice %mul3A_360 {offsets = [0, 37, 38], sizes = [100, 1, 62], strides = [1, 1, 1]} : vector<100x100x100xf32> to vector<100x1x62xf32>
    %squeeze3A_546 = vector.shape_cast %slice3A_545 : vector<100x1x62xf32> to vector<100x62xf32>
    %swap3A_547 = arith.constant 0 : index
    %swap3A_548 = arith.constant 2997 : index
    %swap3A_549 = vector.load %arg32[%swap3A_547, %swap3A_548] : memref<100x4950xf32, #tpu.memory_space<vmem>>, vector<100x62xf32>
    tpu.vector_store %arg32[%swap3A_547, %swap3A_548], %squeeze3A_546 {strides = array<i32>} : memref<100x4950xf32, #tpu.memory_space<vmem>>, vector<100x62xf32>,
    %slice3A_550 = vector.extract_strided_slice %mul3A_360 {offsets = [0, 38, 39], sizes = [100, 1, 61], strides = [1, 1, 1]} : vector<100x100x100xf32> to vector<100x1x61xf32>
    %squeeze3A_551 = vector.shape_cast %slice3A_550 : vector<100x1x61xf32> to vector<100x61xf32>
    %swap3A_552 = arith.constant 0 : index
    %swap3A_553 = arith.constant 3059 : index
    %swap3A_554 = vector.load %arg32[%swap3A_552, %swap3A_553] : memref<100x4950xf32, #tpu.memory_space<vmem>>, vector<100x61xf32>
    tpu.vector_store %arg32[%swap3A_552, %swap3A_553], %squeeze3A_551 {strides = array<i32>} : memref<100x4950xf32, #tpu.memory_space<vmem>>, vector<100x61xf32>,
    %slice3A_555 = vector.extract_strided_slice %mul3A_360 {offsets = [0, 39, 40], sizes = [100, 1, 60], strides = [1, 1, 1]} : vector<100x100x100xf32> to vector<100x1x60xf32>
    %squeeze3A_556 = vector.shape_cast %slice3A_555 : vector<100x1x60xf32> to vector<100x60xf32>
    %swap3A_557 = arith.constant 0 : index
    %swap3A_558 = arith.constant 3120 : index
    %swap3A_559 = vector.load %arg32[%swap3A_557, %swap3A_558] : memref<100x4950xf32, #tpu.memory_space<vmem>>, vector<100x60xf32>
    tpu.vector_store %arg32[%swap3A_557, %swap3A_558], %squeeze3A_556 {strides = array<i32>} : memref<100x4950xf32, #tpu.memory_space<vmem>>, vector<100x60xf32>,
    %slice3A_560 = vector.extract_strided_slice %mul3A_360 {offsets = [0, 40, 41], sizes = [100, 1, 59], strides = [1, 1, 1]} : vector<100x100x100xf32> to vector<100x1x59xf32>
    %squeeze3A_561 = vector.shape_cast %slice3A_560 : vector<100x1x59xf32> to vector<100x59xf32>
    %swap3A_562 = arith.constant 0 : index
    %swap3A_563 = arith.constant 3180 : index
    %swap3A_564 = vector.load %arg32[%swap3A_562, %swap3A_563] : memref<100x4950xf32, #tpu.memory_space<vmem>>, vector<100x59xf32>
    tpu.vector_store %arg32[%swap3A_562, %swap3A_563], %squeeze3A_561 {strides = array<i32>} : memref<100x4950xf32, #tpu.memory_space<vmem>>, vector<100x59xf32>,
    %slice3A_565 = vector.extract_strided_slice %mul3A_360 {offsets = [0, 41, 42], sizes = [100, 1, 58], strides = [1, 1, 1]} : vector<100x100x100xf32> to vector<100x1x58xf32>
    %squeeze3A_566 = vector.shape_cast %slice3A_565 : vector<100x1x58xf32> to vector<100x58xf32>
    %swap3A_567 = arith.constant 0 : index
    %swap3A_568 = arith.constant 3239 : index
    %swap3A_569 = vector.load %arg32[%swap3A_567, %swap3A_568] : memref<100x4950xf32, #tpu.memory_space<vmem>>, vector<100x58xf32>
    tpu.vector_store %arg32[%swap3A_567, %swap3A_568], %squeeze3A_566 {strides = array<i32>} : memref<100x4950xf32, #tpu.memory_space<vmem>>, vector<100x58xf32>,
    %slice3A_570 = vector.extract_strided_slice %mul3A_360 {offsets = [0, 42, 43], sizes = [100, 1, 57], strides = [1, 1, 1]} : vector<100x100x100xf32> to vector<100x1x57xf32>
    %squeeze3A_571 = vector.shape_cast %slice3A_570 : vector<100x1x57xf32> to vector<100x57xf32>
    %swap3A_572 = arith.constant 0 : index
    %swap3A_573 = arith.constant 3297 : index
    %swap3A_574 = vector.load %arg32[%swap3A_572, %swap3A_573] : memref<100x4950xf32, #tpu.memory_space<vmem>>, vector<100x57xf32>
    tpu.vector_store %arg32[%swap3A_572, %swap3A_573], %squeeze3A_571 {strides = array<i32>} : memref<100x4950xf32, #tpu.memory_space<vmem>>, vector<100x57xf32>,
    %slice3A_575 = vector.extract_strided_slice %mul3A_360 {offsets = [0, 43, 44], sizes = [100, 1, 56], strides = [1, 1, 1]} : vector<100x100x100xf32> to vector<100x1x56xf32>
    %squeeze3A_576 = vector.shape_cast %slice3A_575 : vector<100x1x56xf32> to vector<100x56xf32>
    %swap3A_577 = arith.constant 0 : index
    %swap3A_578 = arith.constant 3354 : index
    %swap3A_579 = vector.load %arg32[%swap3A_577, %swap3A_578] : memref<100x4950xf32, #tpu.memory_space<vmem>>, vector<100x56xf32>
    tpu.vector_store %arg32[%swap3A_577, %swap3A_578], %squeeze3A_576 {strides = array<i32>} : memref<100x4950xf32, #tpu.memory_space<vmem>>, vector<100x56xf32>,
    %slice3A_580 = vector.extract_strided_slice %mul3A_360 {offsets = [0, 44, 45], sizes = [100, 1, 55], strides = [1, 1, 1]} : vector<100x100x100xf32> to vector<100x1x55xf32>
    %squeeze3A_581 = vector.shape_cast %slice3A_580 : vector<100x1x55xf32> to vector<100x55xf32>
    %swap3A_582 = arith.constant 0 : index
    %swap3A_583 = arith.constant 3410 : index
    %swap3A_584 = vector.load %arg32[%swap3A_582, %swap3A_583] : memref<100x4950xf32, #tpu.memory_space<vmem>>, vector<100x55xf32>
    tpu.vector_store %arg32[%swap3A_582, %swap3A_583], %squeeze3A_581 {strides = array<i32>} : memref<100x4950xf32, #tpu.memory_space<vmem>>, vector<100x55xf32>,
    %slice3A_585 = vector.extract_strided_slice %mul3A_360 {offsets = [0, 45, 46], sizes = [100, 1, 54], strides = [1, 1, 1]} : vector<100x100x100xf32> to vector<100x1x54xf32>
    %squeeze3A_586 = vector.shape_cast %slice3A_585 : vector<100x1x54xf32> to vector<100x54xf32>
    %swap3A_587 = arith.constant 0 : index
    %swap3A_588 = arith.constant 3465 : index
    %swap3A_589 = vector.load %arg32[%swap3A_587, %swap3A_588] : memref<100x4950xf32, #tpu.memory_space<vmem>>, vector<100x54xf32>
    tpu.vector_store %arg32[%swap3A_587, %swap3A_588], %squeeze3A_586 {strides = array<i32>} : memref<100x4950xf32, #tpu.memory_space<vmem>>, vector<100x54xf32>,
    %slice3A_590 = vector.extract_strided_slice %mul3A_360 {offsets = [0, 46, 47], sizes = [100, 1, 53], strides = [1, 1, 1]} : vector<100x100x100xf32> to vector<100x1x53xf32>
    %squeeze3A_591 = vector.shape_cast %slice3A_590 : vector<100x1x53xf32> to vector<100x53xf32>
    %swap3A_592 = arith.constant 0 : index
    %swap3A_593 = arith.constant 3519 : index
    %swap3A_594 = vector.load %arg32[%swap3A_592, %swap3A_593] : memref<100x4950xf32, #tpu.memory_space<vmem>>, vector<100x53xf32>
    tpu.vector_store %arg32[%swap3A_592, %swap3A_593], %squeeze3A_591 {strides = array<i32>} : memref<100x4950xf32, #tpu.memory_space<vmem>>, vector<100x53xf32>,
    %slice3A_595 = vector.extract_strided_slice %mul3A_360 {offsets = [0, 47, 48], sizes = [100, 1, 52], strides = [1, 1, 1]} : vector<100x100x100xf32> to vector<100x1x52xf32>
    %squeeze3A_596 = vector.shape_cast %slice3A_595 : vector<100x1x52xf32> to vector<100x52xf32>
    %swap3A_597 = arith.constant 0 : index
    %swap3A_598 = arith.constant 3572 : index
    %swap3A_599 = vector.load %arg32[%swap3A_597, %swap3A_598] : memref<100x4950xf32, #tpu.memory_space<vmem>>, vector<100x52xf32>
    tpu.vector_store %arg32[%swap3A_597, %swap3A_598], %squeeze3A_596 {strides = array<i32>} : memref<100x4950xf32, #tpu.memory_space<vmem>>, vector<100x52xf32>,
    %slice3A_600 = vector.extract_strided_slice %mul3A_360 {offsets = [0, 48, 49], sizes = [100, 1, 51], strides = [1, 1, 1]} : vector<100x100x100xf32> to vector<100x1x51xf32>
    %squeeze3A_601 = vector.shape_cast %slice3A_600 : vector<100x1x51xf32> to vector<100x51xf32>
    %swap3A_602 = arith.constant 0 : index
    %swap3A_603 = arith.constant 3624 : index
    %swap3A_604 = vector.load %arg32[%swap3A_602, %swap3A_603] : memref<100x4950xf32, #tpu.memory_space<vmem>>, vector<100x51xf32>
    tpu.vector_store %arg32[%swap3A_602, %swap3A_603], %squeeze3A_601 {strides = array<i32>} : memref<100x4950xf32, #tpu.memory_space<vmem>>, vector<100x51xf32>,
    %slice3A_605 = vector.extract_strided_slice %mul3A_360 {offsets = [0, 49, 50], sizes = [100, 1, 50], strides = [1, 1, 1]} : vector<100x100x100xf32> to vector<100x1x50xf32>
    %squeeze3A_606 = vector.shape_cast %slice3A_605 : vector<100x1x50xf32> to vector<100x50xf32>
    %swap3A_607 = arith.constant 0 : index
    %swap3A_608 = arith.constant 3675 : index
    %swap3A_609 = vector.load %arg32[%swap3A_607, %swap3A_608] : memref<100x4950xf32, #tpu.memory_space<vmem>>, vector<100x50xf32>
    tpu.vector_store %arg32[%swap3A_607, %swap3A_608], %squeeze3A_606 {strides = array<i32>} : memref<100x4950xf32, #tpu.memory_space<vmem>>, vector<100x50xf32>,
    %slice3A_610 = vector.extract_strided_slice %mul3A_360 {offsets = [0, 50, 51], sizes = [100, 1, 49], strides = [1, 1, 1]} : vector<100x100x100xf32> to vector<100x1x49xf32>
    %squeeze3A_611 = vector.shape_cast %slice3A_610 : vector<100x1x49xf32> to vector<100x49xf32>
    %swap3A_612 = arith.constant 0 : index
    %swap3A_613 = arith.constant 3725 : index
    %swap3A_614 = vector.load %arg32[%swap3A_612, %swap3A_613] : memref<100x4950xf32, #tpu.memory_space<vmem>>, vector<100x49xf32>
    tpu.vector_store %arg32[%swap3A_612, %swap3A_613], %squeeze3A_611 {strides = array<i32>} : memref<100x4950xf32, #tpu.memory_space<vmem>>, vector<100x49xf32>,
    %slice3A_615 = vector.extract_strided_slice %mul3A_360 {offsets = [0, 51, 52], sizes = [100, 1, 48], strides = [1, 1, 1]} : vector<100x100x100xf32> to vector<100x1x48xf32>
    %squeeze3A_616 = vector.shape_cast %slice3A_615 : vector<100x1x48xf32> to vector<100x48xf32>
    %swap3A_617 = arith.constant 0 : index
    %swap3A_618 = arith.constant 3774 : index
    %swap3A_619 = vector.load %arg32[%swap3A_617, %swap3A_618] : memref<100x4950xf32, #tpu.memory_space<vmem>>, vector<100x48xf32>
    tpu.vector_store %arg32[%swap3A_617, %swap3A_618], %squeeze3A_616 {strides = array<i32>} : memref<100x4950xf32, #tpu.memory_space<vmem>>, vector<100x48xf32>,
    %slice3A_620 = vector.extract_strided_slice %mul3A_360 {offsets = [0, 52, 53], sizes = [100, 1, 47], strides = [1, 1, 1]} : vector<100x100x100xf32> to vector<100x1x47xf32>
    %squeeze3A_621 = vector.shape_cast %slice3A_620 : vector<100x1x47xf32> to vector<100x47xf32>
    %swap3A_622 = arith.constant 0 : index
    %swap3A_623 = arith.constant 3822 : index
    %swap3A_624 = vector.load %arg32[%swap3A_622, %swap3A_623] : memref<100x4950xf32, #tpu.memory_space<vmem>>, vector<100x47xf32>
    tpu.vector_store %arg32[%swap3A_622, %swap3A_623], %squeeze3A_621 {strides = array<i32>} : memref<100x4950xf32, #tpu.memory_space<vmem>>, vector<100x47xf32>,
    %slice3A_625 = vector.extract_strided_slice %mul3A_360 {offsets = [0, 53, 54], sizes = [100, 1, 46], strides = [1, 1, 1]} : vector<100x100x100xf32> to vector<100x1x46xf32>
    %squeeze3A_626 = vector.shape_cast %slice3A_625 : vector<100x1x46xf32> to vector<100x46xf32>
    %swap3A_627 = arith.constant 0 : index
    %swap3A_628 = arith.constant 3869 : index
    %swap3A_629 = vector.load %arg32[%swap3A_627, %swap3A_628] : memref<100x4950xf32, #tpu.memory_space<vmem>>, vector<100x46xf32>
    tpu.vector_store %arg32[%swap3A_627, %swap3A_628], %squeeze3A_626 {strides = array<i32>} : memref<100x4950xf32, #tpu.memory_space<vmem>>, vector<100x46xf32>,
    %slice3A_630 = vector.extract_strided_slice %mul3A_360 {offsets = [0, 54, 55], sizes = [100, 1, 45], strides = [1, 1, 1]} : vector<100x100x100xf32> to vector<100x1x45xf32>
    %squeeze3A_631 = vector.shape_cast %slice3A_630 : vector<100x1x45xf32> to vector<100x45xf32>
    %swap3A_632 = arith.constant 0 : index
    %swap3A_633 = arith.constant 3915 : index
    %swap3A_634 = vector.load %arg32[%swap3A_632, %swap3A_633] : memref<100x4950xf32, #tpu.memory_space<vmem>>, vector<100x45xf32>
    tpu.vector_store %arg32[%swap3A_632, %swap3A_633], %squeeze3A_631 {strides = array<i32>} : memref<100x4950xf32, #tpu.memory_space<vmem>>, vector<100x45xf32>,
    %slice3A_635 = vector.extract_strided_slice %mul3A_360 {offsets = [0, 55, 56], sizes = [100, 1, 44], strides = [1, 1, 1]} : vector<100x100x100xf32> to vector<100x1x44xf32>
    %squeeze3A_636 = vector.shape_cast %slice3A_635 : vector<100x1x44xf32> to vector<100x44xf32>
    %swap3A_637 = arith.constant 0 : index
    %swap3A_638 = arith.constant 3960 : index
    %swap3A_639 = vector.load %arg32[%swap3A_637, %swap3A_638] : memref<100x4950xf32, #tpu.memory_space<vmem>>, vector<100x44xf32>
    tpu.vector_store %arg32[%swap3A_637, %swap3A_638], %squeeze3A_636 {strides = array<i32>} : memref<100x4950xf32, #tpu.memory_space<vmem>>, vector<100x44xf32>,
    %slice3A_640 = vector.extract_strided_slice %mul3A_360 {offsets = [0, 56, 57], sizes = [100, 1, 43], strides = [1, 1, 1]} : vector<100x100x100xf32> to vector<100x1x43xf32>
    %squeeze3A_641 = vector.shape_cast %slice3A_640 : vector<100x1x43xf32> to vector<100x43xf32>
    %swap3A_642 = arith.constant 0 : index
    %swap3A_643 = arith.constant 4004 : index
    %swap3A_644 = vector.load %arg32[%swap3A_642, %swap3A_643] : memref<100x4950xf32, #tpu.memory_space<vmem>>, vector<100x43xf32>
    tpu.vector_store %arg32[%swap3A_642, %swap3A_643], %squeeze3A_641 {strides = array<i32>} : memref<100x4950xf32, #tpu.memory_space<vmem>>, vector<100x43xf32>,
    %slice3A_645 = vector.extract_strided_slice %mul3A_360 {offsets = [0, 57, 58], sizes = [100, 1, 42], strides = [1, 1, 1]} : vector<100x100x100xf32> to vector<100x1x42xf32>
    %squeeze3A_646 = vector.shape_cast %slice3A_645 : vector<100x1x42xf32> to vector<100x42xf32>
    %swap3A_647 = arith.constant 0 : index
    %swap3A_648 = arith.constant 4047 : index
    %swap3A_649 = vector.load %arg32[%swap3A_647, %swap3A_648] : memref<100x4950xf32, #tpu.memory_space<vmem>>, vector<100x42xf32>
    tpu.vector_store %arg32[%swap3A_647, %swap3A_648], %squeeze3A_646 {strides = array<i32>} : memref<100x4950xf32, #tpu.memory_space<vmem>>, vector<100x42xf32>,
    %slice3A_650 = vector.extract_strided_slice %mul3A_360 {offsets = [0, 58, 59], sizes = [100, 1, 41], strides = [1, 1, 1]} : vector<100x100x100xf32> to vector<100x1x41xf32>
    %squeeze3A_651 = vector.shape_cast %slice3A_650 : vector<100x1x41xf32> to vector<100x41xf32>
    %swap3A_652 = arith.constant 0 : index
    %swap3A_653 = arith.constant 4089 : index
    %swap3A_654 = vector.load %arg32[%swap3A_652, %swap3A_653] : memref<100x4950xf32, #tpu.memory_space<vmem>>, vector<100x41xf32>
    tpu.vector_store %arg32[%swap3A_652, %swap3A_653], %squeeze3A_651 {strides = array<i32>} : memref<100x4950xf32, #tpu.memory_space<vmem>>, vector<100x41xf32>,
    %slice3A_655 = vector.extract_strided_slice %mul3A_360 {offsets = [0, 59, 60], sizes = [100, 1, 40], strides = [1, 1, 1]} : vector<100x100x100xf32> to vector<100x1x40xf32>
    %squeeze3A_656 = vector.shape_cast %slice3A_655 : vector<100x1x40xf32> to vector<100x40xf32>
    %swap3A_657 = arith.constant 0 : index
    %swap3A_658 = arith.constant 4130 : index
    %swap3A_659 = vector.load %arg32[%swap3A_657, %swap3A_658] : memref<100x4950xf32, #tpu.memory_space<vmem>>, vector<100x40xf32>
    tpu.vector_store %arg32[%swap3A_657, %swap3A_658], %squeeze3A_656 {strides = array<i32>} : memref<100x4950xf32, #tpu.memory_space<vmem>>, vector<100x40xf32>,
    %slice3A_660 = vector.extract_strided_slice %mul3A_360 {offsets = [0, 60, 61], sizes = [100, 1, 39], strides = [1, 1, 1]} : vector<100x100x100xf32> to vector<100x1x39xf32>
    %squeeze3A_661 = vector.shape_cast %slice3A_660 : vector<100x1x39xf32> to vector<100x39xf32>
    %swap3A_662 = arith.constant 0 : index
    %swap3A_663 = arith.constant 4170 : index
    %swap3A_664 = vector.load %arg32[%swap3A_662, %swap3A_663] : memref<100x4950xf32, #tpu.memory_space<vmem>>, vector<100x39xf32>
    tpu.vector_store %arg32[%swap3A_662, %swap3A_663], %squeeze3A_661 {strides = array<i32>} : memref<100x4950xf32, #tpu.memory_space<vmem>>, vector<100x39xf32>,
    %slice3A_665 = vector.extract_strided_slice %mul3A_360 {offsets = [0, 61, 62], sizes = [100, 1, 38], strides = [1, 1, 1]} : vector<100x100x100xf32> to vector<100x1x38xf32>
    %squeeze3A_666 = vector.shape_cast %slice3A_665 : vector<100x1x38xf32> to vector<100x38xf32>
    %swap3A_667 = arith.constant 0 : index
    %swap3A_668 = arith.constant 4209 : index
    %swap3A_669 = vector.load %arg32[%swap3A_667, %swap3A_668] : memref<100x4950xf32, #tpu.memory_space<vmem>>, vector<100x38xf32>
    tpu.vector_store %arg32[%swap3A_667, %swap3A_668], %squeeze3A_666 {strides = array<i32>} : memref<100x4950xf32, #tpu.memory_space<vmem>>, vector<100x38xf32>,
    %slice3A_670 = vector.extract_strided_slice %mul3A_360 {offsets = [0, 62, 63], sizes = [100, 1, 37], strides = [1, 1, 1]} : vector<100x100x100xf32> to vector<100x1x37xf32>
    %squeeze3A_671 = vector.shape_cast %slice3A_670 : vector<100x1x37xf32> to vector<100x37xf32>
    %swap3A_672 = arith.constant 0 : index
    %swap3A_673 = arith.constant 4247 : index
    %swap3A_674 = vector.load %arg32[%swap3A_672, %swap3A_673] : memref<100x4950xf32, #tpu.memory_space<vmem>>, vector<100x37xf32>
    tpu.vector_store %arg32[%swap3A_672, %swap3A_673], %squeeze3A_671 {strides = array<i32>} : memref<100x4950xf32, #tpu.memory_space<vmem>>, vector<100x37xf32>,
    %slice3A_675 = vector.extract_strided_slice %mul3A_360 {offsets = [0, 63, 64], sizes = [100, 1, 36], strides = [1, 1, 1]} : vector<100x100x100xf32> to vector<100x1x36xf32>
    %squeeze3A_676 = vector.shape_cast %slice3A_675 : vector<100x1x36xf32> to vector<100x36xf32>
    %swap3A_677 = arith.constant 0 : index
    %swap3A_678 = arith.constant 4284 : index
    %swap3A_679 = vector.load %arg32[%swap3A_677, %swap3A_678] : memref<100x4950xf32, #tpu.memory_space<vmem>>, vector<100x36xf32>
    tpu.vector_store %arg32[%swap3A_677, %swap3A_678], %squeeze3A_676 {strides = array<i32>} : memref<100x4950xf32, #tpu.memory_space<vmem>>, vector<100x36xf32>,
    %slice3A_680 = vector.extract_strided_slice %mul3A_360 {offsets = [0, 64, 65], sizes = [100, 1, 35], strides = [1, 1, 1]} : vector<100x100x100xf32> to vector<100x1x35xf32>
    %squeeze3A_681 = vector.shape_cast %slice3A_680 : vector<100x1x35xf32> to vector<100x35xf32>
    %swap3A_682 = arith.constant 0 : index
    %swap3A_683 = arith.constant 4320 : index
    %swap3A_684 = vector.load %arg32[%swap3A_682, %swap3A_683] : memref<100x4950xf32, #tpu.memory_space<vmem>>, vector<100x35xf32>
    tpu.vector_store %arg32[%swap3A_682, %swap3A_683], %squeeze3A_681 {strides = array<i32>} : memref<100x4950xf32, #tpu.memory_space<vmem>>, vector<100x35xf32>,
    %slice3A_685 = vector.extract_strided_slice %mul3A_360 {offsets = [0, 65, 66], sizes = [100, 1, 34], strides = [1, 1, 1]} : vector<100x100x100xf32> to vector<100x1x34xf32>
    %squeeze3A_686 = vector.shape_cast %slice3A_685 : vector<100x1x34xf32> to vector<100x34xf32>
    %swap3A_687 = arith.constant 0 : index
    %swap3A_688 = arith.constant 4355 : index
    %swap3A_689 = vector.load %arg32[%swap3A_687, %swap3A_688] : memref<100x4950xf32, #tpu.memory_space<vmem>>, vector<100x34xf32>
    tpu.vector_store %arg32[%swap3A_687, %swap3A_688], %squeeze3A_686 {strides = array<i32>} : memref<100x4950xf32, #tpu.memory_space<vmem>>, vector<100x34xf32>,
    %slice3A_690 = vector.extract_strided_slice %mul3A_360 {offsets = [0, 66, 67], sizes = [100, 1, 33], strides = [1, 1, 1]} : vector<100x100x100xf32> to vector<100x1x33xf32>
    %squeeze3A_691 = vector.shape_cast %slice3A_690 : vector<100x1x33xf32> to vector<100x33xf32>
    %swap3A_692 = arith.constant 0 : index
    %swap3A_693 = arith.constant 4389 : index
    %swap3A_694 = vector.load %arg32[%swap3A_692, %swap3A_693] : memref<100x4950xf32, #tpu.memory_space<vmem>>, vector<100x33xf32>
    tpu.vector_store %arg32[%swap3A_692, %swap3A_693], %squeeze3A_691 {strides = array<i32>} : memref<100x4950xf32, #tpu.memory_space<vmem>>, vector<100x33xf32>,
    %slice3A_695 = vector.extract_strided_slice %mul3A_360 {offsets = [0, 67, 68], sizes = [100, 1, 32], strides = [1, 1, 1]} : vector<100x100x100xf32> to vector<100x1x32xf32>
    %squeeze3A_696 = vector.shape_cast %slice3A_695 : vector<100x1x32xf32> to vector<100x32xf32>
    %swap3A_697 = arith.constant 0 : index
    %swap3A_698 = arith.constant 4422 : index
    %swap3A_699 = vector.load %arg32[%swap3A_697, %swap3A_698] : memref<100x4950xf32, #tpu.memory_space<vmem>>, vector<100x32xf32>
    tpu.vector_store %arg32[%swap3A_697, %swap3A_698], %squeeze3A_696 {strides = array<i32>} : memref<100x4950xf32, #tpu.memory_space<vmem>>, vector<100x32xf32>,
    %slice3A_700 = vector.extract_strided_slice %mul3A_360 {offsets = [0, 68, 69], sizes = [100, 1, 31], strides = [1, 1, 1]} : vector<100x100x100xf32> to vector<100x1x31xf32>
    %squeeze3A_701 = vector.shape_cast %slice3A_700 : vector<100x1x31xf32> to vector<100x31xf32>
    %swap3A_702 = arith.constant 0 : index
    %swap3A_703 = arith.constant 4454 : index
    %swap3A_704 = vector.load %arg32[%swap3A_702, %swap3A_703] : memref<100x4950xf32, #tpu.memory_space<vmem>>, vector<100x31xf32>
    tpu.vector_store %arg32[%swap3A_702, %swap3A_703], %squeeze3A_701 {strides = array<i32>} : memref<100x4950xf32, #tpu.memory_space<vmem>>, vector<100x31xf32>,
    %slice3A_705 = vector.extract_strided_slice %mul3A_360 {offsets = [0, 69, 70], sizes = [100, 1, 30], strides = [1, 1, 1]} : vector<100x100x100xf32> to vector<100x1x30xf32>
    %squeeze3A_706 = vector.shape_cast %slice3A_705 : vector<100x1x30xf32> to vector<100x30xf32>
    %swap3A_707 = arith.constant 0 : index
    %swap3A_708 = arith.constant 4485 : index
    %swap3A_709 = vector.load %arg32[%swap3A_707, %swap3A_708] : memref<100x4950xf32, #tpu.memory_space<vmem>>, vector<100x30xf32>
    tpu.vector_store %arg32[%swap3A_707, %swap3A_708], %squeeze3A_706 {strides = array<i32>} : memref<100x4950xf32, #tpu.memory_space<vmem>>, vector<100x30xf32>,
    %slice3A_710 = vector.extract_strided_slice %mul3A_360 {offsets = [0, 70, 71], sizes = [100, 1, 29], strides = [1, 1, 1]} : vector<100x100x100xf32> to vector<100x1x29xf32>
    %squeeze3A_711 = vector.shape_cast %slice3A_710 : vector<100x1x29xf32> to vector<100x29xf32>
    %swap3A_712 = arith.constant 0 : index
    %swap3A_713 = arith.constant 4515 : index
    %swap3A_714 = vector.load %arg32[%swap3A_712, %swap3A_713] : memref<100x4950xf32, #tpu.memory_space<vmem>>, vector<100x29xf32>
    tpu.vector_store %arg32[%swap3A_712, %swap3A_713], %squeeze3A_711 {strides = array<i32>} : memref<100x4950xf32, #tpu.memory_space<vmem>>, vector<100x29xf32>,
    %slice3A_715 = vector.extract_strided_slice %mul3A_360 {offsets = [0, 71, 72], sizes = [100, 1, 28], strides = [1, 1, 1]} : vector<100x100x100xf32> to vector<100x1x28xf32>
    %squeeze3A_716 = vector.shape_cast %slice3A_715 : vector<100x1x28xf32> to vector<100x28xf32>
    %swap3A_717 = arith.constant 0 : index
    %swap3A_718 = arith.constant 4544 : index
    %swap3A_719 = vector.load %arg32[%swap3A_717, %swap3A_718] : memref<100x4950xf32, #tpu.memory_space<vmem>>, vector<100x28xf32>
    tpu.vector_store %arg32[%swap3A_717, %swap3A_718], %squeeze3A_716 {strides = array<i32>} : memref<100x4950xf32, #tpu.memory_space<vmem>>, vector<100x28xf32>,
    %slice3A_720 = vector.extract_strided_slice %mul3A_360 {offsets = [0, 72, 73], sizes = [100, 1, 27], strides = [1, 1, 1]} : vector<100x100x100xf32> to vector<100x1x27xf32>
    %squeeze3A_721 = vector.shape_cast %slice3A_720 : vector<100x1x27xf32> to vector<100x27xf32>
    %swap3A_722 = arith.constant 0 : index
    %swap3A_723 = arith.constant 4572 : index
    %swap3A_724 = vector.load %arg32[%swap3A_722, %swap3A_723] : memref<100x4950xf32, #tpu.memory_space<vmem>>, vector<100x27xf32>
    tpu.vector_store %arg32[%swap3A_722, %swap3A_723], %squeeze3A_721 {strides = array<i32>} : memref<100x4950xf32, #tpu.memory_space<vmem>>, vector<100x27xf32>,
    %slice3A_725 = vector.extract_strided_slice %mul3A_360 {offsets = [0, 73, 74], sizes = [100, 1, 26], strides = [1, 1, 1]} : vector<100x100x100xf32> to vector<100x1x26xf32>
    %squeeze3A_726 = vector.shape_cast %slice3A_725 : vector<100x1x26xf32> to vector<100x26xf32>
    %swap3A_727 = arith.constant 0 : index
    %swap3A_728 = arith.constant 4599 : index
    %swap3A_729 = vector.load %arg32[%swap3A_727, %swap3A_728] : memref<100x4950xf32, #tpu.memory_space<vmem>>, vector<100x26xf32>
    tpu.vector_store %arg32[%swap3A_727, %swap3A_728], %squeeze3A_726 {strides = array<i32>} : memref<100x4950xf32, #tpu.memory_space<vmem>>, vector<100x26xf32>,
    %slice3A_730 = vector.extract_strided_slice %mul3A_360 {offsets = [0, 74, 75], sizes = [100, 1, 25], strides = [1, 1, 1]} : vector<100x100x100xf32> to vector<100x1x25xf32>
    %squeeze3A_731 = vector.shape_cast %slice3A_730 : vector<100x1x25xf32> to vector<100x25xf32>
    %swap3A_732 = arith.constant 0 : index
    %swap3A_733 = arith.constant 4625 : index
    %swap3A_734 = vector.load %arg32[%swap3A_732, %swap3A_733] : memref<100x4950xf32, #tpu.memory_space<vmem>>, vector<100x25xf32>
    tpu.vector_store %arg32[%swap3A_732, %swap3A_733], %squeeze3A_731 {strides = array<i32>} : memref<100x4950xf32, #tpu.memory_space<vmem>>, vector<100x25xf32>,
    %slice3A_735 = vector.extract_strided_slice %mul3A_360 {offsets = [0, 75, 76], sizes = [100, 1, 24], strides = [1, 1, 1]} : vector<100x100x100xf32> to vector<100x1x24xf32>
    %squeeze3A_736 = vector.shape_cast %slice3A_735 : vector<100x1x24xf32> to vector<100x24xf32>
    %swap3A_737 = arith.constant 0 : index
    %swap3A_738 = arith.constant 4650 : index
    %swap3A_739 = vector.load %arg32[%swap3A_737, %swap3A_738] : memref<100x4950xf32, #tpu.memory_space<vmem>>, vector<100x24xf32>
    tpu.vector_store %arg32[%swap3A_737, %swap3A_738], %squeeze3A_736 {strides = array<i32>} : memref<100x4950xf32, #tpu.memory_space<vmem>>, vector<100x24xf32>,
    %slice3A_740 = vector.extract_strided_slice %mul3A_360 {offsets = [0, 76, 77], sizes = [100, 1, 23], strides = [1, 1, 1]} : vector<100x100x100xf32> to vector<100x1x23xf32>
    %squeeze3A_741 = vector.shape_cast %slice3A_740 : vector<100x1x23xf32> to vector<100x23xf32>
    %swap3A_742 = arith.constant 0 : index
    %swap3A_743 = arith.constant 4674 : index
    %swap3A_744 = vector.load %arg32[%swap3A_742, %swap3A_743] : memref<100x4950xf32, #tpu.memory_space<vmem>>, vector<100x23xf32>
    tpu.vector_store %arg32[%swap3A_742, %swap3A_743], %squeeze3A_741 {strides = array<i32>} : memref<100x4950xf32, #tpu.memory_space<vmem>>, vector<100x23xf32>,
    %slice3A_745 = vector.extract_strided_slice %mul3A_360 {offsets = [0, 77, 78], sizes = [100, 1, 22], strides = [1, 1, 1]} : vector<100x100x100xf32> to vector<100x1x22xf32>
    %squeeze3A_746 = vector.shape_cast %slice3A_745 : vector<100x1x22xf32> to vector<100x22xf32>
    %swap3A_747 = arith.constant 0 : index
    %swap3A_748 = arith.constant 4697 : index
    %swap3A_749 = vector.load %arg32[%swap3A_747, %swap3A_748] : memref<100x4950xf32, #tpu.memory_space<vmem>>, vector<100x22xf32>
    tpu.vector_store %arg32[%swap3A_747, %swap3A_748], %squeeze3A_746 {strides = array<i32>} : memref<100x4950xf32, #tpu.memory_space<vmem>>, vector<100x22xf32>,
    %slice3A_750 = vector.extract_strided_slice %mul3A_360 {offsets = [0, 78, 79], sizes = [100, 1, 21], strides = [1, 1, 1]} : vector<100x100x100xf32> to vector<100x1x21xf32>
    %squeeze3A_751 = vector.shape_cast %slice3A_750 : vector<100x1x21xf32> to vector<100x21xf32>
    %swap3A_752 = arith.constant 0 : index
    %swap3A_753 = arith.constant 4719 : index
    %swap3A_754 = vector.load %arg32[%swap3A_752, %swap3A_753] : memref<100x4950xf32, #tpu.memory_space<vmem>>, vector<100x21xf32>
    tpu.vector_store %arg32[%swap3A_752, %swap3A_753], %squeeze3A_751 {strides = array<i32>} : memref<100x4950xf32, #tpu.memory_space<vmem>>, vector<100x21xf32>,
    %slice3A_755 = vector.extract_strided_slice %mul3A_360 {offsets = [0, 79, 80], sizes = [100, 1, 20], strides = [1, 1, 1]} : vector<100x100x100xf32> to vector<100x1x20xf32>
    %squeeze3A_756 = vector.shape_cast %slice3A_755 : vector<100x1x20xf32> to vector<100x20xf32>
    %swap3A_757 = arith.constant 0 : index
    %swap3A_758 = arith.constant 4740 : index
    %swap3A_759 = vector.load %arg32[%swap3A_757, %swap3A_758] : memref<100x4950xf32, #tpu.memory_space<vmem>>, vector<100x20xf32>
    tpu.vector_store %arg32[%swap3A_757, %swap3A_758], %squeeze3A_756 {strides = array<i32>} : memref<100x4950xf32, #tpu.memory_space<vmem>>, vector<100x20xf32>,
    %slice3A_760 = vector.extract_strided_slice %mul3A_360 {offsets = [0, 80, 81], sizes = [100, 1, 19], strides = [1, 1, 1]} : vector<100x100x100xf32> to vector<100x1x19xf32>
    %squeeze3A_761 = vector.shape_cast %slice3A_760 : vector<100x1x19xf32> to vector<100x19xf32>
    %swap3A_762 = arith.constant 0 : index
    %swap3A_763 = arith.constant 4760 : index
    %swap3A_764 = vector.load %arg32[%swap3A_762, %swap3A_763] : memref<100x4950xf32, #tpu.memory_space<vmem>>, vector<100x19xf32>
    tpu.vector_store %arg32[%swap3A_762, %swap3A_763], %squeeze3A_761 {strides = array<i32>} : memref<100x4950xf32, #tpu.memory_space<vmem>>, vector<100x19xf32>,
    %slice3A_765 = vector.extract_strided_slice %mul3A_360 {offsets = [0, 81, 82], sizes = [100, 1, 18], strides = [1, 1, 1]} : vector<100x100x100xf32> to vector<100x1x18xf32>
    %squeeze3A_766 = vector.shape_cast %slice3A_765 : vector<100x1x18xf32> to vector<100x18xf32>
    %swap3A_767 = arith.constant 0 : index
    %swap3A_768 = arith.constant 4779 : index
    %swap3A_769 = vector.load %arg32[%swap3A_767, %swap3A_768] : memref<100x4950xf32, #tpu.memory_space<vmem>>, vector<100x18xf32>
    tpu.vector_store %arg32[%swap3A_767, %swap3A_768], %squeeze3A_766 {strides = array<i32>} : memref<100x4950xf32, #tpu.memory_space<vmem>>, vector<100x18xf32>,
    %slice3A_770 = vector.extract_strided_slice %mul3A_360 {offsets = [0, 82, 83], sizes = [100, 1, 17], strides = [1, 1, 1]} : vector<100x100x100xf32> to vector<100x1x17xf32>
    %squeeze3A_771 = vector.shape_cast %slice3A_770 : vector<100x1x17xf32> to vector<100x17xf32>
    %swap3A_772 = arith.constant 0 : index
    %swap3A_773 = arith.constant 4797 : index
    %swap3A_774 = vector.load %arg32[%swap3A_772, %swap3A_773] : memref<100x4950xf32, #tpu.memory_space<vmem>>, vector<100x17xf32>
    tpu.vector_store %arg32[%swap3A_772, %swap3A_773], %squeeze3A_771 {strides = array<i32>} : memref<100x4950xf32, #tpu.memory_space<vmem>>, vector<100x17xf32>,
    %slice3A_775 = vector.extract_strided_slice %mul3A_360 {offsets = [0, 83, 84], sizes = [100, 1, 16], strides = [1, 1, 1]} : vector<100x100x100xf32> to vector<100x1x16xf32>
    %squeeze3A_776 = vector.shape_cast %slice3A_775 : vector<100x1x16xf32> to vector<100x16xf32>
    %swap3A_777 = arith.constant 0 : index
    %swap3A_778 = arith.constant 4814 : index
    %swap3A_779 = vector.load %arg32[%swap3A_777, %swap3A_778] : memref<100x4950xf32, #tpu.memory_space<vmem>>, vector<100x16xf32>
    tpu.vector_store %arg32[%swap3A_777, %swap3A_778], %squeeze3A_776 {strides = array<i32>} : memref<100x4950xf32, #tpu.memory_space<vmem>>, vector<100x16xf32>,
    %slice3A_780 = vector.extract_strided_slice %mul3A_360 {offsets = [0, 84, 85], sizes = [100, 1, 15], strides = [1, 1, 1]} : vector<100x100x100xf32> to vector<100x1x15xf32>
    %squeeze3A_781 = vector.shape_cast %slice3A_780 : vector<100x1x15xf32> to vector<100x15xf32>
    %swap3A_782 = arith.constant 0 : index
    %swap3A_783 = arith.constant 4830 : index
    %swap3A_784 = vector.load %arg32[%swap3A_782, %swap3A_783] : memref<100x4950xf32, #tpu.memory_space<vmem>>, vector<100x15xf32>
    tpu.vector_store %arg32[%swap3A_782, %swap3A_783], %squeeze3A_781 {strides = array<i32>} : memref<100x4950xf32, #tpu.memory_space<vmem>>, vector<100x15xf32>,
    %slice3A_785 = vector.extract_strided_slice %mul3A_360 {offsets = [0, 85, 86], sizes = [100, 1, 14], strides = [1, 1, 1]} : vector<100x100x100xf32> to vector<100x1x14xf32>
    %squeeze3A_786 = vector.shape_cast %slice3A_785 : vector<100x1x14xf32> to vector<100x14xf32>
    %swap3A_787 = arith.constant 0 : index
    %swap3A_788 = arith.constant 4845 : index
    %swap3A_789 = vector.load %arg32[%swap3A_787, %swap3A_788] : memref<100x4950xf32, #tpu.memory_space<vmem>>, vector<100x14xf32>
    tpu.vector_store %arg32[%swap3A_787, %swap3A_788], %squeeze3A_786 {strides = array<i32>} : memref<100x4950xf32, #tpu.memory_space<vmem>>, vector<100x14xf32>,
    %slice3A_790 = vector.extract_strided_slice %mul3A_360 {offsets = [0, 86, 87], sizes = [100, 1, 13], strides = [1, 1, 1]} : vector<100x100x100xf32> to vector<100x1x13xf32>
    %squeeze3A_791 = vector.shape_cast %slice3A_790 : vector<100x1x13xf32> to vector<100x13xf32>
    %swap3A_792 = arith.constant 0 : index
    %swap3A_793 = arith.constant 4859 : index
    %swap3A_794 = vector.load %arg32[%swap3A_792, %swap3A_793] : memref<100x4950xf32, #tpu.memory_space<vmem>>, vector<100x13xf32>
    tpu.vector_store %arg32[%swap3A_792, %swap3A_793], %squeeze3A_791 {strides = array<i32>} : memref<100x4950xf32, #tpu.memory_space<vmem>>, vector<100x13xf32>,
    %slice3A_795 = vector.extract_strided_slice %mul3A_360 {offsets = [0, 87, 88], sizes = [100, 1, 12], strides = [1, 1, 1]} : vector<100x100x100xf32> to vector<100x1x12xf32>
    %squeeze3A_796 = vector.shape_cast %slice3A_795 : vector<100x1x12xf32> to vector<100x12xf32>
    %swap3A_797 = arith.constant 0 : index
    %swap3A_798 = arith.constant 4872 : index
    %swap3A_799 = vector.load %arg32[%swap3A_797, %swap3A_798] : memref<100x4950xf32, #tpu.memory_space<vmem>>, vector<100x12xf32>
    tpu.vector_store %arg32[%swap3A_797, %swap3A_798], %squeeze3A_796 {strides = array<i32>} : memref<100x4950xf32, #tpu.memory_space<vmem>>, vector<100x12xf32>,
    %slice3A_800 = vector.extract_strided_slice %mul3A_360 {offsets = [0, 88, 89], sizes = [100, 1, 11], strides = [1, 1, 1]} : vector<100x100x100xf32> to vector<100x1x11xf32>
    %squeeze3A_801 = vector.shape_cast %slice3A_800 : vector<100x1x11xf32> to vector<100x11xf32>
    %swap3A_802 = arith.constant 0 : index
    %swap3A_803 = arith.constant 4884 : index
    %swap3A_804 = vector.load %arg32[%swap3A_802, %swap3A_803] : memref<100x4950xf32, #tpu.memory_space<vmem>>, vector<100x11xf32>
    tpu.vector_store %arg32[%swap3A_802, %swap3A_803], %squeeze3A_801 {strides = array<i32>} : memref<100x4950xf32, #tpu.memory_space<vmem>>, vector<100x11xf32>,
    %slice3A_805 = vector.extract_strided_slice %mul3A_360 {offsets = [0, 89, 90], sizes = [100, 1, 10], strides = [1, 1, 1]} : vector<100x100x100xf32> to vector<100x1x10xf32>
    %squeeze3A_806 = vector.shape_cast %slice3A_805 : vector<100x1x10xf32> to vector<100x10xf32>
    %swap3A_807 = arith.constant 0 : index
    %swap3A_808 = arith.constant 4895 : index
    %swap3A_809 = vector.load %arg32[%swap3A_807, %swap3A_808] : memref<100x4950xf32, #tpu.memory_space<vmem>>, vector<100x10xf32>
    tpu.vector_store %arg32[%swap3A_807, %swap3A_808], %squeeze3A_806 {strides = array<i32>} : memref<100x4950xf32, #tpu.memory_space<vmem>>, vector<100x10xf32>,
    %slice3A_810 = vector.extract_strided_slice %mul3A_360 {offsets = [0, 90, 91], sizes = [100, 1, 9], strides = [1, 1, 1]} : vector<100x100x100xf32> to vector<100x1x9xf32>
    %squeeze3A_811 = vector.shape_cast %slice3A_810 : vector<100x1x9xf32> to vector<100x9xf32>
    %swap3A_812 = arith.constant 0 : index
    %swap3A_813 = arith.constant 4905 : index
    %swap3A_814 = vector.load %arg32[%swap3A_812, %swap3A_813] : memref<100x4950xf32, #tpu.memory_space<vmem>>, vector<100x9xf32>
    tpu.vector_store %arg32[%swap3A_812, %swap3A_813], %squeeze3A_811 {strides = array<i32>} : memref<100x4950xf32, #tpu.memory_space<vmem>>, vector<100x9xf32>,
    %slice3A_815 = vector.extract_strided_slice %mul3A_360 {offsets = [0, 91, 92], sizes = [100, 1, 8], strides = [1, 1, 1]} : vector<100x100x100xf32> to vector<100x1x8xf32>
    %squeeze3A_816 = vector.shape_cast %slice3A_815 : vector<100x1x8xf32> to vector<100x8xf32>
    %swap3A_817 = arith.constant 0 : index
    %swap3A_818 = arith.constant 4914 : index
    %swap3A_819 = vector.load %arg32[%swap3A_817, %swap3A_818] : memref<100x4950xf32, #tpu.memory_space<vmem>>, vector<100x8xf32>
    tpu.vector_store %arg32[%swap3A_817, %swap3A_818], %squeeze3A_816 {strides = array<i32>} : memref<100x4950xf32, #tpu.memory_space<vmem>>, vector<100x8xf32>,
    %slice3A_820 = vector.extract_strided_slice %mul3A_360 {offsets = [0, 92, 93], sizes = [100, 1, 7], strides = [1, 1, 1]} : vector<100x100x100xf32> to vector<100x1x7xf32>
    %squeeze3A_821 = vector.shape_cast %slice3A_820 : vector<100x1x7xf32> to vector<100x7xf32>
    %swap3A_822 = arith.constant 0 : index
    %swap3A_823 = arith.constant 4922 : index
    %swap3A_824 = vector.load %arg32[%swap3A_822, %swap3A_823] : memref<100x4950xf32, #tpu.memory_space<vmem>>, vector<100x7xf32>
    tpu.vector_store %arg32[%swap3A_822, %swap3A_823], %squeeze3A_821 {strides = array<i32>} : memref<100x4950xf32, #tpu.memory_space<vmem>>, vector<100x7xf32>,
    %slice3A_825 = vector.extract_strided_slice %mul3A_360 {offsets = [0, 93, 94], sizes = [100, 1, 6], strides = [1, 1, 1]} : vector<100x100x100xf32> to vector<100x1x6xf32>
    %squeeze3A_826 = vector.shape_cast %slice3A_825 : vector<100x1x6xf32> to vector<100x6xf32>
    %swap3A_827 = arith.constant 0 : index
    %swap3A_828 = arith.constant 4929 : index
    %swap3A_829 = vector.load %arg32[%swap3A_827, %swap3A_828] : memref<100x4950xf32, #tpu.memory_space<vmem>>, vector<100x6xf32>
    tpu.vector_store %arg32[%swap3A_827, %swap3A_828], %squeeze3A_826 {strides = array<i32>} : memref<100x4950xf32, #tpu.memory_space<vmem>>, vector<100x6xf32>,
    %slice3A_830 = vector.extract_strided_slice %mul3A_360 {offsets = [0, 94, 95], sizes = [100, 1, 5], strides = [1, 1, 1]} : vector<100x100x100xf32> to vector<100x1x5xf32>
    %squeeze3A_831 = vector.shape_cast %slice3A_830 : vector<100x1x5xf32> to vector<100x5xf32>
    %swap3A_832 = arith.constant 0 : index
    %swap3A_833 = arith.constant 4935 : index
    %swap3A_834 = vector.load %arg32[%swap3A_832, %swap3A_833] : memref<100x4950xf32, #tpu.memory_space<vmem>>, vector<100x5xf32>
    tpu.vector_store %arg32[%swap3A_832, %swap3A_833], %squeeze3A_831 {strides = array<i32>} : memref<100x4950xf32, #tpu.memory_space<vmem>>, vector<100x5xf32>,
    %slice3A_835 = vector.extract_strided_slice %mul3A_360 {offsets = [0, 95, 96], sizes = [100, 1, 4], strides = [1, 1, 1]} : vector<100x100x100xf32> to vector<100x1x4xf32>
    %squeeze3A_836 = vector.shape_cast %slice3A_835 : vector<100x1x4xf32> to vector<100x4xf32>
    %swap3A_837 = arith.constant 0 : index
    %swap3A_838 = arith.constant 4940 : index
    %swap3A_839 = vector.load %arg32[%swap3A_837, %swap3A_838] : memref<100x4950xf32, #tpu.memory_space<vmem>>, vector<100x4xf32>
    tpu.vector_store %arg32[%swap3A_837, %swap3A_838], %squeeze3A_836 {strides = array<i32>} : memref<100x4950xf32, #tpu.memory_space<vmem>>, vector<100x4xf32>,
    %slice3A_840 = vector.extract_strided_slice %mul3A_360 {offsets = [0, 96, 97], sizes = [100, 1, 3], strides = [1, 1, 1]} : vector<100x100x100xf32> to vector<100x1x3xf32>
    %squeeze3A_841 = vector.shape_cast %slice3A_840 : vector<100x1x3xf32> to vector<100x3xf32>
    %swap3A_842 = arith.constant 0 : index
    %swap3A_843 = arith.constant 4944 : index
    %swap3A_844 = vector.load %arg32[%swap3A_842, %swap3A_843] : memref<100x4950xf32, #tpu.memory_space<vmem>>, vector<100x3xf32>
    tpu.vector_store %arg32[%swap3A_842, %swap3A_843], %squeeze3A_841 {strides = array<i32>} : memref<100x4950xf32, #tpu.memory_space<vmem>>, vector<100x3xf32>,
    %slice3A_845 = vector.extract_strided_slice %mul3A_360 {offsets = [0, 97, 98], sizes = [100, 1, 2], strides = [1, 1, 1]} : vector<100x100x100xf32> to vector<100x1x2xf32>
    %squeeze3A_846 = vector.shape_cast %slice3A_845 : vector<100x1x2xf32> to vector<100x2xf32>
    %swap3A_847 = arith.constant 0 : index
    %swap3A_848 = arith.constant 4947 : index
    %swap3A_849 = vector.load %arg32[%swap3A_847, %swap3A_848] : memref<100x4950xf32, #tpu.memory_space<vmem>>, vector<100x2xf32>
    tpu.vector_store %arg32[%swap3A_847, %swap3A_848], %squeeze3A_846 {strides = array<i32>} : memref<100x4950xf32, #tpu.memory_space<vmem>>, vector<100x2xf32>,
    %slice3A_850 = vector.extract_strided_slice %mul3A_360 {offsets = [0, 98, 99], sizes = [100, 1, 1], strides = [1, 1, 1]} : vector<100x100x100xf32> to vector<100x1x1xf32>
    %squeeze3A_851 = vector.shape_cast %slice3A_850 : vector<100x1x1xf32> to vector<100x1xf32>
    %swap3A_852 = arith.constant 0 : index
    %swap3A_853 = arith.constant 4949 : index
    %swap3A_854 = vector.load %arg32[%swap3A_852, %swap3A_853] : memref<100x4950xf32, #tpu.memory_space<vmem>>, vector<100x1xf32>
    tpu.vector_store %arg32[%swap3A_852, %swap3A_853], %squeeze3A_851 {strides = array<i32>} : memref<100x4950xf32, #tpu.memory_space<vmem>>, vector<100x1xf32>,
    return
  }
}

</mosaic_0001>

<sc_bundles>
// kernel: kernel.4.cloned.1.call-start
scs
__scs_entry_jumppad:
0x0: {  	(pc) =	sbr.rel $0x88, $3  }
0x1: {  	(tag) =	ssettag $0x0;
	lr =	simm.s32 $0x1  }
0x2: {  	[smem:$0x3F82] =	sst lr;
	_ =	strace $0xD0000000  }
0x3: {  	_ = 	snop  }
0x4: {  	_ = 	snop  }
0x5: {  	_ = 	snop  }
0x6: {  	_ = 	snop  }
0x7: {  	_ = 	snop  }
__scs_overlays_trampoline_lowered:
0x8: {  	[smem:$0x3F91] =	sst s0  }
0x9: {  	[smem:$0x3F92] =	sst s1  }
0xa: {  	[smem:$0x3F93] =	sst s2  }
0xb: {  	[smem:$0x3F94] =	sst s3  }
0xc: {  	[smem:$0x3F95] =	sst s4  }
0xd: {  	[smem:$0x3F96] =	sst s5  }
0xe: {  	[smem:$0x3F97] =	sst s6  }
0xf: {  	[smem:$0x3F98] =	sst s7  }
0x10: {  	[smem:$0x3F99] =	sst s8  }
0x11: {  	[smem:$0x3F9A] =	sst s9;
	s0 =	simm.s32 @!p0 $0x0  }
0x12: {  	s1 =	sld [smem:$0x3F80];
	s0 =	simm.s32 @p0 $0x1  }
0x13: {  	[smem:$0x3F9B] =	sst s0;
	s0 =	simm.s32 @!p1 $0x0  }
0x14: {  	s2 =	sld [smem:$0x3F7F];
	s0 =	simm.s32 @p1 $0x1  }
0x15: {  	[smem:$0x3F9C] =	sst s0;
	s0 =	simm.s32 @!p2 $0x0  }
0x16: {  	s3 =	sld [smem:$0x3FDB];
	s0 =	simm.s32 @p2 $0x1  }
0x17: {  	s4 =	simm.s32 $0x1BF5;
	[smem:$0x3F9E] =	sst s0  }
0x18: {  	s0 =	sld [smem:$0x3F81];
	_ =	swait.ge [sflag:s4], $0x0  }
0x19: {  	s7 =	sld [smem:$0x3F82]  }
0x1a: {  	s8 =	sadd.s32 $0xFFFFE003, lr  }
0x1b: {  	s9 =	sadd.s32 $0xFFFFFEF7, lr;
	s5 =	simm.s32 $0xFFFFFFFF;
	p2 =	slt.u32 s8, $0xFFFFF086  }
0x1c: {  	p1 =	slt.u32 s9, $0xF7A;
	s5 =	simm.s32 @!p2 $0x0  }
0x1d: {  	s5 =	simm.s32 @p1 $0x1;
	p0 =	seq.s32 s7, s2  }
0x1e: {  	s7 =	smul.u32 @!p0 $0xF7A, s2;
	p2 =	seq.s32 @!p0 s5, $0x0  }
0x1f: {  	s9 =	smul.u32 $0xF7A, s1;
	s8 =	simm.s32 @!p0 $0x1BF5;
	p2 =	por !p2, p0  }
0x20: {  	[sflag:s8] =	ssyncset.s32 @!p0 $0xFFFFF086;
	s6 =	sadd.s32 @!p0 s3, s7;
	s7 =	simm.s32 @!p0 $0x108  }
0x21: {  	s3 =	sadd.s32 s3, s9;
	s6 =	sadd.s32 @!p0 $0x88, s6;
	s7 =	simm.s32 @p2 $0x1082  }
0x22: {  	[simem:s7], [sflag:s8] =	dma.local @!p0 [hbm:s6], $0xF7A  }
0x23: {  	s9 =	sor.u32 $0xD0000000, s2;
	s6 =	simm.s32 $0x108;
	_ =	swait.ge @!p0 [sflag:s8], $0x0  }
0x24: {  	s3 =	sadd.s32 $0x88, s3;
	s6 =	simm.s32 @!p1 $0x1082;
	[sflag:s4] =	ssyncset.s32 $0xFFFFF086  }
0x25: {  	[simem:s6], [sflag:s4] =	dma.local [hbm:s3], $0xF7A  }
0x26: {  	[smem:$0x3F82] =	sst s1;
	(tag) =	ssettag s2;
	_ =	strace s9  }
0x27: {  	s1 =	sld [smem:$0x3F92]  }
0x28: {  	s2 =	sld [smem:$0x3F93]  }
0x29: {  	s4 =	sld [smem:$0x3F95]  }
0x2a: {  	p0 =	seq.s32 s5, $0x0;
	s5 =	sld [smem:$0x3F96]  }
0x2b: {  	s6 =	sld [smem:$0x3F97]  }
0x2c: {  	s7 =	sld [smem:$0x3F98]  }
0x2d: {  	s3 =	simm.s32 $0x108;
	s8 =	sld [smem:$0x3F99]  }
0x2e: {  	s3 =	simm.s32 @!p0 $0x1082;
	s9 =	sld [smem:$0x3F9A]  }
0x2f: {  	lr =	sadd.s32 s0, s3;
	s0 =	sld [smem:$0x3F91]  }
0x30: {  	s3 =	sld [smem:$0x3F94]  }
0x31: {  	[smem:$0x3F9D] =	sst s10  }
0x32: {  	s10 =	sld [smem:$0x3F9B];
	_ =	sdelay $0x3  }
0x33: {  	p0 =	seq.s32 s10, $0x1;
	s10 =	sld [smem:$0x3F9D];
	_ =	sdelay $0x3  }
0x34: {  	[smem:$0x3F9D] =	sst s10  }
0x35: {  	s10 =	sld [smem:$0x3F9C];
	_ =	sdelay $0x3  }
0x36: {  	p1 =	seq.s32 s10, $0x1;
	s10 =	sld [smem:$0x3F9D];
	_ =	sdelay $0x3  }
0x37: {  	[smem:$0x3F9D] =	sst s10  }
0x38: {  	s10 =	sld [smem:$0x3F9E]  }
0x39: {  	_ = 	snop;
	(pc) =	sbr.ind lr, $3  }
0x3a: {  	_ = 	snop  }
0x3b: {  	_ = 	snop  }
0x3c: {  	p2 =	seq.s32 s10, $0x1;
	s10 =	sld [smem:$0x3F9D]  }
0x3d: {  	_ =	shalt  }
0x3e: {  	_ =	shalt  }
0x3f: {  	_ =	shalt  }
0x40: {  	_ =	shalt  }
0x41: {  	_ =	shalt  }
0x42: {  	_ =	shalt  }
0x43: {  	_ =	shalt  }
0x44: {  	_ =	shalt  }
0x45: {  	_ =	shalt  }
0x46: {  	_ =	shalt  }
0x47: {  	_ =	shalt  }
0x48: {  	_ =	shalt  }
0x49: {  	_ =	shalt  }
0x4a: {  	_ =	shalt  }
0x4b: {  	_ =	shalt  }
0x4c: {  	_ =	shalt  }
0x4d: {  	_ =	shalt  }
0x4e: {  	_ =	shalt  }
0x4f: {  	_ =	shalt  }
0x50: {  	_ =	shalt  }
0x51: {  	_ =	shalt  }
0x52: {  	_ =	shalt  }
0x53: {  	_ =	shalt  }
0x54: {  	_ =	shalt  }
0x55: {  	_ =	shalt  }
0x56: {  	_ =	shalt  }
0x57: {  	_ =	shalt  }
0x58: {  	_ =	shalt  }
0x59: {  	_ =	shalt  }
0x5a: {  	_ =	shalt  }
0x5b: {  	_ =	shalt  }
0x5c: {  	_ =	shalt  }
0x5d: {  	_ =	shalt  }
0x5e: {  	_ =	shalt  }
0x5f: {  	_ =	shalt  }
0x60: {  	_ =	shalt  }
0x61: {  	_ =	shalt  }
0x62: {  	_ =	shalt  }
0x63: {  	_ =	shalt  }
0x64: {  	_ =	shalt  }
0x65: {  	_ =	shalt  }
0x66: {  	_ =	shalt  }
0x67: {  	_ =	shalt  }
0x68: {  	_ =	shalt  }
0x69: {  	_ =	shalt  }
0x6a: {  	_ =	shalt  }
0x6b: {  	_ =	shalt  }
0x6c: {  	_ =	shalt  }
0x6d: {  	_ =	shalt  }
0x6e: {  	_ =	shalt  }
0x6f: {  	_ =	shalt  }
0x70: {  	_ =	shalt  }
0x71: {  	_ =	shalt  }
0x72: {  	_ =	shalt  }
0x73: {  	_ =	shalt  }
0x74: {  	_ =	shalt  }
0x75: {  	_ =	shalt  }
0x76: {  	_ =	shalt  }
0x77: {  	_ =	shalt  }
0x78: {  	_ =	shalt  }
0x79: {  	_ =	shalt  }
0x7a: {  	_ =	shalt  }
0x7b: {  	_ =	shalt  }
0x7c: {  	_ =	shalt  }
0x7d: {  	_ =	shalt  }
0x7e: {  	_ =	shalt  }
0x7f: {  	_ =	shalt  }
0x80: {  	_ =	shalt  }
0x81: {  	_ =	shalt  }
0x82: {  	_ =	shalt  }
0x83: {  	_ =	shalt  }
0x84: {  	_ =	shalt  }
0x85: {  	_ =	shalt  }
0x86: {  	_ =	shalt  }
0x87: {  	_ =	shalt  }
.Lfunc_end0:
.L_simem_size_0:
called_computation_lowered:
.L_overlay_start_0:
0x88: {  	s0 =	sld [smem:$0x3FD9]  }
0x89: {  	s1 =	sld [smem:$0x3FFE];
	_ =	sdelay $0x3  }
0x8a: {  	s0 =	sadd.s32 s1, s0  }
0x8b: {  	[smem:$0x3FA9] =	sst s0  }
0x8c: {  	_ = 	snop  }
0x8d: {  	s0 =	sld [smem:$0x3FD0];
	_ =	sdelay $0x2  }
0x8e: {  	s13 =	simm.s32 $0xA;
	s2 =	simm.s32 $0x10  }
0x8f: {  	[smem:s2], [sflag:s13] =	dma.local [hbm:s0], $0x1  }
0x90: {  	_ =	swait.eq [sflag:s13], $0x1  }
0x91: {  	[sflag:s13] =	ssyncset.done $0x0  }
0x92: {  	[sflag:s13] =	ssyncadd.s32 $0xFFFFFFFF  }
0x93: {  	s14 =	sld [smem:$0x13];
	(tm) =	ssettm $0x1  }
0x94: {  	s15 =	sld [smem:$0x3FFB];
	_ =	sdelay $0x3  }
0x95: {  	_ =	strace s15  }
0x96: {  	s1 =	sld [smem:$0x3FFC];
	_ =	sdelay $0x3  }
0x97: {  	_ =	strace s1  }
0x98: {  	s1 =	sld [smem:$0x3FFD];
	_ =	sdelay $0x3  }
0x99: {  	_ =	strace s1  }
0x9a: {  	_ =	strace $0x8FFFFFFF  }
0x9b: {  	s16 =	sld [smem:$0x3FDB];
	_ =	sdelay $0x1  }
0x9c: {  	s17 =	simm.s32 $_scs_section_size  }
0x9d: {  	s3 =	simm.s32 $_size__tile_overlayer_lowered;
	s4 =	simm.s32 $_tile_overlayer_lowered  }
0x9e: {  	s20 =	simm.s32 $0x1BFF;
	s19 =	sshll.u32 s4, $0x1;
	s1 =	sadd.s32 s17, s16  }
0x9f: {  	s5 =	simm.s32 $0x0;
	s18 =	sshll.u32 s3, $0x1;
	s3 =	sadd.s32 s19, s1  }
0xa0: {  	[timem:s5], [sflag:s20] =	dma.local [hbm:s3], s18  }
0xa1: {  	_ =	swait.ge [sflag:s20], s18  }
0xa2: {  	s2 =	ssub.s32 $0x0, s18;
	[sflag:s20] =	ssyncset.done $0x0  }
0xa3: {  	[sflag:s20] =	ssyncadd.s32 s2;
	_ =	sdelay $0x1  }
0xa4: {  	s21 =	simm.s32 $0x1B8B  }
0xa5: {  	_ =	swait.ge [sflag:s21], $0x1  }
0xa6: {  	[sflag:s21] =	ssyncset.done $0x0  }
0xa7: {  	s23 =	simm.s32 $0x1B8E;
	s22 =	sld [smem:$0x3FFE];
	[sflag:s21] =	ssyncadd.s32 $0xFFFFFFFF  }
0xa8: {  	s24 =	simm.s32 $execute0_lowered;
	[smem:$0x3FD2] =	sst s23  }
0xa9: {  	s3 =	sshll.u32 s24, $0x1;
	_ =	strace $0x80000046;
	[dreg:$0x1] =	wrdreg $0xFFFFFFFF  }
0xaa: {  	s25 =	simm.s32 $_size_execute0_lowered;
	s1 =	sadd.s32 s1, s3;
	[dreg:$0x0] =	wrdreg $0x0  }
0xab: {  	s3 =	sshll.u32 s25, $0x1;
	[dreg:$0x2] =	wrdreg s1  }
0xac: {  	[dreg:$0x3] =	wrdreg s3  }
0xad: {  	[dreg:$0x4] =	wrdreg $0xC0  }
0xae: {  	_ =	task [dreg:s5], $0x5FFFF  }
0xaf: {  	[dreg:$0x1] =	wrdreg $0xFFFFFFFF  }
0xb0: {  	[dreg:$0x0] =	wrdreg $0x60  }
0xb1: {  	[dreg:$0x2] =	wrdreg s22  }
0xb2: {  	[dreg:$0x3] =	wrdreg s14  }
0xb3: {  	[dreg:$0x4] =	wrdreg $0x9D800  }
0xb4: {  	[dreg:$0x5] =	wrdreg $0x9  }
0xb5: {  	_ =	task.clear_ibuf [dreg:s5], $0x6FFFF;
	_ =	strace $0x90000046  }
0xb6: {  	s26 =	simm.s32 $0x9;
	_ =	strace $0x80000048  }
0xb7: {  	_ =	swait.ge [sflag:s26], $0x1  }
0xb8: {  	[sflag:s26] =	ssyncadd.s32 $0xFFFFFFFF  }
0xb9: {  	_ =	strace $0x90000048  }
0xba: {  	_ =	sfence  }
0xbb: {  	s28 =	sld [smem:$0x0];
	_ =	sdelay $0x1  }
0xbc: {  	s29 =	srdreg.scid  }
0xbd: {  	s30 =	sshll.u32 s29, $0xD;
	s31 =	sshrl.u32 s29, $0x2  }
0xbe: {  	s2 =	sand.u32 $0x4000, s30;
	s1 =	sand.u32 $0x1, s29;
	s0 =	sadd.s32 s31, s28  }
0xbf: {  	s1 =	sor.u32 s2, s1;
	s0 =	sshll.u32 s0, $0x11  }
0xc0: {  	s0 =	sor.u32 s0, s1  }
0xc1: {  	s0 =	sadd.s32 $0x8F2B, s0  }
0xc2: {  	[sflag:s0] =	ssyncadd.remote.s32 $0x1  }
0xc3: {  	_ =	sfence.sel $0xFFFF  }
0xc4: {  	[dreg:$0x0] =	wrdreg $0xFFFFFFFF;
	(pc) =	sbr.abs _section_cstart, $3  }
0xc5: {  	[dreg:$0x1] =	wrdreg $0xFFFFFFFF  }
0xc6: {  	_ =	task.clear_ibuf [dreg:s5], $0x2FFFF;
	_ =	strace $0x9FFFFFFF  }
0xc7: {  	(tm) =	ssettm $0x7FFFFFFF  }
tec
execute0_lowered:
.L_overlay_start_1:
0x0: {  	(tag) =	ssettag $0x1  }
0x1: {  	s6 =	stileid.u32  }
0x2: {  	s0 =	rddreg [dreg:$0x0];
	s3 =	smul.u32 $0x9C40, s6  }
0x3: {  	s1 =	rddreg [dreg:$0x1];
	s4 =	simm.s32 $0x0  }
0x4: {  	[smem:$0x7FF] =	sst s4;
	s5 =	sadd.s32 $0x4400, s0;
	s3 =	sshrl.u32 s3, $0x3  }
0x5: {  	s2 =	rddreg [dreg:$0x2];
	_ =	strace $0x80000047;
	s26 =	sadd.s32 s5, s3  }
0x6: {  	[tilespmem:s4], [sflag:$0x1] =	stream.linear.gather [hbm4b:s26+s4], $0x1F40, $0x38;
	[tilespmem:$0x191A8] =	vst v63  }
0x7: {  	s25 =	simm.s32 $0x1F80;
	s3 =	sadd.s32 $0x13880, s26  }
0x8: {  	[tilespmem:s25], [sflag:$0x1] =	stream.linear.gather [hbm4b:s3+s4], $0x1F40, $0x38;
	[tilespmem:$0x191A8] =	vst v63  }
0x9: {  	s18 =	simm.s32 $0x7E00  }
0xa: {  	[tilespmem:s18], [sflag:$0x2] =	stream.linear.gather [hbm4b:s1+s4], $0x1F80, $0x38;
	[tilespmem:$0x191A8] =	vst v63  }
0xb: {  	s4 =	simm.s32 $0x2  }
0xc: {  	s3 =	smul.u32 $0x14500, s6;
	_ =	swait.ge [sflag:s4], $0x1F80  }
0xd: {  	[sflag:s4] =	ssyncset.done $0x0  }
0xe: {  	s25 =	sadd.s32 s3, s2;
	s23 =	sadd.s32 $0x1F80, s3;
	[sflag:s4] =	ssyncadd.s32 $0xFFFFE080  }
0xf: {  	[spmem:s25] =	stream.linear.scatter [tilespmem:s18], [sflag:$0x2], $0x1F80, $0x38;
	[tilespmem:$0x191A8] =	vst v63  }
0x10: {  	s21 =	sadd.s32 $0x3F00, s3;
	s24 =	sadd.s32 s23, s2  }
0x11: {  	[spmem:s24] =	stream.linear.scatter [tilespmem:s18], [sflag:$0x2], $0x1F80, $0x38;
	[tilespmem:$0x191A8] =	vst v63  }
0x12: {  	s19 =	sadd.s32 $0x5E80, s3;
	s22 =	sadd.s32 s21, s2  }
0x13: {  	[spmem:s22] =	stream.linear.scatter [tilespmem:s18], [sflag:$0x2], $0x1F80, $0x38;
	[tilespmem:$0x191A8] =	vst v63  }
0x14: {  	s16 =	sadd.s32 $0x7E00, s3;
	s20 =	sadd.s32 s19, s2  }
0x15: {  	[spmem:s20] =	stream.linear.scatter [tilespmem:s18], [sflag:$0x2], $0x1F80, $0x38;
	[tilespmem:$0x191A8] =	vst v63  }
0x16: {  	s14 =	sadd.s32 $0x9D80, s3;
	s17 =	sadd.s32 s16, s2  }
0x17: {  	[spmem:s17] =	stream.linear.scatter [tilespmem:s18], [sflag:$0x2], $0x1F80, $0x38;
	[tilespmem:$0x191A8] =	vst v63  }
0x18: {  	s12 =	sadd.s32 $0xBD00, s3;
	s15 =	sadd.s32 s14, s2  }
0x19: {  	[spmem:s15] =	stream.linear.scatter [tilespmem:s18], [sflag:$0x2], $0x1F80, $0x38;
	[tilespmem:$0x191A8] =	vst v63  }
0x1a: {  	s10 =	sadd.s32 $0xDC80, s3;
	s13 =	sadd.s32 s12, s2  }
0x1b: {  	[spmem:s13] =	stream.linear.scatter [tilespmem:s18], [sflag:$0x2], $0x1F80, $0x38;
	[tilespmem:$0x191A8] =	vst v63  }
0x1c: {  	s8 =	sadd.s32 $0xFC00, s3;
	s11 =	sadd.s32 s10, s2  }
0x1d: {  	[spmem:s11] =	stream.linear.scatter [tilespmem:s18], [sflag:$0x2], $0x1F80, $0x38;
	[tilespmem:$0x191A8] =	vst v63  }
0x1e: {  	s6 =	sadd.s32 $0x11B80, s3;
	s9 =	sadd.s32 s8, s2  }
0x1f: {  	[spmem:s9] =	stream.linear.scatter [tilespmem:s18], [sflag:$0x2], $0x1F80, $0x38;
	[tilespmem:$0x191A8] =	vst v63  }
0x20: {  	s5 =	sadd.s32 $0x13B00, s3;
	s7 =	sadd.s32 s6, s2  }
0x21: {  	[spmem:s7] =	stream.linear.scatter [tilespmem:s18], [sflag:$0x2], $0x1F80, $0x38;
	[tilespmem:$0x191A8] =	vst v63  }
0x22: {  	[dreg:$0x4] =	wrdreg s5;
	s5 =	sadd.s32 s5, s2  }
0x23: {  	[spmem:s5] =	stream.linear.scatter [tilespmem:s18], [sflag:$0x2], $0xA00, $0x38;
	[tilespmem:$0x191A8] =	vst v63  }
0x24: {  	s18 =	simm.s32 $0x1  }
0x25: {  	_ =	swait.ge [sflag:s18], $0x1F40  }
0x26: {  	[sflag:s18] =	ssyncset.done $0x0  }
0x27: {  	[sflag:s18] =	ssyncadd.s32 $0xFFFFE0C0  }
0x28: {  	_ =	swait.ge [sflag:s18], $0x1F40  }
0x29: {  	[sflag:s18] =	ssyncset.done $0x0  }
0x2a: {  	s28 =	simm.s32 $0x40;
	[sflag:s18] =	ssyncadd.s32 $0xFFFFE0C0  }
0x2b: {  	v0 =	vld [tilespmem:s28+$0xFFFFFFC0]  }
0x2c: {  	s29 =	simm.s32 $0x1FC0  }
0x2d: {  	v1 =	vld [tilespmem:s29+$0xFFFFFFC0];
	_ =	sdelay $0x2  }
0x2e: {  	v2 =	vmul.u32 $0x147B, v0;
	_ =	sdelay $0x1  }
0x2f: {  	v3 =	vmul.u32 $0x147B, v1;
	v2 =	vshra.s32 v2, $0x13  }
0x30: {  	v1 =	vshll.u32 v1, $0x7;
	v2 =	vmul.u32 $0xFFFFFF9C, v2  }
0x31: {  	v0 =	vadd.s32 v0, v1;
	v3 =	vshra.s32 v3, $0xA  }
0x32: {  	v1 =	vand.u32 $0xFFFFFE00, v3;
	v0 =	vadd.s32 v2, v0  }
0x33: {  	s30 =	simm.s32 $0x3F40;
	v0 =	vadd.s32 v1, v0  }
0x34: {  	[tilespmem:s30+$0xFFFFFFC0] =	vst v0  }
0x35: {  	v0 =	vld [tilespmem:s28+$0xFFFFFFD0];
	_ =	sdelay $0x1  }
0x36: {  	v1 =	vld [tilespmem:s29+$0xFFFFFFD0];
	_ =	sdelay $0x2  }
0x37: {  	v2 =	vmul.u32 $0x147B, v0;
	_ =	sdelay $0x1  }
0x38: {  	v3 =	vmul.u32 $0x147B, v1;
	v2 =	vshra.s32 v2, $0x13  }
0x39: {  	v1 =	vshll.u32 v1, $0x7;
	v2 =	vmul.u32 $0xFFFFFF9C, v2  }
0x3a: {  	v0 =	vadd.s32 v0, v1;
	v1 =	vshra.s32 v3, $0xA  }
0x3b: {  	v1 =	vand.u32 $0xFFFFFE00, v1;
	v0 =	vadd.s32 v2, v0  }
0x3c: {  	v0 =	vadd.s32 v1, v0  }
0x3d: {  	[tilespmem:s30+$0xFFFFFFD0] =	vst v0  }
0x3e: {  	v0 =	vld [tilespmem:s28+$0xFFFFFFE0];
	_ =	sdelay $0x1  }
0x3f: {  	v1 =	vld [tilespmem:s29+$0xFFFFFFE0];
	_ =	sdelay $0x2  }
0x40: {  	v2 =	vmul.u32 $0x147B, v0;
	_ =	sdelay $0x1  }
0x41: {  	v3 =	vmul.u32 $0x147B, v1;
	v2 =	vshra.s32 v2, $0x13  }
0x42: {  	v1 =	vshll.u32 v1, $0x7;
	v2 =	vmul.u32 $0xFFFFFF9C, v2  }
0x43: {  	v0 =	vadd.s32 v0, v1;
	v3 =	vshra.s32 v3, $0xA  }
0x44: {  	v1 =	vand.u32 $0xFFFFFE00, v3;
	v0 =	vadd.s32 v2, v0  }
0x45: {  	v0 =	vadd.s32 v1, v0  }
0x46: {  	[tilespmem:s30+$0xFFFFFFE0] =	vst v0  }
0x47: {  	v0 =	vld [tilespmem:s28+$0xFFFFFFF0];
	_ =	sdelay $0x1  }
0x48: {  	v1 =	vld [tilespmem:s29+$0xFFFFFFF0];
	_ =	sdelay $0x2  }
0x49: {  	v2 =	vmul.u32 $0x147B, v0;
	_ =	sdelay $0x1  }
0x4a: {  	v3 =	vmul.u32 $0x147B, v1;
	v2 =	vshra.s32 v2, $0x13  }
0x4b: {  	v1 =	vshll.u32 v1, $0x7;
	v2 =	vmul.u32 $0xFFFFFF9C, v2  }
0x4c: {  	v0 =	vadd.s32 v0, v1;
	v1 =	vshra.s32 v3, $0xA  }
0x4d: {  	v1 =	vand.u32 $0xFFFFFE00, v1;
	v0 =	vadd.s32 v2, v0  }
0x4e: {  	v0 =	vadd.s32 v1, v0  }
0x4f: {  	[tilespmem:s30+$0xFFFFFFF0] =	vst v0  }
0x50: {  	v0 =	vld [tilespmem:s28+$0x0];
	_ =	sdelay $0x1  }
0x51: {  	v1 =	vld [tilespmem:s29+$0x0];
	_ =	sdelay $0x2  }
0x52: {  	v2 =	vmul.u32 $0x147B, v0;
	_ =	sdelay $0x1  }
0x53: {  	v3 =	vmul.u32 $0x147B, v1;
	v2 =	vshra.s32 v2, $0x13  }
0x54: {  	v1 =	vshll.u32 v1, $0x7;
	v2 =	vmul.u32 $0xFFFFFF9C, v2  }
0x55: {  	v0 =	vadd.s32 v0, v1;
	v3 =	vshra.s32 v3, $0xA  }
0x56: {  	v1 =	vand.u32 $0xFFFFFE00, v3;
	v0 =	vadd.s32 v2, v0  }
0x57: {  	p0 =	por $0x1, $0x1;
	v0 =	vadd.s32 v1, v0  }
0x58: {  	v0 =	vpsel !p0, $0x0, v0  }
0x59: {  	[tilespmem:s30+$0x0] =	vst v0  }
0x5a: {  	v0 =	vld [tilespmem:s28+$0x10];
	_ =	sdelay $0x1  }
0x5b: {  	v1 =	vld [tilespmem:s29+$0x10];
	_ =	sdelay $0x2  }
0x5c: {  	v2 =	vmul.u32 $0x147B, v0;
	_ =	sdelay $0x1  }
0x5d: {  	v3 =	vmul.u32 $0x147B, v1;
	v2 =	vshra.s32 v2, $0x13  }
0x5e: {  	v1 =	vshll.u32 v1, $0x7;
	v2 =	vmul.u32 $0xFFFFFF9C, v2  }
0x5f: {  	v0 =	vadd.s32 v0, v1;
	v1 =	vshra.s32 v3, $0xA  }
0x60: {  	v1 =	vand.u32 $0xFFFFFE00, v1;
	v0 =	vadd.s32 v2, v0  }
0x61: {  	p4 =	por $0x1, $0x1;
	v0 =	vadd.s32 v1, v0  }
0x62: {  	v0 =	vpsel !p4, $0x0, v0  }
0x63: {  	[tilespmem:s30+$0x10] =	vst v0  }
0x64: {  	v0 =	vld [tilespmem:s28+$0x20];
	_ =	sdelay $0x1  }
0x65: {  	v1 =	vld [tilespmem:s29+$0x20];
	_ =	sdelay $0x2  }
0x66: {  	v2 =	vmul.u32 $0x147B, v0;
	_ =	sdelay $0x1  }
0x67: {  	v3 =	vmul.u32 $0x147B, v1;
	v2 =	vshra.s32 v2, $0x13  }
0x68: {  	v1 =	vshll.u32 v1, $0x7;
	v2 =	vmul.u32 $0xFFFFFF9C, v2  }
0x69: {  	v0 =	vadd.s32 v0, v1;
	v1 =	vshra.s32 v3, $0xA  }
0x6a: {  	v1 =	vand.u32 $0xFFFFFE00, v1;
	v0 =	vadd.s32 v2, v0  }
0x6b: {  	p5 =	por $0x1, $0x1;
	v0 =	vadd.s32 v1, v0  }
0x6c: {  	v0 =	vpsel !p5, $0x0, v0  }
0x6d: {  	[tilespmem:s30+$0x20] =	vst v0  }
0x6e: {  	v0 =	vld [tilespmem:s28+$0x30];
	_ =	sdelay $0x1  }
0x6f: {  	v1 =	vld [tilespmem:s29+$0x30];
	_ =	sdelay $0x2  }
0x70: {  	v2 =	vmul.u32 $0x147B, v0;
	_ =	sdelay $0x1  }
0x71: {  	v3 =	vmul.u32 $0x147B, v1;
	v2 =	vshra.s32 v2, $0x13  }
0x72: {  	v1 =	vshll.u32 v1, $0x7;
	v2 =	vmul.u32 $0xFFFFFF9C, v2  }
0x73: {  	v0 =	vadd.s32 v0, v1;
	v1 =	vshra.s32 v3, $0xA  }
0x74: {  	v1 =	vand.u32 $0xFFFFFE00, v1;
	v0 =	vadd.s32 v2, v0  }
0x75: {  	p6 =	por $0x1, $0x1;
	v0 =	vadd.s32 v1, v0  }
0x76: {  	s31 =	sadd.s32 $0x2B600, s0;
	s18 =	sadd.s32 $0x2BA00, s0;
	s0 =	simm.s32 $0xF0;
	v0 =	vpsel !p6, $0x0, v0  }
.LBB2_1:
0x77: {  	[tilespmem:s30+$0x30] =	vst v0;
	s30 =	sadd.s32 $0x80, s30;
	s29 =	sadd.s32 $0x80, s29;
	s28 =	sadd.s32 $0x80, s28  }
0x78: {  	p0 =	sne.s32 s0, $0x1F70;
	s1 =	smov.u32 s0;
	s0 =	sadd.s32 $0x80, s0;
	v0 =	vld [tilespmem:s28+$0xFFFFFFC0]  }
0x79: {  	_ = 	snop  }
0x7a: {  	v1 =	vld [tilespmem:s29+$0xFFFFFFC0];
	_ =	sdelay $0x2  }
0x7b: {  	v2 =	vmul.u32 $0x147B, v0;
	_ =	sdelay $0x1  }
0x7c: {  	v2 =	vshra.s32 v2, $0x13;
	v3 =	vmul.u32 $0x147B, v1  }
0x7d: {  	v1 =	vshll.u32 v1, $0x7;
	v2 =	vmul.u32 $0xFFFFFF9C, v2  }
0x7e: {  	v0 =	vadd.s32 v0, v1;
	v3 =	vshra.s32 v3, $0xA  }
0x7f: {  	v1 =	vand.u32 $0xFFFFFE00, v3;
	v0 =	vadd.s32 v2, v0  }
0x80: {  	v0 =	vadd.s32 v1, v0  }
0x81: {  	[tilespmem:s30+$0xFFFFFFC0] =	vst v0  }
0x82: {  	v0 =	vld [tilespmem:s28+$0xFFFFFFD0];
	_ =	sdelay $0x1  }
0x83: {  	v1 =	vld [tilespmem:s29+$0xFFFFFFD0];
	_ =	sdelay $0x2  }
0x84: {  	v2 =	vmul.u32 $0x147B, v0;
	_ =	sdelay $0x1  }
0x85: {  	v2 =	vshra.s32 v2, $0x13;
	v3 =	vmul.u32 $0x147B, v1;
	v1 =	vshll.u32 v1, $0x7  }
0x86: {  	v2 =	vmul.u32 $0xFFFFFF9C, v2;
	v0 =	vadd.s32 v0, v1  }
0x87: {  	v1 =	vshra.s32 v3, $0xA  }
0x88: {  	v1 =	vand.u32 $0xFFFFFE00, v1;
	v0 =	vadd.s32 v2, v0  }
0x89: {  	v0 =	vadd.s32 v1, v0  }
0x8a: {  	[tilespmem:s30+$0xFFFFFFD0] =	vst v0  }
0x8b: {  	v0 =	vld [tilespmem:s28+$0xFFFFFFE0];
	_ =	sdelay $0x1  }
0x8c: {  	v1 =	vld [tilespmem:s29+$0xFFFFFFE0];
	_ =	sdelay $0x2  }
0x8d: {  	v2 =	vmul.u32 $0x147B, v0;
	_ =	sdelay $0x1  }
0x8e: {  	v2 =	vshra.s32 v2, $0x13;
	v3 =	vmul.u32 $0x147B, v1  }
0x8f: {  	v1 =	vshll.u32 v1, $0x7;
	v2 =	vmul.u32 $0xFFFFFF9C, v2  }
0x90: {  	v0 =	vadd.s32 v0, v1;
	v3 =	vshra.s32 v3, $0xA  }
0x91: {  	v1 =	vand.u32 $0xFFFFFE00, v3;
	v0 =	vadd.s32 v2, v0  }
0x92: {  	v0 =	vadd.s32 v1, v0  }
0x93: {  	[tilespmem:s30+$0xFFFFFFE0] =	vst v0  }
0x94: {  	v0 =	vld [tilespmem:s28+$0xFFFFFFF0];
	_ =	sdelay $0x1  }
0x95: {  	v1 =	vld [tilespmem:s29+$0xFFFFFFF0];
	_ =	sdelay $0x2  }
0x96: {  	v2 =	vmul.u32 $0x147B, v0;
	_ =	sdelay $0x1  }
0x97: {  	v2 =	vshra.s32 v2, $0x13;
	v3 =	vmul.u32 $0x147B, v1;
	v1 =	vshll.u32 v1, $0x7  }
0x98: {  	v2 =	vmul.u32 $0xFFFFFF9C, v2;
	v0 =	vadd.s32 v0, v1  }
0x99: {  	v1 =	vshra.s32 v3, $0xA  }
0x9a: {  	v1 =	vand.u32 $0xFFFFFE00, v1;
	v0 =	vadd.s32 v2, v0  }
0x9b: {  	v0 =	vadd.s32 v1, v0  }
0x9c: {  	[tilespmem:s30+$0xFFFFFFF0] =	vst v0  }
0x9d: {  	v0 =	vld [tilespmem:s28+$0x0];
	_ =	sdelay $0x1  }
0x9e: {  	v1 =	vld [tilespmem:s29+$0x0];
	_ =	sdelay $0x2  }
0x9f: {  	v2 =	vmul.u32 $0x147B, v0;
	_ =	sdelay $0x1  }
0xa0: {  	v2 =	vshra.s32 v2, $0x13;
	v3 =	vmul.u32 $0x147B, v1  }
0xa1: {  	v1 =	vshll.u32 v1, $0x7;
	v2 =	vmul.u32 $0xFFFFFF9C, v2  }
0xa2: {  	v0 =	vadd.s32 v0, v1;
	v3 =	vshra.s32 v3, $0xA  }
0xa3: {  	s4 =	sadd.s32 $0xFFFFFFD0, s1;
	v1 =	vand.u32 $0xFFFFFE00, v3;
	v0 =	vadd.s32 v2, v0  }
0xa4: {  	p1 =	slt.u32 s4, $0x1F40;
	v0 =	vadd.s32 v1, v0  }
0xa5: {  	v0 =	vpsel !p1, $0x0, v0  }
0xa6: {  	[tilespmem:s30+$0x0] =	vst v0  }
0xa7: {  	v0 =	vld [tilespmem:s28+$0x10]  }
0xa8: {  	v1 =	vld [tilespmem:s29+$0x10];
	_ =	sdelay $0x3  }
0xa9: {  	v2 =	vmul.u32 $0x147B, v0  }
0xaa: {  	v3 =	vmul.u32 $0x147B, v1;
	v1 =	vshll.u32 v1, $0x7  }
0xab: {  	v2 =	vshra.s32 v2, $0x13;
	v0 =	vadd.s32 v0, v1  }
0xac: {  	v1 =	vshra.s32 v3, $0xA;
	v2 =	vmul.u32 $0xFFFFFF9C, v2;
	_ =	sdelay $0x1  }
0xad: {  	s4 =	sadd.s32 $0xFFFFFFE0, s1;
	v1 =	vand.u32 $0xFFFFFE00, v1;
	v0 =	vadd.s32 v2, v0  }
0xae: {  	p1 =	slt.u32 s4, $0x1F40;
	v0 =	vadd.s32 v1, v0  }
0xaf: {  	v0 =	vpsel !p1, $0x0, v0  }
0xb0: {  	[tilespmem:s30+$0x10] =	vst v0  }
0xb1: {  	v0 =	vld [tilespmem:s28+$0x20]  }
0xb2: {  	v1 =	vld [tilespmem:s29+$0x20];
	_ =	sdelay $0x3  }
0xb3: {  	v2 =	vmul.u32 $0x147B, v0  }
0xb4: {  	v3 =	vmul.u32 $0x147B, v1;
	v1 =	vshll.u32 v1, $0x7  }
0xb5: {  	v2 =	vshra.s32 v2, $0x13;
	v0 =	vadd.s32 v0, v1  }
0xb6: {  	v1 =	vshra.s32 v3, $0xA;
	v2 =	vmul.u32 $0xFFFFFF9C, v2;
	_ =	sdelay $0x1  }
0xb7: {  	s4 =	sadd.s32 $0xFFFFFFF0, s1;
	v1 =	vand.u32 $0xFFFFFE00, v1;
	v0 =	vadd.s32 v2, v0  }
0xb8: {  	p1 =	slt.u32 s4, $0x1F40;
	v0 =	vadd.s32 v1, v0  }
0xb9: {  	v0 =	vpsel !p1, $0x0, v0  }
0xba: {  	[tilespmem:s30+$0x20] =	vst v0  }
0xbb: {  	v0 =	vld [tilespmem:s28+$0x30]  }
0xbc: {  	v1 =	vld [tilespmem:s29+$0x30];
	_ =	sdelay $0x3  }
0xbd: {  	v2 =	vmul.u32 $0x147B, v0  }
0xbe: {  	v3 =	vmul.u32 $0x147B, v1;
	v1 =	vshll.u32 v1, $0x7  }
0xbf: {  	v2 =	vshra.s32 v2, $0x13;
	v0 =	vadd.s32 v0, v1  }
.Ltmp0:
0xc0: {  	v1 =	vshra.s32 v3, $0xA;
	v2 =	vmul.u32 $0xFFFFFF9C, v2;
	(pc) =	sbr.rel @p0 .LBB2_1-.Ltmp0, $4  }
0xc1: {  	_ = 	snop  }
0xc2: {  	v1 =	vand.u32 $0xFFFFFE00, v1;
	v0 =	vadd.s32 v2, v0  }
0xc3: {  	p1 =	slt.u32 s1, $0x1F40;
	v0 =	vadd.s32 v1, v0  }
0xc4: {  	v0 =	vpsel !p1, $0x0, v0  }
0xc5: {  	[tilespmem:s30+$0x30] =	vst v0;
	s0 =	sadd.s32 $0x3E8, s26;
	s1 =	simm.s32 $0x0  }
0xc6: {  	[tilespmem:s1], [sflag:$0x1] =	stream.linear.gather [hbm4b:s0+s1], $0x1F40, $0x38;
	[tilespmem:$0x191A8] =	vst v63  }
0xc7: {  	s4 =	simm.s32 $0x1F80;
	s0 =	sadd.s32 $0x13C68, s26  }
0xc8: {  	[tilespmem:s4], [sflag:$0x1] =	stream.linear.gather [hbm4b:s0+s1], $0x1F40, $0x38;
	[tilespmem:$0x191A8] =	vst v63  }
0xc9: {  	s0 =	simm.s32 $0x2  }
0xca: {  	_ =	swait.ge [sflag:s0], $0x1F80  }
0xcb: {  	[sflag:s0] =	ssyncset.done $0x0  }
0xcc: {  	[sflag:s0] =	ssyncadd.s32 $0xFFFFE080  }
0xcd: {  	_ =	swait.ge [sflag:s0], $0x1F80  }
0xce: {  	[sflag:s0] =	ssyncset.done $0x0  }
0xcf: {  	[sflag:s0] =	ssyncadd.s32 $0xFFFFE080  }
0xd0: {  	_ =	swait.ge [sflag:s0], $0x1F80  }
0xd1: {  	[sflag:s0] =	ssyncset.done $0x0  }
0xd2: {  	[sflag:s0] =	ssyncadd.s32 $0xFFFFE080  }
0xd3: {  	_ =	swait.ge [sflag:s0], $0x1F80  }
0xd4: {  	[sflag:s0] =	ssyncset.done $0x0  }
0xd5: {  	[sflag:s0] =	ssyncadd.s32 $0xFFFFE080  }
0xd6: {  	_ =	swait.ge [sflag:s0], $0x1F80  }
0xd7: {  	[sflag:s0] =	ssyncset.done $0x0  }
0xd8: {  	[sflag:s0] =	ssyncadd.s32 $0xFFFFE080  }
0xd9: {  	_ =	swait.ge [sflag:s0], $0x1F80  }
0xda: {  	[sflag:s0] =	ssyncset.done $0x0  }
0xdb: {  	[sflag:s0] =	ssyncadd.s32 $0xFFFFE080  }
0xdc: {  	_ =	swait.ge [sflag:s0], $0x1F80  }
0xdd: {  	[sflag:s0] =	ssyncset.done $0x0  }
0xde: {  	[sflag:s0] =	ssyncadd.s32 $0xFFFFE080  }
0xdf: {  	_ =	swait.ge [sflag:s0], $0x1F80  }
0xe0: {  	[sflag:s0] =	ssyncset.done $0x0  }
0xe1: {  	[sflag:s0] =	ssyncadd.s32 $0xFFFFE080  }
0xe2: {  	_ =	swait.ge [sflag:s0], $0x1F80  }
0xe3: {  	[sflag:s0] =	ssyncset.done $0x0  }
0xe4: {  	[sflag:s0] =	ssyncadd.s32 $0xFFFFE080  }
0xe5: {  	_ =	swait.ge [sflag:s0], $0x1F80  }
0xe6: {  	[sflag:s0] =	ssyncset.done $0x0  }
0xe7: {  	[sflag:s0] =	ssyncadd.s32 $0xFFFFE080  }
0xe8: {  	_ =	swait.ge [sflag:s0], $0xA00  }
0xe9: {  	[sflag:s0] =	ssyncset.done $0x0  }
0xea: {  	s28 =	simm.s32 $0x7E00;
	[sflag:s0] =	ssyncadd.s32 $0xFFFFF600  }
0xeb: {  	[tilespmem:s28], [sflag:$0x2] =	stream.linear.gather [hbm4b:s31+s1], $0x1F80, $0x38;
	[tilespmem:$0x191A8] =	vst v63  }
0xec: {  	_ =	swait.ge [sflag:s0], $0x1F80  }
0xed: {  	[sflag:s0] =	ssyncset.done $0x0  }
0xee: {  	[sflag:s0] =	ssyncadd.s32 $0xFFFFE080  }
0xef: {  	s1 =	simm.s32 $0x3F00;
	[bflag:$0x0] =	sbarrier.arrive $0xFFFF  }
0xf0: {  	[spmem:s2] =	stream.indirect.scatter.add.f32 [tilespmem:s28], [sflag:$0x3], $0x1, s1, s4, $0xb8;
	[tilespmem:$0x191A8] =	vst v63  }
0xf1: {  	s4 =	simm.s32 $0x1  }
0xf2: {  	_ =	swait.ge [sflag:s4], $0x1F40  }
0xf3: {  	[sflag:s4] =	ssyncset.done $0x0  }
0xf4: {  	[sflag:s4] =	ssyncadd.s32 $0xFFFFE0C0  }
0xf5: {  	_ =	swait.ge [sflag:s4], $0x1F40  }
0xf6: {  	[sflag:s4] =	ssyncset.done $0x0  }
0xf7: {  	s28 =	simm.s32 $0x40;
	[sflag:s4] =	ssyncadd.s32 $0xFFFFE0C0  }
0xf8: {  	v0 =	vld [tilespmem:s28+$0xFFFFFFC0]  }
0xf9: {  	s29 =	simm.s32 $0x1FC0  }
0xfa: {  	v1 =	vld [tilespmem:s29+$0xFFFFFFC0];
	_ =	sdelay $0x2  }
0xfb: {  	v2 =	vmul.u32 $0x147B, v0;
	_ =	sdelay $0x1  }
0xfc: {  	v3 =	vmul.u32 $0x147B, v1;
	v2 =	vshra.s32 v2, $0x13  }
0xfd: {  	v1 =	vshll.u32 v1, $0x7;
	v2 =	vmul.u32 $0xFFFFFF9C, v2  }
0xfe: {  	v0 =	vadd.s32 v0, v1;
	v3 =	vshra.s32 v3, $0xA  }
0xff: {  	v1 =	vand.u32 $0xFFFFFE00, v3;
	v0 =	vadd.s32 v2, v0  }
0x100: {  	s30 =	simm.s32 $0x5EC0;
	v0 =	vadd.s32 v1, v0  }
0x101: {  	[tilespmem:s30+$0xFFFFFFC0] =	vst v0  }
0x102: {  	v0 =	vld [tilespmem:s28+$0xFFFFFFD0];
	_ =	sdelay $0x1  }
0x103: {  	v1 =	vld [tilespmem:s29+$0xFFFFFFD0];
	_ =	sdelay $0x2  }
0x104: {  	v2 =	vmul.u32 $0x147B, v0;
	_ =	sdelay $0x1  }
0x105: {  	v3 =	vmul.u32 $0x147B, v1;
	v2 =	vshra.s32 v2, $0x13  }
0x106: {  	v1 =	vshll.u32 v1, $0x7;
	v2 =	vmul.u32 $0xFFFFFF9C, v2  }
0x107: {  	v0 =	vadd.s32 v0, v1;
	v1 =	vshra.s32 v3, $0xA  }
0x108: {  	v1 =	vand.u32 $0xFFFFFE00, v1;
	v0 =	vadd.s32 v2, v0  }
0x109: {  	v0 =	vadd.s32 v1, v0  }
0x10a: {  	[tilespmem:s30+$0xFFFFFFD0] =	vst v0  }
0x10b: {  	v0 =	vld [tilespmem:s28+$0xFFFFFFE0];
	_ =	sdelay $0x1  }
0x10c: {  	v1 =	vld [tilespmem:s29+$0xFFFFFFE0];
	_ =	sdelay $0x2  }
0x10d: {  	v2 =	vmul.u32 $0x147B, v0;
	_ =	sdelay $0x1  }
0x10e: {  	v3 =	vmul.u32 $0x147B, v1;
	v2 =	vshra.s32 v2, $0x13  }
0x10f: {  	v1 =	vshll.u32 v1, $0x7;
	v2 =	vmul.u32 $0xFFFFFF9C, v2  }
0x110: {  	v0 =	vadd.s32 v0, v1;
	v3 =	vshra.s32 v3, $0xA  }
0x111: {  	v1 =	vand.u32 $0xFFFFFE00, v3;
	v0 =	vadd.s32 v2, v0  }
0x112: {  	v0 =	vadd.s32 v1, v0  }
0x113: {  	[tilespmem:s30+$0xFFFFFFE0] =	vst v0  }
0x114: {  	v0 =	vld [tilespmem:s28+$0xFFFFFFF0];
	_ =	sdelay $0x1  }
0x115: {  	v1 =	vld [tilespmem:s29+$0xFFFFFFF0];
	_ =	sdelay $0x2  }
0x116: {  	v2 =	vmul.u32 $0x147B, v0;
	_ =	sdelay $0x1  }
0x117: {  	v3 =	vmul.u32 $0x147B, v1;
	v2 =	vshra.s32 v2, $0x13  }
0x118: {  	v1 =	vshll.u32 v1, $0x7;
	v2 =	vmul.u32 $0xFFFFFF9C, v2  }
0x119: {  	v0 =	vadd.s32 v0, v1;
	v1 =	vshra.s32 v3, $0xA  }
0x11a: {  	v1 =	vand.u32 $0xFFFFFE00, v1;
	v0 =	vadd.s32 v2, v0  }
0x11b: {  	v0 =	vadd.s32 v1, v0  }
0x11c: {  	[tilespmem:s30+$0xFFFFFFF0] =	vst v0  }
0x11d: {  	v0 =	vld [tilespmem:s28+$0x0];
	_ =	sdelay $0x1  }
0x11e: {  	v1 =	vld [tilespmem:s29+$0x0];
	_ =	sdelay $0x2  }
0x11f: {  	v2 =	vmul.u32 $0x147B, v0;
	_ =	sdelay $0x1  }
0x120: {  	v3 =	vmul.u32 $0x147B, v1;
	v2 =	vshra.s32 v2, $0x13  }
0x121: {  	v1 =	vshll.u32 v1, $0x7;
	v2 =	vmul.u32 $0xFFFFFF9C, v2  }
0x122: {  	v0 =	vadd.s32 v0, v1;
	v3 =	vshra.s32 v3, $0xA  }
0x123: {  	v1 =	vand.u32 $0xFFFFFE00, v3;
	v0 =	vadd.s32 v2, v0  }
0x124: {  	p0 =	por $0x1, $0x1;
	v0 =	vadd.s32 v1, v0  }
0x125: {  	v0 =	vpsel !p0, $0x0, v0  }
0x126: {  	[tilespmem:s30+$0x0] =	vst v0  }
0x127: {  	v0 =	vld [tilespmem:s28+$0x10];
	_ =	sdelay $0x1  }
0x128: {  	v1 =	vld [tilespmem:s29+$0x10];
	_ =	sdelay $0x2  }
0x129: {  	v2 =	vmul.u32 $0x147B, v0;
	_ =	sdelay $0x1  }
0x12a: {  	v3 =	vmul.u32 $0x147B, v1;
	v2 =	vshra.s32 v2, $0x13  }
0x12b: {  	v1 =	vshll.u32 v1, $0x7;
	v2 =	vmul.u32 $0xFFFFFF9C, v2  }
0x12c: {  	v0 =	vadd.s32 v0, v1;
	v1 =	vshra.s32 v3, $0xA  }
0x12d: {  	v1 =	vand.u32 $0xFFFFFE00, v1;
	v0 =	vadd.s32 v2, v0  }
0x12e: {  	p4 =	por $0x1, $0x1;
	v0 =	vadd.s32 v1, v0  }
0x12f: {  	v0 =	vpsel !p4, $0x0, v0  }
0x130: {  	[tilespmem:s30+$0x10] =	vst v0  }
0x131: {  	v0 =	vld [tilespmem:s28+$0x20];
	_ =	sdelay $0x1  }
0x132: {  	v1 =	vld [tilespmem:s29+$0x20];
	_ =	sdelay $0x2  }
0x133: {  	v2 =	vmul.u32 $0x147B, v0;
	_ =	sdelay $0x1  }
0x134: {  	v3 =	vmul.u32 $0x147B, v1;
	v2 =	vshra.s32 v2, $0x13  }
0x135: {  	v1 =	vshll.u32 v1, $0x7;
	v2 =	vmul.u32 $0xFFFFFF9C, v2  }
0x136: {  	v0 =	vadd.s32 v0, v1;
	v1 =	vshra.s32 v3, $0xA  }
0x137: {  	v1 =	vand.u32 $0xFFFFFE00, v1;
	v0 =	vadd.s32 v2, v0  }
0x138: {  	p5 =	por $0x1, $0x1;
	v0 =	vadd.s32 v1, v0  }
0x139: {  	v0 =	vpsel !p5, $0x0, v0  }
0x13a: {  	[tilespmem:s30+$0x20] =	vst v0  }
0x13b: {  	v0 =	vld [tilespmem:s28+$0x30];
	_ =	sdelay $0x1  }
0x13c: {  	v1 =	vld [tilespmem:s29+$0x30];
	_ =	sdelay $0x2  }
0x13d: {  	v2 =	vmul.u32 $0x147B, v0;
	_ =	sdelay $0x1  }
0x13e: {  	v3 =	vmul.u32 $0x147B, v1;
	v2 =	vshra.s32 v2, $0x13  }
0x13f: {  	v1 =	vshll.u32 v1, $0x7;
	v2 =	vmul.u32 $0xFFFFFF9C, v2  }
0x140: {  	v0 =	vadd.s32 v0, v1;
	v1 =	vshra.s32 v3, $0xA  }
0x141: {  	v1 =	vand.u32 $0xFFFFFE00, v1;
	v0 =	vadd.s32 v2, v0  }
0x142: {  	p6 =	por $0x1, $0x1;
	v0 =	vadd.s32 v1, v0  }
0x143: {  	s31 =	simm.s32 $0xF0;
	v0 =	vpsel !p6, $0x0, v0  }
.LBB2_3:
0x144: {  	[tilespmem:s30+$0x30] =	vst v0;
	s30 =	sadd.s32 $0x80, s30;
	s29 =	sadd.s32 $0x80, s29;
	s28 =	sadd.s32 $0x80, s28  }
0x145: {  	p0 =	sne.s32 s31, $0x1F70;
	s0 =	smov.u32 s31;
	s31 =	sadd.s32 $0x80, s31;
	v0 =	vld [tilespmem:s28+$0xFFFFFFC0]  }
0x146: {  	_ = 	snop  }
0x147: {  	v1 =	vld [tilespmem:s29+$0xFFFFFFC0];
	_ =	sdelay $0x2  }
0x148: {  	v2 =	vmul.u32 $0x147B, v0;
	_ =	sdelay $0x1  }
0x149: {  	v2 =	vshra.s32 v2, $0x13;
	v3 =	vmul.u32 $0x147B, v1  }
0x14a: {  	v1 =	vshll.u32 v1, $0x7;
	v2 =	vmul.u32 $0xFFFFFF9C, v2  }
0x14b: {  	v0 =	vadd.s32 v0, v1;
	v3 =	vshra.s32 v3, $0xA  }
0x14c: {  	v1 =	vand.u32 $0xFFFFFE00, v3;
	v0 =	vadd.s32 v2, v0  }
0x14d: {  	v0 =	vadd.s32 v1, v0  }
0x14e: {  	[tilespmem:s30+$0xFFFFFFC0] =	vst v0  }
0x14f: {  	v0 =	vld [tilespmem:s28+$0xFFFFFFD0];
	_ =	sdelay $0x1  }
0x150: {  	v1 =	vld [tilespmem:s29+$0xFFFFFFD0];
	_ =	sdelay $0x2  }
0x151: {  	v2 =	vmul.u32 $0x147B, v0;
	_ =	sdelay $0x1  }
0x152: {  	v2 =	vshra.s32 v2, $0x13;
	v3 =	vmul.u32 $0x147B, v1;
	v1 =	vshll.u32 v1, $0x7  }
0x153: {  	v2 =	vmul.u32 $0xFFFFFF9C, v2;
	v0 =	vadd.s32 v0, v1  }
0x154: {  	v1 =	vshra.s32 v3, $0xA  }
0x155: {  	v1 =	vand.u32 $0xFFFFFE00, v1;
	v0 =	vadd.s32 v2, v0  }
0x156: {  	v0 =	vadd.s32 v1, v0  }
0x157: {  	[tilespmem:s30+$0xFFFFFFD0] =	vst v0  }
0x158: {  	v0 =	vld [tilespmem:s28+$0xFFFFFFE0];
	_ =	sdelay $0x1  }
0x159: {  	v1 =	vld [tilespmem:s29+$0xFFFFFFE0];
	_ =	sdelay $0x2  }
0x15a: {  	v2 =	vmul.u32 $0x147B, v0;
	_ =	sdelay $0x1  }
0x15b: {  	v2 =	vshra.s32 v2, $0x13;
	v3 =	vmul.u32 $0x147B, v1  }
0x15c: {  	v1 =	vshll.u32 v1, $0x7;
	v2 =	vmul.u32 $0xFFFFFF9C, v2  }
0x15d: {  	v0 =	vadd.s32 v0, v1;
	v3 =	vshra.s32 v3, $0xA  }
0x15e: {  	v1 =	vand.u32 $0xFFFFFE00, v3;
	v0 =	vadd.s32 v2, v0  }
0x15f: {  	v0 =	vadd.s32 v1, v0  }
0x160: {  	[tilespmem:s30+$0xFFFFFFE0] =	vst v0  }
0x161: {  	v0 =	vld [tilespmem:s28+$0xFFFFFFF0];
	_ =	sdelay $0x1  }
0x162: {  	v1 =	vld [tilespmem:s29+$0xFFFFFFF0];
	_ =	sdelay $0x2  }
0x163: {  	v2 =	vmul.u32 $0x147B, v0;
	_ =	sdelay $0x1  }
0x164: {  	v2 =	vshra.s32 v2, $0x13;
	v3 =	vmul.u32 $0x147B, v1;
	v1 =	vshll.u32 v1, $0x7  }
0x165: {  	v2 =	vmul.u32 $0xFFFFFF9C, v2;
	v0 =	vadd.s32 v0, v1  }
0x166: {  	v1 =	vshra.s32 v3, $0xA  }
0x167: {  	v1 =	vand.u32 $0xFFFFFE00, v1;
	v0 =	vadd.s32 v2, v0  }
0x168: {  	v0 =	vadd.s32 v1, v0  }
0x169: {  	[tilespmem:s30+$0xFFFFFFF0] =	vst v0  }
0x16a: {  	v0 =	vld [tilespmem:s28+$0x0];
	_ =	sdelay $0x1  }
0x16b: {  	v1 =	vld [tilespmem:s29+$0x0];
	_ =	sdelay $0x2  }
0x16c: {  	v2 =	vmul.u32 $0x147B, v0;
	_ =	sdelay $0x1  }
0x16d: {  	v2 =	vshra.s32 v2, $0x13;
	v3 =	vmul.u32 $0x147B, v1  }
0x16e: {  	v1 =	vshll.u32 v1, $0x7;
	v2 =	vmul.u32 $0xFFFFFF9C, v2  }
0x16f: {  	v0 =	vadd.s32 v0, v1;
	v3 =	vshra.s32 v3, $0xA  }
0x170: {  	s1 =	sadd.s32 $0xFFFFFFD0, s0;
	v1 =	vand.u32 $0xFFFFFE00, v3;
	v0 =	vadd.s32 v2, v0  }
0x171: {  	p1 =	slt.u32 s1, $0x1F40;
	v0 =	vadd.s32 v1, v0  }
0x172: {  	v0 =	vpsel !p1, $0x0, v0  }
0x173: {  	[tilespmem:s30+$0x0] =	vst v0  }
0x174: {  	v0 =	vld [tilespmem:s28+$0x10]  }
0x175: {  	v1 =	vld [tilespmem:s29+$0x10];
	_ =	sdelay $0x3  }
0x176: {  	v2 =	vmul.u32 $0x147B, v0  }
0x177: {  	v3 =	vmul.u32 $0x147B, v1;
	v1 =	vshll.u32 v1, $0x7  }
0x178: {  	v2 =	vshra.s32 v2, $0x13;
	v0 =	vadd.s32 v0, v1  }
0x179: {  	v1 =	vshra.s32 v3, $0xA;
	v2 =	vmul.u32 $0xFFFFFF9C, v2;
	_ =	sdelay $0x1  }
0x17a: {  	s1 =	sadd.s32 $0xFFFFFFE0, s0;
	v1 =	vand.u32 $0xFFFFFE00, v1;
	v0 =	vadd.s32 v2, v0  }
0x17b: {  	p1 =	slt.u32 s1, $0x1F40;
	v0 =	vadd.s32 v1, v0  }
0x17c: {  	v0 =	vpsel !p1, $0x0, v0  }
0x17d: {  	[tilespmem:s30+$0x10] =	vst v0  }
0x17e: {  	v0 =	vld [tilespmem:s28+$0x20]  }
0x17f: {  	v1 =	vld [tilespmem:s29+$0x20];
	_ =	sdelay $0x3  }
0x180: {  	v2 =	vmul.u32 $0x147B, v0  }
0x181: {  	v3 =	vmul.u32 $0x147B, v1;
	v1 =	vshll.u32 v1, $0x7  }
0x182: {  	v2 =	vshra.s32 v2, $0x13;
	v0 =	vadd.s32 v0, v1  }
0x183: {  	v1 =	vshra.s32 v3, $0xA;
	v2 =	vmul.u32 $0xFFFFFF9C, v2;
	_ =	sdelay $0x1  }
0x184: {  	s1 =	sadd.s32 $0xFFFFFFF0, s0;
	v1 =	vand.u32 $0xFFFFFE00, v1;
	v0 =	vadd.s32 v2, v0  }
0x185: {  	p1 =	slt.u32 s1, $0x1F40;
	v0 =	vadd.s32 v1, v0  }
0x186: {  	v0 =	vpsel !p1, $0x0, v0  }
0x187: {  	[tilespmem:s30+$0x20] =	vst v0  }
0x188: {  	v0 =	vld [tilespmem:s28+$0x30]  }
0x189: {  	v1 =	vld [tilespmem:s29+$0x30];
	_ =	sdelay $0x3  }
0x18a: {  	v2 =	vmul.u32 $0x147B, v0  }
0x18b: {  	v3 =	vmul.u32 $0x147B, v1;
	v1 =	vshll.u32 v1, $0x7  }
0x18c: {  	v2 =	vshra.s32 v2, $0x13;
	v0 =	vadd.s32 v0, v1  }
.Ltmp1:
0x18d: {  	v1 =	vshra.s32 v3, $0xA;
	v2 =	vmul.u32 $0xFFFFFF9C, v2;
	(pc) =	sbr.rel @p0 .LBB2_3-.Ltmp1, $4  }
0x18e: {  	_ = 	snop  }
0x18f: {  	v1 =	vand.u32 $0xFFFFFE00, v1;
	v0 =	vadd.s32 v2, v0  }
0x190: {  	p1 =	slt.u32 s0, $0x1F40;
	v0 =	vadd.s32 v1, v0  }
0x191: {  	v0 =	vpsel !p1, $0x0, v0  }
0x192: {  	[tilespmem:s30+$0x30] =	vst v0;
	s0 =	sadd.s32 $0x7D0, s26;
	s1 =	simm.s32 $0x0  }
0x193: {  	[tilespmem:s1], [sflag:$0x1] =	stream.linear.gather [hbm4b:s0+s1], $0x1F40, $0x38;
	[tilespmem:$0x191A8] =	vst v63  }
0x194: {  	s4 =	simm.s32 $0x1F80;
	s0 =	sadd.s32 $0x14050, s26  }
0x195: {  	[tilespmem:s4], [sflag:$0x1] =	stream.linear.gather [hbm4b:s0+s1], $0x1F40, $0x38;
	[tilespmem:$0x191A8] =	vst v63  }
0x196: {  	s0 =	simm.s32 $0x5E80;
	s1 =	simm.s32 $0x7E00  }
0x197: {  	[spmem:s2] =	stream.indirect.scatter.add.f32 [tilespmem:s1], [sflag:$0x3], $0x1, s0, s4, $0xb8;
	[tilespmem:$0x191A8] =	vst v63  }
0x198: {  	s1 =	simm.s32 $0x1  }
0x199: {  	_ =	swait.ge [sflag:s1], $0x1F40  }
0x19a: {  	[sflag:s1] =	ssyncset.done $0x0  }
0x19b: {  	[sflag:s1] =	ssyncadd.s32 $0xFFFFE0C0  }
0x19c: {  	_ =	swait.ge [sflag:s1], $0x1F40  }
0x19d: {  	[sflag:s1] =	ssyncset.done $0x0  }
0x19e: {  	s4 =	simm.s32 $0x3;
	[sflag:s1] =	ssyncadd.s32 $0xFFFFE0C0  }
0x19f: {  	_ =	swait.ge [sflag:s4], $0x1F80  }
0x1a0: {  	[sflag:s4] =	ssyncset.done $0x0  }
0x1a1: {  	s28 =	simm.s32 $0x40;
	[sflag:s4] =	ssyncadd.s32 $0xFFFFE080  }
0x1a2: {  	v0 =	vld [tilespmem:s28+$0xFFFFFFC0]  }
0x1a3: {  	s29 =	simm.s32 $0x1FC0  }
0x1a4: {  	v1 =	vld [tilespmem:s29+$0xFFFFFFC0];
	_ =	sdelay $0x2  }
0x1a5: {  	v2 =	vmul.u32 $0x147B, v0;
	_ =	sdelay $0x1  }
0x1a6: {  	v3 =	vmul.u32 $0x147B, v1;
	v2 =	vshra.s32 v2, $0x13  }
0x1a7: {  	v1 =	vshll.u32 v1, $0x7;
	v2 =	vmul.u32 $0xFFFFFF9C, v2  }
0x1a8: {  	v0 =	vadd.s32 v0, v1;
	v3 =	vshra.s32 v3, $0xA  }
0x1a9: {  	v1 =	vand.u32 $0xFFFFFE00, v3;
	v0 =	vadd.s32 v2, v0  }
0x1aa: {  	s30 =	simm.s32 $0x3F40;
	v0 =	vadd.s32 v1, v0  }
0x1ab: {  	[tilespmem:s30+$0xFFFFFFC0] =	vst v0  }
0x1ac: {  	v0 =	vld [tilespmem:s28+$0xFFFFFFD0];
	_ =	sdelay $0x1  }
0x1ad: {  	v1 =	vld [tilespmem:s29+$0xFFFFFFD0];
	_ =	sdelay $0x2  }
0x1ae: {  	v2 =	vmul.u32 $0x147B, v0;
	_ =	sdelay $0x1  }
0x1af: {  	v3 =	vmul.u32 $0x147B, v1;
	v2 =	vshra.s32 v2, $0x13  }
0x1b0: {  	v1 =	vshll.u32 v1, $0x7;
	v2 =	vmul.u32 $0xFFFFFF9C, v2  }
0x1b1: {  	v0 =	vadd.s32 v0, v1;
	v1 =	vshra.s32 v3, $0xA  }
0x1b2: {  	v1 =	vand.u32 $0xFFFFFE00, v1;
	v0 =	vadd.s32 v2, v0  }
0x1b3: {  	v0 =	vadd.s32 v1, v0  }
0x1b4: {  	[tilespmem:s30+$0xFFFFFFD0] =	vst v0  }
0x1b5: {  	v0 =	vld [tilespmem:s28+$0xFFFFFFE0];
	_ =	sdelay $0x1  }
0x1b6: {  	v1 =	vld [tilespmem:s29+$0xFFFFFFE0];
	_ =	sdelay $0x2  }
0x1b7: {  	v2 =	vmul.u32 $0x147B, v0;
	_ =	sdelay $0x1  }
0x1b8: {  	v3 =	vmul.u32 $0x147B, v1;
	v2 =	vshra.s32 v2, $0x13  }
0x1b9: {  	v1 =	vshll.u32 v1, $0x7;
	v2 =	vmul.u32 $0xFFFFFF9C, v2  }
0x1ba: {  	v0 =	vadd.s32 v0, v1;
	v3 =	vshra.s32 v3, $0xA  }
0x1bb: {  	v1 =	vand.u32 $0xFFFFFE00, v3;
	v0 =	vadd.s32 v2, v0  }
0x1bc: {  	v0 =	vadd.s32 v1, v0  }
0x1bd: {  	[tilespmem:s30+$0xFFFFFFE0] =	vst v0  }
0x1be: {  	v0 =	vld [tilespmem:s28+$0xFFFFFFF0];
	_ =	sdelay $0x1  }
0x1bf: {  	v1 =	vld [tilespmem:s29+$0xFFFFFFF0];
	_ =	sdelay $0x2  }
0x1c0: {  	v2 =	vmul.u32 $0x147B, v0;
	_ =	sdelay $0x1  }
0x1c1: {  	v3 =	vmul.u32 $0x147B, v1;
	v2 =	vshra.s32 v2, $0x13  }
0x1c2: {  	v1 =	vshll.u32 v1, $0x7;
	v2 =	vmul.u32 $0xFFFFFF9C, v2  }
0x1c3: {  	v0 =	vadd.s32 v0, v1;
	v1 =	vshra.s32 v3, $0xA  }
0x1c4: {  	v1 =	vand.u32 $0xFFFFFE00, v1;
	v0 =	vadd.s32 v2, v0  }
0x1c5: {  	v0 =	vadd.s32 v1, v0  }
0x1c6: {  	[tilespmem:s30+$0xFFFFFFF0] =	vst v0  }
0x1c7: {  	v0 =	vld [tilespmem:s28+$0x0];
	_ =	sdelay $0x1  }
0x1c8: {  	v1 =	vld [tilespmem:s29+$0x0];
	_ =	sdelay $0x2  }
0x1c9: {  	v2 =	vmul.u32 $0x147B, v0;
	_ =	sdelay $0x1  }
0x1ca: {  	v3 =	vmul.u32 $0x147B, v1;
	v2 =	vshra.s32 v2, $0x13  }
0x1cb: {  	v1 =	vshll.u32 v1, $0x7;
	v2 =	vmul.u32 $0xFFFFFF9C, v2  }
0x1cc: {  	v0 =	vadd.s32 v0, v1;
	v3 =	vshra.s32 v3, $0xA  }
0x1cd: {  	v1 =	vand.u32 $0xFFFFFE00, v3;
	v0 =	vadd.s32 v2, v0  }
0x1ce: {  	p0 =	por $0x1, $0x1;
	v0 =	vadd.s32 v1, v0  }
0x1cf: {  	v0 =	vpsel !p0, $0x0, v0  }
0x1d0: {  	[tilespmem:s30+$0x0] =	vst v0  }
0x1d1: {  	v0 =	vld [tilespmem:s28+$0x10];
	_ =	sdelay $0x1  }
0x1d2: {  	v1 =	vld [tilespmem:s29+$0x10];
	_ =	sdelay $0x2  }
0x1d3: {  	v2 =	vmul.u32 $0x147B, v0;
	_ =	sdelay $0x1  }
0x1d4: {  	v3 =	vmul.u32 $0x147B, v1;
	v2 =	vshra.s32 v2, $0x13  }
0x1d5: {  	v1 =	vshll.u32 v1, $0x7;
	v2 =	vmul.u32 $0xFFFFFF9C, v2  }
0x1d6: {  	v0 =	vadd.s32 v0, v1;
	v1 =	vshra.s32 v3, $0xA  }
0x1d7: {  	v1 =	vand.u32 $0xFFFFFE00, v1;
	v0 =	vadd.s32 v2, v0  }
0x1d8: {  	p4 =	por $0x1, $0x1;
	v0 =	vadd.s32 v1, v0  }
0x1d9: {  	v0 =	vpsel !p4, $0x0, v0  }
0x1da: {  	[tilespmem:s30+$0x10] =	vst v0  }
0x1db: {  	v0 =	vld [tilespmem:s28+$0x20];
	_ =	sdelay $0x1  }
0x1dc: {  	v1 =	vld [tilespmem:s29+$0x20];
	_ =	sdelay $0x2  }
0x1dd: {  	v2 =	vmul.u32 $0x147B, v0;
	_ =	sdelay $0x1  }
0x1de: {  	v3 =	vmul.u32 $0x147B, v1;
	v2 =	vshra.s32 v2, $0x13  }
0x1df: {  	v1 =	vshll.u32 v1, $0x7;
	v2 =	vmul.u32 $0xFFFFFF9C, v2  }
0x1e0: {  	v0 =	vadd.s32 v0, v1;
	v1 =	vshra.s32 v3, $0xA  }
0x1e1: {  	v1 =	vand.u32 $0xFFFFFE00, v1;
	v0 =	vadd.s32 v2, v0  }
0x1e2: {  	p5 =	por $0x1, $0x1;
	v0 =	vadd.s32 v1, v0  }
0x1e3: {  	v0 =	vpsel !p5, $0x0, v0  }
0x1e4: {  	[tilespmem:s30+$0x20] =	vst v0  }
0x1e5: {  	v0 =	vld [tilespmem:s28+$0x30];
	_ =	sdelay $0x1  }
0x1e6: {  	v1 =	vld [tilespmem:s29+$0x30];
	_ =	sdelay $0x2  }
0x1e7: {  	v2 =	vmul.u32 $0x147B, v0;
	_ =	sdelay $0x1  }
0x1e8: {  	v3 =	vmul.u32 $0x147B, v1;
	v2 =	vshra.s32 v2, $0x13  }
0x1e9: {  	v1 =	vshll.u32 v1, $0x7;
	v2 =	vmul.u32 $0xFFFFFF9C, v2  }
0x1ea: {  	v0 =	vadd.s32 v0, v1;
	v1 =	vshra.s32 v3, $0xA  }
0x1eb: {  	v1 =	vand.u32 $0xFFFFFE00, v1;
	v0 =	vadd.s32 v2, v0  }
0x1ec: {  	p6 =	por $0x1, $0x1;
	v0 =	vadd.s32 v1, v0  }
0x1ed: {  	s31 =	simm.s32 $0xF0;
	v0 =	vpsel !p6, $0x0, v0  }
.LBB2_5:
0x1ee: {  	[tilespmem:s30+$0x30] =	vst v0;
	s30 =	sadd.s32 $0x80, s30;
	s29 =	sadd.s32 $0x80, s29;
	s28 =	sadd.s32 $0x80, s28  }
0x1ef: {  	p0 =	sne.s32 s31, $0x1F70;
	s0 =	smov.u32 s31;
	s31 =	sadd.s32 $0x80, s31;
	v0 =	vld [tilespmem:s28+$0xFFFFFFC0]  }
0x1f0: {  	_ = 	snop  }
0x1f1: {  	v1 =	vld [tilespmem:s29+$0xFFFFFFC0];
	_ =	sdelay $0x2  }
0x1f2: {  	v2 =	vmul.u32 $0x147B, v0;
	_ =	sdelay $0x1  }
0x1f3: {  	v2 =	vshra.s32 v2, $0x13;
	v3 =	vmul.u32 $0x147B, v1  }
0x1f4: {  	v1 =	vshll.u32 v1, $0x7;
	v2 =	vmul.u32 $0xFFFFFF9C, v2  }
0x1f5: {  	v0 =	vadd.s32 v0, v1;
	v3 =	vshra.s32 v3, $0xA  }
0x1f6: {  	v1 =	vand.u32 $0xFFFFFE00, v3;
	v0 =	vadd.s32 v2, v0  }
0x1f7: {  	v0 =	vadd.s32 v1, v0  }
0x1f8: {  	[tilespmem:s30+$0xFFFFFFC0] =	vst v0  }
0x1f9: {  	v0 =	vld [tilespmem:s28+$0xFFFFFFD0];
	_ =	sdelay $0x1  }
0x1fa: {  	v1 =	vld [tilespmem:s29+$0xFFFFFFD0];
	_ =	sdelay $0x2  }
0x1fb: {  	v2 =	vmul.u32 $0x147B, v0;
	_ =	sdelay $0x1  }
0x1fc: {  	v2 =	vshra.s32 v2, $0x13;
	v3 =	vmul.u32 $0x147B, v1;
	v1 =	vshll.u32 v1, $0x7  }
0x1fd: {  	v2 =	vmul.u32 $0xFFFFFF9C, v2;
	v0 =	vadd.s32 v0, v1  }
0x1fe: {  	v1 =	vshra.s32 v3, $0xA  }
0x1ff: {  	v1 =	vand.u32 $0xFFFFFE00, v1;
	v0 =	vadd.s32 v2, v0  }
0x200: {  	v0 =	vadd.s32 v1, v0  }
0x201: {  	[tilespmem:s30+$0xFFFFFFD0] =	vst v0  }
0x202: {  	v0 =	vld [tilespmem:s28+$0xFFFFFFE0];
	_ =	sdelay $0x1  }
0x203: {  	v1 =	vld [tilespmem:s29+$0xFFFFFFE0];
	_ =	sdelay $0x2  }
0x204: {  	v2 =	vmul.u32 $0x147B, v0;
	_ =	sdelay $0x1  }
0x205: {  	v2 =	vshra.s32 v2, $0x13;
	v3 =	vmul.u32 $0x147B, v1  }
0x206: {  	v1 =	vshll.u32 v1, $0x7;
	v2 =	vmul.u32 $0xFFFFFF9C, v2  }
0x207: {  	v0 =	vadd.s32 v0, v1;
	v3 =	vshra.s32 v3, $0xA  }
0x208: {  	v1 =	vand.u32 $0xFFFFFE00, v3;
	v0 =	vadd.s32 v2, v0  }
0x209: {  	v0 =	vadd.s32 v1, v0  }
0x20a: {  	[tilespmem:s30+$0xFFFFFFE0] =	vst v0  }
0x20b: {  	v0 =	vld [tilespmem:s28+$0xFFFFFFF0];
	_ =	sdelay $0x1  }
0x20c: {  	v1 =	vld [tilespmem:s29+$0xFFFFFFF0];
	_ =	sdelay $0x2  }
0x20d: {  	v2 =	vmul.u32 $0x147B, v0;
	_ =	sdelay $0x1  }
0x20e: {  	v2 =	vshra.s32 v2, $0x13;
	v3 =	vmul.u32 $0x147B, v1;
	v1 =	vshll.u32 v1, $0x7  }
0x20f: {  	v2 =	vmul.u32 $0xFFFFFF9C, v2;
	v0 =	vadd.s32 v0, v1  }
0x210: {  	v1 =	vshra.s32 v3, $0xA  }
0x211: {  	v1 =	vand.u32 $0xFFFFFE00, v1;
	v0 =	vadd.s32 v2, v0  }
0x212: {  	v0 =	vadd.s32 v1, v0  }
0x213: {  	[tilespmem:s30+$0xFFFFFFF0] =	vst v0  }
0x214: {  	v0 =	vld [tilespmem:s28+$0x0];
	_ =	sdelay $0x1  }
0x215: {  	v1 =	vld [tilespmem:s29+$0x0];
	_ =	sdelay $0x2  }
0x216: {  	v2 =	vmul.u32 $0x147B, v0;
	_ =	sdelay $0x1  }
0x217: {  	v2 =	vshra.s32 v2, $0x13;
	v3 =	vmul.u32 $0x147B, v1  }
0x218: {  	v1 =	vshll.u32 v1, $0x7;
	v2 =	vmul.u32 $0xFFFFFF9C, v2  }
0x219: {  	v0 =	vadd.s32 v0, v1;
	v3 =	vshra.s32 v3, $0xA  }
0x21a: {  	s1 =	sadd.s32 $0xFFFFFFD0, s0;
	v1 =	vand.u32 $0xFFFFFE00, v3;
	v0 =	vadd.s32 v2, v0  }
0x21b: {  	p1 =	slt.u32 s1, $0x1F40;
	v0 =	vadd.s32 v1, v0  }
0x21c: {  	v0 =	vpsel !p1, $0x0, v0  }
0x21d: {  	[tilespmem:s30+$0x0] =	vst v0  }
0x21e: {  	v0 =	vld [tilespmem:s28+$0x10]  }
0x21f: {  	v1 =	vld [tilespmem:s29+$0x10];
	_ =	sdelay $0x3  }
0x220: {  	v2 =	vmul.u32 $0x147B, v0  }
0x221: {  	v3 =	vmul.u32 $0x147B, v1;
	v1 =	vshll.u32 v1, $0x7  }
0x222: {  	v2 =	vshra.s32 v2, $0x13;
	v0 =	vadd.s32 v0, v1  }
0x223: {  	v1 =	vshra.s32 v3, $0xA;
	v2 =	vmul.u32 $0xFFFFFF9C, v2;
	_ =	sdelay $0x1  }
0x224: {  	s1 =	sadd.s32 $0xFFFFFFE0, s0;
	v1 =	vand.u32 $0xFFFFFE00, v1;
	v0 =	vadd.s32 v2, v0  }
0x225: {  	p1 =	slt.u32 s1, $0x1F40;
	v0 =	vadd.s32 v1, v0  }
0x226: {  	v0 =	vpsel !p1, $0x0, v0  }
0x227: {  	[tilespmem:s30+$0x10] =	vst v0  }
0x228: {  	v0 =	vld [tilespmem:s28+$0x20]  }
0x229: {  	v1 =	vld [tilespmem:s29+$0x20];
	_ =	sdelay $0x3  }
0x22a: {  	v2 =	vmul.u32 $0x147B, v0  }
0x22b: {  	v3 =	vmul.u32 $0x147B, v1;
	v1 =	vshll.u32 v1, $0x7  }
0x22c: {  	v2 =	vshra.s32 v2, $0x13;
	v0 =	vadd.s32 v0, v1  }
0x22d: {  	v1 =	vshra.s32 v3, $0xA;
	v2 =	vmul.u32 $0xFFFFFF9C, v2;
	_ =	sdelay $0x1  }
0x22e: {  	s1 =	sadd.s32 $0xFFFFFFF0, s0;
	v1 =	vand.u32 $0xFFFFFE00, v1;
	v0 =	vadd.s32 v2, v0  }
0x22f: {  	p1 =	slt.u32 s1, $0x1F40;
	v0 =	vadd.s32 v1, v0  }
0x230: {  	v0 =	vpsel !p1, $0x0, v0  }
0x231: {  	[tilespmem:s30+$0x20] =	vst v0  }
0x232: {  	v0 =	vld [tilespmem:s28+$0x30]  }
0x233: {  	v1 =	vld [tilespmem:s29+$0x30];
	_ =	sdelay $0x3  }
0x234: {  	v2 =	vmul.u32 $0x147B, v0  }
0x235: {  	v3 =	vmul.u32 $0x147B, v1;
	v1 =	vshll.u32 v1, $0x7  }
0x236: {  	v2 =	vshra.s32 v2, $0x13;
	v0 =	vadd.s32 v0, v1  }
.Ltmp2:
0x237: {  	v1 =	vshra.s32 v3, $0xA;
	v2 =	vmul.u32 $0xFFFFFF9C, v2;
	(pc) =	sbr.rel @p0 .LBB2_5-.Ltmp2, $4  }
0x238: {  	_ = 	snop  }
0x239: {  	v1 =	vand.u32 $0xFFFFFE00, v1;
	v0 =	vadd.s32 v2, v0  }
0x23a: {  	p1 =	slt.u32 s0, $0x1F40;
	v0 =	vadd.s32 v1, v0  }
0x23b: {  	v0 =	vpsel !p1, $0x0, v0  }
0x23c: {  	[tilespmem:s30+$0x30] =	vst v0;
	s0 =	sadd.s32 $0xBB8, s26;
	s1 =	simm.s32 $0x0  }
0x23d: {  	[tilespmem:s1], [sflag:$0x1] =	stream.linear.gather [hbm4b:s0+s1], $0x1F40, $0x38;
	[tilespmem:$0x191A8] =	vst v63  }
0x23e: {  	s4 =	simm.s32 $0x1F80;
	s0 =	sadd.s32 $0x14438, s26  }
0x23f: {  	[tilespmem:s4], [sflag:$0x1] =	stream.linear.gather [hbm4b:s0+s1], $0x1F40, $0x38;
	[tilespmem:$0x191A8] =	vst v63  }
0x240: {  	s0 =	simm.s32 $0x3F00;
	s1 =	simm.s32 $0x7E00  }
0x241: {  	[spmem:s2] =	stream.indirect.scatter.add.f32 [tilespmem:s1], [sflag:$0x3], $0x1, s0, s4, $0xb8;
	[tilespmem:$0x191A8] =	vst v63  }
0x242: {  	s1 =	simm.s32 $0x1  }
0x243: {  	_ =	swait.ge [sflag:s1], $0x1F40  }
0x244: {  	[sflag:s1] =	ssyncset.done $0x0  }
0x245: {  	[sflag:s1] =	ssyncadd.s32 $0xFFFFE0C0  }
0x246: {  	_ =	swait.ge [sflag:s1], $0x1F40  }
0x247: {  	[sflag:s1] =	ssyncset.done $0x0  }
0x248: {  	s4 =	simm.s32 $0x3;
	[sflag:s1] =	ssyncadd.s32 $0xFFFFE0C0  }
0x249: {  	_ =	swait.ge [sflag:s4], $0x1F80  }
0x24a: {  	[sflag:s4] =	ssyncset.done $0x0  }
0x24b: {  	s28 =	simm.s32 $0x40;
	[sflag:s4] =	ssyncadd.s32 $0xFFFFE080  }
0x24c: {  	v0 =	vld [tilespmem:s28+$0xFFFFFFC0]  }
0x24d: {  	s29 =	simm.s32 $0x1FC0  }
0x24e: {  	v1 =	vld [tilespmem:s29+$0xFFFFFFC0];
	_ =	sdelay $0x2  }
0x24f: {  	v2 =	vmul.u32 $0x147B, v0;
	_ =	sdelay $0x1  }
0x250: {  	v3 =	vmul.u32 $0x147B, v1;
	v2 =	vshra.s32 v2, $0x13  }
0x251: {  	v1 =	vshll.u32 v1, $0x7;
	v2 =	vmul.u32 $0xFFFFFF9C, v2  }
0x252: {  	v0 =	vadd.s32 v0, v1;
	v3 =	vshra.s32 v3, $0xA  }
0x253: {  	v1 =	vand.u32 $0xFFFFFE00, v3;
	v0 =	vadd.s32 v2, v0  }
0x254: {  	s30 =	simm.s32 $0x5EC0;
	v0 =	vadd.s32 v1, v0  }
0x255: {  	[tilespmem:s30+$0xFFFFFFC0] =	vst v0  }
0x256: {  	v0 =	vld [tilespmem:s28+$0xFFFFFFD0];
	_ =	sdelay $0x1  }
0x257: {  	v1 =	vld [tilespmem:s29+$0xFFFFFFD0];
	_ =	sdelay $0x2  }
0x258: {  	v2 =	vmul.u32 $0x147B, v0;
	_ =	sdelay $0x1  }
0x259: {  	v3 =	vmul.u32 $0x147B, v1;
	v2 =	vshra.s32 v2, $0x13  }
0x25a: {  	v1 =	vshll.u32 v1, $0x7;
	v2 =	vmul.u32 $0xFFFFFF9C, v2  }
0x25b: {  	v0 =	vadd.s32 v0, v1;
	v1 =	vshra.s32 v3, $0xA  }
0x25c: {  	v1 =	vand.u32 $0xFFFFFE00, v1;
	v0 =	vadd.s32 v2, v0  }
0x25d: {  	v0 =	vadd.s32 v1, v0  }
0x25e: {  	[tilespmem:s30+$0xFFFFFFD0] =	vst v0  }
0x25f: {  	v0 =	vld [tilespmem:s28+$0xFFFFFFE0];
	_ =	sdelay $0x1  }
0x260: {  	v1 =	vld [tilespmem:s29+$0xFFFFFFE0];
	_ =	sdelay $0x2  }
0x261: {  	v2 =	vmul.u32 $0x147B, v0;
	_ =	sdelay $0x1  }
0x262: {  	v3 =	vmul.u32 $0x147B, v1;
	v2 =	vshra.s32 v2, $0x13  }
0x263: {  	v1 =	vshll.u32 v1, $0x7;
	v2 =	vmul.u32 $0xFFFFFF9C, v2  }
0x264: {  	v0 =	vadd.s32 v0, v1;
	v3 =	vshra.s32 v3, $0xA  }
0x265: {  	v1 =	vand.u32 $0xFFFFFE00, v3;
	v0 =	vadd.s32 v2, v0  }
0x266: {  	v0 =	vadd.s32 v1, v0  }
0x267: {  	[tilespmem:s30+$0xFFFFFFE0] =	vst v0  }
0x268: {  	v0 =	vld [tilespmem:s28+$0xFFFFFFF0];
	_ =	sdelay $0x1  }
0x269: {  	v1 =	vld [tilespmem:s29+$0xFFFFFFF0];
	_ =	sdelay $0x2  }
0x26a: {  	v2 =	vmul.u32 $0x147B, v0;
	_ =	sdelay $0x1  }
0x26b: {  	v3 =	vmul.u32 $0x147B, v1;
	v2 =	vshra.s32 v2, $0x13  }
0x26c: {  	v1 =	vshll.u32 v1, $0x7;
	v2 =	vmul.u32 $0xFFFFFF9C, v2  }
0x26d: {  	v0 =	vadd.s32 v0, v1;
	v1 =	vshra.s32 v3, $0xA  }
0x26e: {  	v1 =	vand.u32 $0xFFFFFE00, v1;
	v0 =	vadd.s32 v2, v0  }
0x26f: {  	v0 =	vadd.s32 v1, v0  }
0x270: {  	[tilespmem:s30+$0xFFFFFFF0] =	vst v0  }
0x271: {  	v0 =	vld [tilespmem:s28+$0x0];
	_ =	sdelay $0x1  }
0x272: {  	v1 =	vld [tilespmem:s29+$0x0];
	_ =	sdelay $0x2  }
0x273: {  	v2 =	vmul.u32 $0x147B, v0;
	_ =	sdelay $0x1  }
0x274: {  	v3 =	vmul.u32 $0x147B, v1;
	v2 =	vshra.s32 v2, $0x13  }
0x275: {  	v1 =	vshll.u32 v1, $0x7;
	v2 =	vmul.u32 $0xFFFFFF9C, v2  }
0x276: {  	v0 =	vadd.s32 v0, v1;
	v3 =	vshra.s32 v3, $0xA  }
0x277: {  	v1 =	vand.u32 $0xFFFFFE00, v3;
	v0 =	vadd.s32 v2, v0  }
0x278: {  	p0 =	por $0x1, $0x1;
	v0 =	vadd.s32 v1, v0  }
0x279: {  	v0 =	vpsel !p0, $0x0, v0  }
0x27a: {  	[tilespmem:s30+$0x0] =	vst v0  }
0x27b: {  	v0 =	vld [tilespmem:s28+$0x10];
	_ =	sdelay $0x1  }
0x27c: {  	v1 =	vld [tilespmem:s29+$0x10];
	_ =	sdelay $0x2  }
0x27d: {  	v2 =	vmul.u32 $0x147B, v0;
	_ =	sdelay $0x1  }
0x27e: {  	v3 =	vmul.u32 $0x147B, v1;
	v2 =	vshra.s32 v2, $0x13  }
0x27f: {  	v1 =	vshll.u32 v1, $0x7;
	v2 =	vmul.u32 $0xFFFFFF9C, v2  }
0x280: {  	v0 =	vadd.s32 v0, v1;
	v1 =	vshra.s32 v3, $0xA  }
0x281: {  	v1 =	vand.u32 $0xFFFFFE00, v1;
	v0 =	vadd.s32 v2, v0  }
0x282: {  	p4 =	por $0x1, $0x1;
	v0 =	vadd.s32 v1, v0  }
0x283: {  	v0 =	vpsel !p4, $0x0, v0  }
0x284: {  	[tilespmem:s30+$0x10] =	vst v0  }
0x285: {  	v0 =	vld [tilespmem:s28+$0x20];
	_ =	sdelay $0x1  }
0x286: {  	v1 =	vld [tilespmem:s29+$0x20];
	_ =	sdelay $0x2  }
0x287: {  	v2 =	vmul.u32 $0x147B, v0;
	_ =	sdelay $0x1  }
0x288: {  	v3 =	vmul.u32 $0x147B, v1;
	v2 =	vshra.s32 v2, $0x13  }
0x289: {  	v1 =	vshll.u32 v1, $0x7;
	v2 =	vmul.u32 $0xFFFFFF9C, v2  }
0x28a: {  	v0 =	vadd.s32 v0, v1;
	v1 =	vshra.s32 v3, $0xA  }
0x28b: {  	v1 =	vand.u32 $0xFFFFFE00, v1;
	v0 =	vadd.s32 v2, v0  }
0x28c: {  	p5 =	por $0x1, $0x1;
	v0 =	vadd.s32 v1, v0  }
0x28d: {  	v0 =	vpsel !p5, $0x0, v0  }
0x28e: {  	[tilespmem:s30+$0x20] =	vst v0  }
0x28f: {  	v0 =	vld [tilespmem:s28+$0x30];
	_ =	sdelay $0x1  }
0x290: {  	v1 =	vld [tilespmem:s29+$0x30];
	_ =	sdelay $0x2  }
0x291: {  	v2 =	vmul.u32 $0x147B, v0;
	_ =	sdelay $0x1  }
0x292: {  	v3 =	vmul.u32 $0x147B, v1;
	v2 =	vshra.s32 v2, $0x13  }
0x293: {  	v1 =	vshll.u32 v1, $0x7;
	v2 =	vmul.u32 $0xFFFFFF9C, v2  }
0x294: {  	v0 =	vadd.s32 v0, v1;
	v1 =	vshra.s32 v3, $0xA  }
0x295: {  	v1 =	vand.u32 $0xFFFFFE00, v1;
	v0 =	vadd.s32 v2, v0  }
0x296: {  	p6 =	por $0x1, $0x1;
	v0 =	vadd.s32 v1, v0  }
0x297: {  	s31 =	simm.s32 $0xF0;
	v0 =	vpsel !p6, $0x0, v0  }
.LBB2_7:
0x298: {  	[tilespmem:s30+$0x30] =	vst v0;
	s30 =	sadd.s32 $0x80, s30;
	s29 =	sadd.s32 $0x80, s29;
	s28 =	sadd.s32 $0x80, s28  }
0x299: {  	p0 =	sne.s32 s31, $0x1F70;
	s0 =	smov.u32 s31;
	s31 =	sadd.s32 $0x80, s31;
	v0 =	vld [tilespmem:s28+$0xFFFFFFC0]  }
0x29a: {  	_ = 	snop  }
0x29b: {  	v1 =	vld [tilespmem:s29+$0xFFFFFFC0];
	_ =	sdelay $0x2  }
0x29c: {  	v2 =	vmul.u32 $0x147B, v0;
	_ =	sdelay $0x1  }
0x29d: {  	v2 =	vshra.s32 v2, $0x13;
	v3 =	vmul.u32 $0x147B, v1  }
0x29e: {  	v1 =	vshll.u32 v1, $0x7;
	v2 =	vmul.u32 $0xFFFFFF9C, v2  }
0x29f: {  	v0 =	vadd.s32 v0, v1;
	v3 =	vshra.s32 v3, $0xA  }
0x2a0: {  	v1 =	vand.u32 $0xFFFFFE00, v3;
	v0 =	vadd.s32 v2, v0  }
0x2a1: {  	v0 =	vadd.s32 v1, v0  }
0x2a2: {  	[tilespmem:s30+$0xFFFFFFC0] =	vst v0  }
0x2a3: {  	v0 =	vld [tilespmem:s28+$0xFFFFFFD0];
	_ =	sdelay $0x1  }
0x2a4: {  	v1 =	vld [tilespmem:s29+$0xFFFFFFD0];
	_ =	sdelay $0x2  }
0x2a5: {  	v2 =	vmul.u32 $0x147B, v0;
	_ =	sdelay $0x1  }
0x2a6: {  	v2 =	vshra.s32 v2, $0x13;
	v3 =	vmul.u32 $0x147B, v1;
	v1 =	vshll.u32 v1, $0x7  }
0x2a7: {  	v2 =	vmul.u32 $0xFFFFFF9C, v2;
	v0 =	vadd.s32 v0, v1  }
0x2a8: {  	v1 =	vshra.s32 v3, $0xA  }
0x2a9: {  	v1 =	vand.u32 $0xFFFFFE00, v1;
	v0 =	vadd.s32 v2, v0  }
0x2aa: {  	v0 =	vadd.s32 v1, v0  }
0x2ab: {  	[tilespmem:s30+$0xFFFFFFD0] =	vst v0  }
0x2ac: {  	v0 =	vld [tilespmem:s28+$0xFFFFFFE0];
	_ =	sdelay $0x1  }
0x2ad: {  	v1 =	vld [tilespmem:s29+$0xFFFFFFE0];
	_ =	sdelay $0x2  }
0x2ae: {  	v2 =	vmul.u32 $0x147B, v0;
	_ =	sdelay $0x1  }
0x2af: {  	v2 =	vshra.s32 v2, $0x13;
	v3 =	vmul.u32 $0x147B, v1  }
0x2b0: {  	v1 =	vshll.u32 v1, $0x7;
	v2 =	vmul.u32 $0xFFFFFF9C, v2  }
0x2b1: {  	v0 =	vadd.s32 v0, v1;
	v3 =	vshra.s32 v3, $0xA  }
0x2b2: {  	v1 =	vand.u32 $0xFFFFFE00, v3;
	v0 =	vadd.s32 v2, v0  }
0x2b3: {  	v0 =	vadd.s32 v1, v0  }
0x2b4: {  	[tilespmem:s30+$0xFFFFFFE0] =	vst v0  }
0x2b5: {  	v0 =	vld [tilespmem:s28+$0xFFFFFFF0];
	_ =	sdelay $0x1  }
0x2b6: {  	v1 =	vld [tilespmem:s29+$0xFFFFFFF0];
	_ =	sdelay $0x2  }
0x2b7: {  	v2 =	vmul.u32 $0x147B, v0;
	_ =	sdelay $0x1  }
0x2b8: {  	v2 =	vshra.s32 v2, $0x13;
	v3 =	vmul.u32 $0x147B, v1;
	v1 =	vshll.u32 v1, $0x7  }
0x2b9: {  	v2 =	vmul.u32 $0xFFFFFF9C, v2;
	v0 =	vadd.s32 v0, v1  }
0x2ba: {  	v1 =	vshra.s32 v3, $0xA  }
0x2bb: {  	v1 =	vand.u32 $0xFFFFFE00, v1;
	v0 =	vadd.s32 v2, v0  }
0x2bc: {  	v0 =	vadd.s32 v1, v0  }
0x2bd: {  	[tilespmem:s30+$0xFFFFFFF0] =	vst v0  }
0x2be: {  	v0 =	vld [tilespmem:s28+$0x0];
	_ =	sdelay $0x1  }
0x2bf: {  	v1 =	vld [tilespmem:s29+$0x0];
	_ =	sdelay $0x2  }
0x2c0: {  	v2 =	vmul.u32 $0x147B, v0;
	_ =	sdelay $0x1  }
0x2c1: {  	v2 =	vshra.s32 v2, $0x13;
	v3 =	vmul.u32 $0x147B, v1  }
0x2c2: {  	v1 =	vshll.u32 v1, $0x7;
	v2 =	vmul.u32 $0xFFFFFF9C, v2  }
0x2c3: {  	v0 =	vadd.s32 v0, v1;
	v3 =	vshra.s32 v3, $0xA  }
0x2c4: {  	s1 =	sadd.s32 $0xFFFFFFD0, s0;
	v1 =	vand.u32 $0xFFFFFE00, v3;
	v0 =	vadd.s32 v2, v0  }
0x2c5: {  	p1 =	slt.u32 s1, $0x1F40;
	v0 =	vadd.s32 v1, v0  }
0x2c6: {  	v0 =	vpsel !p1, $0x0, v0  }
0x2c7: {  	[tilespmem:s30+$0x0] =	vst v0  }
0x2c8: {  	v0 =	vld [tilespmem:s28+$0x10]  }
0x2c9: {  	v1 =	vld [tilespmem:s29+$0x10];
	_ =	sdelay $0x3  }
0x2ca: {  	v2 =	vmul.u32 $0x147B, v0  }
0x2cb: {  	v3 =	vmul.u32 $0x147B, v1;
	v1 =	vshll.u32 v1, $0x7  }
0x2cc: {  	v2 =	vshra.s32 v2, $0x13;
	v0 =	vadd.s32 v0, v1  }
0x2cd: {  	v1 =	vshra.s32 v3, $0xA;
	v2 =	vmul.u32 $0xFFFFFF9C, v2;
	_ =	sdelay $0x1  }
0x2ce: {  	s1 =	sadd.s32 $0xFFFFFFE0, s0;
	v1 =	vand.u32 $0xFFFFFE00, v1;
	v0 =	vadd.s32 v2, v0  }
0x2cf: {  	p1 =	slt.u32 s1, $0x1F40;
	v0 =	vadd.s32 v1, v0  }
0x2d0: {  	v0 =	vpsel !p1, $0x0, v0  }
0x2d1: {  	[tilespmem:s30+$0x10] =	vst v0  }
0x2d2: {  	v0 =	vld [tilespmem:s28+$0x20]  }
0x2d3: {  	v1 =	vld [tilespmem:s29+$0x20];
	_ =	sdelay $0x3  }
0x2d4: {  	v2 =	vmul.u32 $0x147B, v0  }
0x2d5: {  	v3 =	vmul.u32 $0x147B, v1;
	v1 =	vshll.u32 v1, $0x7  }
0x2d6: {  	v2 =	vshra.s32 v2, $0x13;
	v0 =	vadd.s32 v0, v1  }
0x2d7: {  	v1 =	vshra.s32 v3, $0xA;
	v2 =	vmul.u32 $0xFFFFFF9C, v2;
	_ =	sdelay $0x1  }
0x2d8: {  	s1 =	sadd.s32 $0xFFFFFFF0, s0;
	v1 =	vand.u32 $0xFFFFFE00, v1;
	v0 =	vadd.s32 v2, v0  }
0x2d9: {  	p1 =	slt.u32 s1, $0x1F40;
	v0 =	vadd.s32 v1, v0  }
0x2da: {  	v0 =	vpsel !p1, $0x0, v0  }
0x2db: {  	[tilespmem:s30+$0x20] =	vst v0  }
0x2dc: {  	v0 =	vld [tilespmem:s28+$0x30]  }
0x2dd: {  	v1 =	vld [tilespmem:s29+$0x30];
	_ =	sdelay $0x3  }
0x2de: {  	v2 =	vmul.u32 $0x147B, v0  }
0x2df: {  	v3 =	vmul.u32 $0x147B, v1;
	v1 =	vshll.u32 v1, $0x7  }
0x2e0: {  	v2 =	vshra.s32 v2, $0x13;
	v0 =	vadd.s32 v0, v1  }
.Ltmp3:
0x2e1: {  	v1 =	vshra.s32 v3, $0xA;
	v2 =	vmul.u32 $0xFFFFFF9C, v2;
	(pc) =	sbr.rel @p0 .LBB2_7-.Ltmp3, $4  }
0x2e2: {  	_ = 	snop  }
0x2e3: {  	v1 =	vand.u32 $0xFFFFFE00, v1;
	v0 =	vadd.s32 v2, v0  }
0x2e4: {  	p1 =	slt.u32 s0, $0x1F40;
	v0 =	vadd.s32 v1, v0  }
0x2e5: {  	v0 =	vpsel !p1, $0x0, v0  }
0x2e6: {  	[tilespmem:s30+$0x30] =	vst v0;
	s0 =	sadd.s32 $0xFA0, s26;
	s1 =	simm.s32 $0x0  }
0x2e7: {  	[tilespmem:s1], [sflag:$0x1] =	stream.linear.gather [hbm4b:s0+s1], $0x1F40, $0x38;
	[tilespmem:$0x191A8] =	vst v63  }
0x2e8: {  	s31 =	sadd.s32 $0x14820, s26;
	s4 =	simm.s32 $0x1F80  }
0x2e9: {  	[tilespmem:s4], [sflag:$0x1] =	stream.linear.gather [hbm4b:s31+s1], $0x1F40, $0x38;
	[tilespmem:$0x191A8] =	vst v63  }
0x2ea: {  	s26 =	simm.s32 $0x5E80;
	s31 =	simm.s32 $0x7E00  }
0x2eb: {  	[spmem:s2] =	stream.indirect.scatter.add.f32 [tilespmem:s31], [sflag:$0x3], $0x1, s26, s4, $0xb8;
	[tilespmem:$0x191A8] =	vst v63  }
0x2ec: {  	s26 =	simm.s32 $0x1  }
0x2ed: {  	_ =	swait.ge [sflag:s26], $0x1F40  }
0x2ee: {  	[sflag:s26] =	ssyncset.done $0x0  }
0x2ef: {  	[sflag:s26] =	ssyncadd.s32 $0xFFFFE0C0  }
0x2f0: {  	_ =	swait.ge [sflag:s26], $0x1F40  }
0x2f1: {  	[sflag:s26] =	ssyncset.done $0x0  }
0x2f2: {  	s31 =	simm.s32 $0x3;
	[sflag:s26] =	ssyncadd.s32 $0xFFFFE0C0  }
0x2f3: {  	_ =	swait.ge [sflag:s31], $0x1F80  }
0x2f4: {  	[sflag:s31] =	ssyncset.done $0x0  }
0x2f5: {  	s26 =	simm.s32 $0x40;
	[sflag:s31] =	ssyncadd.s32 $0xFFFFE080  }
0x2f6: {  	v0 =	vld [tilespmem:s26+$0xFFFFFFC0]  }
0x2f7: {  	s28 =	simm.s32 $0x1FC0  }
0x2f8: {  	v1 =	vld [tilespmem:s28+$0xFFFFFFC0];
	_ =	sdelay $0x2  }
0x2f9: {  	v2 =	vmul.u32 $0x147B, v0;
	_ =	sdelay $0x1  }
0x2fa: {  	v3 =	vmul.u32 $0x147B, v1;
	v2 =	vshra.s32 v2, $0x13  }
0x2fb: {  	v1 =	vshll.u32 v1, $0x7;
	v2 =	vmul.u32 $0xFFFFFF9C, v2  }
0x2fc: {  	v0 =	vadd.s32 v0, v1;
	v3 =	vshra.s32 v3, $0xA  }
0x2fd: {  	v1 =	vand.u32 $0xFFFFFE00, v3;
	v0 =	vadd.s32 v2, v0  }
0x2fe: {  	s29 =	simm.s32 $0x3F40;
	v0 =	vadd.s32 v1, v0  }
0x2ff: {  	[tilespmem:s29+$0xFFFFFFC0] =	vst v0  }
0x300: {  	v0 =	vld [tilespmem:s26+$0xFFFFFFD0];
	_ =	sdelay $0x1  }
0x301: {  	v1 =	vld [tilespmem:s28+$0xFFFFFFD0];
	_ =	sdelay $0x2  }
0x302: {  	v2 =	vmul.u32 $0x147B, v0;
	_ =	sdelay $0x1  }
0x303: {  	v3 =	vmul.u32 $0x147B, v1;
	v2 =	vshra.s32 v2, $0x13  }
0x304: {  	v1 =	vshll.u32 v1, $0x7;
	v2 =	vmul.u32 $0xFFFFFF9C, v2  }
0x305: {  	v0 =	vadd.s32 v0, v1;
	v1 =	vshra.s32 v3, $0xA  }
0x306: {  	v1 =	vand.u32 $0xFFFFFE00, v1;
	v0 =	vadd.s32 v2, v0  }
0x307: {  	v0 =	vadd.s32 v1, v0  }
0x308: {  	[tilespmem:s29+$0xFFFFFFD0] =	vst v0  }
0x309: {  	v0 =	vld [tilespmem:s26+$0xFFFFFFE0];
	_ =	sdelay $0x1  }
0x30a: {  	v1 =	vld [tilespmem:s28+$0xFFFFFFE0];
	_ =	sdelay $0x2  }
0x30b: {  	v2 =	vmul.u32 $0x147B, v0;
	_ =	sdelay $0x1  }
0x30c: {  	v3 =	vmul.u32 $0x147B, v1;
	v2 =	vshra.s32 v2, $0x13  }
0x30d: {  	v1 =	vshll.u32 v1, $0x7;
	v2 =	vmul.u32 $0xFFFFFF9C, v2  }
0x30e: {  	v0 =	vadd.s32 v0, v1;
	v3 =	vshra.s32 v3, $0xA  }
0x30f: {  	v1 =	vand.u32 $0xFFFFFE00, v3;
	v0 =	vadd.s32 v2, v0  }
0x310: {  	v0 =	vadd.s32 v1, v0  }
0x311: {  	[tilespmem:s29+$0xFFFFFFE0] =	vst v0  }
0x312: {  	v0 =	vld [tilespmem:s26+$0xFFFFFFF0];
	_ =	sdelay $0x1  }
0x313: {  	v1 =	vld [tilespmem:s28+$0xFFFFFFF0];
	_ =	sdelay $0x2  }
0x314: {  	v2 =	vmul.u32 $0x147B, v0;
	_ =	sdelay $0x1  }
0x315: {  	v3 =	vmul.u32 $0x147B, v1;
	v2 =	vshra.s32 v2, $0x13  }
0x316: {  	v1 =	vshll.u32 v1, $0x7;
	v2 =	vmul.u32 $0xFFFFFF9C, v2  }
0x317: {  	v0 =	vadd.s32 v0, v1;
	v1 =	vshra.s32 v3, $0xA  }
0x318: {  	v1 =	vand.u32 $0xFFFFFE00, v1;
	v0 =	vadd.s32 v2, v0  }
0x319: {  	v0 =	vadd.s32 v1, v0  }
0x31a: {  	[tilespmem:s29+$0xFFFFFFF0] =	vst v0  }
0x31b: {  	v0 =	vld [tilespmem:s26+$0x0];
	_ =	sdelay $0x1  }
0x31c: {  	v1 =	vld [tilespmem:s28+$0x0];
	_ =	sdelay $0x2  }
0x31d: {  	v2 =	vmul.u32 $0x147B, v0;
	_ =	sdelay $0x1  }
0x31e: {  	v3 =	vmul.u32 $0x147B, v1;
	v2 =	vshra.s32 v2, $0x13  }
0x31f: {  	v1 =	vshll.u32 v1, $0x7;
	v2 =	vmul.u32 $0xFFFFFF9C, v2  }
0x320: {  	v0 =	vadd.s32 v0, v1;
	v3 =	vshra.s32 v3, $0xA  }
0x321: {  	v1 =	vand.u32 $0xFFFFFE00, v3;
	v0 =	vadd.s32 v2, v0  }
0x322: {  	p0 =	por $0x1, $0x1;
	v0 =	vadd.s32 v1, v0  }
0x323: {  	v0 =	vpsel !p0, $0x0, v0  }
0x324: {  	[tilespmem:s29+$0x0] =	vst v0  }
0x325: {  	v0 =	vld [tilespmem:s26+$0x10];
	_ =	sdelay $0x1  }
0x326: {  	v1 =	vld [tilespmem:s28+$0x10];
	_ =	sdelay $0x2  }
0x327: {  	v2 =	vmul.u32 $0x147B, v0;
	_ =	sdelay $0x1  }
0x328: {  	v3 =	vmul.u32 $0x147B, v1;
	v2 =	vshra.s32 v2, $0x13  }
0x329: {  	v1 =	vshll.u32 v1, $0x7;
	v2 =	vmul.u32 $0xFFFFFF9C, v2  }
0x32a: {  	v0 =	vadd.s32 v0, v1;
	v1 =	vshra.s32 v3, $0xA  }
0x32b: {  	v1 =	vand.u32 $0xFFFFFE00, v1;
	v0 =	vadd.s32 v2, v0  }
0x32c: {  	p4 =	por $0x1, $0x1;
	v0 =	vadd.s32 v1, v0  }
0x32d: {  	v0 =	vpsel !p4, $0x0, v0  }
0x32e: {  	[tilespmem:s29+$0x10] =	vst v0  }
0x32f: {  	v0 =	vld [tilespmem:s26+$0x20];
	_ =	sdelay $0x1  }
0x330: {  	v1 =	vld [tilespmem:s28+$0x20];
	_ =	sdelay $0x2  }
0x331: {  	v2 =	vmul.u32 $0x147B, v0;
	_ =	sdelay $0x1  }
0x332: {  	v3 =	vmul.u32 $0x147B, v1;
	v2 =	vshra.s32 v2, $0x13  }
0x333: {  	v1 =	vshll.u32 v1, $0x7;
	v2 =	vmul.u32 $0xFFFFFF9C, v2  }
0x334: {  	v0 =	vadd.s32 v0, v1;
	v1 =	vshra.s32 v3, $0xA  }
0x335: {  	v1 =	vand.u32 $0xFFFFFE00, v1;
	v0 =	vadd.s32 v2, v0  }
0x336: {  	p5 =	por $0x1, $0x1;
	v0 =	vadd.s32 v1, v0  }
0x337: {  	v0 =	vpsel !p5, $0x0, v0  }
0x338: {  	[tilespmem:s29+$0x20] =	vst v0  }
0x339: {  	v0 =	vld [tilespmem:s26+$0x30];
	_ =	sdelay $0x1  }
0x33a: {  	v1 =	vld [tilespmem:s28+$0x30];
	_ =	sdelay $0x2  }
0x33b: {  	v2 =	vmul.u32 $0x147B, v0;
	_ =	sdelay $0x1  }
0x33c: {  	v3 =	vmul.u32 $0x147B, v1;
	v2 =	vshra.s32 v2, $0x13  }
0x33d: {  	v1 =	vshll.u32 v1, $0x7;
	v2 =	vmul.u32 $0xFFFFFF9C, v2  }
0x33e: {  	v0 =	vadd.s32 v0, v1;
	v1 =	vshra.s32 v3, $0xA  }
0x33f: {  	v1 =	vand.u32 $0xFFFFFE00, v1;
	v0 =	vadd.s32 v2, v0  }
0x340: {  	p6 =	por $0x1, $0x1;
	v0 =	vadd.s32 v1, v0  }
0x341: {  	s30 =	simm.s32 $0xF0;
	v0 =	vpsel !p6, $0x0, v0  }
.LBB2_9:
0x342: {  	[tilespmem:s29+$0x30] =	vst v0;
	s29 =	sadd.s32 $0x80, s29;
	s28 =	sadd.s32 $0x80, s28;
	s26 =	sadd.s32 $0x80, s26  }
0x343: {  	p0 =	sne.s32 s30, $0x1F70;
	s0 =	smov.u32 s30;
	s30 =	sadd.s32 $0x80, s30;
	v0 =	vld [tilespmem:s26+$0xFFFFFFC0]  }
0x344: {  	_ = 	snop  }
0x345: {  	v1 =	vld [tilespmem:s28+$0xFFFFFFC0];
	_ =	sdelay $0x2  }
0x346: {  	v2 =	vmul.u32 $0x147B, v0;
	_ =	sdelay $0x1  }
0x347: {  	v2 =	vshra.s32 v2, $0x13;
	v3 =	vmul.u32 $0x147B, v1  }
0x348: {  	v1 =	vshll.u32 v1, $0x7;
	v2 =	vmul.u32 $0xFFFFFF9C, v2  }
0x349: {  	v0 =	vadd.s32 v0, v1;
	v3 =	vshra.s32 v3, $0xA  }
0x34a: {  	v1 =	vand.u32 $0xFFFFFE00, v3;
	v0 =	vadd.s32 v2, v0  }
0x34b: {  	v0 =	vadd.s32 v1, v0  }
0x34c: {  	[tilespmem:s29+$0xFFFFFFC0] =	vst v0  }
0x34d: {  	v0 =	vld [tilespmem:s26+$0xFFFFFFD0];
	_ =	sdelay $0x1  }
0x34e: {  	v1 =	vld [tilespmem:s28+$0xFFFFFFD0];
	_ =	sdelay $0x2  }
0x34f: {  	v2 =	vmul.u32 $0x147B, v0;
	_ =	sdelay $0x1  }
0x350: {  	v2 =	vshra.s32 v2, $0x13;
	v3 =	vmul.u32 $0x147B, v1;
	v1 =	vshll.u32 v1, $0x7  }
0x351: {  	v2 =	vmul.u32 $0xFFFFFF9C, v2;
	v0 =	vadd.s32 v0, v1  }
0x352: {  	v1 =	vshra.s32 v3, $0xA  }
0x353: {  	v1 =	vand.u32 $0xFFFFFE00, v1;
	v0 =	vadd.s32 v2, v0  }
0x354: {  	v0 =	vadd.s32 v1, v0  }
0x355: {  	[tilespmem:s29+$0xFFFFFFD0] =	vst v0  }
0x356: {  	v0 =	vld [tilespmem:s26+$0xFFFFFFE0];
	_ =	sdelay $0x1  }
0x357: {  	v1 =	vld [tilespmem:s28+$0xFFFFFFE0];
	_ =	sdelay $0x2  }
0x358: {  	v2 =	vmul.u32 $0x147B, v0;
	_ =	sdelay $0x1  }
0x359: {  	v2 =	vshra.s32 v2, $0x13;
	v3 =	vmul.u32 $0x147B, v1  }
0x35a: {  	v1 =	vshll.u32 v1, $0x7;
	v2 =	vmul.u32 $0xFFFFFF9C, v2  }
0x35b: {  	v0 =	vadd.s32 v0, v1;
	v3 =	vshra.s32 v3, $0xA  }
0x35c: {  	v1 =	vand.u32 $0xFFFFFE00, v3;
	v0 =	vadd.s32 v2, v0  }
0x35d: {  	v0 =	vadd.s32 v1, v0  }
0x35e: {  	[tilespmem:s29+$0xFFFFFFE0] =	vst v0  }
0x35f: {  	v0 =	vld [tilespmem:s26+$0xFFFFFFF0];
	_ =	sdelay $0x1  }
0x360: {  	v1 =	vld [tilespmem:s28+$0xFFFFFFF0];
	_ =	sdelay $0x2  }
0x361: {  	v2 =	vmul.u32 $0x147B, v0;
	_ =	sdelay $0x1  }
0x362: {  	v2 =	vshra.s32 v2, $0x13;
	v3 =	vmul.u32 $0x147B, v1;
	v1 =	vshll.u32 v1, $0x7  }
0x363: {  	v2 =	vmul.u32 $0xFFFFFF9C, v2;
	v0 =	vadd.s32 v0, v1  }
0x364: {  	v1 =	vshra.s32 v3, $0xA  }
0x365: {  	v1 =	vand.u32 $0xFFFFFE00, v1;
	v0 =	vadd.s32 v2, v0  }
0x366: {  	v0 =	vadd.s32 v1, v0  }
0x367: {  	[tilespmem:s29+$0xFFFFFFF0] =	vst v0  }
0x368: {  	v0 =	vld [tilespmem:s26+$0x0];
	_ =	sdelay $0x1  }
0x369: {  	v1 =	vld [tilespmem:s28+$0x0];
	_ =	sdelay $0x2  }
0x36a: {  	v2 =	vmul.u32 $0x147B, v0;
	_ =	sdelay $0x1  }
0x36b: {  	v2 =	vshra.s32 v2, $0x13;
	v3 =	vmul.u32 $0x147B, v1  }
0x36c: {  	v1 =	vshll.u32 v1, $0x7;
	v2 =	vmul.u32 $0xFFFFFF9C, v2  }
0x36d: {  	v0 =	vadd.s32 v0, v1;
	v3 =	vshra.s32 v3, $0xA  }
0x36e: {  	s1 =	sadd.s32 $0xFFFFFFD0, s0;
	v1 =	vand.u32 $0xFFFFFE00, v3;
	v0 =	vadd.s32 v2, v0  }
0x36f: {  	p1 =	slt.u32 s1, $0x1F40;
	v0 =	vadd.s32 v1, v0  }
0x370: {  	v0 =	vpsel !p1, $0x0, v0  }
0x371: {  	[tilespmem:s29+$0x0] =	vst v0  }
0x372: {  	v0 =	vld [tilespmem:s26+$0x10]  }
0x373: {  	v1 =	vld [tilespmem:s28+$0x10];
	_ =	sdelay $0x3  }
0x374: {  	v2 =	vmul.u32 $0x147B, v0  }
0x375: {  	v3 =	vmul.u32 $0x147B, v1;
	v1 =	vshll.u32 v1, $0x7  }
0x376: {  	v2 =	vshra.s32 v2, $0x13;
	v0 =	vadd.s32 v0, v1  }
0x377: {  	v1 =	vshra.s32 v3, $0xA;
	v2 =	vmul.u32 $0xFFFFFF9C, v2;
	_ =	sdelay $0x1  }
0x378: {  	s1 =	sadd.s32 $0xFFFFFFE0, s0;
	v1 =	vand.u32 $0xFFFFFE00, v1;
	v0 =	vadd.s32 v2, v0  }
0x379: {  	p1 =	slt.u32 s1, $0x1F40;
	v0 =	vadd.s32 v1, v0  }
0x37a: {  	v0 =	vpsel !p1, $0x0, v0  }
0x37b: {  	[tilespmem:s29+$0x10] =	vst v0  }
0x37c: {  	v0 =	vld [tilespmem:s26+$0x20]  }
0x37d: {  	v1 =	vld [tilespmem:s28+$0x20];
	_ =	sdelay $0x3  }
0x37e: {  	v2 =	vmul.u32 $0x147B, v0  }
0x37f: {  	v3 =	vmul.u32 $0x147B, v1;
	v1 =	vshll.u32 v1, $0x7  }
0x380: {  	v2 =	vshra.s32 v2, $0x13;
	v0 =	vadd.s32 v0, v1  }
0x381: {  	v1 =	vshra.s32 v3, $0xA;
	v2 =	vmul.u32 $0xFFFFFF9C, v2;
	_ =	sdelay $0x1  }
0x382: {  	s1 =	sadd.s32 $0xFFFFFFF0, s0;
	v1 =	vand.u32 $0xFFFFFE00, v1;
	v0 =	vadd.s32 v2, v0  }
0x383: {  	p1 =	slt.u32 s1, $0x1F40;
	v0 =	vadd.s32 v1, v0  }
0x384: {  	v0 =	vpsel !p1, $0x0, v0  }
0x385: {  	[tilespmem:s29+$0x20] =	vst v0  }
0x386: {  	v0 =	vld [tilespmem:s26+$0x30]  }
0x387: {  	v1 =	vld [tilespmem:s28+$0x30];
	_ =	sdelay $0x3  }
0x388: {  	v2 =	vmul.u32 $0x147B, v0  }
0x389: {  	v3 =	vmul.u32 $0x147B, v1;
	v1 =	vshll.u32 v1, $0x7  }
0x38a: {  	v2 =	vshra.s32 v2, $0x13;
	v0 =	vadd.s32 v0, v1  }
.Ltmp4:
0x38b: {  	v1 =	vshra.s32 v3, $0xA;
	v2 =	vmul.u32 $0xFFFFFF9C, v2;
	(pc) =	sbr.rel @p0 .LBB2_9-.Ltmp4, $4  }
0x38c: {  	_ = 	snop  }
0x38d: {  	v1 =	vand.u32 $0xFFFFFE00, v1;
	v0 =	vadd.s32 v2, v0  }
0x38e: {  	p1 =	slt.u32 s0, $0x1F40;
	v0 =	vadd.s32 v1, v0  }
0x38f: {  	v0 =	vpsel !p1, $0x0, v0  }
0x390: {  	s0 =	simm.s32 $0x1F80  }
0x391: {  	[tilespmem:s29+$0x30] =	vst v0;
	s1 =	simm.s32 $0x3F00;
	s26 =	simm.s32 $0x7E00;
	s4 =	simm.s32 $0x3  }
0x392: {  	[spmem:s2] =	stream.indirect.scatter.add.f32 [tilespmem:s26], [sflag:$0x3], $0x1, s1, s0, $0xb8;
	[tilespmem:$0x191A8] =	vst v63  }
0x393: {  	_ =	swait.ge [sflag:s4], $0x1F80  }
0x394: {  	[sflag:s4] =	ssyncset.done $0x0  }
0x395: {  	[sflag:s4] =	ssyncadd.s32 $0xFFFFE080  }
0x396: {  	_ =	swait.ge [sflag:s4], $0x1F80  }
0x397: {  	[sflag:s4] =	ssyncset.done $0x0  }
0x398: {  	[sflag:s4] =	ssyncadd.s32 $0xFFFFE080  }
0x399: {  	s0 =	simm.s32 $0x4;
	[bflag:$0x0] =	sbarrier.arrive $0xFFFF  }
0x39a: {  	[tilespmem:s26], [sflag:$0x4] =	stream.linear.gather [spmem:s25], $0xFC0, $0x38;
	[tilespmem:$0x191A8] =	vst v63  }
0x39b: {  	_ =	swait.ge [sflag:s0], $0xFC0  }
0x39c: {  	s28 =	sshrl.u32 s3, $0x3;
	s29 =	sadd.s32 $0xFC0, s3;
	[sflag:s0] =	ssyncset.done $0x0  }
0x39d: {  	s1 =	sadd.s32 s18, s28;
	s25 =	simm.s32 $0x0;
	[sflag:s0] =	ssyncadd.s32 $0xFFFFF040  }
0x39e: {  	[hbm4b:s1+s25] =	stream.linear.scatter [tilespmem:s26], [sflag:$0x5], $0xFC0, $0x38;
	[tilespmem:$0x191A8] =	vst v63  }
0x39f: {  	s28 =	simm.s32 $0x8DC0;
	s4 =	sadd.s32 s29, s2  }
0x3a0: {  	[tilespmem:s28], [sflag:$0x4] =	stream.linear.gather [spmem:s4], $0xFC0, $0x38;
	[tilespmem:$0x191A8] =	vst v63  }
0x3a1: {  	_ =	swait.ge [sflag:s0], $0xFC0  }
0x3a2: {  	s1 =	sshrl.u32 s29, $0x3;
	[sflag:s0] =	ssyncset.done $0x0  }
0x3a3: {  	s1 =	sadd.s32 s18, s1;
	[sflag:s0] =	ssyncadd.s32 $0xFFFFF040  }
0x3a4: {  	[hbm4b:s1+s25] =	stream.linear.scatter [tilespmem:s28], [sflag:$0x5], $0xFC0, $0x38;
	[tilespmem:$0x191A8] =	vst v63  }
0x3a5: {  	s1 =	simm.s32 $0x5  }
0x3a6: {  	_ =	swait.ge [sflag:s1], $0xFC0  }
0x3a7: {  	[sflag:s1] =	ssyncset.done $0x0  }
0x3a8: {  	[sflag:s1] =	ssyncadd.s32 $0xFFFFF040  }
0x3a9: {  	[tilespmem:s26], [sflag:$0x4] =	stream.linear.gather [spmem:s24], $0xFC0, $0x38;
	[tilespmem:$0x191A8] =	vst v63  }
0x3aa: {  	_ =	swait.ge [sflag:s0], $0xFC0  }
0x3ab: {  	s30 =	sshrl.u32 s23, $0x3;
	[sflag:s0] =	ssyncset.done $0x0  }
0x3ac: {  	s4 =	sadd.s32 s18, s30;
	[sflag:s0] =	ssyncadd.s32 $0xFFFFF040  }
0x3ad: {  	[hbm4b:s4+s25] =	stream.linear.scatter [tilespmem:s26], [sflag:$0x5], $0xFC0, $0x38;
	[tilespmem:$0x191A8] =	vst v63  }
0x3ae: {  	_ =	swait.ge [sflag:s1], $0xFC0  }
0x3af: {  	s31 =	sadd.s32 $0x2F40, s3;
	[sflag:s1] =	ssyncset.done $0x0  }
0x3b0: {  	s24 =	sadd.s32 s31, s2;
	[sflag:s1] =	ssyncadd.s32 $0xFFFFF040  }
0x3b1: {  	[tilespmem:s28], [sflag:$0x4] =	stream.linear.gather [spmem:s24], $0xFC0, $0x38;
	[tilespmem:$0x191A8] =	vst v63  }
0x3b2: {  	_ =	swait.ge [sflag:s0], $0xFC0  }
0x3b3: {  	s4 =	sshrl.u32 s31, $0x3;
	[sflag:s0] =	ssyncset.done $0x0  }
0x3b4: {  	s4 =	sadd.s32 s18, s4;
	[sflag:s0] =	ssyncadd.s32 $0xFFFFF040  }
0x3b5: {  	[hbm4b:s4+s25] =	stream.linear.scatter [tilespmem:s28], [sflag:$0x5], $0xFC0, $0x38;
	[tilespmem:$0x191A8] =	vst v63  }
0x3b6: {  	_ =	swait.ge [sflag:s1], $0xFC0  }
0x3b7: {  	[sflag:s1] =	ssyncset.done $0x0  }
0x3b8: {  	[sflag:s1] =	ssyncadd.s32 $0xFFFFF040  }
0x3b9: {  	[tilespmem:s26], [sflag:$0x4] =	stream.linear.gather [spmem:s22], $0xFC0, $0x38;
	[tilespmem:$0x191A8] =	vst v63  }
0x3ba: {  	_ =	swait.ge [sflag:s0], $0xFC0  }
0x3bb: {  	s29 =	sshrl.u32 s21, $0x3;
	[sflag:s0] =	ssyncset.done $0x0  }
0x3bc: {  	s4 =	sadd.s32 s18, s29;
	[sflag:s0] =	ssyncadd.s32 $0xFFFFF040  }
0x3bd: {  	[hbm4b:s4+s25] =	stream.linear.scatter [tilespmem:s26], [sflag:$0x5], $0xFC0, $0x38;
	[tilespmem:$0x191A8] =	vst v63  }
0x3be: {  	_ =	swait.ge [sflag:s1], $0xFC0  }
0x3bf: {  	s30 =	sadd.s32 $0x4EC0, s3;
	[sflag:s1] =	ssyncset.done $0x0  }
0x3c0: {  	s31 =	sadd.s32 s30, s2;
	[sflag:s1] =	ssyncadd.s32 $0xFFFFF040  }
0x3c1: {  	[tilespmem:s28], [sflag:$0x4] =	stream.linear.gather [spmem:s31], $0xFC0, $0x38;
	[tilespmem:$0x191A8] =	vst v63  }
0x3c2: {  	_ =	swait.ge [sflag:s0], $0xFC0  }
0x3c3: {  	s4 =	sshrl.u32 s30, $0x3;
	[sflag:s0] =	ssyncset.done $0x0  }
0x3c4: {  	s4 =	sadd.s32 s18, s4;
	[sflag:s0] =	ssyncadd.s32 $0xFFFFF040  }
0x3c5: {  	[hbm4b:s4+s25] =	stream.linear.scatter [tilespmem:s28], [sflag:$0x5], $0xFC0, $0x38;
	[tilespmem:$0x191A8] =	vst v63  }
0x3c6: {  	_ =	swait.ge [sflag:s1], $0xFC0  }
0x3c7: {  	[sflag:s1] =	ssyncset.done $0x0  }
0x3c8: {  	[sflag:s1] =	ssyncadd.s32 $0xFFFFF040  }
0x3c9: {  	[tilespmem:s26], [sflag:$0x4] =	stream.linear.gather [spmem:s20], $0xFC0, $0x38;
	[tilespmem:$0x191A8] =	vst v63  }
0x3ca: {  	_ =	swait.ge [sflag:s0], $0xFC0  }
0x3cb: {  	s19 =	sshrl.u32 s19, $0x3;
	[sflag:s0] =	ssyncset.done $0x0  }
0x3cc: {  	s4 =	sadd.s32 s18, s19;
	[sflag:s0] =	ssyncadd.s32 $0xFFFFF040  }
0x3cd: {  	[hbm4b:s4+s25] =	stream.linear.scatter [tilespmem:s26], [sflag:$0x5], $0xFC0, $0x38;
	[tilespmem:$0x191A8] =	vst v63  }
0x3ce: {  	_ =	swait.ge [sflag:s1], $0xFC0  }
0x3cf: {  	s20 =	sadd.s32 $0x6E40, s3;
	[sflag:s1] =	ssyncset.done $0x0  }
0x3d0: {  	s21 =	sadd.s32 s20, s2;
	[sflag:s1] =	ssyncadd.s32 $0xFFFFF040  }
0x3d1: {  	[tilespmem:s28], [sflag:$0x4] =	stream.linear.gather [spmem:s21], $0xFC0, $0x38;
	[tilespmem:$0x191A8] =	vst v63  }
0x3d2: {  	_ =	swait.ge [sflag:s0], $0xFC0  }
0x3d3: {  	s4 =	sshrl.u32 s20, $0x3;
	[sflag:s0] =	ssyncset.done $0x0  }
0x3d4: {  	s4 =	sadd.s32 s18, s4;
	[sflag:s0] =	ssyncadd.s32 $0xFFFFF040  }
0x3d5: {  	[hbm4b:s4+s25] =	stream.linear.scatter [tilespmem:s28], [sflag:$0x5], $0xFC0, $0x38;
	[tilespmem:$0x191A8] =	vst v63  }
0x3d6: {  	_ =	swait.ge [sflag:s1], $0xFC0  }
0x3d7: {  	[sflag:s1] =	ssyncset.done $0x0  }
0x3d8: {  	[sflag:s1] =	ssyncadd.s32 $0xFFFFF040  }
0x3d9: {  	[tilespmem:s26], [sflag:$0x4] =	stream.linear.gather [spmem:s17], $0xFC0, $0x38;
	[tilespmem:$0x191A8] =	vst v63  }
0x3da: {  	_ =	swait.ge [sflag:s0], $0xFC0  }
0x3db: {  	s22 =	sshrl.u32 s16, $0x3;
	[sflag:s0] =	ssyncset.done $0x0  }
0x3dc: {  	s4 =	sadd.s32 s18, s22;
	[sflag:s0] =	ssyncadd.s32 $0xFFFFF040  }
0x3dd: {  	[hbm4b:s4+s25] =	stream.linear.scatter [tilespmem:s26], [sflag:$0x5], $0xFC0, $0x38;
	[tilespmem:$0x191A8] =	vst v63  }
0x3de: {  	_ =	swait.ge [sflag:s1], $0xFC0  }
0x3df: {  	s23 =	sadd.s32 $0x8DC0, s3;
	[sflag:s1] =	ssyncset.done $0x0  }
0x3e0: {  	s24 =	sadd.s32 s23, s2;
	[sflag:s1] =	ssyncadd.s32 $0xFFFFF040  }
0x3e1: {  	[tilespmem:s28], [sflag:$0x4] =	stream.linear.gather [spmem:s24], $0xFC0, $0x38;
	[tilespmem:$0x191A8] =	vst v63  }
0x3e2: {  	_ =	swait.ge [sflag:s0], $0xFC0  }
0x3e3: {  	s4 =	sshrl.u32 s23, $0x3;
	[sflag:s0] =	ssyncset.done $0x0  }
0x3e4: {  	s4 =	sadd.s32 s18, s4;
	[sflag:s0] =	ssyncadd.s32 $0xFFFFF040  }
0x3e5: {  	[hbm4b:s4+s25] =	stream.linear.scatter [tilespmem:s28], [sflag:$0x5], $0xFC0, $0x38;
	[tilespmem:$0x191A8] =	vst v63  }
0x3e6: {  	_ =	swait.ge [sflag:s1], $0xFC0  }
0x3e7: {  	[sflag:s1] =	ssyncset.done $0x0  }
0x3e8: {  	[sflag:s1] =	ssyncadd.s32 $0xFFFFF040  }
0x3e9: {  	[tilespmem:s26], [sflag:$0x4] =	stream.linear.gather [spmem:s15], $0xFC0, $0x38;
	[tilespmem:$0x191A8] =	vst v63  }
0x3ea: {  	_ =	swait.ge [sflag:s0], $0xFC0  }
0x3eb: {  	s29 =	sshrl.u32 s14, $0x3;
	[sflag:s0] =	ssyncset.done $0x0  }
0x3ec: {  	s4 =	sadd.s32 s18, s29;
	[sflag:s0] =	ssyncadd.s32 $0xFFFFF040  }
0x3ed: {  	[hbm4b:s4+s25] =	stream.linear.scatter [tilespmem:s26], [sflag:$0x5], $0xFC0, $0x38;
	[tilespmem:$0x191A8] =	vst v63  }
0x3ee: {  	_ =	swait.ge [sflag:s1], $0xFC0  }
0x3ef: {  	s30 =	sadd.s32 $0xAD40, s3;
	[sflag:s1] =	ssyncset.done $0x0  }
0x3f0: {  	s31 =	sadd.s32 s30, s2;
	[sflag:s1] =	ssyncadd.s32 $0xFFFFF040  }
0x3f1: {  	[tilespmem:s28], [sflag:$0x4] =	stream.linear.gather [spmem:s31], $0xFC0, $0x38;
	[tilespmem:$0x191A8] =	vst v63  }
0x3f2: {  	_ =	swait.ge [sflag:s0], $0xFC0  }
0x3f3: {  	s4 =	sshrl.u32 s30, $0x3;
	[sflag:s0] =	ssyncset.done $0x0  }
0x3f4: {  	s4 =	sadd.s32 s18, s4;
	[sflag:s0] =	ssyncadd.s32 $0xFFFFF040  }
0x3f5: {  	[hbm4b:s4+s25] =	stream.linear.scatter [tilespmem:s28], [sflag:$0x5], $0xFC0, $0x38;
	[tilespmem:$0x191A8] =	vst v63  }
0x3f6: {  	_ =	swait.ge [sflag:s1], $0xFC0  }
0x3f7: {  	[sflag:s1] =	ssyncset.done $0x0  }
0x3f8: {  	[sflag:s1] =	ssyncadd.s32 $0xFFFFF040  }
0x3f9: {  	[tilespmem:s26], [sflag:$0x4] =	stream.linear.gather [spmem:s13], $0xFC0, $0x38;
	[tilespmem:$0x191A8] =	vst v63  }
0x3fa: {  	_ =	swait.ge [sflag:s0], $0xFC0  }
0x3fb: {  	s12 =	sshrl.u32 s12, $0x3;
	[sflag:s0] =	ssyncset.done $0x0  }
0x3fc: {  	s4 =	sadd.s32 s18, s12;
	[sflag:s0] =	ssyncadd.s32 $0xFFFFF040  }
0x3fd: {  	[hbm4b:s4+s25] =	stream.linear.scatter [tilespmem:s26], [sflag:$0x5], $0xFC0, $0x38;
	[tilespmem:$0x191A8] =	vst v63  }
0x3fe: {  	_ =	swait.ge [sflag:s1], $0xFC0  }
0x3ff: {  	s13 =	sadd.s32 $0xCCC0, s3;
	[sflag:s1] =	ssyncset.done $0x0  }
0x400: {  	s14 =	sadd.s32 s13, s2;
	[sflag:s1] =	ssyncadd.s32 $0xFFFFF040  }
0x401: {  	[tilespmem:s28], [sflag:$0x4] =	stream.linear.gather [spmem:s14], $0xFC0, $0x38;
	[tilespmem:$0x191A8] =	vst v63  }
0x402: {  	_ =	swait.ge [sflag:s0], $0xFC0  }
0x403: {  	s4 =	sshrl.u32 s13, $0x3;
	[sflag:s0] =	ssyncset.done $0x0  }
0x404: {  	s4 =	sadd.s32 s18, s4;
	[sflag:s0] =	ssyncadd.s32 $0xFFFFF040  }
0x405: {  	[hbm4b:s4+s25] =	stream.linear.scatter [tilespmem:s28], [sflag:$0x5], $0xFC0, $0x38;
	[tilespmem:$0x191A8] =	vst v63  }
0x406: {  	_ =	swait.ge [sflag:s1], $0xFC0  }
0x407: {  	[sflag:s1] =	ssyncset.done $0x0  }
0x408: {  	[sflag:s1] =	ssyncadd.s32 $0xFFFFF040  }
0x409: {  	[tilespmem:s26], [sflag:$0x4] =	stream.linear.gather [spmem:s11], $0xFC0, $0x38;
	[tilespmem:$0x191A8] =	vst v63  }
0x40a: {  	_ =	swait.ge [sflag:s0], $0xFC0  }
0x40b: {  	s15 =	sshrl.u32 s10, $0x3;
	[sflag:s0] =	ssyncset.done $0x0  }
0x40c: {  	s4 =	sadd.s32 s18, s15;
	[sflag:s0] =	ssyncadd.s32 $0xFFFFF040  }
0x40d: {  	[hbm4b:s4+s25] =	stream.linear.scatter [tilespmem:s26], [sflag:$0x5], $0xFC0, $0x38;
	[tilespmem:$0x191A8] =	vst v63  }
0x40e: {  	_ =	swait.ge [sflag:s1], $0xFC0  }
0x40f: {  	s16 =	sadd.s32 $0xEC40, s3;
	[sflag:s1] =	ssyncset.done $0x0  }
0x410: {  	s17 =	sadd.s32 s16, s2;
	[sflag:s1] =	ssyncadd.s32 $0xFFFFF040  }
0x411: {  	[tilespmem:s28], [sflag:$0x4] =	stream.linear.gather [spmem:s17], $0xFC0, $0x38;
	[tilespmem:$0x191A8] =	vst v63  }
0x412: {  	_ =	swait.ge [sflag:s0], $0xFC0  }
0x413: {  	s4 =	sshrl.u32 s16, $0x3;
	[sflag:s0] =	ssyncset.done $0x0  }
0x414: {  	s4 =	sadd.s32 s18, s4;
	[sflag:s0] =	ssyncadd.s32 $0xFFFFF040  }
0x415: {  	[hbm4b:s4+s25] =	stream.linear.scatter [tilespmem:s28], [sflag:$0x5], $0xFC0, $0x38;
	[tilespmem:$0x191A8] =	vst v63  }
0x416: {  	_ =	swait.ge [sflag:s1], $0xFC0  }
0x417: {  	[sflag:s1] =	ssyncset.done $0x0  }
0x418: {  	[sflag:s1] =	ssyncadd.s32 $0xFFFFF040  }
0x419: {  	[tilespmem:s26], [sflag:$0x4] =	stream.linear.gather [spmem:s9], $0xFC0, $0x38;
	[tilespmem:$0x191A8] =	vst v63  }
0x41a: {  	_ =	swait.ge [sflag:s0], $0xFC0  }
0x41b: {  	s19 =	sshrl.u32 s8, $0x3;
	[sflag:s0] =	ssyncset.done $0x0  }
0x41c: {  	s4 =	sadd.s32 s18, s19;
	[sflag:s0] =	ssyncadd.s32 $0xFFFFF040  }
0x41d: {  	[hbm4b:s4+s25] =	stream.linear.scatter [tilespmem:s26], [sflag:$0x5], $0xFC0, $0x38;
	[tilespmem:$0x191A8] =	vst v63  }
0x41e: {  	_ =	swait.ge [sflag:s1], $0xFC0  }
0x41f: {  	s20 =	sadd.s32 $0x10BC0, s3;
	[sflag:s1] =	ssyncset.done $0x0  }
0x420: {  	s21 =	sadd.s32 s20, s2;
	[sflag:s1] =	ssyncadd.s32 $0xFFFFF040  }
0x421: {  	[tilespmem:s28], [sflag:$0x4] =	stream.linear.gather [spmem:s21], $0xFC0, $0x38;
	[tilespmem:$0x191A8] =	vst v63  }
0x422: {  	_ =	swait.ge [sflag:s0], $0xFC0  }
0x423: {  	s4 =	sshrl.u32 s20, $0x3;
	[sflag:s0] =	ssyncset.done $0x0  }
0x424: {  	s4 =	sadd.s32 s18, s4;
	[sflag:s0] =	ssyncadd.s32 $0xFFFFF040  }
0x425: {  	[hbm4b:s4+s25] =	stream.linear.scatter [tilespmem:s28], [sflag:$0x5], $0xFC0, $0x38;
	[tilespmem:$0x191A8] =	vst v63  }
0x426: {  	_ =	swait.ge [sflag:s1], $0xFC0  }
0x427: {  	[sflag:s1] =	ssyncset.done $0x0  }
0x428: {  	[sflag:s1] =	ssyncadd.s32 $0xFFFFF040  }
0x429: {  	[tilespmem:s26], [sflag:$0x4] =	stream.linear.gather [spmem:s7], $0xFC0, $0x38;
	[tilespmem:$0x191A8] =	vst v63  }
0x42a: {  	_ =	swait.ge [sflag:s0], $0xFC0  }
0x42b: {  	s22 =	sshrl.u32 s6, $0x3;
	[sflag:s0] =	ssyncset.done $0x0  }
0x42c: {  	s4 =	sadd.s32 s18, s22;
	[sflag:s0] =	ssyncadd.s32 $0xFFFFF040  }
0x42d: {  	[hbm4b:s4+s25] =	stream.linear.scatter [tilespmem:s26], [sflag:$0x5], $0xFC0, $0x38;
	[tilespmem:$0x191A8] =	vst v63  }
0x42e: {  	_ =	swait.ge [sflag:s1], $0xFC0  }
0x42f: {  	s23 =	sadd.s32 $0x12B40, s3;
	[sflag:s1] =	ssyncset.done $0x0  }
0x430: {  	s24 =	sadd.s32 s23, s2;
	[sflag:s1] =	ssyncadd.s32 $0xFFFFF040  }
0x431: {  	[tilespmem:s28], [sflag:$0x4] =	stream.linear.gather [spmem:s24], $0xFC0, $0x38;
	[tilespmem:$0x191A8] =	vst v63  }
0x432: {  	_ =	swait.ge [sflag:s0], $0xFC0  }
0x433: {  	s29 =	sshrl.u32 s23, $0x3;
	[sflag:s0] =	ssyncset.done $0x0  }
0x434: {  	s2 =	sadd.s32 s18, s29;
	[sflag:s0] =	ssyncadd.s32 $0xFFFFF040  }
0x435: {  	[hbm4b:s2+s25] =	stream.linear.scatter [tilespmem:s28], [sflag:$0x5], $0xFC0, $0x38;
	[tilespmem:$0x191A8] =	vst v63  }
0x436: {  	_ =	swait.ge [sflag:s1], $0xFC0  }
0x437: {  	[sflag:s1] =	ssyncset.done $0x0  }
0x438: {  	[sflag:s1] =	ssyncadd.s32 $0xFFFFF040  }
0x439: {  	[tilespmem:s26], [sflag:$0x4] =	stream.linear.gather [spmem:s5], $0xA00, $0x38;
	[tilespmem:$0x191A8] =	vst v63  }
0x43a: {  	_ =	swait.ge [sflag:s0], $0xA00  }
0x43b: {  	s30 =	rddreg [dreg:$0x4]  }
0x43c: {  	[sflag:s0] =	ssyncset.done $0x0;
	s2 =	sshrl.u32 s30, $0x3  }
0x43d: {  	[sflag:s0] =	ssyncadd.s32 $0xFFFFF600;
	s2 =	sadd.s32 s18, s2  }
0x43e: {  	[hbm4b:s2+s25] =	stream.linear.scatter [tilespmem:s26], [sflag:$0x5], $0xA00, $0x38;
	[tilespmem:$0x191A8] =	vst v63  }
0x43f: {  	_ =	swait.ge [sflag:s1], $0xFC0  }
0x440: {  	[sflag:s1] =	ssyncset.done $0x0  }
0x441: {  	[sflag:s1] =	ssyncadd.s32 $0xFFFFF040  }
0x442: {  	_ =	swait.ge [sflag:s1], $0xA00  }
0x443: {  	[sflag:s1] =	ssyncset.done $0x0  }
0x444: {  	[sflag:s1] =	ssyncadd.s32 $0xFFFFF600  }
0x445: {  	_ =	sfence.sel $0x180000  }
0x446: {  	[bflag:$0x0] =	sbarrier.arrive $0xFFFF  }
0x447: {  	_ =	strace $0x90000047  }
0x448: {  	s31 =	stileid.u32;
	[bflag:$0x2] =	sbarrier.arrive $0xFFFF  }
0x449: {  	p0 =	sne.s32 s31, $0x0;
	s0 =	rddreg [dreg:$0x3]  }
0x44a: {  	s0 =	sadd.s32 @!p0 $0x100000, s0  }
0x44b: {  	[sflag:s0] =	ssyncadd.tile.s32 @!p0 $0x1;
	_ =	shalt  }
.Lfunc_end2:
_tile_overlayer_lowered:
.L_overlay_start_2:
0x44c: {  	(tag) =	ssettag $0x2  }
0x44d: {  	s0 =	rddreg [dreg:$0x0];
	s2 =	stileid.u32  }
0x44e: {  	s1 =	rddreg [dreg:$0x1];
	p0 =	sne.s32 s2, $0x0  }
0x44f: {  	s3 =	rddreg [dreg:$0x2];
	[bflag:$0x3] =	sbarrier.arrive $0xFFFF;
	s2 =	simm.s32 @!p0 $0x1C06  }
0x450: {  	[timem:s3], [sflag:s2] =	dma.local @!p0 [hbm:s0], s1  }
0x451: {  	s0 =	simm.s32 @!p0 $0x6  }
0x452: {  	_ =	swait.ge @!p0 [sflag:s0], s1  }
0x453: {  	s1 =	ssub.s32 @!p0 $0x0, s1;
	[sflag:s0] =	ssyncset.done @!p0 $0x0  }
0x454: {  	[sflag:s0] =	ssyncadd.s32 @!p0 s1  }
0x455: {  	[bflag:$0x3] =	sbarrier.arrive $0xFFFF  }
0x456: {  	_ =	shalt  }

</sc_bundles>
